<compile_context>
chip_gen: v7x
topology: tpu7x:2x2x1
jax: 0.10.2.dev20260603
libtpu: 0.0.44.dev20260713+nightly
codegen_flags: <defaults>
</compile_context>

<pallas_src>
import jax
import jax.numpy as jnp
from jax import lax
from jax.experimental import pallas as pl
from jax.experimental.pallas import tpu as pltpu
from jax.experimental.pallas import tpu_sc as plsc

N = 10000
E = 320000
D = 128
H = 64
C = 128
NC = 2
NS = 16
NW = NC * NS
PAD_ROWS = 240
NP = N + PAD_ROWS
W = 128
WINS = 80
EPW = W * WINS
EP = NW * EPW
NROWS_TILE = NP // NS
BE = 2048
BN = 1000
NCHUNK = 2
WINS_CK = WINS // NCHUNK
EPW_CK = W * WINS_CK
EP_CK = EP // NCHUNK


def _full_spec(shape):
    return pl.BlockSpec(shape, lambda i: tuple(0 for _ in shape))


def _preproj_body(h_ref, w_ref, ab_ref):
    ab_ref[...] = jnp.dot(h_ref[...], w_ref[...],
                          preferred_element_type=jnp.float32)


def _preproj(h, w):
    return pl.pallas_call(
        _preproj_body,
        grid=(N // BN,),
        in_specs=[
            pl.BlockSpec((BN, D), lambda i: (i, 0)),
            _full_spec((D, C)),
        ],
        out_specs=pl.BlockSpec((BN, C), lambda i: (i, 0)),
        out_shape=jax.ShapeDtypeStruct((N, C), jnp.float32),
    )(h, w)


def _sc_gather_body(ab_hbm, xt0_hbm, xt1_hbm, xt2_hbm, rowp_hbm, colp_hbm,
                    pbc_hbm, g_hbm,
                    idxr_v, idxc_v, xp0, xp1, xp2, pbc_v,
                    abrow0, abrow1, abcol0, abcol1,
                    sema0, sema1, semb0, semb1):
    cid = lax.axis_index("c")
    sid = lax.axis_index("s")
    wid = sid * NC + cid
    wbase = wid * WINS_CK
    pltpu.sync_copy(rowp_hbm.at[pl.ds(wbase, WINS_CK)], idxr_v)
    pltpu.sync_copy(colp_hbm.at[pl.ds(wbase, WINS_CK)], idxc_v)
    pltpu.sync_copy(xt0_hbm, xp0)
    pltpu.sync_copy(xt1_hbm, xp1)
    pltpu.sync_copy(xt2_hbm, xp2)
    pltpu.sync_copy(pbc_hbm, pbc_v)
    box = tuple(pbc_v[pl.ds(p * 16, 16)] for p in range(3))
    ibox = tuple(pbc_v[pl.ds(48 + p * 16, 16)] for p in range(3))
    magic = jnp.full((16,), 12582912.0, jnp.float32)

    abrow = (abrow0, abrow1)
    abcol = (abcol0, abcol1)
    sema = (sema0, sema1)
    semb = (semb0, semb1)

    def fire(j, b):
        pltpu.async_copy(ab_hbm.at[idxr_v.at[j]], abrow[b], sema[b])
        pltpu.async_copy(ab_hbm.at[idxc_v.at[j]], abcol[b], semb[b])

    def drain(b):
        pltpu.make_async_copy(ab_hbm.at[idxr_v.at[0]], abrow[b],
                              sema[b]).wait()
        pltpu.make_async_copy(ab_hbm.at[idxc_v.at[0]], abcol[b],
                              semb[b]).wait()

    fire(0, 0)

    def process(j, b):
        drain(b)

        def addrows(r4, c2):
            for dr in range(4):
                r = r4 * 4 + dr
                for q in range(H // 16):
                    plsc.addupdate(abrow[b].at[r, pl.ds(q * 16, 16)],
                                   abcol[b][r, pl.ds(H + q * 16, 16)])
            return c2

        lax.fori_loop(0, W // 4, addrows, 0)

        for g in range(W // 16):
            s = pl.ds(g * 16, 16)
            ev = jnp.arange(g * 16, g * 16 + 16, dtype=jnp.int32)
            rv = idxr_v[j, s]
            cv = idxc_v[j, s]
            d = []
            for p, plane in enumerate((xp0, xp1, xp2)):
                dp = plsc.load_gather(plane, [rv]) \
                    - plsc.load_gather(plane, [cv])
                k = (dp * ibox[p] + magic) - magic
                dp = dp - box[p] * k
                d.append(dp)
                pv = jnp.full((16,), H + p, dtype=jnp.int32)
                plsc.store_scatter(abrow[b], [ev, pv], dp)
            r2 = d[0] * d[0] + d[1] * d[1] + d[2] * d[2]
            pv = jnp.full((16,), H + 3, dtype=jnp.int32)
            plsc.store_scatter(abrow[b], [ev, pv], r2)
        ebase = wid * EPW_CK + j * W
        pltpu.sync_copy(abrow[b], g_hbm.at[pl.ds(ebase, W)])

    def superwin(js, carry):
        for bb in range(2):
            j = js * 2 + bb
            jn = jnp.minimum(j + 1, WINS_CK - 1)
            fire(jn, (bb + 1) % 2)
            process(j, bb)
        return carry

    lax.fori_loop(0, WINS_CK // 2, superwin, 0)
    drain(0)


def _sc_gather(abp, xtp, rowp, colp, pbc):
    mesh = plsc.VectorSubcoreMesh(core_axis_name="c", subcore_axis_name="s")
    fn = pl.kernel(
        _sc_gather_body,
        out_type=jax.ShapeDtypeStruct((EP_CK, C), jnp.float32),
        mesh=mesh,
        scratch_types=[
            pltpu.VMEM((WINS_CK, W), jnp.int32),
            pltpu.VMEM((WINS_CK, W), jnp.int32),
            pltpu.VMEM((NP,), jnp.float32),
            pltpu.VMEM((NP,), jnp.float32),
            pltpu.VMEM((NP,), jnp.float32),
            pltpu.VMEM((96,), jnp.float32),
            pltpu.VMEM((W, C), jnp.float32),
            pltpu.VMEM((W, C), jnp.float32),
            pltpu.VMEM((W, C), jnp.float32),
            pltpu.VMEM((W, C), jnp.float32),
            pltpu.SemaphoreType.DMA,
            pltpu.SemaphoreType.DMA,
            pltpu.SemaphoreType.DMA,
            pltpu.SemaphoreType.DMA,
        ],
        compiler_params=pltpu.CompilerParams(needs_layout_passes=False),
    )
    return fn(abp, xtp[0], xtp[1], xtp[2], rowp, colp, pbc)


def _edge_body(g_ref, we1r_ref, be1_ref, w2t_ref, be2_ref,
               wc1t_ref, bc1_ref, wc2t_ref, et_ref):
    bf16 = jnp.bfloat16

    def silu(v):
        return v * (0.5 * jnp.tanh(0.5 * v) + 0.5)

    gblk = g_ref[...]
    d = gblk[:, H:H + 3]
    r2c = gblk[:, H + 3:H + 4]
    r2f = jnp.dot(r2c, jnp.ones((1, H), jnp.float32),
                  preferred_element_type=jnp.float32)
    normf = jnp.sqrt(r2f + 1e-8)
    pre = gblk[:, 0:H] + normf * we1r_ref[...] + be1_ref[...]
    t1 = silu(pre)
    t2 = jnp.dot(t1.astype(bf16), w2t_ref[...],
                 preferred_element_type=jnp.float32) + be2_ref[...]
    ef = silu(t2)
    s1 = jnp.dot(ef.astype(bf16), wc1t_ref[...],
                 preferred_element_type=jnp.float32) + bc1_ref[...]
    s1 = silu(s1)
    scale = jnp.dot(s1, wc2t_ref[...], preferred_element_type=jnp.float32)
    m = scale / (normf[:, 0:1] + 1.0)
    tr = d * m
    et_ref[...] = jnp.concatenate(
        [ef, tr, jnp.zeros((ef.shape[0], C - H - 3), jnp.float32)], axis=1)


def _edge_mlp(g, we1r, be1r, w2t, be2r, wc1t, bc1r, wc2t):
    return pl.pallas_call(
        _edge_body,
        grid=(EP_CK // BE,),
        in_specs=[
            pl.BlockSpec((BE, C), lambda i: (i, 0)),
            _full_spec((1, H)),
            _full_spec((1, H)),
            _full_spec((H, H)),
            _full_spec((1, H)),
            _full_spec((H, H)),
            _full_spec((1, H)),
            _full_spec((H, 1)),
        ],
        out_specs=pl.BlockSpec((BE, C), lambda i: (i, 0)),
        out_shape=jax.ShapeDtypeStruct((EP_CK, C), jnp.float32),
    )(g, we1r, be1r, w2t, be2r, wc1t, bc1r, wc2t)


def _sc_scatter_body(et_hbm, rowp_hbm, z_hbm, acc_out,
                     idxr_v, et0, et1, acc, sem0, sem1):
    cid = lax.axis_index("c")
    sid = lax.axis_index("s")
    wid = sid * NC + cid
    wbase = wid * WINS_CK
    r0 = sid * NROWS_TILE

    pltpu.sync_copy(z_hbm, acc.at[pl.ds(r0, NROWS_TILE)])
    pltpu.sync_copy(rowp_hbm.at[pl.ds(wbase, WINS_CK)], idxr_v)
    plsc.subcore_barrier()

    et_v = (et0, et1)
    sem = (sem0, sem1)

    def fire(j, b):
        ebase = wid * EPW_CK + j * W
        pltpu.async_copy(et_hbm.at[pl.ds(ebase, W)], et_v[b], sem[b])

    def drain(b):
        pltpu.make_async_copy(et_hbm.at[pl.ds(0, W)], et_v[b],
                              sem[b]).wait()

    fire(0, 0)

    def superwin(js, carry):
        for bb in range(2):
            j = js * 2 + bb
            jn = jnp.minimum(j + 1, WINS_CK - 1)
            fire(jn, (bb + 1) % 2)
            drain(bb)
            pltpu.sync_copy(et_v[bb], acc.at[idxr_v.at[j]], add=True)
        return carry

    lax.fori_loop(0, WINS_CK // 2, superwin, 0)
    drain(0)
    plsc.subcore_barrier()

    pltpu.sync_copy(acc.at[pl.ds(r0, NROWS_TILE)],
                    acc_out.at[cid, pl.ds(r0, NROWS_TILE)])


def _sc_scatter(et, rowp):
    mesh = plsc.VectorSubcoreMesh(core_axis_name="c", subcore_axis_name="s")
    fn = pl.kernel(
        _sc_scatter_body,
        out_type=jax.ShapeDtypeStruct((NC, NP, C), jnp.float32),
        mesh=mesh,
        scratch_types=[
            pltpu.VMEM((WINS_CK, W), jnp.int32),
            pltpu.VMEM((W, C), jnp.float32),
            pltpu.VMEM((W, C), jnp.float32),
            pltpu.VMEM_SHARED((NP, C), jnp.float32),
            pltpu.SemaphoreType.DMA,
            pltpu.SemaphoreType.DMA,
        ],
        compiler_params=pltpu.CompilerParams(needs_layout_passes=False),
    )
    z = jnp.zeros((NROWS_TILE, C), jnp.float32)
    return fn(et, rowp, z)


def _node_body(h_ref, x_ref, accp_ref, wn1at_ref, wn1bt_ref,
               bn1_ref, wn2t_ref, bn2_ref, ho_ref, xo_ref):
    accp = accp_ref[...]
    acc = accp[0]
    for k in range(1, NCHUNK * NC):
        acc = acc + accp[k]
    msg = acc[:, 0:H]
    t = jnp.dot(h_ref[...], wn1at_ref[...],
                preferred_element_type=jnp.float32) \
        + jnp.dot(msg, wn1bt_ref[...], preferred_element_type=jnp.float32) \
        + bn1_ref[...]
    t = t * jax.nn.sigmoid(t)
    ho_ref[...] = jnp.dot(t, wn2t_ref[...],
                          preferred_element_type=jnp.float32) + bn2_ref[...]
    xo_ref[...] = x_ref[...] + acc[:, H:H + 3]


def _node_mlp(h, x, accp, wn1at, wn1bt, bn1r, wn2t, bn2r):
    return pl.pallas_call(
        _node_body,
        grid=(N // BN,),
        in_specs=[
            pl.BlockSpec((BN, D), lambda i: (i, 0)),
            pl.BlockSpec((BN, 3), lambda i: (i, 0)),
            pl.BlockSpec((NCHUNK * NC, BN, C), lambda i: (0, i, 0)),
            _full_spec((D, H)),
            _full_spec((H, H)),
            _full_spec((1, H)),
            _full_spec((H, D)),
            _full_spec((1, D)),
        ],
        out_specs=[
            pl.BlockSpec((BN, D), lambda i: (i, 0)),
            pl.BlockSpec((BN, 3), lambda i: (i, 0)),
        ],
        out_shape=[
            jax.ShapeDtypeStruct((N, D), jnp.float32),
            jax.ShapeDtypeStruct((N, 3), jnp.float32),
        ],
    )(h, x, accp, wn1at, wn1bt, bn1r, wn2t, bn2r)


def kernel(h, x, edge_index, box_edges, We1, be1, We2, be2,
           Wn1, bn1, Wn2, bn2, Wc1, bc1, Wc2):
    f32 = jnp.float32
    row = edge_index[0].astype(jnp.int32)
    col = edge_index[1].astype(jnp.int32)
    pad_t = N + (jnp.arange(EP - E, dtype=jnp.int32) % PAD_ROWS)
    rowp = jnp.concatenate([row, pad_t]).reshape(EP // W, W)
    colp = jnp.concatenate([col, pad_t]).reshape(EP // W, W)
    xtp = jnp.pad(x.astype(f32).T, ((0, 0), (0, PAD_ROWS)))

    wab = jnp.concatenate([We1[:, :D].T, We1[:, D:2 * D].T], axis=1)
    we1r = We1[:, 2 * D].reshape(1, H)
    be1r = be1.reshape(1, H)
    w2t = We2.T.astype(jnp.bfloat16)
    be2r = be2.reshape(1, H)
    wc1t = Wc1.T.astype(jnp.bfloat16)
    bc1r = bc1.reshape(1, H)
    wc2t = Wc2.T
    boxf = box_edges.astype(f32)
    pbc = jnp.concatenate([jnp.repeat(boxf, 16),
                           jnp.repeat(1.0 / boxf, 16)])
    wn1at = Wn1[:, :D].T
    wn1bt = Wn1[:, D:].T
    bn1r = bn1.reshape(1, H)
    wn2t = Wn2.T
    bn2r = bn2.reshape(1, D)

    ab = _preproj(h, wab)
    abp = jnp.pad(ab, ((0, PAD_ROWS), (0, 0)))
    rck = EP_CK // W
    accs = []
    for c in range(NCHUNK):
        rowc = rowp[c * rck:(c + 1) * rck]
        colc = colp[c * rck:(c + 1) * rck]
        g = _sc_gather(abp, xtp, rowc, colc, pbc)
        et = _edge_mlp(g, we1r, be1r, w2t, be2r, wc1t, bc1r, wc2t)
        accs.append(_sc_scatter(et, rowc))
    accp = jnp.concatenate(accs, axis=0)
    h_out, x_out = _node_mlp(h, x, accp, wn1at, wn1bt, bn1r, wn2t, bn2r)
    return (h_out, x_out)

# --- scband reference (transcript-rebuilt; emitter-appended) ---
"""Pipeline reference for scband-pe-gcl-86930138071709 (READ-ONLY COPY).

The authoritative reference and input builder live on the scoring server;
editing this copy changes nothing except your own understanding.
"""

import jax, jax.numpy as jnp
import numpy as np

N = 10000
E = 320000
D_IN = 128
D_OUT = 128
H = 64
S = 3


def _linear_params(key, fan_in, fan_out):
    k1, k2 = jax.random.split(key)
    s = 1.0 / np.sqrt(fan_in)
    W = jax.random.uniform(k1, (fan_out, fan_in), minval=-s, maxval=s, dtype=jnp.float32)
    b = jax.random.uniform(k2, (fan_out,), minval=-s, maxval=s, dtype=jnp.float32)
    return W, b


def setup_inputs(seed: int = 0) -> dict:
    key = jax.random.key(seed)
    ks = jax.random.split(key, 12)
    h = jax.random.normal(ks[0], (N, D_IN), dtype=jnp.float32)
    x = jax.random.normal(ks[1], (N, S), dtype=jnp.float32) * 5.0
    edge_index = jax.random.randint(ks[2], (2, E), 0, N)
    box_edges = jnp.array([10.0, 10.0, 10.0], dtype=jnp.float32)
    edge_in_dim = 2 * D_IN + 1  # Identity distance_expansion -> edge_coords_nf = 1
    We1, be1 = _linear_params(ks[3], edge_in_dim, H)
    We2, be2 = _linear_params(ks[4], H, H)
    Wn1, bn1 = _linear_params(ks[5], H + D_IN, H)
    Wn2, bn2 = _linear_params(ks[6], H, D_OUT)
    Wc1, bc1 = _linear_params(ks[7], H, H)
    # final coord layer: xavier_uniform with gain=0.001, no bias
    lim = 0.001 * np.sqrt(6.0 / (H + 1))
    Wc2 = jax.random.uniform(ks[8], (1, H), minval=-lim, maxval=lim, dtype=jnp.float32)
    return {"h": h, "x": x, "edge_index": edge_index, "box_edges": box_edges,
            "We1": We1, "be1": be1, "We2": We2, "be2": be2,
            "Wn1": Wn1, "bn1": bn1, "Wn2": Wn2, "bn2": bn2,
            "Wc1": Wc1, "bc1": bc1, "Wc2": Wc2}


def reference(h, x, edge_index, box_edges, We1, be1, We2, be2, Wn1, bn1, Wn2, bn2, Wc1, bc1, Wc2):
    silu = jax.nn.silu
    row = edge_index[0]
    col = edge_index[1]
    # coord2radial with periodic (minimum-image) correction
    coord_diff = x[row] - x[col]
    coord_diff = coord_diff - box_edges * jnp.round(coord_diff / box_edges)
    radial2 = jnp.sum(coord_diff ** 2, axis=1, keepdims=True)
    norm = jnp.sqrt(radial2 + 1e-08)
    coord_diff = coord_diff / (norm + 1.0)
    radial = jnp.sqrt(radial2)  # distance_expansion = Identity
    # edge model
    edge_in = jnp.concatenate([h[row], h[col], radial], axis=-1)
    edge_feat = silu(edge_in @ We1.T + be1)
    edge_feat = silu(edge_feat @ We2.T + be2)
    # aggregate messages (scatter sum over source index `row`)
    msg = jax.ops.segment_sum(edge_feat, row, num_segments=N)
    # node model
    node_in = jnp.concatenate([h, msg], axis=-1)
    h_out = silu(node_in @ Wn1.T + bn1) @ Wn2.T + bn2
    # coordinate update
    scale = silu(edge_feat @ Wc1.T + bc1) @ Wc2.T
    trans = coord_diff * scale
    coord_update = jax.ops.segment_sum(trans, row, num_segments=N)
    x_out = x + coord_update
    return (h_out, x_out)

if __name__ == "__main__":
    import jax
    _d = setup_inputs()
    print(jax.jit(kernel)(*tuple(_d.values())))

</pallas_src>

<mosaic_0001>
#map = affine_map<(d0, d1) -> (0, 0)>
#map1 = affine_map<(d0, d1) -> (0, 0, 0)>
module attributes {stable_mosaic.version = 14 : i64} {
  func.func @_sc_scatter_body(%arg0: i32, %arg1: i32, %arg2: memref<163840x128xf32, #tpu.memory_space<hbm>>, %arg3: memref<1280x128xi32, #tpu.memory_space<hbm>>, %arg4: memref<640x128xf32, #tpu.memory_space<hbm>>, %arg5: memref<2x10240x128xf32, #tpu.memory_space<hbm>>, %arg6: memref<40x128xi32, #tpu.memory_space<vmem>>, %arg7: memref<128x128xf32, #tpu.memory_space<vmem>>, %arg8: memref<128x128xf32, #tpu.memory_space<vmem>>, %arg9: memref<10240x128xf32, #tpu.memory_space<vmem_shared>>, %arg10: memref<!tpu.dma_semaphore, #tpu.memory_space<semaphore_mem>>, %arg11: memref<!tpu.dma_semaphore, #tpu.memory_space<semaphore_mem>>) attributes {dimension_semantics = [#tpu.dimension_semantics<core_parallel>, #tpu.dimension_semantics<subcore_parallel>], iteration_bounds = array<i64: 2, 16>, scalar_prefetch = 0 : i64, scratch_operands = 6 : i64, tpu.core_type = #tpu.core_type<sc_vector_subcore>, window_params = [{transform_indices = #map}, {transform_indices = #map}, {transform_indices = #map}, {transform_indices = #map1}]} {
    %mul3A = arith.constant 2 : i32
    %mul3A_0 = arith.muli %arg1, %mul3A : i32
    %add3A = arith.addi %mul3A_0, %arg0 : i32
    %mul3A_1 = arith.constant 40 : i32
    %mul3A_2 = arith.muli %add3A, %mul3A_1 : i32
    %mul3A_3 = arith.constant 640 : i32
    %mul3A_4 = arith.muli %arg1, %mul3A_3 : i32
    "tpu.region"() ({
      %run_scoped3A = tpu.sem_alloc : memref<!tpu.dma_semaphore, #tpu.memory_space<semaphore_mem>>
      %dma_start3A_23 = arith.constant 0 : i32
      %dma_start3A_24 = tpu.memref_slice %arg9[%mul3A_4, %dma_start3A_23] : memref<10240x128xf32, #tpu.memory_space<vmem_shared>> -> memref<640x128xf32, #tpu.memory_space<vmem_shared>>
      tpu.enqueue_dma source(%arg4 : memref<640x128xf32, #tpu.memory_space<hbm>>) target(%dma_start3A_24 : memref<640x128xf32, #tpu.memory_space<vmem_shared>>) target_semaphore(%run_scoped3A : memref<!tpu.dma_semaphore, #tpu.memory_space<semaphore_mem>>)
      %dma_wait3A_25 = arith.constant 0 : i32
      %dma_wait3A_26 = tpu.memref_slice %arg9[%mul3A_4, %dma_wait3A_25] : memref<10240x128xf32, #tpu.memory_space<vmem_shared>> -> memref<640x128xf32, #tpu.memory_space<vmem_shared>>
      tpu.wait_dma2 semaphore(%run_scoped3A : memref<!tpu.dma_semaphore, #tpu.memory_space<semaphore_mem>>) src(%arg4 : memref<640x128xf32, #tpu.memory_space<hbm>>) dst(%dma_wait3A_26 : memref<640x128xf32, #tpu.memory_space<vmem_shared>>)
      tpu.yield
    }) : () -> ()
    "tpu.region"() ({
      %run_scoped3A = tpu.sem_alloc : memref<!tpu.dma_semaphore, #tpu.memory_space<semaphore_mem>>
      %dma_start3A_23 = arith.constant 0 : i32
      %dma_start3A_24 = tpu.memref_slice %arg3[%mul3A_2, %dma_start3A_23] : memref<1280x128xi32, #tpu.memory_space<hbm>> -> memref<40x128xi32, #tpu.memory_space<hbm>>
      %dma_start3A_25 = arith.constant 0 : i32
      %dma_start3A_26 = tpu.memref_slice %arg3[%mul3A_2, %dma_start3A_25] : memref<1280x128xi32, #tpu.memory_space<hbm>> -> memref<40x128xi32, #tpu.memory_space<hbm>>
      tpu.enqueue_dma source(%dma_start3A_26 : memref<40x128xi32, #tpu.memory_space<hbm>>) target(%arg6 : memref<40x128xi32, #tpu.memory_space<vmem>>) target_semaphore(%run_scoped3A : memref<!tpu.dma_semaphore, #tpu.memory_space<semaphore_mem>>)
      %dma_wait3A_27 = arith.constant 0 : i32
      %dma_wait3A_28 = tpu.memref_slice %arg3[%mul3A_2, %dma_wait3A_27] : memref<1280x128xi32, #tpu.memory_space<hbm>> -> memref<40x128xi32, #tpu.memory_space<hbm>>
      %dma_wait3A_29 = arith.constant 0 : i32
      %dma_wait3A_30 = tpu.memref_slice %arg3[%mul3A_2, %dma_wait3A_29] : memref<1280x128xi32, #tpu.memory_space<hbm>> -> memref<40x128xi32, #tpu.memory_space<hbm>>
      tpu.wait_dma2 semaphore(%run_scoped3A : memref<!tpu.dma_semaphore, #tpu.memory_space<semaphore_mem>>) src(%dma_wait3A_30 : memref<40x128xi32, #tpu.memory_space<hbm>>) dst(%arg6 : memref<40x128xi32, #tpu.memory_space<vmem>>)
      tpu.yield
    }) : () -> ()
    %barrier3A = arith.constant 0 : index
    tpu.barrier barrier_id(%barrier3A)
    %mul3A_5 = arith.constant 5120 : i32
    %mul3A_6 = arith.muli %add3A, %mul3A_5 : i32
    %add3A_7 = arith.constant 0 : i32
    %add3A_8 = arith.addi %mul3A_6, %add3A_7 : i32
    %dma_start3A = arith.constant 0 : i32
    %dma_start3A_9 = tpu.memref_slice %arg2[%add3A_8, %dma_start3A] : memref<163840x128xf32, #tpu.memory_space<hbm>> -> memref<128x128xf32, #tpu.memory_space<hbm>>
    %dma_start3A_10 = arith.constant 0 : i32
    %dma_start3A_11 = tpu.memref_slice %arg2[%add3A_8, %dma_start3A_10] : memref<163840x128xf32, #tpu.memory_space<hbm>> -> memref<128x128xf32, #tpu.memory_space<hbm>>
    tpu.enqueue_dma source(%dma_start3A_11 : memref<128x128xf32, #tpu.memory_space<hbm>>) target(%arg7 : memref<128x128xf32, #tpu.memory_space<vmem>>) target_semaphore(%arg10 : memref<!tpu.dma_semaphore, #tpu.memory_space<semaphore_mem>>)
    %scan3A = arith.constant 0 : i32
    %scan3A_12 = arith.constant 0 : i32
    %scan3A_13 = arith.constant 20 : i32
    %scan3A_14 = arith.addi %scan3A_12, %scan3A_13 : i32
    %scan3A_15 = arith.constant 1 : i32
    scf.for %scan3A_23 = %scan3A_12 to %scan3A_14 step %scan3A_15  : i32 {
      %mul3A_24 = arith.constant 2 : i32
      %mul3A_25 = arith.muli %scan3A_23, %mul3A_24 : i32
      %add3A_26 = arith.constant 0 : i32
      %add3A_27 = arith.addi %mul3A_25, %add3A_26 : i32
      %add3A_28 = arith.constant 1 : i32
      %add3A_29 = arith.addi %add3A_27, %add3A_28 : i32
      %min3A = arith.constant 39 : i32
      %min3A_30 = arith.minsi %add3A_29, %min3A : i32
      %mul3A_31 = arith.constant 5120 : i32
      %mul3A_32 = arith.muli %add3A, %mul3A_31 : i32
      %mul3A_33 = arith.constant 128 : i32
      %mul3A_34 = arith.muli %min3A_30, %mul3A_33 : i32
      %add3A_35 = arith.addi %mul3A_32, %mul3A_34 : i32
      %dma_start3A_36 = arith.constant 0 : i32
      %dma_start3A_37 = tpu.memref_slice %arg2[%add3A_35, %dma_start3A_36] : memref<163840x128xf32, #tpu.memory_space<hbm>> -> memref<128x128xf32, #tpu.memory_space<hbm>>
      %dma_start3A_38 = arith.constant 0 : i32
      %dma_start3A_39 = tpu.memref_slice %arg2[%add3A_35, %dma_start3A_38] : memref<163840x128xf32, #tpu.memory_space<hbm>> -> memref<128x128xf32, #tpu.memory_space<hbm>>
      tpu.enqueue_dma source(%dma_start3A_39 : memref<128x128xf32, #tpu.memory_space<hbm>>) target(%arg8 : memref<128x128xf32, #tpu.memory_space<vmem>>) target_semaphore(%arg11 : memref<!tpu.dma_semaphore, #tpu.memory_space<semaphore_mem>>)
      %dma_wait3A_40 = arith.constant 0 : i32
      %dma_wait3A_41 = arith.constant 0 : i32
      %dma_wait3A_42 = tpu.memref_slice %arg2[%dma_wait3A_40, %dma_wait3A_41] : memref<163840x128xf32, #tpu.memory_space<hbm>> -> memref<128x128xf32, #tpu.memory_space<hbm>>
      %dma_wait3A_43 = arith.constant 0 : i32
      %dma_wait3A_44 = arith.constant 0 : i32
      %dma_wait3A_45 = tpu.memref_slice %arg2[%dma_wait3A_43, %dma_wait3A_44] : memref<163840x128xf32, #tpu.memory_space<hbm>> -> memref<128x128xf32, #tpu.memory_space<hbm>>
      tpu.wait_dma2 semaphore(%arg10 : memref<!tpu.dma_semaphore, #tpu.memory_space<semaphore_mem>>) src(%dma_wait3A_45 : memref<128x128xf32, #tpu.memory_space<hbm>>) dst(%arg7 : memref<128x128xf32, #tpu.memory_space<vmem>>)
      "tpu.region"() ({
        %run_scoped3A = tpu.sem_alloc : memref<!tpu.dma_semaphore, #tpu.memory_space<semaphore_mem>>
        %dma_start3A_69 = arith.constant 0 : i32
        %dma_start3A_70 = tpu.memref_slice %arg6[%add3A_27, %dma_start3A_69] : memref<40x128xi32, #tpu.memory_space<vmem>> -> memref<1x128xi32, #tpu.memory_space<vmem>>
        %dma_start3A_71 = tpu.memref_squeeze %dma_start3A_70 : memref<1x128xi32, #tpu.memory_space<vmem>> -> memref<128xi32, #tpu.memory_space<vmem>>
        %dma_start3A_72 = arith.constant 0 : i32
        %dma_start3A_73 = arith.constant 0 : i32
        %dma_start3A_74 = tpu.memref_slice %arg9[%dma_start3A_72, %dma_start3A_73] : memref<10240x128xf32, #tpu.memory_space<vmem_shared>> -> memref<10240x128xf32, #tpu.memory_space<vmem_shared>>
        tpu.enqueue_indirect_dma source(%arg7 : memref<128x128xf32, #tpu.memory_space<vmem>>) target(%dma_start3A_74 : memref<10240x128xf32, #tpu.memory_space<vmem_shared>>) offsets(%dma_start3A_71 : memref<128xi32, #tpu.memory_space<vmem>>) semaphore(%run_scoped3A : memref<!tpu.dma_semaphore, #tpu.memory_space<semaphore_mem>>) {add = true}
        %dma_wait3A_75 = arith.constant 0 : i32
        %dma_wait3A_76 = tpu.memref_slice %arg6[%add3A_27, %dma_wait3A_75] : memref<40x128xi32, #tpu.memory_space<vmem>> -> memref<1x128xi32, #tpu.memory_space<vmem>>
        %dma_wait3A_77 = tpu.memref_squeeze %dma_wait3A_76 : memref<1x128xi32, #tpu.memory_space<vmem>> -> memref<128xi32, #tpu.memory_space<vmem>>
        %dma_wait3A_78 = arith.constant 0 : i32
        %dma_wait3A_79 = arith.constant 0 : i32
        %dma_wait3A_80 = tpu.memref_slice %arg9[%dma_wait3A_78, %dma_wait3A_79] : memref<10240x128xf32, #tpu.memory_space<vmem_shared>> -> memref<10240x128xf32, #tpu.memory_space<vmem_shared>>
        tpu.wait_indirect_dma semaphore(%run_scoped3A : memref<!tpu.dma_semaphore, #tpu.memory_space<semaphore_mem>>) src(%arg7 : memref<128x128xf32, #tpu.memory_space<vmem>>) dst(%dma_wait3A_80 : memref<10240x128xf32, #tpu.memory_space<vmem_shared>>)
        tpu.yield
      }) : () -> ()
      %mul3A_46 = arith.constant 2 : i32
      %mul3A_47 = arith.muli %scan3A_23, %mul3A_46 : i32
      %add3A_48 = arith.constant 1 : i32
      %add3A_49 = arith.addi %mul3A_47, %add3A_48 : i32
      %add3A_50 = arith.constant 1 : i32
      %add3A_51 = arith.addi %add3A_49, %add3A_50 : i32
      %min3A_52 = arith.constant 39 : i32
      %min3A_53 = arith.minsi %add3A_51, %min3A_52 : i32
      %mul3A_54 = arith.constant 5120 : i32
      %mul3A_55 = arith.muli %add3A, %mul3A_54 : i32
      %mul3A_56 = arith.constant 128 : i32
      %mul3A_57 = arith.muli %min3A_53, %mul3A_56 : i32
      %add3A_58 = arith.addi %mul3A_55, %mul3A_57 : i32
      %dma_start3A_59 = arith.constant 0 : i32
      %dma_start3A_60 = tpu.memref_slice %arg2[%add3A_58, %dma_start3A_59] : memref<163840x128xf32, #tpu.memory_space<hbm>> -> memref<128x128xf32, #tpu.memory_space<hbm>>
      %dma_start3A_61 = arith.constant 0 : i32
      %dma_start3A_62 = tpu.memref_slice %arg2[%add3A_58, %dma_start3A_61] : memref<163840x128xf32, #tpu.memory_space<hbm>> -> memref<128x128xf32, #tpu.memory_space<hbm>>
      tpu.enqueue_dma source(%dma_start3A_62 : memref<128x128xf32, #tpu.memory_space<hbm>>) target(%arg7 : memref<128x128xf32, #tpu.memory_space<vmem>>) target_semaphore(%arg10 : memref<!tpu.dma_semaphore, #tpu.memory_space<semaphore_mem>>)
      %dma_wait3A_63 = arith.constant 0 : i32
      %dma_wait3A_64 = arith.constant 0 : i32
      %dma_wait3A_65 = tpu.memref_slice %arg2[%dma_wait3A_63, %dma_wait3A_64] : memref<163840x128xf32, #tpu.memory_space<hbm>> -> memref<128x128xf32, #tpu.memory_space<hbm>>
      %dma_wait3A_66 = arith.constant 0 : i32
      %dma_wait3A_67 = arith.constant 0 : i32
      %dma_wait3A_68 = tpu.memref_slice %arg2[%dma_wait3A_66, %dma_wait3A_67] : memref<163840x128xf32, #tpu.memory_space<hbm>> -> memref<128x128xf32, #tpu.memory_space<hbm>>
      tpu.wait_dma2 semaphore(%arg11 : memref<!tpu.dma_semaphore, #tpu.memory_space<semaphore_mem>>) src(%dma_wait3A_68 : memref<128x128xf32, #tpu.memory_space<hbm>>) dst(%arg8 : memref<128x128xf32, #tpu.memory_space<vmem>>)
      "tpu.region"() ({
        %run_scoped3A = tpu.sem_alloc : memref<!tpu.dma_semaphore, #tpu.memory_space<semaphore_mem>>
        %dma_start3A_69 = arith.constant 0 : i32
        %dma_start3A_70 = tpu.memref_slice %arg6[%add3A_49, %dma_start3A_69] : memref<40x128xi32, #tpu.memory_space<vmem>> -> memref<1x128xi32, #tpu.memory_space<vmem>>
        %dma_start3A_71 = tpu.memref_squeeze %dma_start3A_70 : memref<1x128xi32, #tpu.memory_space<vmem>> -> memref<128xi32, #tpu.memory_space<vmem>>
        %dma_start3A_72 = arith.constant 0 : i32
        %dma_start3A_73 = arith.constant 0 : i32
        %dma_start3A_74 = tpu.memref_slice %arg9[%dma_start3A_72, %dma_start3A_73] : memref<10240x128xf32, #tpu.memory_space<vmem_shared>> -> memref<10240x128xf32, #tpu.memory_space<vmem_shared>>
        tpu.enqueue_indirect_dma source(%arg8 : memref<128x128xf32, #tpu.memory_space<vmem>>) target(%dma_start3A_74 : memref<10240x128xf32, #tpu.memory_space<vmem_shared>>) offsets(%dma_start3A_71 : memref<128xi32, #tpu.memory_space<vmem>>) semaphore(%run_scoped3A : memref<!tpu.dma_semaphore, #tpu.memory_space<semaphore_mem>>) {add = true}
        %dma_wait3A_75 = arith.constant 0 : i32
        %dma_wait3A_76 = tpu.memref_slice %arg6[%add3A_49, %dma_wait3A_75] : memref<40x128xi32, #tpu.memory_space<vmem>> -> memref<1x128xi32, #tpu.memory_space<vmem>>
        %dma_wait3A_77 = tpu.memref_squeeze %dma_wait3A_76 : memref<1x128xi32, #tpu.memory_space<vmem>> -> memref<128xi32, #tpu.memory_space<vmem>>
        %dma_wait3A_78 = arith.constant 0 : i32
        %dma_wait3A_79 = arith.constant 0 : i32
        %dma_wait3A_80 = tpu.memref_slice %arg9[%dma_wait3A_78, %dma_wait3A_79] : memref<10240x128xf32, #tpu.memory_space<vmem_shared>> -> memref<10240x128xf32, #tpu.memory_space<vmem_shared>>
        tpu.wait_indirect_dma semaphore(%run_scoped3A : memref<!tpu.dma_semaphore, #tpu.memory_space<semaphore_mem>>) src(%arg8 : memref<128x128xf32, #tpu.memory_space<vmem>>) dst(%dma_wait3A_80 : memref<10240x128xf32, #tpu.memory_space<vmem_shared>>)
        tpu.yield
      }) : () -> ()
    }
    %scan3A_16 = arith.constant 20 : i32
    %dma_wait3A = arith.constant 0 : i32
    %dma_wait3A_17 = arith.constant 0 : i32
    %dma_wait3A_18 = tpu.memref_slice %arg2[%dma_wait3A, %dma_wait3A_17] : memref<163840x128xf32, #tpu.memory_space<hbm>> -> memref<128x128xf32, #tpu.memory_space<hbm>>
    %dma_wait3A_19 = arith.constant 0 : i32
    %dma_wait3A_20 = arith.constant 0 : i32
    %dma_wait3A_21 = tpu.memref_slice %arg2[%dma_wait3A_19, %dma_wait3A_20] : memref<163840x128xf32, #tpu.memory_space<hbm>> -> memref<128x128xf32, #tpu.memory_space<hbm>>
    tpu.wait_dma2 semaphore(%arg10 : memref<!tpu.dma_semaphore, #tpu.memory_space<semaphore_mem>>) src(%dma_wait3A_21 : memref<128x128xf32, #tpu.memory_space<hbm>>) dst(%arg7 : memref<128x128xf32, #tpu.memory_space<vmem>>)
    %barrier3A_22 = arith.constant 0 : index
    tpu.barrier barrier_id(%barrier3A_22)
    "tpu.region"() ({
      %run_scoped3A = tpu.sem_alloc : memref<!tpu.dma_semaphore, #tpu.memory_space<semaphore_mem>>
      %dma_start3A_23 = arith.constant 0 : i32
      %dma_start3A_24 = tpu.memref_slice %arg5[%arg0, %mul3A_4, %dma_start3A_23] : memref<2x10240x128xf32, #tpu.memory_space<hbm>> -> memref<1x640x128xf32, #tpu.memory_space<hbm>>
      %dma_start3A_25 = tpu.memref_squeeze %dma_start3A_24 : memref<1x640x128xf32, #tpu.memory_space<hbm>> -> memref<640x128xf32, #tpu.memory_space<hbm>>
      %dma_start3A_26 = arith.constant 0 : i32
      %dma_start3A_27 = tpu.memref_slice %arg9[%mul3A_4, %dma_start3A_26] : memref<10240x128xf32, #tpu.memory_space<vmem_shared>> -> memref<640x128xf32, #tpu.memory_space<vmem_shared>>
      tpu.enqueue_dma source(%dma_start3A_27 : memref<640x128xf32, #tpu.memory_space<vmem_shared>>) target(%dma_start3A_25 : memref<640x128xf32, #tpu.memory_space<hbm>>) target_semaphore(%run_scoped3A : memref<!tpu.dma_semaphore, #tpu.memory_space<semaphore_mem>>)
      %dma_wait3A_28 = arith.constant 0 : i32
      %dma_wait3A_29 = tpu.memref_slice %arg5[%arg0, %mul3A_4, %dma_wait3A_28] : memref<2x10240x128xf32, #tpu.memory_space<hbm>> -> memref<1x640x128xf32, #tpu.memory_space<hbm>>
      %dma_wait3A_30 = tpu.memref_squeeze %dma_wait3A_29 : memref<1x640x128xf32, #tpu.memory_space<hbm>> -> memref<640x128xf32, #tpu.memory_space<hbm>>
      %dma_wait3A_31 = arith.constant 0 : i32
      %dma_wait3A_32 = tpu.memref_slice %arg9[%mul3A_4, %dma_wait3A_31] : memref<10240x128xf32, #tpu.memory_space<vmem_shared>> -> memref<640x128xf32, #tpu.memory_space<vmem_shared>>
      tpu.wait_dma2 semaphore(%run_scoped3A : memref<!tpu.dma_semaphore, #tpu.memory_space<semaphore_mem>>) src(%dma_wait3A_32 : memref<640x128xf32, #tpu.memory_space<vmem_shared>>) dst(%dma_wait3A_30 : memref<640x128xf32, #tpu.memory_space<hbm>>)
      tpu.yield
    }) : () -> ()
    return
  }
}

#map = affine_map<(d0, d1) -> (0, 0)>
#map1 = affine_map<(d0, d1) -> (0)>
module attributes {stable_mosaic.version = 14 : i64} {
  func.func @_sc_gather_body(%arg0: i32, %arg1: i32, %arg2: memref<10240x128xf32, #tpu.memory_space<hbm>>, %arg3: memref<10240xf32, #tpu.memory_space<hbm>>, %arg4: memref<10240xf32, #tpu.memory_space<hbm>>, %arg5: memref<10240xf32, #tpu.memory_space<hbm>>, %arg6: memref<1280x128xi32, #tpu.memory_space<hbm>>, %arg7: memref<1280x128xi32, #tpu.memory_space<hbm>>, %arg8: memref<96xf32, #tpu.memory_space<hbm>>, %arg9: memref<163840x128xf32, #tpu.memory_space<hbm>>, %arg10: memref<40x128xi32, #tpu.memory_space<vmem>>, %arg11: memref<40x128xi32, #tpu.memory_space<vmem>>, %arg12: memref<10240xf32, #tpu.memory_space<vmem>>, %arg13: memref<10240xf32, #tpu.memory_space<vmem>>, %arg14: memref<10240xf32, #tpu.memory_space<vmem>>, %arg15: memref<96xf32, #tpu.memory_space<vmem>>, %arg16: memref<128x128xf32, #tpu.memory_space<vmem>>, %arg17: memref<128x128xf32, #tpu.memory_space<vmem>>, %arg18: memref<128x128xf32, #tpu.memory_space<vmem>>, %arg19: memref<128x128xf32, #tpu.memory_space<vmem>>, %arg20: memref<!tpu.dma_semaphore, #tpu.memory_space<semaphore_mem>>, %arg21: memref<!tpu.dma_semaphore, #tpu.memory_space<semaphore_mem>>, %arg22: memref<!tpu.dma_semaphore, #tpu.memory_space<semaphore_mem>>, %arg23: memref<!tpu.dma_semaphore, #tpu.memory_space<semaphore_mem>>) attributes {dimension_semantics = [#tpu.dimension_semantics<core_parallel>, #tpu.dimension_semantics<subcore_parallel>], iteration_bounds = array<i64: 2, 16>, scalar_prefetch = 0 : i64, scratch_operands = 14 : i64, tpu.core_type = #tpu.core_type<sc_vector_subcore>, window_params = [{transform_indices = #map}, {transform_indices = #map1}, {transform_indices = #map1}, {transform_indices = #map1}, {transform_indices = #map}, {transform_indices = #map}, {transform_indices = #map1}, {transform_indices = #map}]} {
    %mul3A = arith.constant 2 : i32
    %mul3A_0 = arith.muli %arg1, %mul3A : i32
    %add3A = arith.addi %mul3A_0, %arg0 : i32
    %mul3A_1 = arith.constant 40 : i32
    %mul3A_2 = arith.muli %add3A, %mul3A_1 : i32
    "tpu.region"() ({
      %run_scoped3A = tpu.sem_alloc : memref<!tpu.dma_semaphore, #tpu.memory_space<semaphore_mem>>
      %dma_start3A_46 = arith.constant 0 : i32
      %dma_start3A_47 = tpu.memref_slice %arg6[%mul3A_2, %dma_start3A_46] : memref<1280x128xi32, #tpu.memory_space<hbm>> -> memref<40x128xi32, #tpu.memory_space<hbm>>
      %dma_start3A_48 = arith.constant 0 : i32
      %dma_start3A_49 = tpu.memref_slice %arg6[%mul3A_2, %dma_start3A_48] : memref<1280x128xi32, #tpu.memory_space<hbm>> -> memref<40x128xi32, #tpu.memory_space<hbm>>
      tpu.enqueue_dma source(%dma_start3A_49 : memref<40x128xi32, #tpu.memory_space<hbm>>) target(%arg10 : memref<40x128xi32, #tpu.memory_space<vmem>>) target_semaphore(%run_scoped3A : memref<!tpu.dma_semaphore, #tpu.memory_space<semaphore_mem>>)
      %dma_wait3A_50 = arith.constant 0 : i32
      %dma_wait3A_51 = tpu.memref_slice %arg6[%mul3A_2, %dma_wait3A_50] : memref<1280x128xi32, #tpu.memory_space<hbm>> -> memref<40x128xi32, #tpu.memory_space<hbm>>
      %dma_wait3A_52 = arith.constant 0 : i32
      %dma_wait3A_53 = tpu.memref_slice %arg6[%mul3A_2, %dma_wait3A_52] : memref<1280x128xi32, #tpu.memory_space<hbm>> -> memref<40x128xi32, #tpu.memory_space<hbm>>
      tpu.wait_dma2 semaphore(%run_scoped3A : memref<!tpu.dma_semaphore, #tpu.memory_space<semaphore_mem>>) src(%dma_wait3A_53 : memref<40x128xi32, #tpu.memory_space<hbm>>) dst(%arg10 : memref<40x128xi32, #tpu.memory_space<vmem>>)
      tpu.yield
    }) : () -> ()
    "tpu.region"() ({
      %run_scoped3A = tpu.sem_alloc : memref<!tpu.dma_semaphore, #tpu.memory_space<semaphore_mem>>
      %dma_start3A_46 = arith.constant 0 : i32
      %dma_start3A_47 = tpu.memref_slice %arg7[%mul3A_2, %dma_start3A_46] : memref<1280x128xi32, #tpu.memory_space<hbm>> -> memref<40x128xi32, #tpu.memory_space<hbm>>
      %dma_start3A_48 = arith.constant 0 : i32
      %dma_start3A_49 = tpu.memref_slice %arg7[%mul3A_2, %dma_start3A_48] : memref<1280x128xi32, #tpu.memory_space<hbm>> -> memref<40x128xi32, #tpu.memory_space<hbm>>
      tpu.enqueue_dma source(%dma_start3A_49 : memref<40x128xi32, #tpu.memory_space<hbm>>) target(%arg11 : memref<40x128xi32, #tpu.memory_space<vmem>>) target_semaphore(%run_scoped3A : memref<!tpu.dma_semaphore, #tpu.memory_space<semaphore_mem>>)
      %dma_wait3A_50 = arith.constant 0 : i32
      %dma_wait3A_51 = tpu.memref_slice %arg7[%mul3A_2, %dma_wait3A_50] : memref<1280x128xi32, #tpu.memory_space<hbm>> -> memref<40x128xi32, #tpu.memory_space<hbm>>
      %dma_wait3A_52 = arith.constant 0 : i32
      %dma_wait3A_53 = tpu.memref_slice %arg7[%mul3A_2, %dma_wait3A_52] : memref<1280x128xi32, #tpu.memory_space<hbm>> -> memref<40x128xi32, #tpu.memory_space<hbm>>
      tpu.wait_dma2 semaphore(%run_scoped3A : memref<!tpu.dma_semaphore, #tpu.memory_space<semaphore_mem>>) src(%dma_wait3A_53 : memref<40x128xi32, #tpu.memory_space<hbm>>) dst(%arg11 : memref<40x128xi32, #tpu.memory_space<vmem>>)
      tpu.yield
    }) : () -> ()
    "tpu.region"() ({
      %run_scoped3A = tpu.sem_alloc : memref<!tpu.dma_semaphore, #tpu.memory_space<semaphore_mem>>
      tpu.enqueue_dma source(%arg3 : memref<10240xf32, #tpu.memory_space<hbm>>) target(%arg12 : memref<10240xf32, #tpu.memory_space<vmem>>) target_semaphore(%run_scoped3A : memref<!tpu.dma_semaphore, #tpu.memory_space<semaphore_mem>>)
      tpu.wait_dma2 semaphore(%run_scoped3A : memref<!tpu.dma_semaphore, #tpu.memory_space<semaphore_mem>>) src(%arg3 : memref<10240xf32, #tpu.memory_space<hbm>>) dst(%arg12 : memref<10240xf32, #tpu.memory_space<vmem>>)
      tpu.yield
    }) : () -> ()
    "tpu.region"() ({
      %run_scoped3A = tpu.sem_alloc : memref<!tpu.dma_semaphore, #tpu.memory_space<semaphore_mem>>
      tpu.enqueue_dma source(%arg4 : memref<10240xf32, #tpu.memory_space<hbm>>) target(%arg13 : memref<10240xf32, #tpu.memory_space<vmem>>) target_semaphore(%run_scoped3A : memref<!tpu.dma_semaphore, #tpu.memory_space<semaphore_mem>>)
      tpu.wait_dma2 semaphore(%run_scoped3A : memref<!tpu.dma_semaphore, #tpu.memory_space<semaphore_mem>>) src(%arg4 : memref<10240xf32, #tpu.memory_space<hbm>>) dst(%arg13 : memref<10240xf32, #tpu.memory_space<vmem>>)
      tpu.yield
    }) : () -> ()
    "tpu.region"() ({
      %run_scoped3A = tpu.sem_alloc : memref<!tpu.dma_semaphore, #tpu.memory_space<semaphore_mem>>
      tpu.enqueue_dma source(%arg5 : memref<10240xf32, #tpu.memory_space<hbm>>) target(%arg14 : memref<10240xf32, #tpu.memory_space<vmem>>) target_semaphore(%run_scoped3A : memref<!tpu.dma_semaphore, #tpu.memory_space<semaphore_mem>>)
      tpu.wait_dma2 semaphore(%run_scoped3A : memref<!tpu.dma_semaphore, #tpu.memory_space<semaphore_mem>>) src(%arg5 : memref<10240xf32, #tpu.memory_space<hbm>>) dst(%arg14 : memref<10240xf32, #tpu.memory_space<vmem>>)
      tpu.yield
    }) : () -> ()
    "tpu.region"() ({
      %run_scoped3A = tpu.sem_alloc : memref<!tpu.dma_semaphore, #tpu.memory_space<semaphore_mem>>
      tpu.enqueue_dma source(%arg8 : memref<96xf32, #tpu.memory_space<hbm>>) target(%arg15 : memref<96xf32, #tpu.memory_space<vmem>>) target_semaphore(%run_scoped3A : memref<!tpu.dma_semaphore, #tpu.memory_space<semaphore_mem>>)
      tpu.wait_dma2 semaphore(%run_scoped3A : memref<!tpu.dma_semaphore, #tpu.memory_space<semaphore_mem>>) src(%arg8 : memref<96xf32, #tpu.memory_space<hbm>>) dst(%arg15 : memref<96xf32, #tpu.memory_space<vmem>>)
      tpu.yield
    }) : () -> ()
    %get3A = arith.constant 0 : index
    %get3A_3 = tpu.vector_load %arg15[%get3A] {strides = array<i32>} : memref<96xf32, #tpu.memory_space<vmem>>, vector<16xf32>,
    %get3A_4 = arith.constant 16 : index
    %get3A_5 = tpu.vector_load %arg15[%get3A_4] {strides = array<i32>} : memref<96xf32, #tpu.memory_space<vmem>>, vector<16xf32>,
    %get3A_6 = arith.constant 32 : index
    %get3A_7 = tpu.vector_load %arg15[%get3A_6] {strides = array<i32>} : memref<96xf32, #tpu.memory_space<vmem>>, vector<16xf32>,
    %get3A_8 = arith.constant 48 : index
    %get3A_9 = tpu.vector_load %arg15[%get3A_8] {strides = array<i32>} : memref<96xf32, #tpu.memory_space<vmem>>, vector<16xf32>,
    %get3A_10 = arith.constant 64 : index
    %get3A_11 = tpu.vector_load %arg15[%get3A_10] {strides = array<i32>} : memref<96xf32, #tpu.memory_space<vmem>>, vector<16xf32>,
    %get3A_12 = arith.constant 80 : index
    %get3A_13 = tpu.vector_load %arg15[%get3A_12] {strides = array<i32>} : memref<96xf32, #tpu.memory_space<vmem>>, vector<16xf32>,
    %broadcast_in_dim3A = arith.constant 0x4B400000 : f32
    %broadcast_in_dim3A_14 = vector.broadcast %broadcast_in_dim3A : f32 to vector<16xf32>
    %dma_start3A = arith.constant 0 : i32
    %dma_start3A_15 = arith.constant 0 : i32
    %dma_start3A_16 = tpu.memref_slice %arg10[%dma_start3A, %dma_start3A_15] : memref<40x128xi32, #tpu.memory_space<vmem>> -> memref<1x128xi32, #tpu.memory_space<vmem>>
    %dma_start3A_17 = tpu.memref_squeeze %dma_start3A_16 : memref<1x128xi32, #tpu.memory_space<vmem>> -> memref<128xi32, #tpu.memory_space<vmem>>
    %dma_start3A_18 = arith.constant 0 : i32
    %dma_start3A_19 = arith.constant 0 : i32
    %dma_start3A_20 = tpu.memref_slice %arg2[%dma_start3A_18, %dma_start3A_19] : memref<10240x128xf32, #tpu.memory_space<hbm>> -> memref<10240x128xf32, #tpu.memory_space<hbm>>
    tpu.enqueue_indirect_dma source(%dma_start3A_20 : memref<10240x128xf32, #tpu.memory_space<hbm>>) target(%arg16 : memref<128x128xf32, #tpu.memory_space<vmem>>) offsets(%dma_start3A_17 : memref<128xi32, #tpu.memory_space<vmem>>) semaphore(%arg20 : memref<!tpu.dma_semaphore, #tpu.memory_space<semaphore_mem>>)
    %dma_start3A_21 = arith.constant 0 : i32
    %dma_start3A_22 = arith.constant 0 : i32
    %dma_start3A_23 = tpu.memref_slice %arg11[%dma_start3A_21, %dma_start3A_22] : memref<40x128xi32, #tpu.memory_space<vmem>> -> memref<1x128xi32, #tpu.memory_space<vmem>>
    %dma_start3A_24 = tpu.memref_squeeze %dma_start3A_23 : memref<1x128xi32, #tpu.memory_space<vmem>> -> memref<128xi32, #tpu.memory_space<vmem>>
    %dma_start3A_25 = arith.constant 0 : i32
    %dma_start3A_26 = arith.constant 0 : i32
    %dma_start3A_27 = tpu.memref_slice %arg2[%dma_start3A_25, %dma_start3A_26] : memref<10240x128xf32, #tpu.memory_space<hbm>> -> memref<10240x128xf32, #tpu.memory_space<hbm>>
    tpu.enqueue_indirect_dma source(%dma_start3A_27 : memref<10240x128xf32, #tpu.memory_space<hbm>>) target(%arg18 : memref<128x128xf32, #tpu.memory_space<vmem>>) offsets(%dma_start3A_24 : memref<128xi32, #tpu.memory_space<vmem>>) semaphore(%arg22 : memref<!tpu.dma_semaphore, #tpu.memory_space<semaphore_mem>>)
    %scan3A = arith.constant 0 : i32
    %scan3A_28 = arith.constant 0 : i32
    %scan3A_29 = arith.constant 20 : i32
    %scan3A_30 = arith.addi %scan3A_28, %scan3A_29 : i32
    %scan3A_31 = arith.constant 1 : i32
    scf.for %scan3A_46 = %scan3A_28 to %scan3A_30 step %scan3A_31  : i32 {
      %mul3A_47 = arith.constant 2 : i32
      %mul3A_48 = arith.muli %scan3A_46, %mul3A_47 : i32
      %add3A_49 = arith.constant 0 : i32
      %add3A_50 = arith.addi %mul3A_48, %add3A_49 : i32
      %add3A_51 = arith.constant 1 : i32
      %add3A_52 = arith.addi %add3A_50, %add3A_51 : i32
      %min3A = arith.constant 39 : i32
      %min3A_53 = arith.minsi %add3A_52, %min3A : i32
      %dma_start3A_54 = arith.constant 0 : i32
      %dma_start3A_55 = tpu.memref_slice %arg10[%min3A_53, %dma_start3A_54] : memref<40x128xi32, #tpu.memory_space<vmem>> -> memref<1x128xi32, #tpu.memory_space<vmem>>
      %dma_start3A_56 = tpu.memref_squeeze %dma_start3A_55 : memref<1x128xi32, #tpu.memory_space<vmem>> -> memref<128xi32, #tpu.memory_space<vmem>>
      %dma_start3A_57 = arith.constant 0 : i32
      %dma_start3A_58 = arith.constant 0 : i32
      %dma_start3A_59 = tpu.memref_slice %arg2[%dma_start3A_57, %dma_start3A_58] : memref<10240x128xf32, #tpu.memory_space<hbm>> -> memref<10240x128xf32, #tpu.memory_space<hbm>>
      tpu.enqueue_indirect_dma source(%dma_start3A_59 : memref<10240x128xf32, #tpu.memory_space<hbm>>) target(%arg17 : memref<128x128xf32, #tpu.memory_space<vmem>>) offsets(%dma_start3A_56 : memref<128xi32, #tpu.memory_space<vmem>>) semaphore(%arg21 : memref<!tpu.dma_semaphore, #tpu.memory_space<semaphore_mem>>)
      %dma_start3A_60 = arith.constant 0 : i32
      %dma_start3A_61 = tpu.memref_slice %arg11[%min3A_53, %dma_start3A_60] : memref<40x128xi32, #tpu.memory_space<vmem>> -> memref<1x128xi32, #tpu.memory_space<vmem>>
      %dma_start3A_62 = tpu.memref_squeeze %dma_start3A_61 : memref<1x128xi32, #tpu.memory_space<vmem>> -> memref<128xi32, #tpu.memory_space<vmem>>
      %dma_start3A_63 = arith.constant 0 : i32
      %dma_start3A_64 = arith.constant 0 : i32
      %dma_start3A_65 = tpu.memref_slice %arg2[%dma_start3A_63, %dma_start3A_64] : memref<10240x128xf32, #tpu.memory_space<hbm>> -> memref<10240x128xf32, #tpu.memory_space<hbm>>
      tpu.enqueue_indirect_dma source(%dma_start3A_65 : memref<10240x128xf32, #tpu.memory_space<hbm>>) target(%arg19 : memref<128x128xf32, #tpu.memory_space<vmem>>) offsets(%dma_start3A_62 : memref<128xi32, #tpu.memory_space<vmem>>) semaphore(%arg23 : memref<!tpu.dma_semaphore, #tpu.memory_space<semaphore_mem>>)
      %dma_wait3A_66 = arith.constant 0 : i32
      %dma_wait3A_67 = arith.constant 0 : i32
      %dma_wait3A_68 = tpu.memref_slice %arg10[%dma_wait3A_66, %dma_wait3A_67] : memref<40x128xi32, #tpu.memory_space<vmem>> -> memref<1x128xi32, #tpu.memory_space<vmem>>
      %dma_wait3A_69 = tpu.memref_squeeze %dma_wait3A_68 : memref<1x128xi32, #tpu.memory_space<vmem>> -> memref<128xi32, #tpu.memory_space<vmem>>
      %dma_wait3A_70 = arith.constant 0 : i32
      %dma_wait3A_71 = arith.constant 0 : i32
      %dma_wait3A_72 = tpu.memref_slice %arg2[%dma_wait3A_70, %dma_wait3A_71] : memref<10240x128xf32, #tpu.memory_space<hbm>> -> memref<10240x128xf32, #tpu.memory_space<hbm>>
      tpu.wait_indirect_dma semaphore(%arg20 : memref<!tpu.dma_semaphore, #tpu.memory_space<semaphore_mem>>) src(%dma_wait3A_72 : memref<10240x128xf32, #tpu.memory_space<hbm>>) dst(%arg16 : memref<128x128xf32, #tpu.memory_space<vmem>>)
      %dma_wait3A_73 = arith.constant 0 : i32
      %dma_wait3A_74 = arith.constant 0 : i32
      %dma_wait3A_75 = tpu.memref_slice %arg11[%dma_wait3A_73, %dma_wait3A_74] : memref<40x128xi32, #tpu.memory_space<vmem>> -> memref<1x128xi32, #tpu.memory_space<vmem>>
      %dma_wait3A_76 = tpu.memref_squeeze %dma_wait3A_75 : memref<1x128xi32, #tpu.memory_space<vmem>> -> memref<128xi32, #tpu.memory_space<vmem>>
      %dma_wait3A_77 = arith.constant 0 : i32
      %dma_wait3A_78 = arith.constant 0 : i32
      %dma_wait3A_79 = tpu.memref_slice %arg2[%dma_wait3A_77, %dma_wait3A_78] : memref<10240x128xf32, #tpu.memory_space<hbm>> -> memref<10240x128xf32, #tpu.memory_space<hbm>>
      tpu.wait_indirect_dma semaphore(%arg22 : memref<!tpu.dma_semaphore, #tpu.memory_space<semaphore_mem>>) src(%dma_wait3A_79 : memref<10240x128xf32, #tpu.memory_space<hbm>>) dst(%arg18 : memref<128x128xf32, #tpu.memory_space<vmem>>)
      %scan3A_80 = arith.constant 0 : i32
      %scan3A_81 = arith.constant 0 : i32
      %scan3A_82 = arith.constant 32 : i32
      %scan3A_83 = arith.addi %scan3A_81, %scan3A_82 : i32
      %scan3A_84 = arith.constant 1 : i32
      scf.for %scan3A_879 = %scan3A_81 to %scan3A_83 step %scan3A_84  : i32 {
        %mul3A_880 = arith.constant 4 : i32
        %mul3A_881 = arith.muli %scan3A_879, %mul3A_880 : i32
        %add3A_882 = arith.constant 0 : i32
        %add3A_883 = arith.addi %mul3A_881, %add3A_882 : i32
        %get3A_884 = arith.index_cast %add3A_883 : i32 to index
        %get3A_885 = arith.constant 64 : index
        %get3A_886 = tpu.vector_load %arg18[%get3A_884, %get3A_885] {strides = array<i32>} : memref<128x128xf32, #tpu.memory_space<vmem>>, vector<16xf32>,
        %swap3A = arith.index_cast %add3A_883 : i32 to index
        %swap3A_887 = arith.constant 0 : index
        %swap3A_888 = tpu.vector_load %arg16[%swap3A, %swap3A_887] {strides = array<i32>} : memref<128x128xf32, #tpu.memory_space<vmem>>, vector<16xf32>,
        tpu.vector_store %arg16[%swap3A, %swap3A_887], %get3A_886 {add = true, strides = array<i32>} : memref<128x128xf32, #tpu.memory_space<vmem>>, vector<16xf32>,
        %get3A_889 = arith.index_cast %add3A_883 : i32 to index
        %get3A_890 = arith.constant 80 : index
        %get3A_891 = tpu.vector_load %arg18[%get3A_889, %get3A_890] {strides = array<i32>} : memref<128x128xf32, #tpu.memory_space<vmem>>, vector<16xf32>,
        %swap3A_892 = arith.index_cast %add3A_883 : i32 to index
        %swap3A_893 = arith.constant 16 : index
        %swap3A_894 = tpu.vector_load %arg16[%swap3A_892, %swap3A_893] {strides = array<i32>} : memref<128x128xf32, #tpu.memory_space<vmem>>, vector<16xf32>,
        tpu.vector_store %arg16[%swap3A_892, %swap3A_893], %get3A_891 {add = true, strides = array<i32>} : memref<128x128xf32, #tpu.memory_space<vmem>>, vector<16xf32>,
        %get3A_895 = arith.index_cast %add3A_883 : i32 to index
        %get3A_896 = arith.constant 96 : index
        %get3A_897 = tpu.vector_load %arg18[%get3A_895, %get3A_896] {strides = array<i32>} : memref<128x128xf32, #tpu.memory_space<vmem>>, vector<16xf32>,
        %swap3A_898 = arith.index_cast %add3A_883 : i32 to index
        %swap3A_899 = arith.constant 32 : index
        %swap3A_900 = tpu.vector_load %arg16[%swap3A_898, %swap3A_899] {strides = array<i32>} : memref<128x128xf32, #tpu.memory_space<vmem>>, vector<16xf32>,
        tpu.vector_store %arg16[%swap3A_898, %swap3A_899], %get3A_897 {add = true, strides = array<i32>} : memref<128x128xf32, #tpu.memory_space<vmem>>, vector<16xf32>,
        %get3A_901 = arith.index_cast %add3A_883 : i32 to index
        %get3A_902 = arith.constant 112 : index
        %get3A_903 = tpu.vector_load %arg18[%get3A_901, %get3A_902] {strides = array<i32>} : memref<128x128xf32, #tpu.memory_space<vmem>>, vector<16xf32>,
        %swap3A_904 = arith.index_cast %add3A_883 : i32 to index
        %swap3A_905 = arith.constant 48 : index
        %swap3A_906 = tpu.vector_load %arg16[%swap3A_904, %swap3A_905] {strides = array<i32>} : memref<128x128xf32, #tpu.memory_space<vmem>>, vector<16xf32>,
        tpu.vector_store %arg16[%swap3A_904, %swap3A_905], %get3A_903 {add = true, strides = array<i32>} : memref<128x128xf32, #tpu.memory_space<vmem>>, vector<16xf32>,
        %mul3A_907 = arith.constant 4 : i32
        %mul3A_908 = arith.muli %scan3A_879, %mul3A_907 : i32
        %add3A_909 = arith.constant 1 : i32
        %add3A_910 = arith.addi %mul3A_908, %add3A_909 : i32
        %get3A_911 = arith.index_cast %add3A_910 : i32 to index
        %get3A_912 = arith.constant 64 : index
        %get3A_913 = tpu.vector_load %arg18[%get3A_911, %get3A_912] {strides = array<i32>} : memref<128x128xf32, #tpu.memory_space<vmem>>, vector<16xf32>,
        %swap3A_914 = arith.index_cast %add3A_910 : i32 to index
        %swap3A_915 = arith.constant 0 : index
        %swap3A_916 = tpu.vector_load %arg16[%swap3A_914, %swap3A_915] {strides = array<i32>} : memref<128x128xf32, #tpu.memory_space<vmem>>, vector<16xf32>,
        tpu.vector_store %arg16[%swap3A_914, %swap3A_915], %get3A_913 {add = true, strides = array<i32>} : memref<128x128xf32, #tpu.memory_space<vmem>>, vector<16xf32>,
        %get3A_917 = arith.index_cast %add3A_910 : i32 to index
        %get3A_918 = arith.constant 80 : index
        %get3A_919 = tpu.vector_load %arg18[%get3A_917, %get3A_918] {strides = array<i32>} : memref<128x128xf32, #tpu.memory_space<vmem>>, vector<16xf32>,
        %swap3A_920 = arith.index_cast %add3A_910 : i32 to index
        %swap3A_921 = arith.constant 16 : index
        %swap3A_922 = tpu.vector_load %arg16[%swap3A_920, %swap3A_921] {strides = array<i32>} : memref<128x128xf32, #tpu.memory_space<vmem>>, vector<16xf32>,
        tpu.vector_store %arg16[%swap3A_920, %swap3A_921], %get3A_919 {add = true, strides = array<i32>} : memref<128x128xf32, #tpu.memory_space<vmem>>, vector<16xf32>,
        %get3A_923 = arith.index_cast %add3A_910 : i32 to index
        %get3A_924 = arith.constant 96 : index
        %get3A_925 = tpu.vector_load %arg18[%get3A_923, %get3A_924] {strides = array<i32>} : memref<128x128xf32, #tpu.memory_space<vmem>>, vector<16xf32>,
        %swap3A_926 = arith.index_cast %add3A_910 : i32 to index
        %swap3A_927 = arith.constant 32 : index
        %swap3A_928 = tpu.vector_load %arg16[%swap3A_926, %swap3A_927] {strides = array<i32>} : memref<128x128xf32, #tpu.memory_space<vmem>>, vector<16xf32>,
        tpu.vector_store %arg16[%swap3A_926, %swap3A_927], %get3A_925 {add = true, strides = array<i32>} : memref<128x128xf32, #tpu.memory_space<vmem>>, vector<16xf32>,
        %get3A_929 = arith.index_cast %add3A_910 : i32 to index
        %get3A_930 = arith.constant 112 : index
        %get3A_931 = tpu.vector_load %arg18[%get3A_929, %get3A_930] {strides = array<i32>} : memref<128x128xf32, #tpu.memory_space<vmem>>, vector<16xf32>,
        %swap3A_932 = arith.index_cast %add3A_910 : i32 to index
        %swap3A_933 = arith.constant 48 : index
        %swap3A_934 = tpu.vector_load %arg16[%swap3A_932, %swap3A_933] {strides = array<i32>} : memref<128x128xf32, #tpu.memory_space<vmem>>, vector<16xf32>,
        tpu.vector_store %arg16[%swap3A_932, %swap3A_933], %get3A_931 {add = true, strides = array<i32>} : memref<128x128xf32, #tpu.memory_space<vmem>>, vector<16xf32>,
        %mul3A_935 = arith.constant 4 : i32
        %mul3A_936 = arith.muli %scan3A_879, %mul3A_935 : i32
        %add3A_937 = arith.constant 2 : i32
        %add3A_938 = arith.addi %mul3A_936, %add3A_937 : i32
        %get3A_939 = arith.index_cast %add3A_938 : i32 to index
        %get3A_940 = arith.constant 64 : index
        %get3A_941 = tpu.vector_load %arg18[%get3A_939, %get3A_940] {strides = array<i32>} : memref<128x128xf32, #tpu.memory_space<vmem>>, vector<16xf32>,
        %swap3A_942 = arith.index_cast %add3A_938 : i32 to index
        %swap3A_943 = arith.constant 0 : index
        %swap3A_944 = tpu.vector_load %arg16[%swap3A_942, %swap3A_943] {strides = array<i32>} : memref<128x128xf32, #tpu.memory_space<vmem>>, vector<16xf32>,
        tpu.vector_store %arg16[%swap3A_942, %swap3A_943], %get3A_941 {add = true, strides = array<i32>} : memref<128x128xf32, #tpu.memory_space<vmem>>, vector<16xf32>,
        %get3A_945 = arith.index_cast %add3A_938 : i32 to index
        %get3A_946 = arith.constant 80 : index
        %get3A_947 = tpu.vector_load %arg18[%get3A_945, %get3A_946] {strides = array<i32>} : memref<128x128xf32, #tpu.memory_space<vmem>>, vector<16xf32>,
        %swap3A_948 = arith.index_cast %add3A_938 : i32 to index
        %swap3A_949 = arith.constant 16 : index
        %swap3A_950 = tpu.vector_load %arg16[%swap3A_948, %swap3A_949] {strides = array<i32>} : memref<128x128xf32, #tpu.memory_space<vmem>>, vector<16xf32>,
        tpu.vector_store %arg16[%swap3A_948, %swap3A_949], %get3A_947 {add = true, strides = array<i32>} : memref<128x128xf32, #tpu.memory_space<vmem>>, vector<16xf32>,
        %get3A_951 = arith.index_cast %add3A_938 : i32 to index
        %get3A_952 = arith.constant 96 : index
        %get3A_953 = tpu.vector_load %arg18[%get3A_951, %get3A_952] {strides = array<i32>} : memref<128x128xf32, #tpu.memory_space<vmem>>, vector<16xf32>,
        %swap3A_954 = arith.index_cast %add3A_938 : i32 to index
        %swap3A_955 = arith.constant 32 : index
        %swap3A_956 = tpu.vector_load %arg16[%swap3A_954, %swap3A_955] {strides = array<i32>} : memref<128x128xf32, #tpu.memory_space<vmem>>, vector<16xf32>,
        tpu.vector_store %arg16[%swap3A_954, %swap3A_955], %get3A_953 {add = true, strides = array<i32>} : memref<128x128xf32, #tpu.memory_space<vmem>>, vector<16xf32>,
        %get3A_957 = arith.index_cast %add3A_938 : i32 to index
        %get3A_958 = arith.constant 112 : index
        %get3A_959 = tpu.vector_load %arg18[%get3A_957, %get3A_958] {strides = array<i32>} : memref<128x128xf32, #tpu.memory_space<vmem>>, vector<16xf32>,
        %swap3A_960 = arith.index_cast %add3A_938 : i32 to index
        %swap3A_961 = arith.constant 48 : index
        %swap3A_962 = tpu.vector_load %arg16[%swap3A_960, %swap3A_961] {strides = array<i32>} : memref<128x128xf32, #tpu.memory_space<vmem>>, vector<16xf32>,
        tpu.vector_store %arg16[%swap3A_960, %swap3A_961], %get3A_959 {add = true, strides = array<i32>} : memref<128x128xf32, #tpu.memory_space<vmem>>, vector<16xf32>,
        %mul3A_963 = arith.constant 4 : i32
        %mul3A_964 = arith.muli %scan3A_879, %mul3A_963 : i32
        %add3A_965 = arith.constant 3 : i32
        %add3A_966 = arith.addi %mul3A_964, %add3A_965 : i32
        %get3A_967 = arith.index_cast %add3A_966 : i32 to index
        %get3A_968 = arith.constant 64 : index
        %get3A_969 = tpu.vector_load %arg18[%get3A_967, %get3A_968] {strides = array<i32>} : memref<128x128xf32, #tpu.memory_space<vmem>>, vector<16xf32>,
        %swap3A_970 = arith.index_cast %add3A_966 : i32 to index
        %swap3A_971 = arith.constant 0 : index
        %swap3A_972 = tpu.vector_load %arg16[%swap3A_970, %swap3A_971] {strides = array<i32>} : memref<128x128xf32, #tpu.memory_space<vmem>>, vector<16xf32>,
        tpu.vector_store %arg16[%swap3A_970, %swap3A_971], %get3A_969 {add = true, strides = array<i32>} : memref<128x128xf32, #tpu.memory_space<vmem>>, vector<16xf32>,
        %get3A_973 = arith.index_cast %add3A_966 : i32 to index
        %get3A_974 = arith.constant 80 : index
        %get3A_975 = tpu.vector_load %arg18[%get3A_973, %get3A_974] {strides = array<i32>} : memref<128x128xf32, #tpu.memory_space<vmem>>, vector<16xf32>,
        %swap3A_976 = arith.index_cast %add3A_966 : i32 to index
        %swap3A_977 = arith.constant 16 : index
        %swap3A_978 = tpu.vector_load %arg16[%swap3A_976, %swap3A_977] {strides = array<i32>} : memref<128x128xf32, #tpu.memory_space<vmem>>, vector<16xf32>,
        tpu.vector_store %arg16[%swap3A_976, %swap3A_977], %get3A_975 {add = true, strides = array<i32>} : memref<128x128xf32, #tpu.memory_space<vmem>>, vector<16xf32>,
        %get3A_979 = arith.index_cast %add3A_966 : i32 to index
        %get3A_980 = arith.constant 96 : index
        %get3A_981 = tpu.vector_load %arg18[%get3A_979, %get3A_980] {strides = array<i32>} : memref<128x128xf32, #tpu.memory_space<vmem>>, vector<16xf32>,
        %swap3A_982 = arith.index_cast %add3A_966 : i32 to index
        %swap3A_983 = arith.constant 32 : index
        %swap3A_984 = tpu.vector_load %arg16[%swap3A_982, %swap3A_983] {strides = array<i32>} : memref<128x128xf32, #tpu.memory_space<vmem>>, vector<16xf32>,
        tpu.vector_store %arg16[%swap3A_982, %swap3A_983], %get3A_981 {add = true, strides = array<i32>} : memref<128x128xf32, #tpu.memory_space<vmem>>, vector<16xf32>,
        %get3A_985 = arith.index_cast %add3A_966 : i32 to index
        %get3A_986 = arith.constant 112 : index
        %get3A_987 = tpu.vector_load %arg18[%get3A_985, %get3A_986] {strides = array<i32>} : memref<128x128xf32, #tpu.memory_space<vmem>>, vector<16xf32>,
        %swap3A_988 = arith.index_cast %add3A_966 : i32 to index
        %swap3A_989 = arith.constant 48 : index
        %swap3A_990 = tpu.vector_load %arg16[%swap3A_988, %swap3A_989] {strides = array<i32>} : memref<128x128xf32, #tpu.memory_space<vmem>>, vector<16xf32>,
        tpu.vector_store %arg16[%swap3A_988, %swap3A_989], %get3A_987 {add = true, strides = array<i32>} : memref<128x128xf32, #tpu.memory_space<vmem>>, vector<16xf32>,
      }
      %scan3A_85 = arith.constant 32 : i32
      %iota3A = tpu.iota {dimensions = array<i32: 0>} : vector<16xi32>
      %get3A_86 = arith.index_cast %add3A_50 : i32 to index
      %get3A_87 = arith.constant 0 : index
      %get3A_88 = tpu.vector_load %arg10[%get3A_86, %get3A_87] {strides = array<i32>} : memref<40x128xi32, #tpu.memory_space<vmem>>, vector<16xi32>,
      %get3A_89 = arith.index_cast %add3A_50 : i32 to index
      %get3A_90 = arith.constant 0 : index
      %get3A_91 = tpu.vector_load %arg11[%get3A_89, %get3A_90] {strides = array<i32>} : memref<40x128xi32, #tpu.memory_space<vmem>>, vector<16xi32>,
      %gather3A = tpu.vector_load_idx %arg12[%get3A_88] : memref<10240xf32, #tpu.memory_space<vmem>>[vector<16xi32>], vector<16xf32>,
      %gather3A_92 = tpu.vector_load_idx %arg12[%get3A_91] : memref<10240xf32, #tpu.memory_space<vmem>>[vector<16xi32>], vector<16xf32>,
      %sub3A = arith.subf %gather3A, %gather3A_92 : vector<16xf32>
      %mul3A_93 = arith.mulf %sub3A, %get3A_9 : vector<16xf32>
      %add3A_94 = arith.addf %mul3A_93, %broadcast_in_dim3A_14 : vector<16xf32>
      %sub3A_95 = arith.subf %add3A_94, %broadcast_in_dim3A_14 : vector<16xf32>
      %mul3A_96 = arith.mulf %get3A_3, %sub3A_95 : vector<16xf32>
      %sub3A_97 = arith.subf %sub3A, %mul3A_96 : vector<16xf32>
      %broadcast_in_dim3A_98 = arith.constant 64 : i32
      %broadcast_in_dim3A_99 = vector.broadcast %broadcast_in_dim3A_98 : i32 to vector<16xi32>
      tpu.vector_store_idx %arg16[%iota3A, %broadcast_in_dim3A_99], %sub3A_97 : memref<128x128xf32, #tpu.memory_space<vmem>>[vector<16xi32>, vector<16xi32>], vector<16xf32>,
      %gather3A_100 = tpu.vector_load_idx %arg13[%get3A_88] : memref<10240xf32, #tpu.memory_space<vmem>>[vector<16xi32>], vector<16xf32>,
      %gather3A_101 = tpu.vector_load_idx %arg13[%get3A_91] : memref<10240xf32, #tpu.memory_space<vmem>>[vector<16xi32>], vector<16xf32>,
      %sub3A_102 = arith.subf %gather3A_100, %gather3A_101 : vector<16xf32>
      %mul3A_103 = arith.mulf %sub3A_102, %get3A_11 : vector<16xf32>
      %add3A_104 = arith.addf %mul3A_103, %broadcast_in_dim3A_14 : vector<16xf32>
      %sub3A_105 = arith.subf %add3A_104, %broadcast_in_dim3A_14 : vector<16xf32>
      %mul3A_106 = arith.mulf %get3A_5, %sub3A_105 : vector<16xf32>
      %sub3A_107 = arith.subf %sub3A_102, %mul3A_106 : vector<16xf32>
      %broadcast_in_dim3A_108 = arith.constant 65 : i32
      %broadcast_in_dim3A_109 = vector.broadcast %broadcast_in_dim3A_108 : i32 to vector<16xi32>
      tpu.vector_store_idx %arg16[%iota3A, %broadcast_in_dim3A_109], %sub3A_107 : memref<128x128xf32, #tpu.memory_space<vmem>>[vector<16xi32>, vector<16xi32>], vector<16xf32>,
      %gather3A_110 = tpu.vector_load_idx %arg14[%get3A_88] : memref<10240xf32, #tpu.memory_space<vmem>>[vector<16xi32>], vector<16xf32>,
      %gather3A_111 = tpu.vector_load_idx %arg14[%get3A_91] : memref<10240xf32, #tpu.memory_space<vmem>>[vector<16xi32>], vector<16xf32>,
      %sub3A_112 = arith.subf %gather3A_110, %gather3A_111 : vector<16xf32>
      %mul3A_113 = arith.mulf %sub3A_112, %get3A_13 : vector<16xf32>
      %add3A_114 = arith.addf %mul3A_113, %broadcast_in_dim3A_14 : vector<16xf32>
      %sub3A_115 = arith.subf %add3A_114, %broadcast_in_dim3A_14 : vector<16xf32>
      %mul3A_116 = arith.mulf %get3A_7, %sub3A_115 : vector<16xf32>
      %sub3A_117 = arith.subf %sub3A_112, %mul3A_116 : vector<16xf32>
      %broadcast_in_dim3A_118 = arith.constant 66 : i32
      %broadcast_in_dim3A_119 = vector.broadcast %broadcast_in_dim3A_118 : i32 to vector<16xi32>
      tpu.vector_store_idx %arg16[%iota3A, %broadcast_in_dim3A_119], %sub3A_117 : memref<128x128xf32, #tpu.memory_space<vmem>>[vector<16xi32>, vector<16xi32>], vector<16xf32>,
      %mul3A_120 = arith.mulf %sub3A_97, %sub3A_97 : vector<16xf32>
      %mul3A_121 = arith.mulf %sub3A_107, %sub3A_107 : vector<16xf32>
      %add3A_122 = arith.addf %mul3A_120, %mul3A_121 : vector<16xf32>
      %mul3A_123 = arith.mulf %sub3A_117, %sub3A_117 : vector<16xf32>
      %add3A_124 = arith.addf %add3A_122, %mul3A_123 : vector<16xf32>
      %broadcast_in_dim3A_125 = arith.constant 67 : i32
      %broadcast_in_dim3A_126 = vector.broadcast %broadcast_in_dim3A_125 : i32 to vector<16xi32>
      tpu.vector_store_idx %arg16[%iota3A, %broadcast_in_dim3A_126], %add3A_124 : memref<128x128xf32, #tpu.memory_space<vmem>>[vector<16xi32>, vector<16xi32>], vector<16xf32>,
      %iota3A_127 = tpu.iota {dimensions = array<i32: 0>} : vector<16xi32>
      %add3A_128 = arith.constant 16 : i32
      %add3A_129 = vector.broadcast %add3A_128 : i32 to vector<16xi32>
      %add3A_130 = arith.addi %add3A_129, %iota3A_127 : vector<16xi32>
      %get3A_131 = arith.index_cast %add3A_50 : i32 to index
      %get3A_132 = arith.constant 16 : index
      %get3A_133 = tpu.vector_load %arg10[%get3A_131, %get3A_132] {strides = array<i32>} : memref<40x128xi32, #tpu.memory_space<vmem>>, vector<16xi32>,
      %get3A_134 = arith.index_cast %add3A_50 : i32 to index
      %get3A_135 = arith.constant 16 : index
      %get3A_136 = tpu.vector_load %arg11[%get3A_134, %get3A_135] {strides = array<i32>} : memref<40x128xi32, #tpu.memory_space<vmem>>, vector<16xi32>,
      %gather3A_137 = tpu.vector_load_idx %arg12[%get3A_133] : memref<10240xf32, #tpu.memory_space<vmem>>[vector<16xi32>], vector<16xf32>,
      %gather3A_138 = tpu.vector_load_idx %arg12[%get3A_136] : memref<10240xf32, #tpu.memory_space<vmem>>[vector<16xi32>], vector<16xf32>,
      %sub3A_139 = arith.subf %gather3A_137, %gather3A_138 : vector<16xf32>
      %mul3A_140 = arith.mulf %sub3A_139, %get3A_9 : vector<16xf32>
      %add3A_141 = arith.addf %mul3A_140, %broadcast_in_dim3A_14 : vector<16xf32>
      %sub3A_142 = arith.subf %add3A_141, %broadcast_in_dim3A_14 : vector<16xf32>
      %mul3A_143 = arith.mulf %get3A_3, %sub3A_142 : vector<16xf32>
      %sub3A_144 = arith.subf %sub3A_139, %mul3A_143 : vector<16xf32>
      %broadcast_in_dim3A_145 = arith.constant 64 : i32
      %broadcast_in_dim3A_146 = vector.broadcast %broadcast_in_dim3A_145 : i32 to vector<16xi32>
      tpu.vector_store_idx %arg16[%add3A_130, %broadcast_in_dim3A_146], %sub3A_144 : memref<128x128xf32, #tpu.memory_space<vmem>>[vector<16xi32>, vector<16xi32>], vector<16xf32>,
      %gather3A_147 = tpu.vector_load_idx %arg13[%get3A_133] : memref<10240xf32, #tpu.memory_space<vmem>>[vector<16xi32>], vector<16xf32>,
      %gather3A_148 = tpu.vector_load_idx %arg13[%get3A_136] : memref<10240xf32, #tpu.memory_space<vmem>>[vector<16xi32>], vector<16xf32>,
      %sub3A_149 = arith.subf %gather3A_147, %gather3A_148 : vector<16xf32>
      %mul3A_150 = arith.mulf %sub3A_149, %get3A_11 : vector<16xf32>
      %add3A_151 = arith.addf %mul3A_150, %broadcast_in_dim3A_14 : vector<16xf32>
      %sub3A_152 = arith.subf %add3A_151, %broadcast_in_dim3A_14 : vector<16xf32>
      %mul3A_153 = arith.mulf %get3A_5, %sub3A_152 : vector<16xf32>
      %sub3A_154 = arith.subf %sub3A_149, %mul3A_153 : vector<16xf32>
      %broadcast_in_dim3A_155 = arith.constant 65 : i32
      %broadcast_in_dim3A_156 = vector.broadcast %broadcast_in_dim3A_155 : i32 to vector<16xi32>
      tpu.vector_store_idx %arg16[%add3A_130, %broadcast_in_dim3A_156], %sub3A_154 : memref<128x128xf32, #tpu.memory_space<vmem>>[vector<16xi32>, vector<16xi32>], vector<16xf32>,
      %gather3A_157 = tpu.vector_load_idx %arg14[%get3A_133] : memref<10240xf32, #tpu.memory_space<vmem>>[vector<16xi32>], vector<16xf32>,
      %gather3A_158 = tpu.vector_load_idx %arg14[%get3A_136] : memref<10240xf32, #tpu.memory_space<vmem>>[vector<16xi32>], vector<16xf32>,
      %sub3A_159 = arith.subf %gather3A_157, %gather3A_158 : vector<16xf32>
      %mul3A_160 = arith.mulf %sub3A_159, %get3A_13 : vector<16xf32>
      %add3A_161 = arith.addf %mul3A_160, %broadcast_in_dim3A_14 : vector<16xf32>
      %sub3A_162 = arith.subf %add3A_161, %broadcast_in_dim3A_14 : vector<16xf32>
      %mul3A_163 = arith.mulf %get3A_7, %sub3A_162 : vector<16xf32>
      %sub3A_164 = arith.subf %sub3A_159, %mul3A_163 : vector<16xf32>
      %broadcast_in_dim3A_165 = arith.constant 66 : i32
      %broadcast_in_dim3A_166 = vector.broadcast %broadcast_in_dim3A_165 : i32 to vector<16xi32>
      tpu.vector_store_idx %arg16[%add3A_130, %broadcast_in_dim3A_166], %sub3A_164 : memref<128x128xf32, #tpu.memory_space<vmem>>[vector<16xi32>, vector<16xi32>], vector<16xf32>,
      %mul3A_167 = arith.mulf %sub3A_144, %sub3A_144 : vector<16xf32>
      %mul3A_168 = arith.mulf %sub3A_154, %sub3A_154 : vector<16xf32>
      %add3A_169 = arith.addf %mul3A_167, %mul3A_168 : vector<16xf32>
      %mul3A_170 = arith.mulf %sub3A_164, %sub3A_164 : vector<16xf32>
      %add3A_171 = arith.addf %add3A_169, %mul3A_170 : vector<16xf32>
      %broadcast_in_dim3A_172 = arith.constant 67 : i32
      %broadcast_in_dim3A_173 = vector.broadcast %broadcast_in_dim3A_172 : i32 to vector<16xi32>
      tpu.vector_store_idx %arg16[%add3A_130, %broadcast_in_dim3A_173], %add3A_171 : memref<128x128xf32, #tpu.memory_space<vmem>>[vector<16xi32>, vector<16xi32>], vector<16xf32>,
      %iota3A_174 = tpu.iota {dimensions = array<i32: 0>} : vector<16xi32>
      %add3A_175 = arith.constant 32 : i32
      %add3A_176 = vector.broadcast %add3A_175 : i32 to vector<16xi32>
      %add3A_177 = arith.addi %add3A_176, %iota3A_174 : vector<16xi32>
      %get3A_178 = arith.index_cast %add3A_50 : i32 to index
      %get3A_179 = arith.constant 32 : index
      %get3A_180 = tpu.vector_load %arg10[%get3A_178, %get3A_179] {strides = array<i32>} : memref<40x128xi32, #tpu.memory_space<vmem>>, vector<16xi32>,
      %get3A_181 = arith.index_cast %add3A_50 : i32 to index
      %get3A_182 = arith.constant 32 : index
      %get3A_183 = tpu.vector_load %arg11[%get3A_181, %get3A_182] {strides = array<i32>} : memref<40x128xi32, #tpu.memory_space<vmem>>, vector<16xi32>,
      %gather3A_184 = tpu.vector_load_idx %arg12[%get3A_180] : memref<10240xf32, #tpu.memory_space<vmem>>[vector<16xi32>], vector<16xf32>,
      %gather3A_185 = tpu.vector_load_idx %arg12[%get3A_183] : memref<10240xf32, #tpu.memory_space<vmem>>[vector<16xi32>], vector<16xf32>,
      %sub3A_186 = arith.subf %gather3A_184, %gather3A_185 : vector<16xf32>
      %mul3A_187 = arith.mulf %sub3A_186, %get3A_9 : vector<16xf32>
      %add3A_188 = arith.addf %mul3A_187, %broadcast_in_dim3A_14 : vector<16xf32>
      %sub3A_189 = arith.subf %add3A_188, %broadcast_in_dim3A_14 : vector<16xf32>
      %mul3A_190 = arith.mulf %get3A_3, %sub3A_189 : vector<16xf32>
      %sub3A_191 = arith.subf %sub3A_186, %mul3A_190 : vector<16xf32>
      %broadcast_in_dim3A_192 = arith.constant 64 : i32
      %broadcast_in_dim3A_193 = vector.broadcast %broadcast_in_dim3A_192 : i32 to vector<16xi32>
      tpu.vector_store_idx %arg16[%add3A_177, %broadcast_in_dim3A_193], %sub3A_191 : memref<128x128xf32, #tpu.memory_space<vmem>>[vector<16xi32>, vector<16xi32>], vector<16xf32>,
      %gather3A_194 = tpu.vector_load_idx %arg13[%get3A_180] : memref<10240xf32, #tpu.memory_space<vmem>>[vector<16xi32>], vector<16xf32>,
      %gather3A_195 = tpu.vector_load_idx %arg13[%get3A_183] : memref<10240xf32, #tpu.memory_space<vmem>>[vector<16xi32>], vector<16xf32>,
      %sub3A_196 = arith.subf %gather3A_194, %gather3A_195 : vector<16xf32>
      %mul3A_197 = arith.mulf %sub3A_196, %get3A_11 : vector<16xf32>
      %add3A_198 = arith.addf %mul3A_197, %broadcast_in_dim3A_14 : vector<16xf32>
      %sub3A_199 = arith.subf %add3A_198, %broadcast_in_dim3A_14 : vector<16xf32>
      %mul3A_200 = arith.mulf %get3A_5, %sub3A_199 : vector<16xf32>
      %sub3A_201 = arith.subf %sub3A_196, %mul3A_200 : vector<16xf32>
      %broadcast_in_dim3A_202 = arith.constant 65 : i32
      %broadcast_in_dim3A_203 = vector.broadcast %broadcast_in_dim3A_202 : i32 to vector<16xi32>
      tpu.vector_store_idx %arg16[%add3A_177, %broadcast_in_dim3A_203], %sub3A_201 : memref<128x128xf32, #tpu.memory_space<vmem>>[vector<16xi32>, vector<16xi32>], vector<16xf32>,
      %gather3A_204 = tpu.vector_load_idx %arg14[%get3A_180] : memref<10240xf32, #tpu.memory_space<vmem>>[vector<16xi32>], vector<16xf32>,
      %gather3A_205 = tpu.vector_load_idx %arg14[%get3A_183] : memref<10240xf32, #tpu.memory_space<vmem>>[vector<16xi32>], vector<16xf32>,
      %sub3A_206 = arith.subf %gather3A_204, %gather3A_205 : vector<16xf32>
      %mul3A_207 = arith.mulf %sub3A_206, %get3A_13 : vector<16xf32>
      %add3A_208 = arith.addf %mul3A_207, %broadcast_in_dim3A_14 : vector<16xf32>
      %sub3A_209 = arith.subf %add3A_208, %broadcast_in_dim3A_14 : vector<16xf32>
      %mul3A_210 = arith.mulf %get3A_7, %sub3A_209 : vector<16xf32>
      %sub3A_211 = arith.subf %sub3A_206, %mul3A_210 : vector<16xf32>
      %broadcast_in_dim3A_212 = arith.constant 66 : i32
      %broadcast_in_dim3A_213 = vector.broadcast %broadcast_in_dim3A_212 : i32 to vector<16xi32>
      tpu.vector_store_idx %arg16[%add3A_177, %broadcast_in_dim3A_213], %sub3A_211 : memref<128x128xf32, #tpu.memory_space<vmem>>[vector<16xi32>, vector<16xi32>], vector<16xf32>,
      %mul3A_214 = arith.mulf %sub3A_191, %sub3A_191 : vector<16xf32>
      %mul3A_215 = arith.mulf %sub3A_201, %sub3A_201 : vector<16xf32>
      %add3A_216 = arith.addf %mul3A_214, %mul3A_215 : vector<16xf32>
      %mul3A_217 = arith.mulf %sub3A_211, %sub3A_211 : vector<16xf32>
      %add3A_218 = arith.addf %add3A_216, %mul3A_217 : vector<16xf32>
      %broadcast_in_dim3A_219 = arith.constant 67 : i32
      %broadcast_in_dim3A_220 = vector.broadcast %broadcast_in_dim3A_219 : i32 to vector<16xi32>
      tpu.vector_store_idx %arg16[%add3A_177, %broadcast_in_dim3A_220], %add3A_218 : memref<128x128xf32, #tpu.memory_space<vmem>>[vector<16xi32>, vector<16xi32>], vector<16xf32>,
      %iota3A_221 = tpu.iota {dimensions = array<i32: 0>} : vector<16xi32>
      %add3A_222 = arith.constant 48 : i32
      %add3A_223 = vector.broadcast %add3A_222 : i32 to vector<16xi32>
      %add3A_224 = arith.addi %add3A_223, %iota3A_221 : vector<16xi32>
      %get3A_225 = arith.index_cast %add3A_50 : i32 to index
      %get3A_226 = arith.constant 48 : index
      %get3A_227 = tpu.vector_load %arg10[%get3A_225, %get3A_226] {strides = array<i32>} : memref<40x128xi32, #tpu.memory_space<vmem>>, vector<16xi32>,
      %get3A_228 = arith.index_cast %add3A_50 : i32 to index
      %get3A_229 = arith.constant 48 : index
      %get3A_230 = tpu.vector_load %arg11[%get3A_228, %get3A_229] {strides = array<i32>} : memref<40x128xi32, #tpu.memory_space<vmem>>, vector<16xi32>,
      %gather3A_231 = tpu.vector_load_idx %arg12[%get3A_227] : memref<10240xf32, #tpu.memory_space<vmem>>[vector<16xi32>], vector<16xf32>,
      %gather3A_232 = tpu.vector_load_idx %arg12[%get3A_230] : memref<10240xf32, #tpu.memory_space<vmem>>[vector<16xi32>], vector<16xf32>,
      %sub3A_233 = arith.subf %gather3A_231, %gather3A_232 : vector<16xf32>
      %mul3A_234 = arith.mulf %sub3A_233, %get3A_9 : vector<16xf32>
      %add3A_235 = arith.addf %mul3A_234, %broadcast_in_dim3A_14 : vector<16xf32>
      %sub3A_236 = arith.subf %add3A_235, %broadcast_in_dim3A_14 : vector<16xf32>
      %mul3A_237 = arith.mulf %get3A_3, %sub3A_236 : vector<16xf32>
      %sub3A_238 = arith.subf %sub3A_233, %mul3A_237 : vector<16xf32>
      %broadcast_in_dim3A_239 = arith.constant 64 : i32
      %broadcast_in_dim3A_240 = vector.broadcast %broadcast_in_dim3A_239 : i32 to vector<16xi32>
      tpu.vector_store_idx %arg16[%add3A_224, %broadcast_in_dim3A_240], %sub3A_238 : memref<128x128xf32, #tpu.memory_space<vmem>>[vector<16xi32>, vector<16xi32>], vector<16xf32>,
      %gather3A_241 = tpu.vector_load_idx %arg13[%get3A_227] : memref<10240xf32, #tpu.memory_space<vmem>>[vector<16xi32>], vector<16xf32>,
      %gather3A_242 = tpu.vector_load_idx %arg13[%get3A_230] : memref<10240xf32, #tpu.memory_space<vmem>>[vector<16xi32>], vector<16xf32>,
      %sub3A_243 = arith.subf %gather3A_241, %gather3A_242 : vector<16xf32>
      %mul3A_244 = arith.mulf %sub3A_243, %get3A_11 : vector<16xf32>
      %add3A_245 = arith.addf %mul3A_244, %broadcast_in_dim3A_14 : vector<16xf32>
      %sub3A_246 = arith.subf %add3A_245, %broadcast_in_dim3A_14 : vector<16xf32>
      %mul3A_247 = arith.mulf %get3A_5, %sub3A_246 : vector<16xf32>
      %sub3A_248 = arith.subf %sub3A_243, %mul3A_247 : vector<16xf32>
      %broadcast_in_dim3A_249 = arith.constant 65 : i32
      %broadcast_in_dim3A_250 = vector.broadcast %broadcast_in_dim3A_249 : i32 to vector<16xi32>
      tpu.vector_store_idx %arg16[%add3A_224, %broadcast_in_dim3A_250], %sub3A_248 : memref<128x128xf32, #tpu.memory_space<vmem>>[vector<16xi32>, vector<16xi32>], vector<16xf32>,
      %gather3A_251 = tpu.vector_load_idx %arg14[%get3A_227] : memref<10240xf32, #tpu.memory_space<vmem>>[vector<16xi32>], vector<16xf32>,
      %gather3A_252 = tpu.vector_load_idx %arg14[%get3A_230] : memref<10240xf32, #tpu.memory_space<vmem>>[vector<16xi32>], vector<16xf32>,
      %sub3A_253 = arith.subf %gather3A_251, %gather3A_252 : vector<16xf32>
      %mul3A_254 = arith.mulf %sub3A_253, %get3A_13 : vector<16xf32>
      %add3A_255 = arith.addf %mul3A_254, %broadcast_in_dim3A_14 : vector<16xf32>
      %sub3A_256 = arith.subf %add3A_255, %broadcast_in_dim3A_14 : vector<16xf32>
      %mul3A_257 = arith.mulf %get3A_7, %sub3A_256 : vector<16xf32>
      %sub3A_258 = arith.subf %sub3A_253, %mul3A_257 : vector<16xf32>
      %broadcast_in_dim3A_259 = arith.constant 66 : i32
      %broadcast_in_dim3A_260 = vector.broadcast %broadcast_in_dim3A_259 : i32 to vector<16xi32>
      tpu.vector_store_idx %arg16[%add3A_224, %broadcast_in_dim3A_260], %sub3A_258 : memref<128x128xf32, #tpu.memory_space<vmem>>[vector<16xi32>, vector<16xi32>], vector<16xf32>,
      %mul3A_261 = arith.mulf %sub3A_238, %sub3A_238 : vector<16xf32>
      %mul3A_262 = arith.mulf %sub3A_248, %sub3A_248 : vector<16xf32>
      %add3A_263 = arith.addf %mul3A_261, %mul3A_262 : vector<16xf32>
      %mul3A_264 = arith.mulf %sub3A_258, %sub3A_258 : vector<16xf32>
      %add3A_265 = arith.addf %add3A_263, %mul3A_264 : vector<16xf32>
      %broadcast_in_dim3A_266 = arith.constant 67 : i32
      %broadcast_in_dim3A_267 = vector.broadcast %broadcast_in_dim3A_266 : i32 to vector<16xi32>
      tpu.vector_store_idx %arg16[%add3A_224, %broadcast_in_dim3A_267], %add3A_265 : memref<128x128xf32, #tpu.memory_space<vmem>>[vector<16xi32>, vector<16xi32>], vector<16xf32>,
      %iota3A_268 = tpu.iota {dimensions = array<i32: 0>} : vector<16xi32>
      %add3A_269 = arith.constant 64 : i32
      %add3A_270 = vector.broadcast %add3A_269 : i32 to vector<16xi32>
      %add3A_271 = arith.addi %add3A_270, %iota3A_268 : vector<16xi32>
      %get3A_272 = arith.index_cast %add3A_50 : i32 to index
      %get3A_273 = arith.constant 64 : index
      %get3A_274 = tpu.vector_load %arg10[%get3A_272, %get3A_273] {strides = array<i32>} : memref<40x128xi32, #tpu.memory_space<vmem>>, vector<16xi32>,
      %get3A_275 = arith.index_cast %add3A_50 : i32 to index
      %get3A_276 = arith.constant 64 : index
      %get3A_277 = tpu.vector_load %arg11[%get3A_275, %get3A_276] {strides = array<i32>} : memref<40x128xi32, #tpu.memory_space<vmem>>, vector<16xi32>,
      %gather3A_278 = tpu.vector_load_idx %arg12[%get3A_274] : memref<10240xf32, #tpu.memory_space<vmem>>[vector<16xi32>], vector<16xf32>,
      %gather3A_279 = tpu.vector_load_idx %arg12[%get3A_277] : memref<10240xf32, #tpu.memory_space<vmem>>[vector<16xi32>], vector<16xf32>,
      %sub3A_280 = arith.subf %gather3A_278, %gather3A_279 : vector<16xf32>
      %mul3A_281 = arith.mulf %sub3A_280, %get3A_9 : vector<16xf32>
      %add3A_282 = arith.addf %mul3A_281, %broadcast_in_dim3A_14 : vector<16xf32>
      %sub3A_283 = arith.subf %add3A_282, %broadcast_in_dim3A_14 : vector<16xf32>
      %mul3A_284 = arith.mulf %get3A_3, %sub3A_283 : vector<16xf32>
      %sub3A_285 = arith.subf %sub3A_280, %mul3A_284 : vector<16xf32>
      %broadcast_in_dim3A_286 = arith.constant 64 : i32
      %broadcast_in_dim3A_287 = vector.broadcast %broadcast_in_dim3A_286 : i32 to vector<16xi32>
      tpu.vector_store_idx %arg16[%add3A_271, %broadcast_in_dim3A_287], %sub3A_285 : memref<128x128xf32, #tpu.memory_space<vmem>>[vector<16xi32>, vector<16xi32>], vector<16xf32>,
      %gather3A_288 = tpu.vector_load_idx %arg13[%get3A_274] : memref<10240xf32, #tpu.memory_space<vmem>>[vector<16xi32>], vector<16xf32>,
      %gather3A_289 = tpu.vector_load_idx %arg13[%get3A_277] : memref<10240xf32, #tpu.memory_space<vmem>>[vector<16xi32>], vector<16xf32>,
      %sub3A_290 = arith.subf %gather3A_288, %gather3A_289 : vector<16xf32>
      %mul3A_291 = arith.mulf %sub3A_290, %get3A_11 : vector<16xf32>
      %add3A_292 = arith.addf %mul3A_291, %broadcast_in_dim3A_14 : vector<16xf32>
      %sub3A_293 = arith.subf %add3A_292, %broadcast_in_dim3A_14 : vector<16xf32>
      %mul3A_294 = arith.mulf %get3A_5, %sub3A_293 : vector<16xf32>
      %sub3A_295 = arith.subf %sub3A_290, %mul3A_294 : vector<16xf32>
      %broadcast_in_dim3A_296 = arith.constant 65 : i32
      %broadcast_in_dim3A_297 = vector.broadcast %broadcast_in_dim3A_296 : i32 to vector<16xi32>
      tpu.vector_store_idx %arg16[%add3A_271, %broadcast_in_dim3A_297], %sub3A_295 : memref<128x128xf32, #tpu.memory_space<vmem>>[vector<16xi32>, vector<16xi32>], vector<16xf32>,
      %gather3A_298 = tpu.vector_load_idx %arg14[%get3A_274] : memref<10240xf32, #tpu.memory_space<vmem>>[vector<16xi32>], vector<16xf32>,
      %gather3A_299 = tpu.vector_load_idx %arg14[%get3A_277] : memref<10240xf32, #tpu.memory_space<vmem>>[vector<16xi32>], vector<16xf32>,
      %sub3A_300 = arith.subf %gather3A_298, %gather3A_299 : vector<16xf32>
      %mul3A_301 = arith.mulf %sub3A_300, %get3A_13 : vector<16xf32>
      %add3A_302 = arith.addf %mul3A_301, %broadcast_in_dim3A_14 : vector<16xf32>
      %sub3A_303 = arith.subf %add3A_302, %broadcast_in_dim3A_14 : vector<16xf32>
      %mul3A_304 = arith.mulf %get3A_7, %sub3A_303 : vector<16xf32>
      %sub3A_305 = arith.subf %sub3A_300, %mul3A_304 : vector<16xf32>
      %broadcast_in_dim3A_306 = arith.constant 66 : i32
      %broadcast_in_dim3A_307 = vector.broadcast %broadcast_in_dim3A_306 : i32 to vector<16xi32>
      tpu.vector_store_idx %arg16[%add3A_271, %broadcast_in_dim3A_307], %sub3A_305 : memref<128x128xf32, #tpu.memory_space<vmem>>[vector<16xi32>, vector<16xi32>], vector<16xf32>,
      %mul3A_308 = arith.mulf %sub3A_285, %sub3A_285 : vector<16xf32>
      %mul3A_309 = arith.mulf %sub3A_295, %sub3A_295 : vector<16xf32>
      %add3A_310 = arith.addf %mul3A_308, %mul3A_309 : vector<16xf32>
      %mul3A_311 = arith.mulf %sub3A_305, %sub3A_305 : vector<16xf32>
      %add3A_312 = arith.addf %add3A_310, %mul3A_311 : vector<16xf32>
      %broadcast_in_dim3A_313 = arith.constant 67 : i32
      %broadcast_in_dim3A_314 = vector.broadcast %broadcast_in_dim3A_313 : i32 to vector<16xi32>
      tpu.vector_store_idx %arg16[%add3A_271, %broadcast_in_dim3A_314], %add3A_312 : memref<128x128xf32, #tpu.memory_space<vmem>>[vector<16xi32>, vector<16xi32>], vector<16xf32>,
      %iota3A_315 = tpu.iota {dimensions = array<i32: 0>} : vector<16xi32>
      %add3A_316 = arith.constant 80 : i32
      %add3A_317 = vector.broadcast %add3A_316 : i32 to vector<16xi32>
      %add3A_318 = arith.addi %add3A_317, %iota3A_315 : vector<16xi32>
      %get3A_319 = arith.index_cast %add3A_50 : i32 to index
      %get3A_320 = arith.constant 80 : index
      %get3A_321 = tpu.vector_load %arg10[%get3A_319, %get3A_320] {strides = array<i32>} : memref<40x128xi32, #tpu.memory_space<vmem>>, vector<16xi32>,
      %get3A_322 = arith.index_cast %add3A_50 : i32 to index
      %get3A_323 = arith.constant 80 : index
      %get3A_324 = tpu.vector_load %arg11[%get3A_322, %get3A_323] {strides = array<i32>} : memref<40x128xi32, #tpu.memory_space<vmem>>, vector<16xi32>,
      %gather3A_325 = tpu.vector_load_idx %arg12[%get3A_321] : memref<10240xf32, #tpu.memory_space<vmem>>[vector<16xi32>], vector<16xf32>,
      %gather3A_326 = tpu.vector_load_idx %arg12[%get3A_324] : memref<10240xf32, #tpu.memory_space<vmem>>[vector<16xi32>], vector<16xf32>,
      %sub3A_327 = arith.subf %gather3A_325, %gather3A_326 : vector<16xf32>
      %mul3A_328 = arith.mulf %sub3A_327, %get3A_9 : vector<16xf32>
      %add3A_329 = arith.addf %mul3A_328, %broadcast_in_dim3A_14 : vector<16xf32>
      %sub3A_330 = arith.subf %add3A_329, %broadcast_in_dim3A_14 : vector<16xf32>
      %mul3A_331 = arith.mulf %get3A_3, %sub3A_330 : vector<16xf32>
      %sub3A_332 = arith.subf %sub3A_327, %mul3A_331 : vector<16xf32>
      %broadcast_in_dim3A_333 = arith.constant 64 : i32
      %broadcast_in_dim3A_334 = vector.broadcast %broadcast_in_dim3A_333 : i32 to vector<16xi32>
      tpu.vector_store_idx %arg16[%add3A_318, %broadcast_in_dim3A_334], %sub3A_332 : memref<128x128xf32, #tpu.memory_space<vmem>>[vector<16xi32>, vector<16xi32>], vector<16xf32>,
      %gather3A_335 = tpu.vector_load_idx %arg13[%get3A_321] : memref<10240xf32, #tpu.memory_space<vmem>>[vector<16xi32>], vector<16xf32>,
      %gather3A_336 = tpu.vector_load_idx %arg13[%get3A_324] : memref<10240xf32, #tpu.memory_space<vmem>>[vector<16xi32>], vector<16xf32>,
      %sub3A_337 = arith.subf %gather3A_335, %gather3A_336 : vector<16xf32>
      %mul3A_338 = arith.mulf %sub3A_337, %get3A_11 : vector<16xf32>
      %add3A_339 = arith.addf %mul3A_338, %broadcast_in_dim3A_14 : vector<16xf32>
      %sub3A_340 = arith.subf %add3A_339, %broadcast_in_dim3A_14 : vector<16xf32>
      %mul3A_341 = arith.mulf %get3A_5, %sub3A_340 : vector<16xf32>
      %sub3A_342 = arith.subf %sub3A_337, %mul3A_341 : vector<16xf32>
      %broadcast_in_dim3A_343 = arith.constant 65 : i32
      %broadcast_in_dim3A_344 = vector.broadcast %broadcast_in_dim3A_343 : i32 to vector<16xi32>
      tpu.vector_store_idx %arg16[%add3A_318, %broadcast_in_dim3A_344], %sub3A_342 : memref<128x128xf32, #tpu.memory_space<vmem>>[vector<16xi32>, vector<16xi32>], vector<16xf32>,
      %gather3A_345 = tpu.vector_load_idx %arg14[%get3A_321] : memref<10240xf32, #tpu.memory_space<vmem>>[vector<16xi32>], vector<16xf32>,
      %gather3A_346 = tpu.vector_load_idx %arg14[%get3A_324] : memref<10240xf32, #tpu.memory_space<vmem>>[vector<16xi32>], vector<16xf32>,
      %sub3A_347 = arith.subf %gather3A_345, %gather3A_346 : vector<16xf32>
      %mul3A_348 = arith.mulf %sub3A_347, %get3A_13 : vector<16xf32>
      %add3A_349 = arith.addf %mul3A_348, %broadcast_in_dim3A_14 : vector<16xf32>
      %sub3A_350 = arith.subf %add3A_349, %broadcast_in_dim3A_14 : vector<16xf32>
      %mul3A_351 = arith.mulf %get3A_7, %sub3A_350 : vector<16xf32>
      %sub3A_352 = arith.subf %sub3A_347, %mul3A_351 : vector<16xf32>
      %broadcast_in_dim3A_353 = arith.constant 66 : i32
      %broadcast_in_dim3A_354 = vector.broadcast %broadcast_in_dim3A_353 : i32 to vector<16xi32>
      tpu.vector_store_idx %arg16[%add3A_318, %broadcast_in_dim3A_354], %sub3A_352 : memref<128x128xf32, #tpu.memory_space<vmem>>[vector<16xi32>, vector<16xi32>], vector<16xf32>,
      %mul3A_355 = arith.mulf %sub3A_332, %sub3A_332 : vector<16xf32>
      %mul3A_356 = arith.mulf %sub3A_342, %sub3A_342 : vector<16xf32>
      %add3A_357 = arith.addf %mul3A_355, %mul3A_356 : vector<16xf32>
      %mul3A_358 = arith.mulf %sub3A_352, %sub3A_352 : vector<16xf32>
      %add3A_359 = arith.addf %add3A_357, %mul3A_358 : vector<16xf32>
      %broadcast_in_dim3A_360 = arith.constant 67 : i32
      %broadcast_in_dim3A_361 = vector.broadcast %broadcast_in_dim3A_360 : i32 to vector<16xi32>
      tpu.vector_store_idx %arg16[%add3A_318, %broadcast_in_dim3A_361], %add3A_359 : memref<128x128xf32, #tpu.memory_space<vmem>>[vector<16xi32>, vector<16xi32>], vector<16xf32>,
      %iota3A_362 = tpu.iota {dimensions = array<i32: 0>} : vector<16xi32>
      %add3A_363 = arith.constant 96 : i32
      %add3A_364 = vector.broadcast %add3A_363 : i32 to vector<16xi32>
      %add3A_365 = arith.addi %add3A_364, %iota3A_362 : vector<16xi32>
      %get3A_366 = arith.index_cast %add3A_50 : i32 to index
      %get3A_367 = arith.constant 96 : index
      %get3A_368 = tpu.vector_load %arg10[%get3A_366, %get3A_367] {strides = array<i32>} : memref<40x128xi32, #tpu.memory_space<vmem>>, vector<16xi32>,
      %get3A_369 = arith.index_cast %add3A_50 : i32 to index
      %get3A_370 = arith.constant 96 : index
      %get3A_371 = tpu.vector_load %arg11[%get3A_369, %get3A_370] {strides = array<i32>} : memref<40x128xi32, #tpu.memory_space<vmem>>, vector<16xi32>,
      %gather3A_372 = tpu.vector_load_idx %arg12[%get3A_368] : memref<10240xf32, #tpu.memory_space<vmem>>[vector<16xi32>], vector<16xf32>,
      %gather3A_373 = tpu.vector_load_idx %arg12[%get3A_371] : memref<10240xf32, #tpu.memory_space<vmem>>[vector<16xi32>], vector<16xf32>,
      %sub3A_374 = arith.subf %gather3A_372, %gather3A_373 : vector<16xf32>
      %mul3A_375 = arith.mulf %sub3A_374, %get3A_9 : vector<16xf32>
      %add3A_376 = arith.addf %mul3A_375, %broadcast_in_dim3A_14 : vector<16xf32>
      %sub3A_377 = arith.subf %add3A_376, %broadcast_in_dim3A_14 : vector<16xf32>
      %mul3A_378 = arith.mulf %get3A_3, %sub3A_377 : vector<16xf32>
      %sub3A_379 = arith.subf %sub3A_374, %mul3A_378 : vector<16xf32>
      %broadcast_in_dim3A_380 = arith.constant 64 : i32
      %broadcast_in_dim3A_381 = vector.broadcast %broadcast_in_dim3A_380 : i32 to vector<16xi32>
      tpu.vector_store_idx %arg16[%add3A_365, %broadcast_in_dim3A_381], %sub3A_379 : memref<128x128xf32, #tpu.memory_space<vmem>>[vector<16xi32>, vector<16xi32>], vector<16xf32>,
      %gather3A_382 = tpu.vector_load_idx %arg13[%get3A_368] : memref<10240xf32, #tpu.memory_space<vmem>>[vector<16xi32>], vector<16xf32>,
      %gather3A_383 = tpu.vector_load_idx %arg13[%get3A_371] : memref<10240xf32, #tpu.memory_space<vmem>>[vector<16xi32>], vector<16xf32>,
      %sub3A_384 = arith.subf %gather3A_382, %gather3A_383 : vector<16xf32>
      %mul3A_385 = arith.mulf %sub3A_384, %get3A_11 : vector<16xf32>
      %add3A_386 = arith.addf %mul3A_385, %broadcast_in_dim3A_14 : vector<16xf32>
      %sub3A_387 = arith.subf %add3A_386, %broadcast_in_dim3A_14 : vector<16xf32>
      %mul3A_388 = arith.mulf %get3A_5, %sub3A_387 : vector<16xf32>
      %sub3A_389 = arith.subf %sub3A_384, %mul3A_388 : vector<16xf32>
      %broadcast_in_dim3A_390 = arith.constant 65 : i32
      %broadcast_in_dim3A_391 = vector.broadcast %broadcast_in_dim3A_390 : i32 to vector<16xi32>
      tpu.vector_store_idx %arg16[%add3A_365, %broadcast_in_dim3A_391], %sub3A_389 : memref<128x128xf32, #tpu.memory_space<vmem>>[vector<16xi32>, vector<16xi32>], vector<16xf32>,
      %gather3A_392 = tpu.vector_load_idx %arg14[%get3A_368] : memref<10240xf32, #tpu.memory_space<vmem>>[vector<16xi32>], vector<16xf32>,
      %gather3A_393 = tpu.vector_load_idx %arg14[%get3A_371] : memref<10240xf32, #tpu.memory_space<vmem>>[vector<16xi32>], vector<16xf32>,
      %sub3A_394 = arith.subf %gather3A_392, %gather3A_393 : vector<16xf32>
      %mul3A_395 = arith.mulf %sub3A_394, %get3A_13 : vector<16xf32>
      %add3A_396 = arith.addf %mul3A_395, %broadcast_in_dim3A_14 : vector<16xf32>
      %sub3A_397 = arith.subf %add3A_396, %broadcast_in_dim3A_14 : vector<16xf32>
      %mul3A_398 = arith.mulf %get3A_7, %sub3A_397 : vector<16xf32>
      %sub3A_399 = arith.subf %sub3A_394, %mul3A_398 : vector<16xf32>
      %broadcast_in_dim3A_400 = arith.constant 66 : i32
      %broadcast_in_dim3A_401 = vector.broadcast %broadcast_in_dim3A_400 : i32 to vector<16xi32>
      tpu.vector_store_idx %arg16[%add3A_365, %broadcast_in_dim3A_401], %sub3A_399 : memref<128x128xf32, #tpu.memory_space<vmem>>[vector<16xi32>, vector<16xi32>], vector<16xf32>,
      %mul3A_402 = arith.mulf %sub3A_379, %sub3A_379 : vector<16xf32>
      %mul3A_403 = arith.mulf %sub3A_389, %sub3A_389 : vector<16xf32>
      %add3A_404 = arith.addf %mul3A_402, %mul3A_403 : vector<16xf32>
      %mul3A_405 = arith.mulf %sub3A_399, %sub3A_399 : vector<16xf32>
      %add3A_406 = arith.addf %add3A_404, %mul3A_405 : vector<16xf32>
      %broadcast_in_dim3A_407 = arith.constant 67 : i32
      %broadcast_in_dim3A_408 = vector.broadcast %broadcast_in_dim3A_407 : i32 to vector<16xi32>
      tpu.vector_store_idx %arg16[%add3A_365, %broadcast_in_dim3A_408], %add3A_406 : memref<128x128xf32, #tpu.memory_space<vmem>>[vector<16xi32>, vector<16xi32>], vector<16xf32>,
      %iota3A_409 = tpu.iota {dimensions = array<i32: 0>} : vector<16xi32>
      %add3A_410 = arith.constant 112 : i32
      %add3A_411 = vector.broadcast %add3A_410 : i32 to vector<16xi32>
      %add3A_412 = arith.addi %add3A_411, %iota3A_409 : vector<16xi32>
      %get3A_413 = arith.index_cast %add3A_50 : i32 to index
      %get3A_414 = arith.constant 112 : index
      %get3A_415 = tpu.vector_load %arg10[%get3A_413, %get3A_414] {strides = array<i32>} : memref<40x128xi32, #tpu.memory_space<vmem>>, vector<16xi32>,
      %get3A_416 = arith.index_cast %add3A_50 : i32 to index
      %get3A_417 = arith.constant 112 : index
      %get3A_418 = tpu.vector_load %arg11[%get3A_416, %get3A_417] {strides = array<i32>} : memref<40x128xi32, #tpu.memory_space<vmem>>, vector<16xi32>,
      %gather3A_419 = tpu.vector_load_idx %arg12[%get3A_415] : memref<10240xf32, #tpu.memory_space<vmem>>[vector<16xi32>], vector<16xf32>,
      %gather3A_420 = tpu.vector_load_idx %arg12[%get3A_418] : memref<10240xf32, #tpu.memory_space<vmem>>[vector<16xi32>], vector<16xf32>,
      %sub3A_421 = arith.subf %gather3A_419, %gather3A_420 : vector<16xf32>
      %mul3A_422 = arith.mulf %sub3A_421, %get3A_9 : vector<16xf32>
      %add3A_423 = arith.addf %mul3A_422, %broadcast_in_dim3A_14 : vector<16xf32>
      %sub3A_424 = arith.subf %add3A_423, %broadcast_in_dim3A_14 : vector<16xf32>
      %mul3A_425 = arith.mulf %get3A_3, %sub3A_424 : vector<16xf32>
      %sub3A_426 = arith.subf %sub3A_421, %mul3A_425 : vector<16xf32>
      %broadcast_in_dim3A_427 = arith.constant 64 : i32
      %broadcast_in_dim3A_428 = vector.broadcast %broadcast_in_dim3A_427 : i32 to vector<16xi32>
      tpu.vector_store_idx %arg16[%add3A_412, %broadcast_in_dim3A_428], %sub3A_426 : memref<128x128xf32, #tpu.memory_space<vmem>>[vector<16xi32>, vector<16xi32>], vector<16xf32>,
      %gather3A_429 = tpu.vector_load_idx %arg13[%get3A_415] : memref<10240xf32, #tpu.memory_space<vmem>>[vector<16xi32>], vector<16xf32>,
      %gather3A_430 = tpu.vector_load_idx %arg13[%get3A_418] : memref<10240xf32, #tpu.memory_space<vmem>>[vector<16xi32>], vector<16xf32>,
      %sub3A_431 = arith.subf %gather3A_429, %gather3A_430 : vector<16xf32>
      %mul3A_432 = arith.mulf %sub3A_431, %get3A_11 : vector<16xf32>
      %add3A_433 = arith.addf %mul3A_432, %broadcast_in_dim3A_14 : vector<16xf32>
      %sub3A_434 = arith.subf %add3A_433, %broadcast_in_dim3A_14 : vector<16xf32>
      %mul3A_435 = arith.mulf %get3A_5, %sub3A_434 : vector<16xf32>
      %sub3A_436 = arith.subf %sub3A_431, %mul3A_435 : vector<16xf32>
      %broadcast_in_dim3A_437 = arith.constant 65 : i32
      %broadcast_in_dim3A_438 = vector.broadcast %broadcast_in_dim3A_437 : i32 to vector<16xi32>
      tpu.vector_store_idx %arg16[%add3A_412, %broadcast_in_dim3A_438], %sub3A_436 : memref<128x128xf32, #tpu.memory_space<vmem>>[vector<16xi32>, vector<16xi32>], vector<16xf32>,
      %gather3A_439 = tpu.vector_load_idx %arg14[%get3A_415] : memref<10240xf32, #tpu.memory_space<vmem>>[vector<16xi32>], vector<16xf32>,
      %gather3A_440 = tpu.vector_load_idx %arg14[%get3A_418] : memref<10240xf32, #tpu.memory_space<vmem>>[vector<16xi32>], vector<16xf32>,
      %sub3A_441 = arith.subf %gather3A_439, %gather3A_440 : vector<16xf32>
      %mul3A_442 = arith.mulf %sub3A_441, %get3A_13 : vector<16xf32>
      %add3A_443 = arith.addf %mul3A_442, %broadcast_in_dim3A_14 : vector<16xf32>
      %sub3A_444 = arith.subf %add3A_443, %broadcast_in_dim3A_14 : vector<16xf32>
      %mul3A_445 = arith.mulf %get3A_7, %sub3A_444 : vector<16xf32>
      %sub3A_446 = arith.subf %sub3A_441, %mul3A_445 : vector<16xf32>
      %broadcast_in_dim3A_447 = arith.constant 66 : i32
      %broadcast_in_dim3A_448 = vector.broadcast %broadcast_in_dim3A_447 : i32 to vector<16xi32>
      tpu.vector_store_idx %arg16[%add3A_412, %broadcast_in_dim3A_448], %sub3A_446 : memref<128x128xf32, #tpu.memory_space<vmem>>[vector<16xi32>, vector<16xi32>], vector<16xf32>,
      %mul3A_449 = arith.mulf %sub3A_426, %sub3A_426 : vector<16xf32>
      %mul3A_450 = arith.mulf %sub3A_436, %sub3A_436 : vector<16xf32>
      %add3A_451 = arith.addf %mul3A_449, %mul3A_450 : vector<16xf32>
      %mul3A_452 = arith.mulf %sub3A_446, %sub3A_446 : vector<16xf32>
      %add3A_453 = arith.addf %add3A_451, %mul3A_452 : vector<16xf32>
      %broadcast_in_dim3A_454 = arith.constant 67 : i32
      %broadcast_in_dim3A_455 = vector.broadcast %broadcast_in_dim3A_454 : i32 to vector<16xi32>
      tpu.vector_store_idx %arg16[%add3A_412, %broadcast_in_dim3A_455], %add3A_453 : memref<128x128xf32, #tpu.memory_space<vmem>>[vector<16xi32>, vector<16xi32>], vector<16xf32>,
      %mul3A_456 = arith.constant 5120 : i32
      %mul3A_457 = arith.muli %add3A, %mul3A_456 : i32
      %mul3A_458 = arith.constant 128 : i32
      %mul3A_459 = arith.muli %add3A_50, %mul3A_458 : i32
      %add3A_460 = arith.addi %mul3A_457, %mul3A_459 : i32
      "tpu.region"() ({
        %run_scoped3A = tpu.sem_alloc : memref<!tpu.dma_semaphore, #tpu.memory_space<semaphore_mem>>
        %dma_start3A_879 = arith.constant 0 : i32
        %dma_start3A_880 = tpu.memref_slice %arg9[%add3A_460, %dma_start3A_879] : memref<163840x128xf32, #tpu.memory_space<hbm>> -> memref<128x128xf32, #tpu.memory_space<hbm>>
        %dma_start3A_881 = arith.constant 0 : i32
        %dma_start3A_882 = tpu.memref_slice %arg9[%add3A_460, %dma_start3A_881] : memref<163840x128xf32, #tpu.memory_space<hbm>> -> memref<128x128xf32, #tpu.memory_space<hbm>>
        tpu.enqueue_dma source(%arg16 : memref<128x128xf32, #tpu.memory_space<vmem>>) target(%dma_start3A_882 : memref<128x128xf32, #tpu.memory_space<hbm>>) target_semaphore(%run_scoped3A : memref<!tpu.dma_semaphore, #tpu.memory_space<semaphore_mem>>)
        %dma_wait3A_883 = arith.constant 0 : i32
        %dma_wait3A_884 = tpu.memref_slice %arg9[%add3A_460, %dma_wait3A_883] : memref<163840x128xf32, #tpu.memory_space<hbm>> -> memref<128x128xf32, #tpu.memory_space<hbm>>
        %dma_wait3A_885 = arith.constant 0 : i32
        %dma_wait3A_886 = tpu.memref_slice %arg9[%add3A_460, %dma_wait3A_885] : memref<163840x128xf32, #tpu.memory_space<hbm>> -> memref<128x128xf32, #tpu.memory_space<hbm>>
        tpu.wait_dma2 semaphore(%run_scoped3A : memref<!tpu.dma_semaphore, #tpu.memory_space<semaphore_mem>>) src(%arg16 : memref<128x128xf32, #tpu.memory_space<vmem>>) dst(%dma_wait3A_886 : memref<128x128xf32, #tpu.memory_space<hbm>>)
        tpu.yield
      }) : () -> ()
      %mul3A_461 = arith.constant 2 : i32
      %mul3A_462 = arith.muli %scan3A_46, %mul3A_461 : i32
      %add3A_463 = arith.constant 1 : i32
      %add3A_464 = arith.addi %mul3A_462, %add3A_463 : i32
      %add3A_465 = arith.constant 1 : i32
      %add3A_466 = arith.addi %add3A_464, %add3A_465 : i32
      %min3A_467 = arith.constant 39 : i32
      %min3A_468 = arith.minsi %add3A_466, %min3A_467 : i32
      %dma_start3A_469 = arith.constant 0 : i32
      %dma_start3A_470 = tpu.memref_slice %arg10[%min3A_468, %dma_start3A_469] : memref<40x128xi32, #tpu.memory_space<vmem>> -> memref<1x128xi32, #tpu.memory_space<vmem>>
      %dma_start3A_471 = tpu.memref_squeeze %dma_start3A_470 : memref<1x128xi32, #tpu.memory_space<vmem>> -> memref<128xi32, #tpu.memory_space<vmem>>
      %dma_start3A_472 = arith.constant 0 : i32
      %dma_start3A_473 = arith.constant 0 : i32
      %dma_start3A_474 = tpu.memref_slice %arg2[%dma_start3A_472, %dma_start3A_473] : memref<10240x128xf32, #tpu.memory_space<hbm>> -> memref<10240x128xf32, #tpu.memory_space<hbm>>
      tpu.enqueue_indirect_dma source(%dma_start3A_474 : memref<10240x128xf32, #tpu.memory_space<hbm>>) target(%arg16 : memref<128x128xf32, #tpu.memory_space<vmem>>) offsets(%dma_start3A_471 : memref<128xi32, #tpu.memory_space<vmem>>) semaphore(%arg20 : memref<!tpu.dma_semaphore, #tpu.memory_space<semaphore_mem>>)
      %dma_start3A_475 = arith.constant 0 : i32
      %dma_start3A_476 = tpu.memref_slice %arg11[%min3A_468, %dma_start3A_475] : memref<40x128xi32, #tpu.memory_space<vmem>> -> memref<1x128xi32, #tpu.memory_space<vmem>>
      %dma_start3A_477 = tpu.memref_squeeze %dma_start3A_476 : memref<1x128xi32, #tpu.memory_space<vmem>> -> memref<128xi32, #tpu.memory_space<vmem>>
      %dma_start3A_478 = arith.constant 0 : i32
      %dma_start3A_479 = arith.constant 0 : i32
      %dma_start3A_480 = tpu.memref_slice %arg2[%dma_start3A_478, %dma_start3A_479] : memref<10240x128xf32, #tpu.memory_space<hbm>> -> memref<10240x128xf32, #tpu.memory_space<hbm>>
      tpu.enqueue_indirect_dma source(%dma_start3A_480 : memref<10240x128xf32, #tpu.memory_space<hbm>>) target(%arg18 : memref<128x128xf32, #tpu.memory_space<vmem>>) offsets(%dma_start3A_477 : memref<128xi32, #tpu.memory_space<vmem>>) semaphore(%arg22 : memref<!tpu.dma_semaphore, #tpu.memory_space<semaphore_mem>>)
      %dma_wait3A_481 = arith.constant 0 : i32
      %dma_wait3A_482 = arith.constant 0 : i32
      %dma_wait3A_483 = tpu.memref_slice %arg10[%dma_wait3A_481, %dma_wait3A_482] : memref<40x128xi32, #tpu.memory_space<vmem>> -> memref<1x128xi32, #tpu.memory_space<vmem>>
      %dma_wait3A_484 = tpu.memref_squeeze %dma_wait3A_483 : memref<1x128xi32, #tpu.memory_space<vmem>> -> memref<128xi32, #tpu.memory_space<vmem>>
      %dma_wait3A_485 = arith.constant 0 : i32
      %dma_wait3A_486 = arith.constant 0 : i32
      %dma_wait3A_487 = tpu.memref_slice %arg2[%dma_wait3A_485, %dma_wait3A_486] : memref<10240x128xf32, #tpu.memory_space<hbm>> -> memref<10240x128xf32, #tpu.memory_space<hbm>>
      tpu.wait_indirect_dma semaphore(%arg21 : memref<!tpu.dma_semaphore, #tpu.memory_space<semaphore_mem>>) src(%dma_wait3A_487 : memref<10240x128xf32, #tpu.memory_space<hbm>>) dst(%arg17 : memref<128x128xf32, #tpu.memory_space<vmem>>)
      %dma_wait3A_488 = arith.constant 0 : i32
      %dma_wait3A_489 = arith.constant 0 : i32
      %dma_wait3A_490 = tpu.memref_slice %arg11[%dma_wait3A_488, %dma_wait3A_489] : memref<40x128xi32, #tpu.memory_space<vmem>> -> memref<1x128xi32, #tpu.memory_space<vmem>>
      %dma_wait3A_491 = tpu.memref_squeeze %dma_wait3A_490 : memref<1x128xi32, #tpu.memory_space<vmem>> -> memref<128xi32, #tpu.memory_space<vmem>>
      %dma_wait3A_492 = arith.constant 0 : i32
      %dma_wait3A_493 = arith.constant 0 : i32
      %dma_wait3A_494 = tpu.memref_slice %arg2[%dma_wait3A_492, %dma_wait3A_493] : memref<10240x128xf32, #tpu.memory_space<hbm>> -> memref<10240x128xf32, #tpu.memory_space<hbm>>
      tpu.wait_indirect_dma semaphore(%arg23 : memref<!tpu.dma_semaphore, #tpu.memory_space<semaphore_mem>>) src(%dma_wait3A_494 : memref<10240x128xf32, #tpu.memory_space<hbm>>) dst(%arg19 : memref<128x128xf32, #tpu.memory_space<vmem>>)
      %scan3A_495 = arith.constant 0 : i32
      %scan3A_496 = arith.constant 0 : i32
      %scan3A_497 = arith.constant 32 : i32
      %scan3A_498 = arith.addi %scan3A_496, %scan3A_497 : i32
      %scan3A_499 = arith.constant 1 : i32
      scf.for %scan3A_879 = %scan3A_496 to %scan3A_498 step %scan3A_499  : i32 {
        %mul3A_880 = arith.constant 4 : i32
        %mul3A_881 = arith.muli %scan3A_879, %mul3A_880 : i32
        %add3A_882 = arith.constant 0 : i32
        %add3A_883 = arith.addi %mul3A_881, %add3A_882 : i32
        %get3A_884 = arith.index_cast %add3A_883 : i32 to index
        %get3A_885 = arith.constant 64 : index
        %get3A_886 = tpu.vector_load %arg19[%get3A_884, %get3A_885] {strides = array<i32>} : memref<128x128xf32, #tpu.memory_space<vmem>>, vector<16xf32>,
        %swap3A = arith.index_cast %add3A_883 : i32 to index
        %swap3A_887 = arith.constant 0 : index
        %swap3A_888 = tpu.vector_load %arg17[%swap3A, %swap3A_887] {strides = array<i32>} : memref<128x128xf32, #tpu.memory_space<vmem>>, vector<16xf32>,
        tpu.vector_store %arg17[%swap3A, %swap3A_887], %get3A_886 {add = true, strides = array<i32>} : memref<128x128xf32, #tpu.memory_space<vmem>>, vector<16xf32>,
        %get3A_889 = arith.index_cast %add3A_883 : i32 to index
        %get3A_890 = arith.constant 80 : index
        %get3A_891 = tpu.vector_load %arg19[%get3A_889, %get3A_890] {strides = array<i32>} : memref<128x128xf32, #tpu.memory_space<vmem>>, vector<16xf32>,
        %swap3A_892 = arith.index_cast %add3A_883 : i32 to index
        %swap3A_893 = arith.constant 16 : index
        %swap3A_894 = tpu.vector_load %arg17[%swap3A_892, %swap3A_893] {strides = array<i32>} : memref<128x128xf32, #tpu.memory_space<vmem>>, vector<16xf32>,
        tpu.vector_store %arg17[%swap3A_892, %swap3A_893], %get3A_891 {add = true, strides = array<i32>} : memref<128x128xf32, #tpu.memory_space<vmem>>, vector<16xf32>,
        %get3A_895 = arith.index_cast %add3A_883 : i32 to index
        %get3A_896 = arith.constant 96 : index
        %get3A_897 = tpu.vector_load %arg19[%get3A_895, %get3A_896] {strides = array<i32>} : memref<128x128xf32, #tpu.memory_space<vmem>>, vector<16xf32>,
        %swap3A_898 = arith.index_cast %add3A_883 : i32 to index
        %swap3A_899 = arith.constant 32 : index
        %swap3A_900 = tpu.vector_load %arg17[%swap3A_898, %swap3A_899] {strides = array<i32>} : memref<128x128xf32, #tpu.memory_space<vmem>>, vector<16xf32>,
        tpu.vector_store %arg17[%swap3A_898, %swap3A_899], %get3A_897 {add = true, strides = array<i32>} : memref<128x128xf32, #tpu.memory_space<vmem>>, vector<16xf32>,
        %get3A_901 = arith.index_cast %add3A_883 : i32 to index
        %get3A_902 = arith.constant 112 : index
        %get3A_903 = tpu.vector_load %arg19[%get3A_901, %get3A_902] {strides = array<i32>} : memref<128x128xf32, #tpu.memory_space<vmem>>, vector<16xf32>,
        %swap3A_904 = arith.index_cast %add3A_883 : i32 to index
        %swap3A_905 = arith.constant 48 : index
        %swap3A_906 = tpu.vector_load %arg17[%swap3A_904, %swap3A_905] {strides = array<i32>} : memref<128x128xf32, #tpu.memory_space<vmem>>, vector<16xf32>,
        tpu.vector_store %arg17[%swap3A_904, %swap3A_905], %get3A_903 {add = true, strides = array<i32>} : memref<128x128xf32, #tpu.memory_space<vmem>>, vector<16xf32>,
        %mul3A_907 = arith.constant 4 : i32
        %mul3A_908 = arith.muli %scan3A_879, %mul3A_907 : i32
        %add3A_909 = arith.constant 1 : i32
        %add3A_910 = arith.addi %mul3A_908, %add3A_909 : i32
        %get3A_911 = arith.index_cast %add3A_910 : i32 to index
        %get3A_912 = arith.constant 64 : index
        %get3A_913 = tpu.vector_load %arg19[%get3A_911, %get3A_912] {strides = array<i32>} : memref<128x128xf32, #tpu.memory_space<vmem>>, vector<16xf32>,
        %swap3A_914 = arith.index_cast %add3A_910 : i32 to index
        %swap3A_915 = arith.constant 0 : index
        %swap3A_916 = tpu.vector_load %arg17[%swap3A_914, %swap3A_915] {strides = array<i32>} : memref<128x128xf32, #tpu.memory_space<vmem>>, vector<16xf32>,
        tpu.vector_store %arg17[%swap3A_914, %swap3A_915], %get3A_913 {add = true, strides = array<i32>} : memref<128x128xf32, #tpu.memory_space<vmem>>, vector<16xf32>,
        %get3A_917 = arith.index_cast %add3A_910 : i32 to index
        %get3A_918 = arith.constant 80 : index
        %get3A_919 = tpu.vector_load %arg19[%get3A_917, %get3A_918] {strides = array<i32>} : memref<128x128xf32, #tpu.memory_space<vmem>>, vector<16xf32>,
        %swap3A_920 = arith.index_cast %add3A_910 : i32 to index
        %swap3A_921 = arith.constant 16 : index
        %swap3A_922 = tpu.vector_load %arg17[%swap3A_920, %swap3A_921] {strides = array<i32>} : memref<128x128xf32, #tpu.memory_space<vmem>>, vector<16xf32>,
        tpu.vector_store %arg17[%swap3A_920, %swap3A_921], %get3A_919 {add = true, strides = array<i32>} : memref<128x128xf32, #tpu.memory_space<vmem>>, vector<16xf32>,
        %get3A_923 = arith.index_cast %add3A_910 : i32 to index
        %get3A_924 = arith.constant 96 : index
        %get3A_925 = tpu.vector_load %arg19[%get3A_923, %get3A_924] {strides = array<i32>} : memref<128x128xf32, #tpu.memory_space<vmem>>, vector<16xf32>,
        %swap3A_926 = arith.index_cast %add3A_910 : i32 to index
        %swap3A_927 = arith.constant 32 : index
        %swap3A_928 = tpu.vector_load %arg17[%swap3A_926, %swap3A_927] {strides = array<i32>} : memref<128x128xf32, #tpu.memory_space<vmem>>, vector<16xf32>,
        tpu.vector_store %arg17[%swap3A_926, %swap3A_927], %get3A_925 {add = true, strides = array<i32>} : memref<128x128xf32, #tpu.memory_space<vmem>>, vector<16xf32>,
        %get3A_929 = arith.index_cast %add3A_910 : i32 to index
        %get3A_930 = arith.constant 112 : index
        %get3A_931 = tpu.vector_load %arg19[%get3A_929, %get3A_930] {strides = array<i32>} : memref<128x128xf32, #tpu.memory_space<vmem>>, vector<16xf32>,
        %swap3A_932 = arith.index_cast %add3A_910 : i32 to index
        %swap3A_933 = arith.constant 48 : index
        %swap3A_934 = tpu.vector_load %arg17[%swap3A_932, %swap3A_933] {strides = array<i32>} : memref<128x128xf32, #tpu.memory_space<vmem>>, vector<16xf32>,
        tpu.vector_store %arg17[%swap3A_932, %swap3A_933], %get3A_931 {add = true, strides = array<i32>} : memref<128x128xf32, #tpu.memory_space<vmem>>, vector<16xf32>,
        %mul3A_935 = arith.constant 4 : i32
        %mul3A_936 = arith.muli %scan3A_879, %mul3A_935 : i32
        %add3A_937 = arith.constant 2 : i32
        %add3A_938 = arith.addi %mul3A_936, %add3A_937 : i32
        %get3A_939 = arith.index_cast %add3A_938 : i32 to index
        %get3A_940 = arith.constant 64 : index
        %get3A_941 = tpu.vector_load %arg19[%get3A_939, %get3A_940] {strides = array<i32>} : memref<128x128xf32, #tpu.memory_space<vmem>>, vector<16xf32>,
        %swap3A_942 = arith.index_cast %add3A_938 : i32 to index
        %swap3A_943 = arith.constant 0 : index
        %swap3A_944 = tpu.vector_load %arg17[%swap3A_942, %swap3A_943] {strides = array<i32>} : memref<128x128xf32, #tpu.memory_space<vmem>>, vector<16xf32>,
        tpu.vector_store %arg17[%swap3A_942, %swap3A_943], %get3A_941 {add = true, strides = array<i32>} : memref<128x128xf32, #tpu.memory_space<vmem>>, vector<16xf32>,
        %get3A_945 = arith.index_cast %add3A_938 : i32 to index
        %get3A_946 = arith.constant 80 : index
        %get3A_947 = tpu.vector_load %arg19[%get3A_945, %get3A_946] {strides = array<i32>} : memref<128x128xf32, #tpu.memory_space<vmem>>, vector<16xf32>,
        %swap3A_948 = arith.index_cast %add3A_938 : i32 to index
        %swap3A_949 = arith.constant 16 : index
        %swap3A_950 = tpu.vector_load %arg17[%swap3A_948, %swap3A_949] {strides = array<i32>} : memref<128x128xf32, #tpu.memory_space<vmem>>, vector<16xf32>,
        tpu.vector_store %arg17[%swap3A_948, %swap3A_949], %get3A_947 {add = true, strides = array<i32>} : memref<128x128xf32, #tpu.memory_space<vmem>>, vector<16xf32>,
        %get3A_951 = arith.index_cast %add3A_938 : i32 to index
        %get3A_952 = arith.constant 96 : index
        %get3A_953 = tpu.vector_load %arg19[%get3A_951, %get3A_952] {strides = array<i32>} : memref<128x128xf32, #tpu.memory_space<vmem>>, vector<16xf32>,
        %swap3A_954 = arith.index_cast %add3A_938 : i32 to index
        %swap3A_955 = arith.constant 32 : index
        %swap3A_956 = tpu.vector_load %arg17[%swap3A_954, %swap3A_955] {strides = array<i32>} : memref<128x128xf32, #tpu.memory_space<vmem>>, vector<16xf32>,
        tpu.vector_store %arg17[%swap3A_954, %swap3A_955], %get3A_953 {add = true, strides = array<i32>} : memref<128x128xf32, #tpu.memory_space<vmem>>, vector<16xf32>,
        %get3A_957 = arith.index_cast %add3A_938 : i32 to index
        %get3A_958 = arith.constant 112 : index
        %get3A_959 = tpu.vector_load %arg19[%get3A_957, %get3A_958] {strides = array<i32>} : memref<128x128xf32, #tpu.memory_space<vmem>>, vector<16xf32>,
        %swap3A_960 = arith.index_cast %add3A_938 : i32 to index
        %swap3A_961 = arith.constant 48 : index
        %swap3A_962 = tpu.vector_load %arg17[%swap3A_960, %swap3A_961] {strides = array<i32>} : memref<128x128xf32, #tpu.memory_space<vmem>>, vector<16xf32>,
        tpu.vector_store %arg17[%swap3A_960, %swap3A_961], %get3A_959 {add = true, strides = array<i32>} : memref<128x128xf32, #tpu.memory_space<vmem>>, vector<16xf32>,
        %mul3A_963 = arith.constant 4 : i32
        %mul3A_964 = arith.muli %scan3A_879, %mul3A_963 : i32
        %add3A_965 = arith.constant 3 : i32
        %add3A_966 = arith.addi %mul3A_964, %add3A_965 : i32
        %get3A_967 = arith.index_cast %add3A_966 : i32 to index
        %get3A_968 = arith.constant 64 : index
        %get3A_969 = tpu.vector_load %arg19[%get3A_967, %get3A_968] {strides = array<i32>} : memref<128x128xf32, #tpu.memory_space<vmem>>, vector<16xf32>,
        %swap3A_970 = arith.index_cast %add3A_966 : i32 to index
        %swap3A_971 = arith.constant 0 : index
        %swap3A_972 = tpu.vector_load %arg17[%swap3A_970, %swap3A_971] {strides = array<i32>} : memref<128x128xf32, #tpu.memory_space<vmem>>, vector<16xf32>,
        tpu.vector_store %arg17[%swap3A_970, %swap3A_971], %get3A_969 {add = true, strides = array<i32>} : memref<128x128xf32, #tpu.memory_space<vmem>>, vector<16xf32>,
        %get3A_973 = arith.index_cast %add3A_966 : i32 to index
        %get3A_974 = arith.constant 80 : index
        %get3A_975 = tpu.vector_load %arg19[%get3A_973, %get3A_974] {strides = array<i32>} : memref<128x128xf32, #tpu.memory_space<vmem>>, vector<16xf32>,
        %swap3A_976 = arith.index_cast %add3A_966 : i32 to index
        %swap3A_977 = arith.constant 16 : index
        %swap3A_978 = tpu.vector_load %arg17[%swap3A_976, %swap3A_977] {strides = array<i32>} : memref<128x128xf32, #tpu.memory_space<vmem>>, vector<16xf32>,
        tpu.vector_store %arg17[%swap3A_976, %swap3A_977], %get3A_975 {add = true, strides = array<i32>} : memref<128x128xf32, #tpu.memory_space<vmem>>, vector<16xf32>,
        %get3A_979 = arith.index_cast %add3A_966 : i32 to index
        %get3A_980 = arith.constant 96 : index
        %get3A_981 = tpu.vector_load %arg19[%get3A_979, %get3A_980] {strides = array<i32>} : memref<128x128xf32, #tpu.memory_space<vmem>>, vector<16xf32>,
        %swap3A_982 = arith.index_cast %add3A_966 : i32 to index
        %swap3A_983 = arith.constant 32 : index
        %swap3A_984 = tpu.vector_load %arg17[%swap3A_982, %swap3A_983] {strides = array<i32>} : memref<128x128xf32, #tpu.memory_space<vmem>>, vector<16xf32>,
        tpu.vector_store %arg17[%swap3A_982, %swap3A_983], %get3A_981 {add = true, strides = array<i32>} : memref<128x128xf32, #tpu.memory_space<vmem>>, vector<16xf32>,
        %get3A_985 = arith.index_cast %add3A_966 : i32 to index
        %get3A_986 = arith.constant 112 : index
        %get3A_987 = tpu.vector_load %arg19[%get3A_985, %get3A_986] {strides = array<i32>} : memref<128x128xf32, #tpu.memory_space<vmem>>, vector<16xf32>,
        %swap3A_988 = arith.index_cast %add3A_966 : i32 to index
        %swap3A_989 = arith.constant 48 : index
        %swap3A_990 = tpu.vector_load %arg17[%swap3A_988, %swap3A_989] {strides = array<i32>} : memref<128x128xf32, #tpu.memory_space<vmem>>, vector<16xf32>,
        tpu.vector_store %arg17[%swap3A_988, %swap3A_989], %get3A_987 {add = true, strides = array<i32>} : memref<128x128xf32, #tpu.memory_space<vmem>>, vector<16xf32>,
      }
      %scan3A_500 = arith.constant 32 : i32
      %iota3A_501 = tpu.iota {dimensions = array<i32: 0>} : vector<16xi32>
      %get3A_502 = arith.index_cast %add3A_464 : i32 to index
      %get3A_503 = arith.constant 0 : index
      %get3A_504 = tpu.vector_load %arg10[%get3A_502, %get3A_503] {strides = array<i32>} : memref<40x128xi32, #tpu.memory_space<vmem>>, vector<16xi32>,
      %get3A_505 = arith.index_cast %add3A_464 : i32 to index
      %get3A_506 = arith.constant 0 : index
      %get3A_507 = tpu.vector_load %arg11[%get3A_505, %get3A_506] {strides = array<i32>} : memref<40x128xi32, #tpu.memory_space<vmem>>, vector<16xi32>,
      %gather3A_508 = tpu.vector_load_idx %arg12[%get3A_504] : memref<10240xf32, #tpu.memory_space<vmem>>[vector<16xi32>], vector<16xf32>,
      %gather3A_509 = tpu.vector_load_idx %arg12[%get3A_507] : memref<10240xf32, #tpu.memory_space<vmem>>[vector<16xi32>], vector<16xf32>,
      %sub3A_510 = arith.subf %gather3A_508, %gather3A_509 : vector<16xf32>
      %mul3A_511 = arith.mulf %sub3A_510, %get3A_9 : vector<16xf32>
      %add3A_512 = arith.addf %mul3A_511, %broadcast_in_dim3A_14 : vector<16xf32>
      %sub3A_513 = arith.subf %add3A_512, %broadcast_in_dim3A_14 : vector<16xf32>
      %mul3A_514 = arith.mulf %get3A_3, %sub3A_513 : vector<16xf32>
      %sub3A_515 = arith.subf %sub3A_510, %mul3A_514 : vector<16xf32>
      %broadcast_in_dim3A_516 = arith.constant 64 : i32
      %broadcast_in_dim3A_517 = vector.broadcast %broadcast_in_dim3A_516 : i32 to vector<16xi32>
      tpu.vector_store_idx %arg17[%iota3A_501, %broadcast_in_dim3A_517], %sub3A_515 : memref<128x128xf32, #tpu.memory_space<vmem>>[vector<16xi32>, vector<16xi32>], vector<16xf32>,
      %gather3A_518 = tpu.vector_load_idx %arg13[%get3A_504] : memref<10240xf32, #tpu.memory_space<vmem>>[vector<16xi32>], vector<16xf32>,
      %gather3A_519 = tpu.vector_load_idx %arg13[%get3A_507] : memref<10240xf32, #tpu.memory_space<vmem>>[vector<16xi32>], vector<16xf32>,
      %sub3A_520 = arith.subf %gather3A_518, %gather3A_519 : vector<16xf32>
      %mul3A_521 = arith.mulf %sub3A_520, %get3A_11 : vector<16xf32>
      %add3A_522 = arith.addf %mul3A_521, %broadcast_in_dim3A_14 : vector<16xf32>
      %sub3A_523 = arith.subf %add3A_522, %broadcast_in_dim3A_14 : vector<16xf32>
      %mul3A_524 = arith.mulf %get3A_5, %sub3A_523 : vector<16xf32>
      %sub3A_525 = arith.subf %sub3A_520, %mul3A_524 : vector<16xf32>
      %broadcast_in_dim3A_526 = arith.constant 65 : i32
      %broadcast_in_dim3A_527 = vector.broadcast %broadcast_in_dim3A_526 : i32 to vector<16xi32>
      tpu.vector_store_idx %arg17[%iota3A_501, %broadcast_in_dim3A_527], %sub3A_525 : memref<128x128xf32, #tpu.memory_space<vmem>>[vector<16xi32>, vector<16xi32>], vector<16xf32>,
      %gather3A_528 = tpu.vector_load_idx %arg14[%get3A_504] : memref<10240xf32, #tpu.memory_space<vmem>>[vector<16xi32>], vector<16xf32>,
      %gather3A_529 = tpu.vector_load_idx %arg14[%get3A_507] : memref<10240xf32, #tpu.memory_space<vmem>>[vector<16xi32>], vector<16xf32>,
      %sub3A_530 = arith.subf %gather3A_528, %gather3A_529 : vector<16xf32>
      %mul3A_531 = arith.mulf %sub3A_530, %get3A_13 : vector<16xf32>
      %add3A_532 = arith.addf %mul3A_531, %broadcast_in_dim3A_14 : vector<16xf32>
      %sub3A_533 = arith.subf %add3A_532, %broadcast_in_dim3A_14 : vector<16xf32>
      %mul3A_534 = arith.mulf %get3A_7, %sub3A_533 : vector<16xf32>
      %sub3A_535 = arith.subf %sub3A_530, %mul3A_534 : vector<16xf32>
      %broadcast_in_dim3A_536 = arith.constant 66 : i32
      %broadcast_in_dim3A_537 = vector.broadcast %broadcast_in_dim3A_536 : i32 to vector<16xi32>
      tpu.vector_store_idx %arg17[%iota3A_501, %broadcast_in_dim3A_537], %sub3A_535 : memref<128x128xf32, #tpu.memory_space<vmem>>[vector<16xi32>, vector<16xi32>], vector<16xf32>,
      %mul3A_538 = arith.mulf %sub3A_515, %sub3A_515 : vector<16xf32>
      %mul3A_539 = arith.mulf %sub3A_525, %sub3A_525 : vector<16xf32>
      %add3A_540 = arith.addf %mul3A_538, %mul3A_539 : vector<16xf32>
      %mul3A_541 = arith.mulf %sub3A_535, %sub3A_535 : vector<16xf32>
      %add3A_542 = arith.addf %add3A_540, %mul3A_541 : vector<16xf32>
      %broadcast_in_dim3A_543 = arith.constant 67 : i32
      %broadcast_in_dim3A_544 = vector.broadcast %broadcast_in_dim3A_543 : i32 to vector<16xi32>
      tpu.vector_store_idx %arg17[%iota3A_501, %broadcast_in_dim3A_544], %add3A_542 : memref<128x128xf32, #tpu.memory_space<vmem>>[vector<16xi32>, vector<16xi32>], vector<16xf32>,
      %iota3A_545 = tpu.iota {dimensions = array<i32: 0>} : vector<16xi32>
      %add3A_546 = arith.constant 16 : i32
      %add3A_547 = vector.broadcast %add3A_546 : i32 to vector<16xi32>
      %add3A_548 = arith.addi %add3A_547, %iota3A_545 : vector<16xi32>
      %get3A_549 = arith.index_cast %add3A_464 : i32 to index
      %get3A_550 = arith.constant 16 : index
      %get3A_551 = tpu.vector_load %arg10[%get3A_549, %get3A_550] {strides = array<i32>} : memref<40x128xi32, #tpu.memory_space<vmem>>, vector<16xi32>,
      %get3A_552 = arith.index_cast %add3A_464 : i32 to index
      %get3A_553 = arith.constant 16 : index
      %get3A_554 = tpu.vector_load %arg11[%get3A_552, %get3A_553] {strides = array<i32>} : memref<40x128xi32, #tpu.memory_space<vmem>>, vector<16xi32>,
      %gather3A_555 = tpu.vector_load_idx %arg12[%get3A_551] : memref<10240xf32, #tpu.memory_space<vmem>>[vector<16xi32>], vector<16xf32>,
      %gather3A_556 = tpu.vector_load_idx %arg12[%get3A_554] : memref<10240xf32, #tpu.memory_space<vmem>>[vector<16xi32>], vector<16xf32>,
      %sub3A_557 = arith.subf %gather3A_555, %gather3A_556 : vector<16xf32>
      %mul3A_558 = arith.mulf %sub3A_557, %get3A_9 : vector<16xf32>
      %add3A_559 = arith.addf %mul3A_558, %broadcast_in_dim3A_14 : vector<16xf32>
      %sub3A_560 = arith.subf %add3A_559, %broadcast_in_dim3A_14 : vector<16xf32>
      %mul3A_561 = arith.mulf %get3A_3, %sub3A_560 : vector<16xf32>
      %sub3A_562 = arith.subf %sub3A_557, %mul3A_561 : vector<16xf32>
      %broadcast_in_dim3A_563 = arith.constant 64 : i32
      %broadcast_in_dim3A_564 = vector.broadcast %broadcast_in_dim3A_563 : i32 to vector<16xi32>
      tpu.vector_store_idx %arg17[%add3A_548, %broadcast_in_dim3A_564], %sub3A_562 : memref<128x128xf32, #tpu.memory_space<vmem>>[vector<16xi32>, vector<16xi32>], vector<16xf32>,
      %gather3A_565 = tpu.vector_load_idx %arg13[%get3A_551] : memref<10240xf32, #tpu.memory_space<vmem>>[vector<16xi32>], vector<16xf32>,
      %gather3A_566 = tpu.vector_load_idx %arg13[%get3A_554] : memref<10240xf32, #tpu.memory_space<vmem>>[vector<16xi32>], vector<16xf32>,
      %sub3A_567 = arith.subf %gather3A_565, %gather3A_566 : vector<16xf32>
      %mul3A_568 = arith.mulf %sub3A_567, %get3A_11 : vector<16xf32>
      %add3A_569 = arith.addf %mul3A_568, %broadcast_in_dim3A_14 : vector<16xf32>
      %sub3A_570 = arith.subf %add3A_569, %broadcast_in_dim3A_14 : vector<16xf32>
      %mul3A_571 = arith.mulf %get3A_5, %sub3A_570 : vector<16xf32>
      %sub3A_572 = arith.subf %sub3A_567, %mul3A_571 : vector<16xf32>
      %broadcast_in_dim3A_573 = arith.constant 65 : i32
      %broadcast_in_dim3A_574 = vector.broadcast %broadcast_in_dim3A_573 : i32 to vector<16xi32>
      tpu.vector_store_idx %arg17[%add3A_548, %broadcast_in_dim3A_574], %sub3A_572 : memref<128x128xf32, #tpu.memory_space<vmem>>[vector<16xi32>, vector<16xi32>], vector<16xf32>,
      %gather3A_575 = tpu.vector_load_idx %arg14[%get3A_551] : memref<10240xf32, #tpu.memory_space<vmem>>[vector<16xi32>], vector<16xf32>,
      %gather3A_576 = tpu.vector_load_idx %arg14[%get3A_554] : memref<10240xf32, #tpu.memory_space<vmem>>[vector<16xi32>], vector<16xf32>,
      %sub3A_577 = arith.subf %gather3A_575, %gather3A_576 : vector<16xf32>
      %mul3A_578 = arith.mulf %sub3A_577, %get3A_13 : vector<16xf32>
      %add3A_579 = arith.addf %mul3A_578, %broadcast_in_dim3A_14 : vector<16xf32>
      %sub3A_580 = arith.subf %add3A_579, %broadcast_in_dim3A_14 : vector<16xf32>
      %mul3A_581 = arith.mulf %get3A_7, %sub3A_580 : vector<16xf32>
      %sub3A_582 = arith.subf %sub3A_577, %mul3A_581 : vector<16xf32>
      %broadcast_in_dim3A_583 = arith.constant 66 : i32
      %broadcast_in_dim3A_584 = vector.broadcast %broadcast_in_dim3A_583 : i32 to vector<16xi32>
      tpu.vector_store_idx %arg17[%add3A_548, %broadcast_in_dim3A_584], %sub3A_582 : memref<128x128xf32, #tpu.memory_space<vmem>>[vector<16xi32>, vector<16xi32>], vector<16xf32>,
      %mul3A_585 = arith.mulf %sub3A_562, %sub3A_562 : vector<16xf32>
      %mul3A_586 = arith.mulf %sub3A_572, %sub3A_572 : vector<16xf32>
      %add3A_587 = arith.addf %mul3A_585, %mul3A_586 : vector<16xf32>
      %mul3A_588 = arith.mulf %sub3A_582, %sub3A_582 : vector<16xf32>
      %add3A_589 = arith.addf %add3A_587, %mul3A_588 : vector<16xf32>
      %broadcast_in_dim3A_590 = arith.constant 67 : i32
      %broadcast_in_dim3A_591 = vector.broadcast %broadcast_in_dim3A_590 : i32 to vector<16xi32>
      tpu.vector_store_idx %arg17[%add3A_548, %broadcast_in_dim3A_591], %add3A_589 : memref<128x128xf32, #tpu.memory_space<vmem>>[vector<16xi32>, vector<16xi32>], vector<16xf32>,
      %iota3A_592 = tpu.iota {dimensions = array<i32: 0>} : vector<16xi32>
      %add3A_593 = arith.constant 32 : i32
      %add3A_594 = vector.broadcast %add3A_593 : i32 to vector<16xi32>
      %add3A_595 = arith.addi %add3A_594, %iota3A_592 : vector<16xi32>
      %get3A_596 = arith.index_cast %add3A_464 : i32 to index
      %get3A_597 = arith.constant 32 : index
      %get3A_598 = tpu.vector_load %arg10[%get3A_596, %get3A_597] {strides = array<i32>} : memref<40x128xi32, #tpu.memory_space<vmem>>, vector<16xi32>,
      %get3A_599 = arith.index_cast %add3A_464 : i32 to index
      %get3A_600 = arith.constant 32 : index
      %get3A_601 = tpu.vector_load %arg11[%get3A_599, %get3A_600] {strides = array<i32>} : memref<40x128xi32, #tpu.memory_space<vmem>>, vector<16xi32>,
      %gather3A_602 = tpu.vector_load_idx %arg12[%get3A_598] : memref<10240xf32, #tpu.memory_space<vmem>>[vector<16xi32>], vector<16xf32>,
      %gather3A_603 = tpu.vector_load_idx %arg12[%get3A_601] : memref<10240xf32, #tpu.memory_space<vmem>>[vector<16xi32>], vector<16xf32>,
      %sub3A_604 = arith.subf %gather3A_602, %gather3A_603 : vector<16xf32>
      %mul3A_605 = arith.mulf %sub3A_604, %get3A_9 : vector<16xf32>
      %add3A_606 = arith.addf %mul3A_605, %broadcast_in_dim3A_14 : vector<16xf32>
      %sub3A_607 = arith.subf %add3A_606, %broadcast_in_dim3A_14 : vector<16xf32>
      %mul3A_608 = arith.mulf %get3A_3, %sub3A_607 : vector<16xf32>
      %sub3A_609 = arith.subf %sub3A_604, %mul3A_608 : vector<16xf32>
      %broadcast_in_dim3A_610 = arith.constant 64 : i32
      %broadcast_in_dim3A_611 = vector.broadcast %broadcast_in_dim3A_610 : i32 to vector<16xi32>
      tpu.vector_store_idx %arg17[%add3A_595, %broadcast_in_dim3A_611], %sub3A_609 : memref<128x128xf32, #tpu.memory_space<vmem>>[vector<16xi32>, vector<16xi32>], vector<16xf32>,
      %gather3A_612 = tpu.vector_load_idx %arg13[%get3A_598] : memref<10240xf32, #tpu.memory_space<vmem>>[vector<16xi32>], vector<16xf32>,
      %gather3A_613 = tpu.vector_load_idx %arg13[%get3A_601] : memref<10240xf32, #tpu.memory_space<vmem>>[vector<16xi32>], vector<16xf32>,
      %sub3A_614 = arith.subf %gather3A_612, %gather3A_613 : vector<16xf32>
      %mul3A_615 = arith.mulf %sub3A_614, %get3A_11 : vector<16xf32>
      %add3A_616 = arith.addf %mul3A_615, %broadcast_in_dim3A_14 : vector<16xf32>
      %sub3A_617 = arith.subf %add3A_616, %broadcast_in_dim3A_14 : vector<16xf32>
      %mul3A_618 = arith.mulf %get3A_5, %sub3A_617 : vector<16xf32>
      %sub3A_619 = arith.subf %sub3A_614, %mul3A_618 : vector<16xf32>
      %broadcast_in_dim3A_620 = arith.constant 65 : i32
      %broadcast_in_dim3A_621 = vector.broadcast %broadcast_in_dim3A_620 : i32 to vector<16xi32>
      tpu.vector_store_idx %arg17[%add3A_595, %broadcast_in_dim3A_621], %sub3A_619 : memref<128x128xf32, #tpu.memory_space<vmem>>[vector<16xi32>, vector<16xi32>], vector<16xf32>,
      %gather3A_622 = tpu.vector_load_idx %arg14[%get3A_598] : memref<10240xf32, #tpu.memory_space<vmem>>[vector<16xi32>], vector<16xf32>,
      %gather3A_623 = tpu.vector_load_idx %arg14[%get3A_601] : memref<10240xf32, #tpu.memory_space<vmem>>[vector<16xi32>], vector<16xf32>,
      %sub3A_624 = arith.subf %gather3A_622, %gather3A_623 : vector<16xf32>
      %mul3A_625 = arith.mulf %sub3A_624, %get3A_13 : vector<16xf32>
      %add3A_626 = arith.addf %mul3A_625, %broadcast_in_dim3A_14 : vector<16xf32>
      %sub3A_627 = arith.subf %add3A_626, %broadcast_in_dim3A_14 : vector<16xf32>
      %mul3A_628 = arith.mulf %get3A_7, %sub3A_627 : vector<16xf32>
      %sub3A_629 = arith.subf %sub3A_624, %mul3A_628 : vector<16xf32>
      %broadcast_in_dim3A_630 = arith.constant 66 : i32
      %broadcast_in_dim3A_631 = vector.broadcast %broadcast_in_dim3A_630 : i32 to vector<16xi32>
      tpu.vector_store_idx %arg17[%add3A_595, %broadcast_in_dim3A_631], %sub3A_629 : memref<128x128xf32, #tpu.memory_space<vmem>>[vector<16xi32>, vector<16xi32>], vector<16xf32>,
      %mul3A_632 = arith.mulf %sub3A_609, %sub3A_609 : vector<16xf32>
      %mul3A_633 = arith.mulf %sub3A_619, %sub3A_619 : vector<16xf32>
      %add3A_634 = arith.addf %mul3A_632, %mul3A_633 : vector<16xf32>
      %mul3A_635 = arith.mulf %sub3A_629, %sub3A_629 : vector<16xf32>
      %add3A_636 = arith.addf %add3A_634, %mul3A_635 : vector<16xf32>
      %broadcast_in_dim3A_637 = arith.constant 67 : i32
      %broadcast_in_dim3A_638 = vector.broadcast %broadcast_in_dim3A_637 : i32 to vector<16xi32>
      tpu.vector_store_idx %arg17[%add3A_595, %broadcast_in_dim3A_638], %add3A_636 : memref<128x128xf32, #tpu.memory_space<vmem>>[vector<16xi32>, vector<16xi32>], vector<16xf32>,
      %iota3A_639 = tpu.iota {dimensions = array<i32: 0>} : vector<16xi32>
      %add3A_640 = arith.constant 48 : i32
      %add3A_641 = vector.broadcast %add3A_640 : i32 to vector<16xi32>
      %add3A_642 = arith.addi %add3A_641, %iota3A_639 : vector<16xi32>
      %get3A_643 = arith.index_cast %add3A_464 : i32 to index
      %get3A_644 = arith.constant 48 : index
      %get3A_645 = tpu.vector_load %arg10[%get3A_643, %get3A_644] {strides = array<i32>} : memref<40x128xi32, #tpu.memory_space<vmem>>, vector<16xi32>,
      %get3A_646 = arith.index_cast %add3A_464 : i32 to index
      %get3A_647 = arith.constant 48 : index
      %get3A_648 = tpu.vector_load %arg11[%get3A_646, %get3A_647] {strides = array<i32>} : memref<40x128xi32, #tpu.memory_space<vmem>>, vector<16xi32>,
      %gather3A_649 = tpu.vector_load_idx %arg12[%get3A_645] : memref<10240xf32, #tpu.memory_space<vmem>>[vector<16xi32>], vector<16xf32>,
      %gather3A_650 = tpu.vector_load_idx %arg12[%get3A_648] : memref<10240xf32, #tpu.memory_space<vmem>>[vector<16xi32>], vector<16xf32>,
      %sub3A_651 = arith.subf %gather3A_649, %gather3A_650 : vector<16xf32>
      %mul3A_652 = arith.mulf %sub3A_651, %get3A_9 : vector<16xf32>
      %add3A_653 = arith.addf %mul3A_652, %broadcast_in_dim3A_14 : vector<16xf32>
      %sub3A_654 = arith.subf %add3A_653, %broadcast_in_dim3A_14 : vector<16xf32>
      %mul3A_655 = arith.mulf %get3A_3, %sub3A_654 : vector<16xf32>
      %sub3A_656 = arith.subf %sub3A_651, %mul3A_655 : vector<16xf32>
      %broadcast_in_dim3A_657 = arith.constant 64 : i32
      %broadcast_in_dim3A_658 = vector.broadcast %broadcast_in_dim3A_657 : i32 to vector<16xi32>
      tpu.vector_store_idx %arg17[%add3A_642, %broadcast_in_dim3A_658], %sub3A_656 : memref<128x128xf32, #tpu.memory_space<vmem>>[vector<16xi32>, vector<16xi32>], vector<16xf32>,
      %gather3A_659 = tpu.vector_load_idx %arg13[%get3A_645] : memref<10240xf32, #tpu.memory_space<vmem>>[vector<16xi32>], vector<16xf32>,
      %gather3A_660 = tpu.vector_load_idx %arg13[%get3A_648] : memref<10240xf32, #tpu.memory_space<vmem>>[vector<16xi32>], vector<16xf32>,
      %sub3A_661 = arith.subf %gather3A_659, %gather3A_660 : vector<16xf32>
      %mul3A_662 = arith.mulf %sub3A_661, %get3A_11 : vector<16xf32>
      %add3A_663 = arith.addf %mul3A_662, %broadcast_in_dim3A_14 : vector<16xf32>
      %sub3A_664 = arith.subf %add3A_663, %broadcast_in_dim3A_14 : vector<16xf32>
      %mul3A_665 = arith.mulf %get3A_5, %sub3A_664 : vector<16xf32>
      %sub3A_666 = arith.subf %sub3A_661, %mul3A_665 : vector<16xf32>
      %broadcast_in_dim3A_667 = arith.constant 65 : i32
      %broadcast_in_dim3A_668 = vector.broadcast %broadcast_in_dim3A_667 : i32 to vector<16xi32>
      tpu.vector_store_idx %arg17[%add3A_642, %broadcast_in_dim3A_668], %sub3A_666 : memref<128x128xf32, #tpu.memory_space<vmem>>[vector<16xi32>, vector<16xi32>], vector<16xf32>,
      %gather3A_669 = tpu.vector_load_idx %arg14[%get3A_645] : memref<10240xf32, #tpu.memory_space<vmem>>[vector<16xi32>], vector<16xf32>,
      %gather3A_670 = tpu.vector_load_idx %arg14[%get3A_648] : memref<10240xf32, #tpu.memory_space<vmem>>[vector<16xi32>], vector<16xf32>,
      %sub3A_671 = arith.subf %gather3A_669, %gather3A_670 : vector<16xf32>
      %mul3A_672 = arith.mulf %sub3A_671, %get3A_13 : vector<16xf32>
      %add3A_673 = arith.addf %mul3A_672, %broadcast_in_dim3A_14 : vector<16xf32>
      %sub3A_674 = arith.subf %add3A_673, %broadcast_in_dim3A_14 : vector<16xf32>
      %mul3A_675 = arith.mulf %get3A_7, %sub3A_674 : vector<16xf32>
      %sub3A_676 = arith.subf %sub3A_671, %mul3A_675 : vector<16xf32>
      %broadcast_in_dim3A_677 = arith.constant 66 : i32
      %broadcast_in_dim3A_678 = vector.broadcast %broadcast_in_dim3A_677 : i32 to vector<16xi32>
      tpu.vector_store_idx %arg17[%add3A_642, %broadcast_in_dim3A_678], %sub3A_676 : memref<128x128xf32, #tpu.memory_space<vmem>>[vector<16xi32>, vector<16xi32>], vector<16xf32>,
      %mul3A_679 = arith.mulf %sub3A_656, %sub3A_656 : vector<16xf32>
      %mul3A_680 = arith.mulf %sub3A_666, %sub3A_666 : vector<16xf32>
      %add3A_681 = arith.addf %mul3A_679, %mul3A_680 : vector<16xf32>
      %mul3A_682 = arith.mulf %sub3A_676, %sub3A_676 : vector<16xf32>
      %add3A_683 = arith.addf %add3A_681, %mul3A_682 : vector<16xf32>
      %broadcast_in_dim3A_684 = arith.constant 67 : i32
      %broadcast_in_dim3A_685 = vector.broadcast %broadcast_in_dim3A_684 : i32 to vector<16xi32>
      tpu.vector_store_idx %arg17[%add3A_642, %broadcast_in_dim3A_685], %add3A_683 : memref<128x128xf32, #tpu.memory_space<vmem>>[vector<16xi32>, vector<16xi32>], vector<16xf32>,
      %iota3A_686 = tpu.iota {dimensions = array<i32: 0>} : vector<16xi32>
      %add3A_687 = arith.constant 64 : i32
      %add3A_688 = vector.broadcast %add3A_687 : i32 to vector<16xi32>
      %add3A_689 = arith.addi %add3A_688, %iota3A_686 : vector<16xi32>
      %get3A_690 = arith.index_cast %add3A_464 : i32 to index
      %get3A_691 = arith.constant 64 : index
      %get3A_692 = tpu.vector_load %arg10[%get3A_690, %get3A_691] {strides = array<i32>} : memref<40x128xi32, #tpu.memory_space<vmem>>, vector<16xi32>,
      %get3A_693 = arith.index_cast %add3A_464 : i32 to index
      %get3A_694 = arith.constant 64 : index
      %get3A_695 = tpu.vector_load %arg11[%get3A_693, %get3A_694] {strides = array<i32>} : memref<40x128xi32, #tpu.memory_space<vmem>>, vector<16xi32>,
      %gather3A_696 = tpu.vector_load_idx %arg12[%get3A_692] : memref<10240xf32, #tpu.memory_space<vmem>>[vector<16xi32>], vector<16xf32>,
      %gather3A_697 = tpu.vector_load_idx %arg12[%get3A_695] : memref<10240xf32, #tpu.memory_space<vmem>>[vector<16xi32>], vector<16xf32>,
      %sub3A_698 = arith.subf %gather3A_696, %gather3A_697 : vector<16xf32>
      %mul3A_699 = arith.mulf %sub3A_698, %get3A_9 : vector<16xf32>
      %add3A_700 = arith.addf %mul3A_699, %broadcast_in_dim3A_14 : vector<16xf32>
      %sub3A_701 = arith.subf %add3A_700, %broadcast_in_dim3A_14 : vector<16xf32>
      %mul3A_702 = arith.mulf %get3A_3, %sub3A_701 : vector<16xf32>
      %sub3A_703 = arith.subf %sub3A_698, %mul3A_702 : vector<16xf32>
      %broadcast_in_dim3A_704 = arith.constant 64 : i32
      %broadcast_in_dim3A_705 = vector.broadcast %broadcast_in_dim3A_704 : i32 to vector<16xi32>
      tpu.vector_store_idx %arg17[%add3A_689, %broadcast_in_dim3A_705], %sub3A_703 : memref<128x128xf32, #tpu.memory_space<vmem>>[vector<16xi32>, vector<16xi32>], vector<16xf32>,
      %gather3A_706 = tpu.vector_load_idx %arg13[%get3A_692] : memref<10240xf32, #tpu.memory_space<vmem>>[vector<16xi32>], vector<16xf32>,
      %gather3A_707 = tpu.vector_load_idx %arg13[%get3A_695] : memref<10240xf32, #tpu.memory_space<vmem>>[vector<16xi32>], vector<16xf32>,
      %sub3A_708 = arith.subf %gather3A_706, %gather3A_707 : vector<16xf32>
      %mul3A_709 = arith.mulf %sub3A_708, %get3A_11 : vector<16xf32>
      %add3A_710 = arith.addf %mul3A_709, %broadcast_in_dim3A_14 : vector<16xf32>
      %sub3A_711 = arith.subf %add3A_710, %broadcast_in_dim3A_14 : vector<16xf32>
      %mul3A_712 = arith.mulf %get3A_5, %sub3A_711 : vector<16xf32>
      %sub3A_713 = arith.subf %sub3A_708, %mul3A_712 : vector<16xf32>
      %broadcast_in_dim3A_714 = arith.constant 65 : i32
      %broadcast_in_dim3A_715 = vector.broadcast %broadcast_in_dim3A_714 : i32 to vector<16xi32>
      tpu.vector_store_idx %arg17[%add3A_689, %broadcast_in_dim3A_715], %sub3A_713 : memref<128x128xf32, #tpu.memory_space<vmem>>[vector<16xi32>, vector<16xi32>], vector<16xf32>,
      %gather3A_716 = tpu.vector_load_idx %arg14[%get3A_692] : memref<10240xf32, #tpu.memory_space<vmem>>[vector<16xi32>], vector<16xf32>,
      %gather3A_717 = tpu.vector_load_idx %arg14[%get3A_695] : memref<10240xf32, #tpu.memory_space<vmem>>[vector<16xi32>], vector<16xf32>,
      %sub3A_718 = arith.subf %gather3A_716, %gather3A_717 : vector<16xf32>
      %mul3A_719 = arith.mulf %sub3A_718, %get3A_13 : vector<16xf32>
      %add3A_720 = arith.addf %mul3A_719, %broadcast_in_dim3A_14 : vector<16xf32>
      %sub3A_721 = arith.subf %add3A_720, %broadcast_in_dim3A_14 : vector<16xf32>
      %mul3A_722 = arith.mulf %get3A_7, %sub3A_721 : vector<16xf32>
      %sub3A_723 = arith.subf %sub3A_718, %mul3A_722 : vector<16xf32>
      %broadcast_in_dim3A_724 = arith.constant 66 : i32
      %broadcast_in_dim3A_725 = vector.broadcast %broadcast_in_dim3A_724 : i32 to vector<16xi32>
      tpu.vector_store_idx %arg17[%add3A_689, %broadcast_in_dim3A_725], %sub3A_723 : memref<128x128xf32, #tpu.memory_space<vmem>>[vector<16xi32>, vector<16xi32>], vector<16xf32>,
      %mul3A_726 = arith.mulf %sub3A_703, %sub3A_703 : vector<16xf32>
      %mul3A_727 = arith.mulf %sub3A_713, %sub3A_713 : vector<16xf32>
      %add3A_728 = arith.addf %mul3A_726, %mul3A_727 : vector<16xf32>
      %mul3A_729 = arith.mulf %sub3A_723, %sub3A_723 : vector<16xf32>
      %add3A_730 = arith.addf %add3A_728, %mul3A_729 : vector<16xf32>
      %broadcast_in_dim3A_731 = arith.constant 67 : i32
      %broadcast_in_dim3A_732 = vector.broadcast %broadcast_in_dim3A_731 : i32 to vector<16xi32>
      tpu.vector_store_idx %arg17[%add3A_689, %broadcast_in_dim3A_732], %add3A_730 : memref<128x128xf32, #tpu.memory_space<vmem>>[vector<16xi32>, vector<16xi32>], vector<16xf32>,
      %iota3A_733 = tpu.iota {dimensions = array<i32: 0>} : vector<16xi32>
      %add3A_734 = arith.constant 80 : i32
      %add3A_735 = vector.broadcast %add3A_734 : i32 to vector<16xi32>
      %add3A_736 = arith.addi %add3A_735, %iota3A_733 : vector<16xi32>
      %get3A_737 = arith.index_cast %add3A_464 : i32 to index
      %get3A_738 = arith.constant 80 : index
      %get3A_739 = tpu.vector_load %arg10[%get3A_737, %get3A_738] {strides = array<i32>} : memref<40x128xi32, #tpu.memory_space<vmem>>, vector<16xi32>,
      %get3A_740 = arith.index_cast %add3A_464 : i32 to index
      %get3A_741 = arith.constant 80 : index
      %get3A_742 = tpu.vector_load %arg11[%get3A_740, %get3A_741] {strides = array<i32>} : memref<40x128xi32, #tpu.memory_space<vmem>>, vector<16xi32>,
      %gather3A_743 = tpu.vector_load_idx %arg12[%get3A_739] : memref<10240xf32, #tpu.memory_space<vmem>>[vector<16xi32>], vector<16xf32>,
      %gather3A_744 = tpu.vector_load_idx %arg12[%get3A_742] : memref<10240xf32, #tpu.memory_space<vmem>>[vector<16xi32>], vector<16xf32>,
      %sub3A_745 = arith.subf %gather3A_743, %gather3A_744 : vector<16xf32>
      %mul3A_746 = arith.mulf %sub3A_745, %get3A_9 : vector<16xf32>
      %add3A_747 = arith.addf %mul3A_746, %broadcast_in_dim3A_14 : vector<16xf32>
      %sub3A_748 = arith.subf %add3A_747, %broadcast_in_dim3A_14 : vector<16xf32>
      %mul3A_749 = arith.mulf %get3A_3, %sub3A_748 : vector<16xf32>
      %sub3A_750 = arith.subf %sub3A_745, %mul3A_749 : vector<16xf32>
      %broadcast_in_dim3A_751 = arith.constant 64 : i32
      %broadcast_in_dim3A_752 = vector.broadcast %broadcast_in_dim3A_751 : i32 to vector<16xi32>
      tpu.vector_store_idx %arg17[%add3A_736, %broadcast_in_dim3A_752], %sub3A_750 : memref<128x128xf32, #tpu.memory_space<vmem>>[vector<16xi32>, vector<16xi32>], vector<16xf32>,
      %gather3A_753 = tpu.vector_load_idx %arg13[%get3A_739] : memref<10240xf32, #tpu.memory_space<vmem>>[vector<16xi32>], vector<16xf32>,
      %gather3A_754 = tpu.vector_load_idx %arg13[%get3A_742] : memref<10240xf32, #tpu.memory_space<vmem>>[vector<16xi32>], vector<16xf32>,
      %sub3A_755 = arith.subf %gather3A_753, %gather3A_754 : vector<16xf32>
      %mul3A_756 = arith.mulf %sub3A_755, %get3A_11 : vector<16xf32>
      %add3A_757 = arith.addf %mul3A_756, %broadcast_in_dim3A_14 : vector<16xf32>
      %sub3A_758 = arith.subf %add3A_757, %broadcast_in_dim3A_14 : vector<16xf32>
      %mul3A_759 = arith.mulf %get3A_5, %sub3A_758 : vector<16xf32>
      %sub3A_760 = arith.subf %sub3A_755, %mul3A_759 : vector<16xf32>
      %broadcast_in_dim3A_761 = arith.constant 65 : i32
      %broadcast_in_dim3A_762 = vector.broadcast %broadcast_in_dim3A_761 : i32 to vector<16xi32>
      tpu.vector_store_idx %arg17[%add3A_736, %broadcast_in_dim3A_762], %sub3A_760 : memref<128x128xf32, #tpu.memory_space<vmem>>[vector<16xi32>, vector<16xi32>], vector<16xf32>,
      %gather3A_763 = tpu.vector_load_idx %arg14[%get3A_739] : memref<10240xf32, #tpu.memory_space<vmem>>[vector<16xi32>], vector<16xf32>,
      %gather3A_764 = tpu.vector_load_idx %arg14[%get3A_742] : memref<10240xf32, #tpu.memory_space<vmem>>[vector<16xi32>], vector<16xf32>,
      %sub3A_765 = arith.subf %gather3A_763, %gather3A_764 : vector<16xf32>
      %mul3A_766 = arith.mulf %sub3A_765, %get3A_13 : vector<16xf32>
      %add3A_767 = arith.addf %mul3A_766, %broadcast_in_dim3A_14 : vector<16xf32>
      %sub3A_768 = arith.subf %add3A_767, %broadcast_in_dim3A_14 : vector<16xf32>
      %mul3A_769 = arith.mulf %get3A_7, %sub3A_768 : vector<16xf32>
      %sub3A_770 = arith.subf %sub3A_765, %mul3A_769 : vector<16xf32>
      %broadcast_in_dim3A_771 = arith.constant 66 : i32
      %broadcast_in_dim3A_772 = vector.broadcast %broadcast_in_dim3A_771 : i32 to vector<16xi32>
      tpu.vector_store_idx %arg17[%add3A_736, %broadcast_in_dim3A_772], %sub3A_770 : memref<128x128xf32, #tpu.memory_space<vmem>>[vector<16xi32>, vector<16xi32>], vector<16xf32>,
      %mul3A_773 = arith.mulf %sub3A_750, %sub3A_750 : vector<16xf32>
      %mul3A_774 = arith.mulf %sub3A_760, %sub3A_760 : vector<16xf32>
      %add3A_775 = arith.addf %mul3A_773, %mul3A_774 : vector<16xf32>
      %mul3A_776 = arith.mulf %sub3A_770, %sub3A_770 : vector<16xf32>
      %add3A_777 = arith.addf %add3A_775, %mul3A_776 : vector<16xf32>
      %broadcast_in_dim3A_778 = arith.constant 67 : i32
      %broadcast_in_dim3A_779 = vector.broadcast %broadcast_in_dim3A_778 : i32 to vector<16xi32>
      tpu.vector_store_idx %arg17[%add3A_736, %broadcast_in_dim3A_779], %add3A_777 : memref<128x128xf32, #tpu.memory_space<vmem>>[vector<16xi32>, vector<16xi32>], vector<16xf32>,
      %iota3A_780 = tpu.iota {dimensions = array<i32: 0>} : vector<16xi32>
      %add3A_781 = arith.constant 96 : i32
      %add3A_782 = vector.broadcast %add3A_781 : i32 to vector<16xi32>
      %add3A_783 = arith.addi %add3A_782, %iota3A_780 : vector<16xi32>
      %get3A_784 = arith.index_cast %add3A_464 : i32 to index
      %get3A_785 = arith.constant 96 : index
      %get3A_786 = tpu.vector_load %arg10[%get3A_784, %get3A_785] {strides = array<i32>} : memref<40x128xi32, #tpu.memory_space<vmem>>, vector<16xi32>,
      %get3A_787 = arith.index_cast %add3A_464 : i32 to index
      %get3A_788 = arith.constant 96 : index
      %get3A_789 = tpu.vector_load %arg11[%get3A_787, %get3A_788] {strides = array<i32>} : memref<40x128xi32, #tpu.memory_space<vmem>>, vector<16xi32>,
      %gather3A_790 = tpu.vector_load_idx %arg12[%get3A_786] : memref<10240xf32, #tpu.memory_space<vmem>>[vector<16xi32>], vector<16xf32>,
      %gather3A_791 = tpu.vector_load_idx %arg12[%get3A_789] : memref<10240xf32, #tpu.memory_space<vmem>>[vector<16xi32>], vector<16xf32>,
      %sub3A_792 = arith.subf %gather3A_790, %gather3A_791 : vector<16xf32>
      %mul3A_793 = arith.mulf %sub3A_792, %get3A_9 : vector<16xf32>
      %add3A_794 = arith.addf %mul3A_793, %broadcast_in_dim3A_14 : vector<16xf32>
      %sub3A_795 = arith.subf %add3A_794, %broadcast_in_dim3A_14 : vector<16xf32>
      %mul3A_796 = arith.mulf %get3A_3, %sub3A_795 : vector<16xf32>
      %sub3A_797 = arith.subf %sub3A_792, %mul3A_796 : vector<16xf32>
      %broadcast_in_dim3A_798 = arith.constant 64 : i32
      %broadcast_in_dim3A_799 = vector.broadcast %broadcast_in_dim3A_798 : i32 to vector<16xi32>
      tpu.vector_store_idx %arg17[%add3A_783, %broadcast_in_dim3A_799], %sub3A_797 : memref<128x128xf32, #tpu.memory_space<vmem>>[vector<16xi32>, vector<16xi32>], vector<16xf32>,
      %gather3A_800 = tpu.vector_load_idx %arg13[%get3A_786] : memref<10240xf32, #tpu.memory_space<vmem>>[vector<16xi32>], vector<16xf32>,
      %gather3A_801 = tpu.vector_load_idx %arg13[%get3A_789] : memref<10240xf32, #tpu.memory_space<vmem>>[vector<16xi32>], vector<16xf32>,
      %sub3A_802 = arith.subf %gather3A_800, %gather3A_801 : vector<16xf32>
      %mul3A_803 = arith.mulf %sub3A_802, %get3A_11 : vector<16xf32>
      %add3A_804 = arith.addf %mul3A_803, %broadcast_in_dim3A_14 : vector<16xf32>
      %sub3A_805 = arith.subf %add3A_804, %broadcast_in_dim3A_14 : vector<16xf32>
      %mul3A_806 = arith.mulf %get3A_5, %sub3A_805 : vector<16xf32>
      %sub3A_807 = arith.subf %sub3A_802, %mul3A_806 : vector<16xf32>
      %broadcast_in_dim3A_808 = arith.constant 65 : i32
      %broadcast_in_dim3A_809 = vector.broadcast %broadcast_in_dim3A_808 : i32 to vector<16xi32>
      tpu.vector_store_idx %arg17[%add3A_783, %broadcast_in_dim3A_809], %sub3A_807 : memref<128x128xf32, #tpu.memory_space<vmem>>[vector<16xi32>, vector<16xi32>], vector<16xf32>,
      %gather3A_810 = tpu.vector_load_idx %arg14[%get3A_786] : memref<10240xf32, #tpu.memory_space<vmem>>[vector<16xi32>], vector<16xf32>,
      %gather3A_811 = tpu.vector_load_idx %arg14[%get3A_789] : memref<10240xf32, #tpu.memory_space<vmem>>[vector<16xi32>], vector<16xf32>,
      %sub3A_812 = arith.subf %gather3A_810, %gather3A_811 : vector<16xf32>
      %mul3A_813 = arith.mulf %sub3A_812, %get3A_13 : vector<16xf32>
      %add3A_814 = arith.addf %mul3A_813, %broadcast_in_dim3A_14 : vector<16xf32>
      %sub3A_815 = arith.subf %add3A_814, %broadcast_in_dim3A_14 : vector<16xf32>
      %mul3A_816 = arith.mulf %get3A_7, %sub3A_815 : vector<16xf32>
      %sub3A_817 = arith.subf %sub3A_812, %mul3A_816 : vector<16xf32>
      %broadcast_in_dim3A_818 = arith.constant 66 : i32
      %broadcast_in_dim3A_819 = vector.broadcast %broadcast_in_dim3A_818 : i32 to vector<16xi32>
      tpu.vector_store_idx %arg17[%add3A_783, %broadcast_in_dim3A_819], %sub3A_817 : memref<128x128xf32, #tpu.memory_space<vmem>>[vector<16xi32>, vector<16xi32>], vector<16xf32>,
      %mul3A_820 = arith.mulf %sub3A_797, %sub3A_797 : vector<16xf32>
      %mul3A_821 = arith.mulf %sub3A_807, %sub3A_807 : vector<16xf32>
      %add3A_822 = arith.addf %mul3A_820, %mul3A_821 : vector<16xf32>
      %mul3A_823 = arith.mulf %sub3A_817, %sub3A_817 : vector<16xf32>
      %add3A_824 = arith.addf %add3A_822, %mul3A_823 : vector<16xf32>
      %broadcast_in_dim3A_825 = arith.constant 67 : i32
      %broadcast_in_dim3A_826 = vector.broadcast %broadcast_in_dim3A_825 : i32 to vector<16xi32>
      tpu.vector_store_idx %arg17[%add3A_783, %broadcast_in_dim3A_826], %add3A_824 : memref<128x128xf32, #tpu.memory_space<vmem>>[vector<16xi32>, vector<16xi32>], vector<16xf32>,
      %iota3A_827 = tpu.iota {dimensions = array<i32: 0>} : vector<16xi32>
      %add3A_828 = arith.constant 112 : i32
      %add3A_829 = vector.broadcast %add3A_828 : i32 to vector<16xi32>
      %add3A_830 = arith.addi %add3A_829, %iota3A_827 : vector<16xi32>
      %get3A_831 = arith.index_cast %add3A_464 : i32 to index
      %get3A_832 = arith.constant 112 : index
      %get3A_833 = tpu.vector_load %arg10[%get3A_831, %get3A_832] {strides = array<i32>} : memref<40x128xi32, #tpu.memory_space<vmem>>, vector<16xi32>,
      %get3A_834 = arith.index_cast %add3A_464 : i32 to index
      %get3A_835 = arith.constant 112 : index
      %get3A_836 = tpu.vector_load %arg11[%get3A_834, %get3A_835] {strides = array<i32>} : memref<40x128xi32, #tpu.memory_space<vmem>>, vector<16xi32>,
      %gather3A_837 = tpu.vector_load_idx %arg12[%get3A_833] : memref<10240xf32, #tpu.memory_space<vmem>>[vector<16xi32>], vector<16xf32>,
      %gather3A_838 = tpu.vector_load_idx %arg12[%get3A_836] : memref<10240xf32, #tpu.memory_space<vmem>>[vector<16xi32>], vector<16xf32>,
      %sub3A_839 = arith.subf %gather3A_837, %gather3A_838 : vector<16xf32>
      %mul3A_840 = arith.mulf %sub3A_839, %get3A_9 : vector<16xf32>
      %add3A_841 = arith.addf %mul3A_840, %broadcast_in_dim3A_14 : vector<16xf32>
      %sub3A_842 = arith.subf %add3A_841, %broadcast_in_dim3A_14 : vector<16xf32>
      %mul3A_843 = arith.mulf %get3A_3, %sub3A_842 : vector<16xf32>
      %sub3A_844 = arith.subf %sub3A_839, %mul3A_843 : vector<16xf32>
      %broadcast_in_dim3A_845 = arith.constant 64 : i32
      %broadcast_in_dim3A_846 = vector.broadcast %broadcast_in_dim3A_845 : i32 to vector<16xi32>
      tpu.vector_store_idx %arg17[%add3A_830, %broadcast_in_dim3A_846], %sub3A_844 : memref<128x128xf32, #tpu.memory_space<vmem>>[vector<16xi32>, vector<16xi32>], vector<16xf32>,
      %gather3A_847 = tpu.vector_load_idx %arg13[%get3A_833] : memref<10240xf32, #tpu.memory_space<vmem>>[vector<16xi32>], vector<16xf32>,
      %gather3A_848 = tpu.vector_load_idx %arg13[%get3A_836] : memref<10240xf32, #tpu.memory_space<vmem>>[vector<16xi32>], vector<16xf32>,
      %sub3A_849 = arith.subf %gather3A_847, %gather3A_848 : vector<16xf32>
      %mul3A_850 = arith.mulf %sub3A_849, %get3A_11 : vector<16xf32>
      %add3A_851 = arith.addf %mul3A_850, %broadcast_in_dim3A_14 : vector<16xf32>
      %sub3A_852 = arith.subf %add3A_851, %broadcast_in_dim3A_14 : vector<16xf32>
      %mul3A_853 = arith.mulf %get3A_5, %sub3A_852 : vector<16xf32>
      %sub3A_854 = arith.subf %sub3A_849, %mul3A_853 : vector<16xf32>
      %broadcast_in_dim3A_855 = arith.constant 65 : i32
      %broadcast_in_dim3A_856 = vector.broadcast %broadcast_in_dim3A_855 : i32 to vector<16xi32>
      tpu.vector_store_idx %arg17[%add3A_830, %broadcast_in_dim3A_856], %sub3A_854 : memref<128x128xf32, #tpu.memory_space<vmem>>[vector<16xi32>, vector<16xi32>], vector<16xf32>,
      %gather3A_857 = tpu.vector_load_idx %arg14[%get3A_833] : memref<10240xf32, #tpu.memory_space<vmem>>[vector<16xi32>], vector<16xf32>,
      %gather3A_858 = tpu.vector_load_idx %arg14[%get3A_836] : memref<10240xf32, #tpu.memory_space<vmem>>[vector<16xi32>], vector<16xf32>,
      %sub3A_859 = arith.subf %gather3A_857, %gather3A_858 : vector<16xf32>
      %mul3A_860 = arith.mulf %sub3A_859, %get3A_13 : vector<16xf32>
      %add3A_861 = arith.addf %mul3A_860, %broadcast_in_dim3A_14 : vector<16xf32>
      %sub3A_862 = arith.subf %add3A_861, %broadcast_in_dim3A_14 : vector<16xf32>
      %mul3A_863 = arith.mulf %get3A_7, %sub3A_862 : vector<16xf32>
      %sub3A_864 = arith.subf %sub3A_859, %mul3A_863 : vector<16xf32>
      %broadcast_in_dim3A_865 = arith.constant 66 : i32
      %broadcast_in_dim3A_866 = vector.broadcast %broadcast_in_dim3A_865 : i32 to vector<16xi32>
      tpu.vector_store_idx %arg17[%add3A_830, %broadcast_in_dim3A_866], %sub3A_864 : memref<128x128xf32, #tpu.memory_space<vmem>>[vector<16xi32>, vector<16xi32>], vector<16xf32>,
      %mul3A_867 = arith.mulf %sub3A_844, %sub3A_844 : vector<16xf32>
      %mul3A_868 = arith.mulf %sub3A_854, %sub3A_854 : vector<16xf32>
      %add3A_869 = arith.addf %mul3A_867, %mul3A_868 : vector<16xf32>
      %mul3A_870 = arith.mulf %sub3A_864, %sub3A_864 : vector<16xf32>
      %add3A_871 = arith.addf %add3A_869, %mul3A_870 : vector<16xf32>
      %broadcast_in_dim3A_872 = arith.constant 67 : i32
      %broadcast_in_dim3A_873 = vector.broadcast %broadcast_in_dim3A_872 : i32 to vector<16xi32>
      tpu.vector_store_idx %arg17[%add3A_830, %broadcast_in_dim3A_873], %add3A_871 : memref<128x128xf32, #tpu.memory_space<vmem>>[vector<16xi32>, vector<16xi32>], vector<16xf32>,
      %mul3A_874 = arith.constant 5120 : i32
      %mul3A_875 = arith.muli %add3A, %mul3A_874 : i32
      %mul3A_876 = arith.constant 128 : i32
      %mul3A_877 = arith.muli %add3A_464, %mul3A_876 : i32
      %add3A_878 = arith.addi %mul3A_875, %mul3A_877 : i32
      "tpu.region"() ({
        %run_scoped3A = tpu.sem_alloc : memref<!tpu.dma_semaphore, #tpu.memory_space<semaphore_mem>>
        %dma_start3A_879 = arith.constant 0 : i32
        %dma_start3A_880 = tpu.memref_slice %arg9[%add3A_878, %dma_start3A_879] : memref<163840x128xf32, #tpu.memory_space<hbm>> -> memref<128x128xf32, #tpu.memory_space<hbm>>
        %dma_start3A_881 = arith.constant 0 : i32
        %dma_start3A_882 = tpu.memref_slice %arg9[%add3A_878, %dma_start3A_881] : memref<163840x128xf32, #tpu.memory_space<hbm>> -> memref<128x128xf32, #tpu.memory_space<hbm>>
        tpu.enqueue_dma source(%arg17 : memref<128x128xf32, #tpu.memory_space<vmem>>) target(%dma_start3A_882 : memref<128x128xf32, #tpu.memory_space<hbm>>) target_semaphore(%run_scoped3A : memref<!tpu.dma_semaphore, #tpu.memory_space<semaphore_mem>>)
        %dma_wait3A_883 = arith.constant 0 : i32
        %dma_wait3A_884 = tpu.memref_slice %arg9[%add3A_878, %dma_wait3A_883] : memref<163840x128xf32, #tpu.memory_space<hbm>> -> memref<128x128xf32, #tpu.memory_space<hbm>>
        %dma_wait3A_885 = arith.constant 0 : i32
        %dma_wait3A_886 = tpu.memref_slice %arg9[%add3A_878, %dma_wait3A_885] : memref<163840x128xf32, #tpu.memory_space<hbm>> -> memref<128x128xf32, #tpu.memory_space<hbm>>
        tpu.wait_dma2 semaphore(%run_scoped3A : memref<!tpu.dma_semaphore, #tpu.memory_space<semaphore_mem>>) src(%arg17 : memref<128x128xf32, #tpu.memory_space<vmem>>) dst(%dma_wait3A_886 : memref<128x128xf32, #tpu.memory_space<hbm>>)
        tpu.yield
      }) : () -> ()
    }
    %scan3A_32 = arith.constant 20 : i32
    %dma_wait3A = arith.constant 0 : i32
    %dma_wait3A_33 = arith.constant 0 : i32
    %dma_wait3A_34 = tpu.memref_slice %arg10[%dma_wait3A, %dma_wait3A_33] : memref<40x128xi32, #tpu.memory_space<vmem>> -> memref<1x128xi32, #tpu.memory_space<vmem>>
    %dma_wait3A_35 = tpu.memref_squeeze %dma_wait3A_34 : memref<1x128xi32, #tpu.memory_space<vmem>> -> memref<128xi32, #tpu.memory_space<vmem>>
    %dma_wait3A_36 = arith.constant 0 : i32
    %dma_wait3A_37 = arith.constant 0 : i32
    %dma_wait3A_38 = tpu.memref_slice %arg2[%dma_wait3A_36, %dma_wait3A_37] : memref<10240x128xf32, #tpu.memory_space<hbm>> -> memref<10240x128xf32, #tpu.memory_space<hbm>>
    tpu.wait_indirect_dma semaphore(%arg20 : memref<!tpu.dma_semaphore, #tpu.memory_space<semaphore_mem>>) src(%dma_wait3A_38 : memref<10240x128xf32, #tpu.memory_space<hbm>>) dst(%arg16 : memref<128x128xf32, #tpu.memory_space<vmem>>)
    %dma_wait3A_39 = arith.constant 0 : i32
    %dma_wait3A_40 = arith.constant 0 : i32
    %dma_wait3A_41 = tpu.memref_slice %arg11[%dma_wait3A_39, %dma_wait3A_40] : memref<40x128xi32, #tpu.memory_space<vmem>> -> memref<1x128xi32, #tpu.memory_space<vmem>>
    %dma_wait3A_42 = tpu.memref_squeeze %dma_wait3A_41 : memref<1x128xi32, #tpu.memory_space<vmem>> -> memref<128xi32, #tpu.memory_space<vmem>>
    %dma_wait3A_43 = arith.constant 0 : i32
    %dma_wait3A_44 = arith.constant 0 : i32
    %dma_wait3A_45 = tpu.memref_slice %arg2[%dma_wait3A_43, %dma_wait3A_44] : memref<10240x128xf32, #tpu.memory_space<hbm>> -> memref<10240x128xf32, #tpu.memory_space<hbm>>
    tpu.wait_indirect_dma semaphore(%arg22 : memref<!tpu.dma_semaphore, #tpu.memory_space<semaphore_mem>>) src(%dma_wait3A_45 : memref<10240x128xf32, #tpu.memory_space<hbm>>) dst(%arg18 : memref<128x128xf32, #tpu.memory_space<vmem>>)
    return
  }
}

#map = affine_map<(d0, d1) -> (0, 0)>
#map1 = affine_map<(d0, d1) -> (0)>
module attributes {stable_mosaic.version = 14 : i64} {
  func.func @_sc_gather_body(%arg0: i32, %arg1: i32, %arg2: memref<10240x128xf32, #tpu.memory_space<hbm>>, %arg3: memref<10240xf32, #tpu.memory_space<hbm>>, %arg4: memref<10240xf32, #tpu.memory_space<hbm>>, %arg5: memref<10240xf32, #tpu.memory_space<hbm>>, %arg6: memref<1280x128xi32, #tpu.memory_space<hbm>>, %arg7: memref<1280x128xi32, #tpu.memory_space<hbm>>, %arg8: memref<96xf32, #tpu.memory_space<hbm>>, %arg9: memref<163840x128xf32, #tpu.memory_space<hbm>>, %arg10: memref<40x128xi32, #tpu.memory_space<vmem>>, %arg11: memref<40x128xi32, #tpu.memory_space<vmem>>, %arg12: memref<10240xf32, #tpu.memory_space<vmem>>, %arg13: memref<10240xf32, #tpu.memory_space<vmem>>, %arg14: memref<10240xf32, #tpu.memory_space<vmem>>, %arg15: memref<96xf32, #tpu.memory_space<vmem>>, %arg16: memref<128x128xf32, #tpu.memory_space<vmem>>, %arg17: memref<128x128xf32, #tpu.memory_space<vmem>>, %arg18: memref<128x128xf32, #tpu.memory_space<vmem>>, %arg19: memref<128x128xf32, #tpu.memory_space<vmem>>, %arg20: memref<!tpu.dma_semaphore, #tpu.memory_space<semaphore_mem>>, %arg21: memref<!tpu.dma_semaphore, #tpu.memory_space<semaphore_mem>>, %arg22: memref<!tpu.dma_semaphore, #tpu.memory_space<semaphore_mem>>, %arg23: memref<!tpu.dma_semaphore, #tpu.memory_space<semaphore_mem>>) attributes {dimension_semantics = [#tpu.dimension_semantics<core_parallel>, #tpu.dimension_semantics<subcore_parallel>], iteration_bounds = array<i64: 2, 16>, scalar_prefetch = 0 : i64, scratch_operands = 14 : i64, tpu.core_type = #tpu.core_type<sc_vector_subcore>, window_params = [{transform_indices = #map}, {transform_indices = #map1}, {transform_indices = #map1}, {transform_indices = #map1}, {transform_indices = #map}, {transform_indices = #map}, {transform_indices = #map1}, {transform_indices = #map}]} {
    %mul3A = arith.constant 2 : i32
    %mul3A_0 = arith.muli %arg1, %mul3A : i32
    %add3A = arith.addi %mul3A_0, %arg0 : i32
    %mul3A_1 = arith.constant 40 : i32
    %mul3A_2 = arith.muli %add3A, %mul3A_1 : i32
    "tpu.region"() ({
      %run_scoped3A = tpu.sem_alloc : memref<!tpu.dma_semaphore, #tpu.memory_space<semaphore_mem>>
      %dma_start3A_46 = arith.constant 0 : i32
      %dma_start3A_47 = tpu.memref_slice %arg6[%mul3A_2, %dma_start3A_46] : memref<1280x128xi32, #tpu.memory_space<hbm>> -> memref<40x128xi32, #tpu.memory_space<hbm>>
      %dma_start3A_48 = arith.constant 0 : i32
      %dma_start3A_49 = tpu.memref_slice %arg6[%mul3A_2, %dma_start3A_48] : memref<1280x128xi32, #tpu.memory_space<hbm>> -> memref<40x128xi32, #tpu.memory_space<hbm>>
      tpu.enqueue_dma source(%dma_start3A_49 : memref<40x128xi32, #tpu.memory_space<hbm>>) target(%arg10 : memref<40x128xi32, #tpu.memory_space<vmem>>) target_semaphore(%run_scoped3A : memref<!tpu.dma_semaphore, #tpu.memory_space<semaphore_mem>>)
      %dma_wait3A_50 = arith.constant 0 : i32
      %dma_wait3A_51 = tpu.memref_slice %arg6[%mul3A_2, %dma_wait3A_50] : memref<1280x128xi32, #tpu.memory_space<hbm>> -> memref<40x128xi32, #tpu.memory_space<hbm>>
      %dma_wait3A_52 = arith.constant 0 : i32
      %dma_wait3A_53 = tpu.memref_slice %arg6[%mul3A_2, %dma_wait3A_52] : memref<1280x128xi32, #tpu.memory_space<hbm>> -> memref<40x128xi32, #tpu.memory_space<hbm>>
      tpu.wait_dma2 semaphore(%run_scoped3A : memref<!tpu.dma_semaphore, #tpu.memory_space<semaphore_mem>>) src(%dma_wait3A_53 : memref<40x128xi32, #tpu.memory_space<hbm>>) dst(%arg10 : memref<40x128xi32, #tpu.memory_space<vmem>>)
      tpu.yield
    }) : () -> ()
    "tpu.region"() ({
      %run_scoped3A = tpu.sem_alloc : memref<!tpu.dma_semaphore, #tpu.memory_space<semaphore_mem>>
      %dma_start3A_46 = arith.constant 0 : i32
      %dma_start3A_47 = tpu.memref_slice %arg7[%mul3A_2, %dma_start3A_46] : memref<1280x128xi32, #tpu.memory_space<hbm>> -> memref<40x128xi32, #tpu.memory_space<hbm>>
      %dma_start3A_48 = arith.constant 0 : i32
      %dma_start3A_49 = tpu.memref_slice %arg7[%mul3A_2, %dma_start3A_48] : memref<1280x128xi32, #tpu.memory_space<hbm>> -> memref<40x128xi32, #tpu.memory_space<hbm>>
      tpu.enqueue_dma source(%dma_start3A_49 : memref<40x128xi32, #tpu.memory_space<hbm>>) target(%arg11 : memref<40x128xi32, #tpu.memory_space<vmem>>) target_semaphore(%run_scoped3A : memref<!tpu.dma_semaphore, #tpu.memory_space<semaphore_mem>>)
      %dma_wait3A_50 = arith.constant 0 : i32
      %dma_wait3A_51 = tpu.memref_slice %arg7[%mul3A_2, %dma_wait3A_50] : memref<1280x128xi32, #tpu.memory_space<hbm>> -> memref<40x128xi32, #tpu.memory_space<hbm>>
      %dma_wait3A_52 = arith.constant 0 : i32
      %dma_wait3A_53 = tpu.memref_slice %arg7[%mul3A_2, %dma_wait3A_52] : memref<1280x128xi32, #tpu.memory_space<hbm>> -> memref<40x128xi32, #tpu.memory_space<hbm>>
      tpu.wait_dma2 semaphore(%run_scoped3A : memref<!tpu.dma_semaphore, #tpu.memory_space<semaphore_mem>>) src(%dma_wait3A_53 : memref<40x128xi32, #tpu.memory_space<hbm>>) dst(%arg11 : memref<40x128xi32, #tpu.memory_space<vmem>>)
      tpu.yield
    }) : () -> ()
    "tpu.region"() ({
      %run_scoped3A = tpu.sem_alloc : memref<!tpu.dma_semaphore, #tpu.memory_space<semaphore_mem>>
      tpu.enqueue_dma source(%arg3 : memref<10240xf32, #tpu.memory_space<hbm>>) target(%arg12 : memref<10240xf32, #tpu.memory_space<vmem>>) target_semaphore(%run_scoped3A : memref<!tpu.dma_semaphore, #tpu.memory_space<semaphore_mem>>)
      tpu.wait_dma2 semaphore(%run_scoped3A : memref<!tpu.dma_semaphore, #tpu.memory_space<semaphore_mem>>) src(%arg3 : memref<10240xf32, #tpu.memory_space<hbm>>) dst(%arg12 : memref<10240xf32, #tpu.memory_space<vmem>>)
      tpu.yield
    }) : () -> ()
    "tpu.region"() ({
      %run_scoped3A = tpu.sem_alloc : memref<!tpu.dma_semaphore, #tpu.memory_space<semaphore_mem>>
      tpu.enqueue_dma source(%arg4 : memref<10240xf32, #tpu.memory_space<hbm>>) target(%arg13 : memref<10240xf32, #tpu.memory_space<vmem>>) target_semaphore(%run_scoped3A : memref<!tpu.dma_semaphore, #tpu.memory_space<semaphore_mem>>)
      tpu.wait_dma2 semaphore(%run_scoped3A : memref<!tpu.dma_semaphore, #tpu.memory_space<semaphore_mem>>) src(%arg4 : memref<10240xf32, #tpu.memory_space<hbm>>) dst(%arg13 : memref<10240xf32, #tpu.memory_space<vmem>>)
      tpu.yield
    }) : () -> ()
    "tpu.region"() ({
      %run_scoped3A = tpu.sem_alloc : memref<!tpu.dma_semaphore, #tpu.memory_space<semaphore_mem>>
      tpu.enqueue_dma source(%arg5 : memref<10240xf32, #tpu.memory_space<hbm>>) target(%arg14 : memref<10240xf32, #tpu.memory_space<vmem>>) target_semaphore(%run_scoped3A : memref<!tpu.dma_semaphore, #tpu.memory_space<semaphore_mem>>)
      tpu.wait_dma2 semaphore(%run_scoped3A : memref<!tpu.dma_semaphore, #tpu.memory_space<semaphore_mem>>) src(%arg5 : memref<10240xf32, #tpu.memory_space<hbm>>) dst(%arg14 : memref<10240xf32, #tpu.memory_space<vmem>>)
      tpu.yield
    }) : () -> ()
    "tpu.region"() ({
      %run_scoped3A = tpu.sem_alloc : memref<!tpu.dma_semaphore, #tpu.memory_space<semaphore_mem>>
      tpu.enqueue_dma source(%arg8 : memref<96xf32, #tpu.memory_space<hbm>>) target(%arg15 : memref<96xf32, #tpu.memory_space<vmem>>) target_semaphore(%run_scoped3A : memref<!tpu.dma_semaphore, #tpu.memory_space<semaphore_mem>>)
      tpu.wait_dma2 semaphore(%run_scoped3A : memref<!tpu.dma_semaphore, #tpu.memory_space<semaphore_mem>>) src(%arg8 : memref<96xf32, #tpu.memory_space<hbm>>) dst(%arg15 : memref<96xf32, #tpu.memory_space<vmem>>)
      tpu.yield
    }) : () -> ()
    %get3A = arith.constant 0 : index
    %get3A_3 = tpu.vector_load %arg15[%get3A] {strides = array<i32>} : memref<96xf32, #tpu.memory_space<vmem>>, vector<16xf32>,
    %get3A_4 = arith.constant 16 : index
    %get3A_5 = tpu.vector_load %arg15[%get3A_4] {strides = array<i32>} : memref<96xf32, #tpu.memory_space<vmem>>, vector<16xf32>,
    %get3A_6 = arith.constant 32 : index
    %get3A_7 = tpu.vector_load %arg15[%get3A_6] {strides = array<i32>} : memref<96xf32, #tpu.memory_space<vmem>>, vector<16xf32>,
    %get3A_8 = arith.constant 48 : index
    %get3A_9 = tpu.vector_load %arg15[%get3A_8] {strides = array<i32>} : memref<96xf32, #tpu.memory_space<vmem>>, vector<16xf32>,
    %get3A_10 = arith.constant 64 : index
    %get3A_11 = tpu.vector_load %arg15[%get3A_10] {strides = array<i32>} : memref<96xf32, #tpu.memory_space<vmem>>, vector<16xf32>,
    %get3A_12 = arith.constant 80 : index
    %get3A_13 = tpu.vector_load %arg15[%get3A_12] {strides = array<i32>} : memref<96xf32, #tpu.memory_space<vmem>>, vector<16xf32>,
    %broadcast_in_dim3A = arith.constant 0x4B400000 : f32
    %broadcast_in_dim3A_14 = vector.broadcast %broadcast_in_dim3A : f32 to vector<16xf32>
    %dma_start3A = arith.constant 0 : i32
    %dma_start3A_15 = arith.constant 0 : i32
    %dma_start3A_16 = tpu.memref_slice %arg10[%dma_start3A, %dma_start3A_15] : memref<40x128xi32, #tpu.memory_space<vmem>> -> memref<1x128xi32, #tpu.memory_space<vmem>>
    %dma_start3A_17 = tpu.memref_squeeze %dma_start3A_16 : memref<1x128xi32, #tpu.memory_space<vmem>> -> memref<128xi32, #tpu.memory_space<vmem>>
    %dma_start3A_18 = arith.constant 0 : i32
    %dma_start3A_19 = arith.constant 0 : i32
    %dma_start3A_20 = tpu.memref_slice %arg2[%dma_start3A_18, %dma_start3A_19] : memref<10240x128xf32, #tpu.memory_space<hbm>> -> memref<10240x128xf32, #tpu.memory_space<hbm>>
    tpu.enqueue_indirect_dma source(%dma_start3A_20 : memref<10240x128xf32, #tpu.memory_space<hbm>>) target(%arg16 : memref<128x128xf32, #tpu.memory_space<vmem>>) offsets(%dma_start3A_17 : memref<128xi32, #tpu.memory_space<vmem>>) semaphore(%arg20 : memref<!tpu.dma_semaphore, #tpu.memory_space<semaphore_mem>>)
    %dma_start3A_21 = arith.constant 0 : i32
    %dma_start3A_22 = arith.constant 0 : i32
    %dma_start3A_23 = tpu.memref_slice %arg11[%dma_start3A_21, %dma_start3A_22] : memref<40x128xi32, #tpu.memory_space<vmem>> -> memref<1x128xi32, #tpu.memory_space<vmem>>
    %dma_start3A_24 = tpu.memref_squeeze %dma_start3A_23 : memref<1x128xi32, #tpu.memory_space<vmem>> -> memref<128xi32, #tpu.memory_space<vmem>>
    %dma_start3A_25 = arith.constant 0 : i32
    %dma_start3A_26 = arith.constant 0 : i32
    %dma_start3A_27 = tpu.memref_slice %arg2[%dma_start3A_25, %dma_start3A_26] : memref<10240x128xf32, #tpu.memory_space<hbm>> -> memref<10240x128xf32, #tpu.memory_space<hbm>>
    tpu.enqueue_indirect_dma source(%dma_start3A_27 : memref<10240x128xf32, #tpu.memory_space<hbm>>) target(%arg18 : memref<128x128xf32, #tpu.memory_space<vmem>>) offsets(%dma_start3A_24 : memref<128xi32, #tpu.memory_space<vmem>>) semaphore(%arg22 : memref<!tpu.dma_semaphore, #tpu.memory_space<semaphore_mem>>)
    %scan3A = arith.constant 0 : i32
    %scan3A_28 = arith.constant 0 : i32
    %scan3A_29 = arith.constant 20 : i32
    %scan3A_30 = arith.addi %scan3A_28, %scan3A_29 : i32
    %scan3A_31 = arith.constant 1 : i32
    scf.for %scan3A_46 = %scan3A_28 to %scan3A_30 step %scan3A_31  : i32 {
      %mul3A_47 = arith.constant 2 : i32
      %mul3A_48 = arith.muli %scan3A_46, %mul3A_47 : i32
      %add3A_49 = arith.constant 0 : i32
      %add3A_50 = arith.addi %mul3A_48, %add3A_49 : i32
      %add3A_51 = arith.constant 1 : i32
      %add3A_52 = arith.addi %add3A_50, %add3A_51 : i32
      %min3A = arith.constant 39 : i32
      %min3A_53 = arith.minsi %add3A_52, %min3A : i32
      %dma_start3A_54 = arith.constant 0 : i32
      %dma_start3A_55 = tpu.memref_slice %arg10[%min3A_53, %dma_start3A_54] : memref<40x128xi32, #tpu.memory_space<vmem>> -> memref<1x128xi32, #tpu.memory_space<vmem>>
      %dma_start3A_56 = tpu.memref_squeeze %dma_start3A_55 : memref<1x128xi32, #tpu.memory_space<vmem>> -> memref<128xi32, #tpu.memory_space<vmem>>
      %dma_start3A_57 = arith.constant 0 : i32
      %dma_start3A_58 = arith.constant 0 : i32
      %dma_start3A_59 = tpu.memref_slice %arg2[%dma_start3A_57, %dma_start3A_58] : memref<10240x128xf32, #tpu.memory_space<hbm>> -> memref<10240x128xf32, #tpu.memory_space<hbm>>
      tpu.enqueue_indirect_dma source(%dma_start3A_59 : memref<10240x128xf32, #tpu.memory_space<hbm>>) target(%arg17 : memref<128x128xf32, #tpu.memory_space<vmem>>) offsets(%dma_start3A_56 : memref<128xi32, #tpu.memory_space<vmem>>) semaphore(%arg21 : memref<!tpu.dma_semaphore, #tpu.memory_space<semaphore_mem>>)
      %dma_start3A_60 = arith.constant 0 : i32
      %dma_start3A_61 = tpu.memref_slice %arg11[%min3A_53, %dma_start3A_60] : memref<40x128xi32, #tpu.memory_space<vmem>> -> memref<1x128xi32, #tpu.memory_space<vmem>>
      %dma_start3A_62 = tpu.memref_squeeze %dma_start3A_61 : memref<1x128xi32, #tpu.memory_space<vmem>> -> memref<128xi32, #tpu.memory_space<vmem>>
      %dma_start3A_63 = arith.constant 0 : i32
      %dma_start3A_64 = arith.constant 0 : i32
      %dma_start3A_65 = tpu.memref_slice %arg2[%dma_start3A_63, %dma_start3A_64] : memref<10240x128xf32, #tpu.memory_space<hbm>> -> memref<10240x128xf32, #tpu.memory_space<hbm>>
      tpu.enqueue_indirect_dma source(%dma_start3A_65 : memref<10240x128xf32, #tpu.memory_space<hbm>>) target(%arg19 : memref<128x128xf32, #tpu.memory_space<vmem>>) offsets(%dma_start3A_62 : memref<128xi32, #tpu.memory_space<vmem>>) semaphore(%arg23 : memref<!tpu.dma_semaphore, #tpu.memory_space<semaphore_mem>>)
      %dma_wait3A_66 = arith.constant 0 : i32
      %dma_wait3A_67 = arith.constant 0 : i32
      %dma_wait3A_68 = tpu.memref_slice %arg10[%dma_wait3A_66, %dma_wait3A_67] : memref<40x128xi32, #tpu.memory_space<vmem>> -> memref<1x128xi32, #tpu.memory_space<vmem>>
      %dma_wait3A_69 = tpu.memref_squeeze %dma_wait3A_68 : memref<1x128xi32, #tpu.memory_space<vmem>> -> memref<128xi32, #tpu.memory_space<vmem>>
      %dma_wait3A_70 = arith.constant 0 : i32
      %dma_wait3A_71 = arith.constant 0 : i32
      %dma_wait3A_72 = tpu.memref_slice %arg2[%dma_wait3A_70, %dma_wait3A_71] : memref<10240x128xf32, #tpu.memory_space<hbm>> -> memref<10240x128xf32, #tpu.memory_space<hbm>>
      tpu.wait_indirect_dma semaphore(%arg20 : memref<!tpu.dma_semaphore, #tpu.memory_space<semaphore_mem>>) src(%dma_wait3A_72 : memref<10240x128xf32, #tpu.memory_space<hbm>>) dst(%arg16 : memref<128x128xf32, #tpu.memory_space<vmem>>)
      %dma_wait3A_73 = arith.constant 0 : i32
      %dma_wait3A_74 = arith.constant 0 : i32
      %dma_wait3A_75 = tpu.memref_slice %arg11[%dma_wait3A_73, %dma_wait3A_74] : memref<40x128xi32, #tpu.memory_space<vmem>> -> memref<1x128xi32, #tpu.memory_space<vmem>>
      %dma_wait3A_76 = tpu.memref_squeeze %dma_wait3A_75 : memref<1x128xi32, #tpu.memory_space<vmem>> -> memref<128xi32, #tpu.memory_space<vmem>>
      %dma_wait3A_77 = arith.constant 0 : i32
      %dma_wait3A_78 = arith.constant 0 : i32
      %dma_wait3A_79 = tpu.memref_slice %arg2[%dma_wait3A_77, %dma_wait3A_78] : memref<10240x128xf32, #tpu.memory_space<hbm>> -> memref<10240x128xf32, #tpu.memory_space<hbm>>
      tpu.wait_indirect_dma semaphore(%arg22 : memref<!tpu.dma_semaphore, #tpu.memory_space<semaphore_mem>>) src(%dma_wait3A_79 : memref<10240x128xf32, #tpu.memory_space<hbm>>) dst(%arg18 : memref<128x128xf32, #tpu.memory_space<vmem>>)
      %scan3A_80 = arith.constant 0 : i32
      %scan3A_81 = arith.constant 0 : i32
      %scan3A_82 = arith.constant 32 : i32
      %scan3A_83 = arith.addi %scan3A_81, %scan3A_82 : i32
      %scan3A_84 = arith.constant 1 : i32
      scf.for %scan3A_879 = %scan3A_81 to %scan3A_83 step %scan3A_84  : i32 {
        %mul3A_880 = arith.constant 4 : i32
        %mul3A_881 = arith.muli %scan3A_879, %mul3A_880 : i32
        %add3A_882 = arith.constant 0 : i32
        %add3A_883 = arith.addi %mul3A_881, %add3A_882 : i32
        %get3A_884 = arith.index_cast %add3A_883 : i32 to index
        %get3A_885 = arith.constant 64 : index
        %get3A_886 = tpu.vector_load %arg18[%get3A_884, %get3A_885] {strides = array<i32>} : memref<128x128xf32, #tpu.memory_space<vmem>>, vector<16xf32>,
        %swap3A = arith.index_cast %add3A_883 : i32 to index
        %swap3A_887 = arith.constant 0 : index
        %swap3A_888 = tpu.vector_load %arg16[%swap3A, %swap3A_887] {strides = array<i32>} : memref<128x128xf32, #tpu.memory_space<vmem>>, vector<16xf32>,
        tpu.vector_store %arg16[%swap3A, %swap3A_887], %get3A_886 {add = true, strides = array<i32>} : memref<128x128xf32, #tpu.memory_space<vmem>>, vector<16xf32>,
        %get3A_889 = arith.index_cast %add3A_883 : i32 to index
        %get3A_890 = arith.constant 80 : index
        %get3A_891 = tpu.vector_load %arg18[%get3A_889, %get3A_890] {strides = array<i32>} : memref<128x128xf32, #tpu.memory_space<vmem>>, vector<16xf32>,
        %swap3A_892 = arith.index_cast %add3A_883 : i32 to index
        %swap3A_893 = arith.constant 16 : index
        %swap3A_894 = tpu.vector_load %arg16[%swap3A_892, %swap3A_893] {strides = array<i32>} : memref<128x128xf32, #tpu.memory_space<vmem>>, vector<16xf32>,
        tpu.vector_store %arg16[%swap3A_892, %swap3A_893], %get3A_891 {add = true, strides = array<i32>} : memref<128x128xf32, #tpu.memory_space<vmem>>, vector<16xf32>,
        %get3A_895 = arith.index_cast %add3A_883 : i32 to index
        %get3A_896 = arith.constant 96 : index
        %get3A_897 = tpu.vector_load %arg18[%get3A_895, %get3A_896] {strides = array<i32>} : memref<128x128xf32, #tpu.memory_space<vmem>>, vector<16xf32>,
        %swap3A_898 = arith.index_cast %add3A_883 : i32 to index
        %swap3A_899 = arith.constant 32 : index
        %swap3A_900 = tpu.vector_load %arg16[%swap3A_898, %swap3A_899] {strides = array<i32>} : memref<128x128xf32, #tpu.memory_space<vmem>>, vector<16xf32>,
        tpu.vector_store %arg16[%swap3A_898, %swap3A_899], %get3A_897 {add = true, strides = array<i32>} : memref<128x128xf32, #tpu.memory_space<vmem>>, vector<16xf32>,
        %get3A_901 = arith.index_cast %add3A_883 : i32 to index
        %get3A_902 = arith.constant 112 : index
        %get3A_903 = tpu.vector_load %arg18[%get3A_901, %get3A_902] {strides = array<i32>} : memref<128x128xf32, #tpu.memory_space<vmem>>, vector<16xf32>,
        %swap3A_904 = arith.index_cast %add3A_883 : i32 to index
        %swap3A_905 = arith.constant 48 : index
        %swap3A_906 = tpu.vector_load %arg16[%swap3A_904, %swap3A_905] {strides = array<i32>} : memref<128x128xf32, #tpu.memory_space<vmem>>, vector<16xf32>,
        tpu.vector_store %arg16[%swap3A_904, %swap3A_905], %get3A_903 {add = true, strides = array<i32>} : memref<128x128xf32, #tpu.memory_space<vmem>>, vector<16xf32>,
        %mul3A_907 = arith.constant 4 : i32
        %mul3A_908 = arith.muli %scan3A_879, %mul3A_907 : i32
        %add3A_909 = arith.constant 1 : i32
        %add3A_910 = arith.addi %mul3A_908, %add3A_909 : i32
        %get3A_911 = arith.index_cast %add3A_910 : i32 to index
        %get3A_912 = arith.constant 64 : index
        %get3A_913 = tpu.vector_load %arg18[%get3A_911, %get3A_912] {strides = array<i32>} : memref<128x128xf32, #tpu.memory_space<vmem>>, vector<16xf32>,
        %swap3A_914 = arith.index_cast %add3A_910 : i32 to index
        %swap3A_915 = arith.constant 0 : index
        %swap3A_916 = tpu.vector_load %arg16[%swap3A_914, %swap3A_915] {strides = array<i32>} : memref<128x128xf32, #tpu.memory_space<vmem>>, vector<16xf32>,
        tpu.vector_store %arg16[%swap3A_914, %swap3A_915], %get3A_913 {add = true, strides = array<i32>} : memref<128x128xf32, #tpu.memory_space<vmem>>, vector<16xf32>,
        %get3A_917 = arith.index_cast %add3A_910 : i32 to index
        %get3A_918 = arith.constant 80 : index
        %get3A_919 = tpu.vector_load %arg18[%get3A_917, %get3A_918] {strides = array<i32>} : memref<128x128xf32, #tpu.memory_space<vmem>>, vector<16xf32>,
        %swap3A_920 = arith.index_cast %add3A_910 : i32 to index
        %swap3A_921 = arith.constant 16 : index
        %swap3A_922 = tpu.vector_load %arg16[%swap3A_920, %swap3A_921] {strides = array<i32>} : memref<128x128xf32, #tpu.memory_space<vmem>>, vector<16xf32>,
        tpu.vector_store %arg16[%swap3A_920, %swap3A_921], %get3A_919 {add = true, strides = array<i32>} : memref<128x128xf32, #tpu.memory_space<vmem>>, vector<16xf32>,
        %get3A_923 = arith.index_cast %add3A_910 : i32 to index
        %get3A_924 = arith.constant 96 : index
        %get3A_925 = tpu.vector_load %arg18[%get3A_923, %get3A_924] {strides = array<i32>} : memref<128x128xf32, #tpu.memory_space<vmem>>, vector<16xf32>,
        %swap3A_926 = arith.index_cast %add3A_910 : i32 to index
        %swap3A_927 = arith.constant 32 : index
        %swap3A_928 = tpu.vector_load %arg16[%swap3A_926, %swap3A_927] {strides = array<i32>} : memref<128x128xf32, #tpu.memory_space<vmem>>, vector<16xf32>,
        tpu.vector_store %arg16[%swap3A_926, %swap3A_927], %get3A_925 {add = true, strides = array<i32>} : memref<128x128xf32, #tpu.memory_space<vmem>>, vector<16xf32>,
        %get3A_929 = arith.index_cast %add3A_910 : i32 to index
        %get3A_930 = arith.constant 112 : index
        %get3A_931 = tpu.vector_load %arg18[%get3A_929, %get3A_930] {strides = array<i32>} : memref<128x128xf32, #tpu.memory_space<vmem>>, vector<16xf32>,
        %swap3A_932 = arith.index_cast %add3A_910 : i32 to index
        %swap3A_933 = arith.constant 48 : index
        %swap3A_934 = tpu.vector_load %arg16[%swap3A_932, %swap3A_933] {strides = array<i32>} : memref<128x128xf32, #tpu.memory_space<vmem>>, vector<16xf32>,
        tpu.vector_store %arg16[%swap3A_932, %swap3A_933], %get3A_931 {add = true, strides = array<i32>} : memref<128x128xf32, #tpu.memory_space<vmem>>, vector<16xf32>,
        %mul3A_935 = arith.constant 4 : i32
        %mul3A_936 = arith.muli %scan3A_879, %mul3A_935 : i32
        %add3A_937 = arith.constant 2 : i32
        %add3A_938 = arith.addi %mul3A_936, %add3A_937 : i32
        %get3A_939 = arith.index_cast %add3A_938 : i32 to index
        %get3A_940 = arith.constant 64 : index
        %get3A_941 = tpu.vector_load %arg18[%get3A_939, %get3A_940] {strides = array<i32>} : memref<128x128xf32, #tpu.memory_space<vmem>>, vector<16xf32>,
        %swap3A_942 = arith.index_cast %add3A_938 : i32 to index
        %swap3A_943 = arith.constant 0 : index
        %swap3A_944 = tpu.vector_load %arg16[%swap3A_942, %swap3A_943] {strides = array<i32>} : memref<128x128xf32, #tpu.memory_space<vmem>>, vector<16xf32>,
        tpu.vector_store %arg16[%swap3A_942, %swap3A_943], %get3A_941 {add = true, strides = array<i32>} : memref<128x128xf32, #tpu.memory_space<vmem>>, vector<16xf32>,
        %get3A_945 = arith.index_cast %add3A_938 : i32 to index
        %get3A_946 = arith.constant 80 : index
        %get3A_947 = tpu.vector_load %arg18[%get3A_945, %get3A_946] {strides = array<i32>} : memref<128x128xf32, #tpu.memory_space<vmem>>, vector<16xf32>,
        %swap3A_948 = arith.index_cast %add3A_938 : i32 to index
        %swap3A_949 = arith.constant 16 : index
        %swap3A_950 = tpu.vector_load %arg16[%swap3A_948, %swap3A_949] {strides = array<i32>} : memref<128x128xf32, #tpu.memory_space<vmem>>, vector<16xf32>,
        tpu.vector_store %arg16[%swap3A_948, %swap3A_949], %get3A_947 {add = true, strides = array<i32>} : memref<128x128xf32, #tpu.memory_space<vmem>>, vector<16xf32>,
        %get3A_951 = arith.index_cast %add3A_938 : i32 to index
        %get3A_952 = arith.constant 96 : index
        %get3A_953 = tpu.vector_load %arg18[%get3A_951, %get3A_952] {strides = array<i32>} : memref<128x128xf32, #tpu.memory_space<vmem>>, vector<16xf32>,
        %swap3A_954 = arith.index_cast %add3A_938 : i32 to index
        %swap3A_955 = arith.constant 32 : index
        %swap3A_956 = tpu.vector_load %arg16[%swap3A_954, %swap3A_955] {strides = array<i32>} : memref<128x128xf32, #tpu.memory_space<vmem>>, vector<16xf32>,
        tpu.vector_store %arg16[%swap3A_954, %swap3A_955], %get3A_953 {add = true, strides = array<i32>} : memref<128x128xf32, #tpu.memory_space<vmem>>, vector<16xf32>,
        %get3A_957 = arith.index_cast %add3A_938 : i32 to index
        %get3A_958 = arith.constant 112 : index
        %get3A_959 = tpu.vector_load %arg18[%get3A_957, %get3A_958] {strides = array<i32>} : memref<128x128xf32, #tpu.memory_space<vmem>>, vector<16xf32>,
        %swap3A_960 = arith.index_cast %add3A_938 : i32 to index
        %swap3A_961 = arith.constant 48 : index
        %swap3A_962 = tpu.vector_load %arg16[%swap3A_960, %swap3A_961] {strides = array<i32>} : memref<128x128xf32, #tpu.memory_space<vmem>>, vector<16xf32>,
        tpu.vector_store %arg16[%swap3A_960, %swap3A_961], %get3A_959 {add = true, strides = array<i32>} : memref<128x128xf32, #tpu.memory_space<vmem>>, vector<16xf32>,
        %mul3A_963 = arith.constant 4 : i32
        %mul3A_964 = arith.muli %scan3A_879, %mul3A_963 : i32
        %add3A_965 = arith.constant 3 : i32
        %add3A_966 = arith.addi %mul3A_964, %add3A_965 : i32
        %get3A_967 = arith.index_cast %add3A_966 : i32 to index
        %get3A_968 = arith.constant 64 : index
        %get3A_969 = tpu.vector_load %arg18[%get3A_967, %get3A_968] {strides = array<i32>} : memref<128x128xf32, #tpu.memory_space<vmem>>, vector<16xf32>,
        %swap3A_970 = arith.index_cast %add3A_966 : i32 to index
        %swap3A_971 = arith.constant 0 : index
        %swap3A_972 = tpu.vector_load %arg16[%swap3A_970, %swap3A_971] {strides = array<i32>} : memref<128x128xf32, #tpu.memory_space<vmem>>, vector<16xf32>,
        tpu.vector_store %arg16[%swap3A_970, %swap3A_971], %get3A_969 {add = true, strides = array<i32>} : memref<128x128xf32, #tpu.memory_space<vmem>>, vector<16xf32>,
        %get3A_973 = arith.index_cast %add3A_966 : i32 to index
        %get3A_974 = arith.constant 80 : index
        %get3A_975 = tpu.vector_load %arg18[%get3A_973, %get3A_974] {strides = array<i32>} : memref<128x128xf32, #tpu.memory_space<vmem>>, vector<16xf32>,
        %swap3A_976 = arith.index_cast %add3A_966 : i32 to index
        %swap3A_977 = arith.constant 16 : index
        %swap3A_978 = tpu.vector_load %arg16[%swap3A_976, %swap3A_977] {strides = array<i32>} : memref<128x128xf32, #tpu.memory_space<vmem>>, vector<16xf32>,
        tpu.vector_store %arg16[%swap3A_976, %swap3A_977], %get3A_975 {add = true, strides = array<i32>} : memref<128x128xf32, #tpu.memory_space<vmem>>, vector<16xf32>,
        %get3A_979 = arith.index_cast %add3A_966 : i32 to index
        %get3A_980 = arith.constant 96 : index
        %get3A_981 = tpu.vector_load %arg18[%get3A_979, %get3A_980] {strides = array<i32>} : memref<128x128xf32, #tpu.memory_space<vmem>>, vector<16xf32>,
        %swap3A_982 = arith.index_cast %add3A_966 : i32 to index
        %swap3A_983 = arith.constant 32 : index
        %swap3A_984 = tpu.vector_load %arg16[%swap3A_982, %swap3A_983] {strides = array<i32>} : memref<128x128xf32, #tpu.memory_space<vmem>>, vector<16xf32>,
        tpu.vector_store %arg16[%swap3A_982, %swap3A_983], %get3A_981 {add = true, strides = array<i32>} : memref<128x128xf32, #tpu.memory_space<vmem>>, vector<16xf32>,
        %get3A_985 = arith.index_cast %add3A_966 : i32 to index
        %get3A_986 = arith.constant 112 : index
        %get3A_987 = tpu.vector_load %arg18[%get3A_985, %get3A_986] {strides = array<i32>} : memref<128x128xf32, #tpu.memory_space<vmem>>, vector<16xf32>,
        %swap3A_988 = arith.index_cast %add3A_966 : i32 to index
        %swap3A_989 = arith.constant 48 : index
        %swap3A_990 = tpu.vector_load %arg16[%swap3A_988, %swap3A_989] {strides = array<i32>} : memref<128x128xf32, #tpu.memory_space<vmem>>, vector<16xf32>,
        tpu.vector_store %arg16[%swap3A_988, %swap3A_989], %get3A_987 {add = true, strides = array<i32>} : memref<128x128xf32, #tpu.memory_space<vmem>>, vector<16xf32>,
      }
      %scan3A_85 = arith.constant 32 : i32
      %iota3A = tpu.iota {dimensions = array<i32: 0>} : vector<16xi32>
      %get3A_86 = arith.index_cast %add3A_50 : i32 to index
      %get3A_87 = arith.constant 0 : index
      %get3A_88 = tpu.vector_load %arg10[%get3A_86, %get3A_87] {strides = array<i32>} : memref<40x128xi32, #tpu.memory_space<vmem>>, vector<16xi32>,
      %get3A_89 = arith.index_cast %add3A_50 : i32 to index
      %get3A_90 = arith.constant 0 : index
      %get3A_91 = tpu.vector_load %arg11[%get3A_89, %get3A_90] {strides = array<i32>} : memref<40x128xi32, #tpu.memory_space<vmem>>, vector<16xi32>,
      %gather3A = tpu.vector_load_idx %arg12[%get3A_88] : memref<10240xf32, #tpu.memory_space<vmem>>[vector<16xi32>], vector<16xf32>,
      %gather3A_92 = tpu.vector_load_idx %arg12[%get3A_91] : memref<10240xf32, #tpu.memory_space<vmem>>[vector<16xi32>], vector<16xf32>,
      %sub3A = arith.subf %gather3A, %gather3A_92 : vector<16xf32>
      %mul3A_93 = arith.mulf %sub3A, %get3A_9 : vector<16xf32>
      %add3A_94 = arith.addf %mul3A_93, %broadcast_in_dim3A_14 : vector<16xf32>
      %sub3A_95 = arith.subf %add3A_94, %broadcast_in_dim3A_14 : vector<16xf32>
      %mul3A_96 = arith.mulf %get3A_3, %sub3A_95 : vector<16xf32>
      %sub3A_97 = arith.subf %sub3A, %mul3A_96 : vector<16xf32>
      %broadcast_in_dim3A_98 = arith.constant 64 : i32
      %broadcast_in_dim3A_99 = vector.broadcast %broadcast_in_dim3A_98 : i32 to vector<16xi32>
      tpu.vector_store_idx %arg16[%iota3A, %broadcast_in_dim3A_99], %sub3A_97 : memref<128x128xf32, #tpu.memory_space<vmem>>[vector<16xi32>, vector<16xi32>], vector<16xf32>,
      %gather3A_100 = tpu.vector_load_idx %arg13[%get3A_88] : memref<10240xf32, #tpu.memory_space<vmem>>[vector<16xi32>], vector<16xf32>,
      %gather3A_101 = tpu.vector_load_idx %arg13[%get3A_91] : memref<10240xf32, #tpu.memory_space<vmem>>[vector<16xi32>], vector<16xf32>,
      %sub3A_102 = arith.subf %gather3A_100, %gather3A_101 : vector<16xf32>
      %mul3A_103 = arith.mulf %sub3A_102, %get3A_11 : vector<16xf32>
      %add3A_104 = arith.addf %mul3A_103, %broadcast_in_dim3A_14 : vector<16xf32>
      %sub3A_105 = arith.subf %add3A_104, %broadcast_in_dim3A_14 : vector<16xf32>
      %mul3A_106 = arith.mulf %get3A_5, %sub3A_105 : vector<16xf32>
      %sub3A_107 = arith.subf %sub3A_102, %mul3A_106 : vector<16xf32>
      %broadcast_in_dim3A_108 = arith.constant 65 : i32
      %broadcast_in_dim3A_109 = vector.broadcast %broadcast_in_dim3A_108 : i32 to vector<16xi32>
      tpu.vector_store_idx %arg16[%iota3A, %broadcast_in_dim3A_109], %sub3A_107 : memref<128x128xf32, #tpu.memory_space<vmem>>[vector<16xi32>, vector<16xi32>], vector<16xf32>,
      %gather3A_110 = tpu.vector_load_idx %arg14[%get3A_88] : memref<10240xf32, #tpu.memory_space<vmem>>[vector<16xi32>], vector<16xf32>,
      %gather3A_111 = tpu.vector_load_idx %arg14[%get3A_91] : memref<10240xf32, #tpu.memory_space<vmem>>[vector<16xi32>], vector<16xf32>,
      %sub3A_112 = arith.subf %gather3A_110, %gather3A_111 : vector<16xf32>
      %mul3A_113 = arith.mulf %sub3A_112, %get3A_13 : vector<16xf32>
      %add3A_114 = arith.addf %mul3A_113, %broadcast_in_dim3A_14 : vector<16xf32>
      %sub3A_115 = arith.subf %add3A_114, %broadcast_in_dim3A_14 : vector<16xf32>
      %mul3A_116 = arith.mulf %get3A_7, %sub3A_115 : vector<16xf32>
      %sub3A_117 = arith.subf %sub3A_112, %mul3A_116 : vector<16xf32>
      %broadcast_in_dim3A_118 = arith.constant 66 : i32
      %broadcast_in_dim3A_119 = vector.broadcast %broadcast_in_dim3A_118 : i32 to vector<16xi32>
      tpu.vector_store_idx %arg16[%iota3A, %broadcast_in_dim3A_119], %sub3A_117 : memref<128x128xf32, #tpu.memory_space<vmem>>[vector<16xi32>, vector<16xi32>], vector<16xf32>,
      %mul3A_120 = arith.mulf %sub3A_97, %sub3A_97 : vector<16xf32>
      %mul3A_121 = arith.mulf %sub3A_107, %sub3A_107 : vector<16xf32>
      %add3A_122 = arith.addf %mul3A_120, %mul3A_121 : vector<16xf32>
      %mul3A_123 = arith.mulf %sub3A_117, %sub3A_117 : vector<16xf32>
      %add3A_124 = arith.addf %add3A_122, %mul3A_123 : vector<16xf32>
      %broadcast_in_dim3A_125 = arith.constant 67 : i32
      %broadcast_in_dim3A_126 = vector.broadcast %broadcast_in_dim3A_125 : i32 to vector<16xi32>
      tpu.vector_store_idx %arg16[%iota3A, %broadcast_in_dim3A_126], %add3A_124 : memref<128x128xf32, #tpu.memory_space<vmem>>[vector<16xi32>, vector<16xi32>], vector<16xf32>,
      %iota3A_127 = tpu.iota {dimensions = array<i32: 0>} : vector<16xi32>
      %add3A_128 = arith.constant 16 : i32
      %add3A_129 = vector.broadcast %add3A_128 : i32 to vector<16xi32>
      %add3A_130 = arith.addi %add3A_129, %iota3A_127 : vector<16xi32>
      %get3A_131 = arith.index_cast %add3A_50 : i32 to index
      %get3A_132 = arith.constant 16 : index
      %get3A_133 = tpu.vector_load %arg10[%get3A_131, %get3A_132] {strides = array<i32>} : memref<40x128xi32, #tpu.memory_space<vmem>>, vector<16xi32>,
      %get3A_134 = arith.index_cast %add3A_50 : i32 to index
      %get3A_135 = arith.constant 16 : index
      %get3A_136 = tpu.vector_load %arg11[%get3A_134, %get3A_135] {strides = array<i32>} : memref<40x128xi32, #tpu.memory_space<vmem>>, vector<16xi32>,
      %gather3A_137 = tpu.vector_load_idx %arg12[%get3A_133] : memref<10240xf32, #tpu.memory_space<vmem>>[vector<16xi32>], vector<16xf32>,
      %gather3A_138 = tpu.vector_load_idx %arg12[%get3A_136] : memref<10240xf32, #tpu.memory_space<vmem>>[vector<16xi32>], vector<16xf32>,
      %sub3A_139 = arith.subf %gather3A_137, %gather3A_138 : vector<16xf32>
      %mul3A_140 = arith.mulf %sub3A_139, %get3A_9 : vector<16xf32>
      %add3A_141 = arith.addf %mul3A_140, %broadcast_in_dim3A_14 : vector<16xf32>
      %sub3A_142 = arith.subf %add3A_141, %broadcast_in_dim3A_14 : vector<16xf32>
      %mul3A_143 = arith.mulf %get3A_3, %sub3A_142 : vector<16xf32>
      %sub3A_144 = arith.subf %sub3A_139, %mul3A_143 : vector<16xf32>
      %broadcast_in_dim3A_145 = arith.constant 64 : i32
      %broadcast_in_dim3A_146 = vector.broadcast %broadcast_in_dim3A_145 : i32 to vector<16xi32>
      tpu.vector_store_idx %arg16[%add3A_130, %broadcast_in_dim3A_146], %sub3A_144 : memref<128x128xf32, #tpu.memory_space<vmem>>[vector<16xi32>, vector<16xi32>], vector<16xf32>,
      %gather3A_147 = tpu.vector_load_idx %arg13[%get3A_133] : memref<10240xf32, #tpu.memory_space<vmem>>[vector<16xi32>], vector<16xf32>,
      %gather3A_148 = tpu.vector_load_idx %arg13[%get3A_136] : memref<10240xf32, #tpu.memory_space<vmem>>[vector<16xi32>], vector<16xf32>,
      %sub3A_149 = arith.subf %gather3A_147, %gather3A_148 : vector<16xf32>
      %mul3A_150 = arith.mulf %sub3A_149, %get3A_11 : vector<16xf32>
      %add3A_151 = arith.addf %mul3A_150, %broadcast_in_dim3A_14 : vector<16xf32>
      %sub3A_152 = arith.subf %add3A_151, %broadcast_in_dim3A_14 : vector<16xf32>
      %mul3A_153 = arith.mulf %get3A_5, %sub3A_152 : vector<16xf32>
      %sub3A_154 = arith.subf %sub3A_149, %mul3A_153 : vector<16xf32>
      %broadcast_in_dim3A_155 = arith.constant 65 : i32
      %broadcast_in_dim3A_156 = vector.broadcast %broadcast_in_dim3A_155 : i32 to vector<16xi32>
      tpu.vector_store_idx %arg16[%add3A_130, %broadcast_in_dim3A_156], %sub3A_154 : memref<128x128xf32, #tpu.memory_space<vmem>>[vector<16xi32>, vector<16xi32>], vector<16xf32>,
      %gather3A_157 = tpu.vector_load_idx %arg14[%get3A_133] : memref<10240xf32, #tpu.memory_space<vmem>>[vector<16xi32>], vector<16xf32>,
      %gather3A_158 = tpu.vector_load_idx %arg14[%get3A_136] : memref<10240xf32, #tpu.memory_space<vmem>>[vector<16xi32>], vector<16xf32>,
      %sub3A_159 = arith.subf %gather3A_157, %gather3A_158 : vector<16xf32>
      %mul3A_160 = arith.mulf %sub3A_159, %get3A_13 : vector<16xf32>
      %add3A_161 = arith.addf %mul3A_160, %broadcast_in_dim3A_14 : vector<16xf32>
      %sub3A_162 = arith.subf %add3A_161, %broadcast_in_dim3A_14 : vector<16xf32>
      %mul3A_163 = arith.mulf %get3A_7, %sub3A_162 : vector<16xf32>
      %sub3A_164 = arith.subf %sub3A_159, %mul3A_163 : vector<16xf32>
      %broadcast_in_dim3A_165 = arith.constant 66 : i32
      %broadcast_in_dim3A_166 = vector.broadcast %broadcast_in_dim3A_165 : i32 to vector<16xi32>
      tpu.vector_store_idx %arg16[%add3A_130, %broadcast_in_dim3A_166], %sub3A_164 : memref<128x128xf32, #tpu.memory_space<vmem>>[vector<16xi32>, vector<16xi32>], vector<16xf32>,
      %mul3A_167 = arith.mulf %sub3A_144, %sub3A_144 : vector<16xf32>
      %mul3A_168 = arith.mulf %sub3A_154, %sub3A_154 : vector<16xf32>
      %add3A_169 = arith.addf %mul3A_167, %mul3A_168 : vector<16xf32>
      %mul3A_170 = arith.mulf %sub3A_164, %sub3A_164 : vector<16xf32>
      %add3A_171 = arith.addf %add3A_169, %mul3A_170 : vector<16xf32>
      %broadcast_in_dim3A_172 = arith.constant 67 : i32
      %broadcast_in_dim3A_173 = vector.broadcast %broadcast_in_dim3A_172 : i32 to vector<16xi32>
      tpu.vector_store_idx %arg16[%add3A_130, %broadcast_in_dim3A_173], %add3A_171 : memref<128x128xf32, #tpu.memory_space<vmem>>[vector<16xi32>, vector<16xi32>], vector<16xf32>,
      %iota3A_174 = tpu.iota {dimensions = array<i32: 0>} : vector<16xi32>
      %add3A_175 = arith.constant 32 : i32
      %add3A_176 = vector.broadcast %add3A_175 : i32 to vector<16xi32>
      %add3A_177 = arith.addi %add3A_176, %iota3A_174 : vector<16xi32>
      %get3A_178 = arith.index_cast %add3A_50 : i32 to index
      %get3A_179 = arith.constant 32 : index
      %get3A_180 = tpu.vector_load %arg10[%get3A_178, %get3A_179] {strides = array<i32>} : memref<40x128xi32, #tpu.memory_space<vmem>>, vector<16xi32>,
      %get3A_181 = arith.index_cast %add3A_50 : i32 to index
      %get3A_182 = arith.constant 32 : index
      %get3A_183 = tpu.vector_load %arg11[%get3A_181, %get3A_182] {strides = array<i32>} : memref<40x128xi32, #tpu.memory_space<vmem>>, vector<16xi32>,
      %gather3A_184 = tpu.vector_load_idx %arg12[%get3A_180] : memref<10240xf32, #tpu.memory_space<vmem>>[vector<16xi32>], vector<16xf32>,
      %gather3A_185 = tpu.vector_load_idx %arg12[%get3A_183] : memref<10240xf32, #tpu.memory_space<vmem>>[vector<16xi32>], vector<16xf32>,
      %sub3A_186 = arith.subf %gather3A_184, %gather3A_185 : vector<16xf32>
      %mul3A_187 = arith.mulf %sub3A_186, %get3A_9 : vector<16xf32>
      %add3A_188 = arith.addf %mul3A_187, %broadcast_in_dim3A_14 : vector<16xf32>
      %sub3A_189 = arith.subf %add3A_188, %broadcast_in_dim3A_14 : vector<16xf32>
      %mul3A_190 = arith.mulf %get3A_3, %sub3A_189 : vector<16xf32>
      %sub3A_191 = arith.subf %sub3A_186, %mul3A_190 : vector<16xf32>
      %broadcast_in_dim3A_192 = arith.constant 64 : i32
      %broadcast_in_dim3A_193 = vector.broadcast %broadcast_in_dim3A_192 : i32 to vector<16xi32>
      tpu.vector_store_idx %arg16[%add3A_177, %broadcast_in_dim3A_193], %sub3A_191 : memref<128x128xf32, #tpu.memory_space<vmem>>[vector<16xi32>, vector<16xi32>], vector<16xf32>,
      %gather3A_194 = tpu.vector_load_idx %arg13[%get3A_180] : memref<10240xf32, #tpu.memory_space<vmem>>[vector<16xi32>], vector<16xf32>,
      %gather3A_195 = tpu.vector_load_idx %arg13[%get3A_183] : memref<10240xf32, #tpu.memory_space<vmem>>[vector<16xi32>], vector<16xf32>,
      %sub3A_196 = arith.subf %gather3A_194, %gather3A_195 : vector<16xf32>
      %mul3A_197 = arith.mulf %sub3A_196, %get3A_11 : vector<16xf32>
      %add3A_198 = arith.addf %mul3A_197, %broadcast_in_dim3A_14 : vector<16xf32>
      %sub3A_199 = arith.subf %add3A_198, %broadcast_in_dim3A_14 : vector<16xf32>
      %mul3A_200 = arith.mulf %get3A_5, %sub3A_199 : vector<16xf32>
      %sub3A_201 = arith.subf %sub3A_196, %mul3A_200 : vector<16xf32>
      %broadcast_in_dim3A_202 = arith.constant 65 : i32
      %broadcast_in_dim3A_203 = vector.broadcast %broadcast_in_dim3A_202 : i32 to vector<16xi32>
      tpu.vector_store_idx %arg16[%add3A_177, %broadcast_in_dim3A_203], %sub3A_201 : memref<128x128xf32, #tpu.memory_space<vmem>>[vector<16xi32>, vector<16xi32>], vector<16xf32>,
      %gather3A_204 = tpu.vector_load_idx %arg14[%get3A_180] : memref<10240xf32, #tpu.memory_space<vmem>>[vector<16xi32>], vector<16xf32>,
      %gather3A_205 = tpu.vector_load_idx %arg14[%get3A_183] : memref<10240xf32, #tpu.memory_space<vmem>>[vector<16xi32>], vector<16xf32>,
      %sub3A_206 = arith.subf %gather3A_204, %gather3A_205 : vector<16xf32>
      %mul3A_207 = arith.mulf %sub3A_206, %get3A_13 : vector<16xf32>
      %add3A_208 = arith.addf %mul3A_207, %broadcast_in_dim3A_14 : vector<16xf32>
      %sub3A_209 = arith.subf %add3A_208, %broadcast_in_dim3A_14 : vector<16xf32>
      %mul3A_210 = arith.mulf %get3A_7, %sub3A_209 : vector<16xf32>
      %sub3A_211 = arith.subf %sub3A_206, %mul3A_210 : vector<16xf32>
      %broadcast_in_dim3A_212 = arith.constant 66 : i32
      %broadcast_in_dim3A_213 = vector.broadcast %broadcast_in_dim3A_212 : i32 to vector<16xi32>
      tpu.vector_store_idx %arg16[%add3A_177, %broadcast_in_dim3A_213], %sub3A_211 : memref<128x128xf32, #tpu.memory_space<vmem>>[vector<16xi32>, vector<16xi32>], vector<16xf32>,
      %mul3A_214 = arith.mulf %sub3A_191, %sub3A_191 : vector<16xf32>
      %mul3A_215 = arith.mulf %sub3A_201, %sub3A_201 : vector<16xf32>
      %add3A_216 = arith.addf %mul3A_214, %mul3A_215 : vector<16xf32>
      %mul3A_217 = arith.mulf %sub3A_211, %sub3A_211 : vector<16xf32>
      %add3A_218 = arith.addf %add3A_216, %mul3A_217 : vector<16xf32>
      %broadcast_in_dim3A_219 = arith.constant 67 : i32
      %broadcast_in_dim3A_220 = vector.broadcast %broadcast_in_dim3A_219 : i32 to vector<16xi32>
      tpu.vector_store_idx %arg16[%add3A_177, %broadcast_in_dim3A_220], %add3A_218 : memref<128x128xf32, #tpu.memory_space<vmem>>[vector<16xi32>, vector<16xi32>], vector<16xf32>,
      %iota3A_221 = tpu.iota {dimensions = array<i32: 0>} : vector<16xi32>
      %add3A_222 = arith.constant 48 : i32
      %add3A_223 = vector.broadcast %add3A_222 : i32 to vector<16xi32>
      %add3A_224 = arith.addi %add3A_223, %iota3A_221 : vector<16xi32>
      %get3A_225 = arith.index_cast %add3A_50 : i32 to index
      %get3A_226 = arith.constant 48 : index
      %get3A_227 = tpu.vector_load %arg10[%get3A_225, %get3A_226] {strides = array<i32>} : memref<40x128xi32, #tpu.memory_space<vmem>>, vector<16xi32>,
      %get3A_228 = arith.index_cast %add3A_50 : i32 to index
      %get3A_229 = arith.constant 48 : index
      %get3A_230 = tpu.vector_load %arg11[%get3A_228, %get3A_229] {strides = array<i32>} : memref<40x128xi32, #tpu.memory_space<vmem>>, vector<16xi32>,
      %gather3A_231 = tpu.vector_load_idx %arg12[%get3A_227] : memref<10240xf32, #tpu.memory_space<vmem>>[vector<16xi32>], vector<16xf32>,
      %gather3A_232 = tpu.vector_load_idx %arg12[%get3A_230] : memref<10240xf32, #tpu.memory_space<vmem>>[vector<16xi32>], vector<16xf32>,
      %sub3A_233 = arith.subf %gather3A_231, %gather3A_232 : vector<16xf32>
      %mul3A_234 = arith.mulf %sub3A_233, %get3A_9 : vector<16xf32>
      %add3A_235 = arith.addf %mul3A_234, %broadcast_in_dim3A_14 : vector<16xf32>
      %sub3A_236 = arith.subf %add3A_235, %broadcast_in_dim3A_14 : vector<16xf32>
      %mul3A_237 = arith.mulf %get3A_3, %sub3A_236 : vector<16xf32>
      %sub3A_238 = arith.subf %sub3A_233, %mul3A_237 : vector<16xf32>
      %broadcast_in_dim3A_239 = arith.constant 64 : i32
      %broadcast_in_dim3A_240 = vector.broadcast %broadcast_in_dim3A_239 : i32 to vector<16xi32>
      tpu.vector_store_idx %arg16[%add3A_224, %broadcast_in_dim3A_240], %sub3A_238 : memref<128x128xf32, #tpu.memory_space<vmem>>[vector<16xi32>, vector<16xi32>], vector<16xf32>,
      %gather3A_241 = tpu.vector_load_idx %arg13[%get3A_227] : memref<10240xf32, #tpu.memory_space<vmem>>[vector<16xi32>], vector<16xf32>,
      %gather3A_242 = tpu.vector_load_idx %arg13[%get3A_230] : memref<10240xf32, #tpu.memory_space<vmem>>[vector<16xi32>], vector<16xf32>,
      %sub3A_243 = arith.subf %gather3A_241, %gather3A_242 : vector<16xf32>
      %mul3A_244 = arith.mulf %sub3A_243, %get3A_11 : vector<16xf32>
      %add3A_245 = arith.addf %mul3A_244, %broadcast_in_dim3A_14 : vector<16xf32>
      %sub3A_246 = arith.subf %add3A_245, %broadcast_in_dim3A_14 : vector<16xf32>
      %mul3A_247 = arith.mulf %get3A_5, %sub3A_246 : vector<16xf32>
      %sub3A_248 = arith.subf %sub3A_243, %mul3A_247 : vector<16xf32>
      %broadcast_in_dim3A_249 = arith.constant 65 : i32
      %broadcast_in_dim3A_250 = vector.broadcast %broadcast_in_dim3A_249 : i32 to vector<16xi32>
      tpu.vector_store_idx %arg16[%add3A_224, %broadcast_in_dim3A_250], %sub3A_248 : memref<128x128xf32, #tpu.memory_space<vmem>>[vector<16xi32>, vector<16xi32>], vector<16xf32>,
      %gather3A_251 = tpu.vector_load_idx %arg14[%get3A_227] : memref<10240xf32, #tpu.memory_space<vmem>>[vector<16xi32>], vector<16xf32>,
      %gather3A_252 = tpu.vector_load_idx %arg14[%get3A_230] : memref<10240xf32, #tpu.memory_space<vmem>>[vector<16xi32>], vector<16xf32>,
      %sub3A_253 = arith.subf %gather3A_251, %gather3A_252 : vector<16xf32>
      %mul3A_254 = arith.mulf %sub3A_253, %get3A_13 : vector<16xf32>
      %add3A_255 = arith.addf %mul3A_254, %broadcast_in_dim3A_14 : vector<16xf32>
      %sub3A_256 = arith.subf %add3A_255, %broadcast_in_dim3A_14 : vector<16xf32>
      %mul3A_257 = arith.mulf %get3A_7, %sub3A_256 : vector<16xf32>
      %sub3A_258 = arith.subf %sub3A_253, %mul3A_257 : vector<16xf32>
      %broadcast_in_dim3A_259 = arith.constant 66 : i32
      %broadcast_in_dim3A_260 = vector.broadcast %broadcast_in_dim3A_259 : i32 to vector<16xi32>
      tpu.vector_store_idx %arg16[%add3A_224, %broadcast_in_dim3A_260], %sub3A_258 : memref<128x128xf32, #tpu.memory_space<vmem>>[vector<16xi32>, vector<16xi32>], vector<16xf32>,
      %mul3A_261 = arith.mulf %sub3A_238, %sub3A_238 : vector<16xf32>
      %mul3A_262 = arith.mulf %sub3A_248, %sub3A_248 : vector<16xf32>
      %add3A_263 = arith.addf %mul3A_261, %mul3A_262 : vector<16xf32>
      %mul3A_264 = arith.mulf %sub3A_258, %sub3A_258 : vector<16xf32>
      %add3A_265 = arith.addf %add3A_263, %mul3A_264 : vector<16xf32>
      %broadcast_in_dim3A_266 = arith.constant 67 : i32
      %broadcast_in_dim3A_267 = vector.broadcast %broadcast_in_dim3A_266 : i32 to vector<16xi32>
      tpu.vector_store_idx %arg16[%add3A_224, %broadcast_in_dim3A_267], %add3A_265 : memref<128x128xf32, #tpu.memory_space<vmem>>[vector<16xi32>, vector<16xi32>], vector<16xf32>,
      %iota3A_268 = tpu.iota {dimensions = array<i32: 0>} : vector<16xi32>
      %add3A_269 = arith.constant 64 : i32
      %add3A_270 = vector.broadcast %add3A_269 : i32 to vector<16xi32>
      %add3A_271 = arith.addi %add3A_270, %iota3A_268 : vector<16xi32>
      %get3A_272 = arith.index_cast %add3A_50 : i32 to index
      %get3A_273 = arith.constant 64 : index
      %get3A_274 = tpu.vector_load %arg10[%get3A_272, %get3A_273] {strides = array<i32>} : memref<40x128xi32, #tpu.memory_space<vmem>>, vector<16xi32>,
      %get3A_275 = arith.index_cast %add3A_50 : i32 to index
      %get3A_276 = arith.constant 64 : index
      %get3A_277 = tpu.vector_load %arg11[%get3A_275, %get3A_276] {strides = array<i32>} : memref<40x128xi32, #tpu.memory_space<vmem>>, vector<16xi32>,
      %gather3A_278 = tpu.vector_load_idx %arg12[%get3A_274] : memref<10240xf32, #tpu.memory_space<vmem>>[vector<16xi32>], vector<16xf32>,
      %gather3A_279 = tpu.vector_load_idx %arg12[%get3A_277] : memref<10240xf32, #tpu.memory_space<vmem>>[vector<16xi32>], vector<16xf32>,
      %sub3A_280 = arith.subf %gather3A_278, %gather3A_279 : vector<16xf32>
      %mul3A_281 = arith.mulf %sub3A_280, %get3A_9 : vector<16xf32>
      %add3A_282 = arith.addf %mul3A_281, %broadcast_in_dim3A_14 : vector<16xf32>
      %sub3A_283 = arith.subf %add3A_282, %broadcast_in_dim3A_14 : vector<16xf32>
      %mul3A_284 = arith.mulf %get3A_3, %sub3A_283 : vector<16xf32>
      %sub3A_285 = arith.subf %sub3A_280, %mul3A_284 : vector<16xf32>
      %broadcast_in_dim3A_286 = arith.constant 64 : i32
      %broadcast_in_dim3A_287 = vector.broadcast %broadcast_in_dim3A_286 : i32 to vector<16xi32>
      tpu.vector_store_idx %arg16[%add3A_271, %broadcast_in_dim3A_287], %sub3A_285 : memref<128x128xf32, #tpu.memory_space<vmem>>[vector<16xi32>, vector<16xi32>], vector<16xf32>,
      %gather3A_288 = tpu.vector_load_idx %arg13[%get3A_274] : memref<10240xf32, #tpu.memory_space<vmem>>[vector<16xi32>], vector<16xf32>,
      %gather3A_289 = tpu.vector_load_idx %arg13[%get3A_277] : memref<10240xf32, #tpu.memory_space<vmem>>[vector<16xi32>], vector<16xf32>,
      %sub3A_290 = arith.subf %gather3A_288, %gather3A_289 : vector<16xf32>
      %mul3A_291 = arith.mulf %sub3A_290, %get3A_11 : vector<16xf32>
      %add3A_292 = arith.addf %mul3A_291, %broadcast_in_dim3A_14 : vector<16xf32>
      %sub3A_293 = arith.subf %add3A_292, %broadcast_in_dim3A_14 : vector<16xf32>
      %mul3A_294 = arith.mulf %get3A_5, %sub3A_293 : vector<16xf32>
      %sub3A_295 = arith.subf %sub3A_290, %mul3A_294 : vector<16xf32>
      %broadcast_in_dim3A_296 = arith.constant 65 : i32
      %broadcast_in_dim3A_297 = vector.broadcast %broadcast_in_dim3A_296 : i32 to vector<16xi32>
      tpu.vector_store_idx %arg16[%add3A_271, %broadcast_in_dim3A_297], %sub3A_295 : memref<128x128xf32, #tpu.memory_space<vmem>>[vector<16xi32>, vector<16xi32>], vector<16xf32>,
      %gather3A_298 = tpu.vector_load_idx %arg14[%get3A_274] : memref<10240xf32, #tpu.memory_space<vmem>>[vector<16xi32>], vector<16xf32>,
      %gather3A_299 = tpu.vector_load_idx %arg14[%get3A_277] : memref<10240xf32, #tpu.memory_space<vmem>>[vector<16xi32>], vector<16xf32>,
      %sub3A_300 = arith.subf %gather3A_298, %gather3A_299 : vector<16xf32>
      %mul3A_301 = arith.mulf %sub3A_300, %get3A_13 : vector<16xf32>
      %add3A_302 = arith.addf %mul3A_301, %broadcast_in_dim3A_14 : vector<16xf32>
      %sub3A_303 = arith.subf %add3A_302, %broadcast_in_dim3A_14 : vector<16xf32>
      %mul3A_304 = arith.mulf %get3A_7, %sub3A_303 : vector<16xf32>
      %sub3A_305 = arith.subf %sub3A_300, %mul3A_304 : vector<16xf32>
      %broadcast_in_dim3A_306 = arith.constant 66 : i32
      %broadcast_in_dim3A_307 = vector.broadcast %broadcast_in_dim3A_306 : i32 to vector<16xi32>
      tpu.vector_store_idx %arg16[%add3A_271, %broadcast_in_dim3A_307], %sub3A_305 : memref<128x128xf32, #tpu.memory_space<vmem>>[vector<16xi32>, vector<16xi32>], vector<16xf32>,
      %mul3A_308 = arith.mulf %sub3A_285, %sub3A_285 : vector<16xf32>
      %mul3A_309 = arith.mulf %sub3A_295, %sub3A_295 : vector<16xf32>
      %add3A_310 = arith.addf %mul3A_308, %mul3A_309 : vector<16xf32>
      %mul3A_311 = arith.mulf %sub3A_305, %sub3A_305 : vector<16xf32>
      %add3A_312 = arith.addf %add3A_310, %mul3A_311 : vector<16xf32>
      %broadcast_in_dim3A_313 = arith.constant 67 : i32
      %broadcast_in_dim3A_314 = vector.broadcast %broadcast_in_dim3A_313 : i32 to vector<16xi32>
      tpu.vector_store_idx %arg16[%add3A_271, %broadcast_in_dim3A_314], %add3A_312 : memref<128x128xf32, #tpu.memory_space<vmem>>[vector<16xi32>, vector<16xi32>], vector<16xf32>,
      %iota3A_315 = tpu.iota {dimensions = array<i32: 0>} : vector<16xi32>
      %add3A_316 = arith.constant 80 : i32
      %add3A_317 = vector.broadcast %add3A_316 : i32 to vector<16xi32>
      %add3A_318 = arith.addi %add3A_317, %iota3A_315 : vector<16xi32>
      %get3A_319 = arith.index_cast %add3A_50 : i32 to index
      %get3A_320 = arith.constant 80 : index
      %get3A_321 = tpu.vector_load %arg10[%get3A_319, %get3A_320] {strides = array<i32>} : memref<40x128xi32, #tpu.memory_space<vmem>>, vector<16xi32>,
      %get3A_322 = arith.index_cast %add3A_50 : i32 to index
      %get3A_323 = arith.constant 80 : index
      %get3A_324 = tpu.vector_load %arg11[%get3A_322, %get3A_323] {strides = array<i32>} : memref<40x128xi32, #tpu.memory_space<vmem>>, vector<16xi32>,
      %gather3A_325 = tpu.vector_load_idx %arg12[%get3A_321] : memref<10240xf32, #tpu.memory_space<vmem>>[vector<16xi32>], vector<16xf32>,
      %gather3A_326 = tpu.vector_load_idx %arg12[%get3A_324] : memref<10240xf32, #tpu.memory_space<vmem>>[vector<16xi32>], vector<16xf32>,
      %sub3A_327 = arith.subf %gather3A_325, %gather3A_326 : vector<16xf32>
      %mul3A_328 = arith.mulf %sub3A_327, %get3A_9 : vector<16xf32>
      %add3A_329 = arith.addf %mul3A_328, %broadcast_in_dim3A_14 : vector<16xf32>
      %sub3A_330 = arith.subf %add3A_329, %broadcast_in_dim3A_14 : vector<16xf32>
      %mul3A_331 = arith.mulf %get3A_3, %sub3A_330 : vector<16xf32>
      %sub3A_332 = arith.subf %sub3A_327, %mul3A_331 : vector<16xf32>
      %broadcast_in_dim3A_333 = arith.constant 64 : i32
      %broadcast_in_dim3A_334 = vector.broadcast %broadcast_in_dim3A_333 : i32 to vector<16xi32>
      tpu.vector_store_idx %arg16[%add3A_318, %broadcast_in_dim3A_334], %sub3A_332 : memref<128x128xf32, #tpu.memory_space<vmem>>[vector<16xi32>, vector<16xi32>], vector<16xf32>,
      %gather3A_335 = tpu.vector_load_idx %arg13[%get3A_321] : memref<10240xf32, #tpu.memory_space<vmem>>[vector<16xi32>], vector<16xf32>,
      %gather3A_336 = tpu.vector_load_idx %arg13[%get3A_324] : memref<10240xf32, #tpu.memory_space<vmem>>[vector<16xi32>], vector<16xf32>,
      %sub3A_337 = arith.subf %gather3A_335, %gather3A_336 : vector<16xf32>
      %mul3A_338 = arith.mulf %sub3A_337, %get3A_11 : vector<16xf32>
      %add3A_339 = arith.addf %mul3A_338, %broadcast_in_dim3A_14 : vector<16xf32>
      %sub3A_340 = arith.subf %add3A_339, %broadcast_in_dim3A_14 : vector<16xf32>
      %mul3A_341 = arith.mulf %get3A_5, %sub3A_340 : vector<16xf32>
      %sub3A_342 = arith.subf %sub3A_337, %mul3A_341 : vector<16xf32>
      %broadcast_in_dim3A_343 = arith.constant 65 : i32
      %broadcast_in_dim3A_344 = vector.broadcast %broadcast_in_dim3A_343 : i32 to vector<16xi32>
      tpu.vector_store_idx %arg16[%add3A_318, %broadcast_in_dim3A_344], %sub3A_342 : memref<128x128xf32, #tpu.memory_space<vmem>>[vector<16xi32>, vector<16xi32>], vector<16xf32>,
      %gather3A_345 = tpu.vector_load_idx %arg14[%get3A_321] : memref<10240xf32, #tpu.memory_space<vmem>>[vector<16xi32>], vector<16xf32>,
      %gather3A_346 = tpu.vector_load_idx %arg14[%get3A_324] : memref<10240xf32, #tpu.memory_space<vmem>>[vector<16xi32>], vector<16xf32>,
      %sub3A_347 = arith.subf %gather3A_345, %gather3A_346 : vector<16xf32>
      %mul3A_348 = arith.mulf %sub3A_347, %get3A_13 : vector<16xf32>
      %add3A_349 = arith.addf %mul3A_348, %broadcast_in_dim3A_14 : vector<16xf32>
      %sub3A_350 = arith.subf %add3A_349, %broadcast_in_dim3A_14 : vector<16xf32>
      %mul3A_351 = arith.mulf %get3A_7, %sub3A_350 : vector<16xf32>
      %sub3A_352 = arith.subf %sub3A_347, %mul3A_351 : vector<16xf32>
      %broadcast_in_dim3A_353 = arith.constant 66 : i32
      %broadcast_in_dim3A_354 = vector.broadcast %broadcast_in_dim3A_353 : i32 to vector<16xi32>
      tpu.vector_store_idx %arg16[%add3A_318, %broadcast_in_dim3A_354], %sub3A_352 : memref<128x128xf32, #tpu.memory_space<vmem>>[vector<16xi32>, vector<16xi32>], vector<16xf32>,
      %mul3A_355 = arith.mulf %sub3A_332, %sub3A_332 : vector<16xf32>
      %mul3A_356 = arith.mulf %sub3A_342, %sub3A_342 : vector<16xf32>
      %add3A_357 = arith.addf %mul3A_355, %mul3A_356 : vector<16xf32>
      %mul3A_358 = arith.mulf %sub3A_352, %sub3A_352 : vector<16xf32>
      %add3A_359 = arith.addf %add3A_357, %mul3A_358 : vector<16xf32>
      %broadcast_in_dim3A_360 = arith.constant 67 : i32
      %broadcast_in_dim3A_361 = vector.broadcast %broadcast_in_dim3A_360 : i32 to vector<16xi32>
      tpu.vector_store_idx %arg16[%add3A_318, %broadcast_in_dim3A_361], %add3A_359 : memref<128x128xf32, #tpu.memory_space<vmem>>[vector<16xi32>, vector<16xi32>], vector<16xf32>,
      %iota3A_362 = tpu.iota {dimensions = array<i32: 0>} : vector<16xi32>
      %add3A_363 = arith.constant 96 : i32
      %add3A_364 = vector.broadcast %add3A_363 : i32 to vector<16xi32>
      %add3A_365 = arith.addi %add3A_364, %iota3A_362 : vector<16xi32>
      %get3A_366 = arith.index_cast %add3A_50 : i32 to index
      %get3A_367 = arith.constant 96 : index
      %get3A_368 = tpu.vector_load %arg10[%get3A_366, %get3A_367] {strides = array<i32>} : memref<40x128xi32, #tpu.memory_space<vmem>>, vector<16xi32>,
      %get3A_369 = arith.index_cast %add3A_50 : i32 to index
      %get3A_370 = arith.constant 96 : index
      %get3A_371 = tpu.vector_load %arg11[%get3A_369, %get3A_370] {strides = array<i32>} : memref<40x128xi32, #tpu.memory_space<vmem>>, vector<16xi32>,
      %gather3A_372 = tpu.vector_load_idx %arg12[%get3A_368] : memref<10240xf32, #tpu.memory_space<vmem>>[vector<16xi32>], vector<16xf32>,
      %gather3A_373 = tpu.vector_load_idx %arg12[%get3A_371] : memref<10240xf32, #tpu.memory_space<vmem>>[vector<16xi32>], vector<16xf32>,
      %sub3A_374 = arith.subf %gather3A_372, %gather3A_373 : vector<16xf32>
      %mul3A_375 = arith.mulf %sub3A_374, %get3A_9 : vector<16xf32>
      %add3A_376 = arith.addf %mul3A_375, %broadcast_in_dim3A_14 : vector<16xf32>
      %sub3A_377 = arith.subf %add3A_376, %broadcast_in_dim3A_14 : vector<16xf32>
      %mul3A_378 = arith.mulf %get3A_3, %sub3A_377 : vector<16xf32>
      %sub3A_379 = arith.subf %sub3A_374, %mul3A_378 : vector<16xf32>
      %broadcast_in_dim3A_380 = arith.constant 64 : i32
      %broadcast_in_dim3A_381 = vector.broadcast %broadcast_in_dim3A_380 : i32 to vector<16xi32>
      tpu.vector_store_idx %arg16[%add3A_365, %broadcast_in_dim3A_381], %sub3A_379 : memref<128x128xf32, #tpu.memory_space<vmem>>[vector<16xi32>, vector<16xi32>], vector<16xf32>,
      %gather3A_382 = tpu.vector_load_idx %arg13[%get3A_368] : memref<10240xf32, #tpu.memory_space<vmem>>[vector<16xi32>], vector<16xf32>,
      %gather3A_383 = tpu.vector_load_idx %arg13[%get3A_371] : memref<10240xf32, #tpu.memory_space<vmem>>[vector<16xi32>], vector<16xf32>,
      %sub3A_384 = arith.subf %gather3A_382, %gather3A_383 : vector<16xf32>
      %mul3A_385 = arith.mulf %sub3A_384, %get3A_11 : vector<16xf32>
      %add3A_386 = arith.addf %mul3A_385, %broadcast_in_dim3A_14 : vector<16xf32>
      %sub3A_387 = arith.subf %add3A_386, %broadcast_in_dim3A_14 : vector<16xf32>
      %mul3A_388 = arith.mulf %get3A_5, %sub3A_387 : vector<16xf32>
      %sub3A_389 = arith.subf %sub3A_384, %mul3A_388 : vector<16xf32>
      %broadcast_in_dim3A_390 = arith.constant 65 : i32
      %broadcast_in_dim3A_391 = vector.broadcast %broadcast_in_dim3A_390 : i32 to vector<16xi32>
      tpu.vector_store_idx %arg16[%add3A_365, %broadcast_in_dim3A_391], %sub3A_389 : memref<128x128xf32, #tpu.memory_space<vmem>>[vector<16xi32>, vector<16xi32>], vector<16xf32>,
      %gather3A_392 = tpu.vector_load_idx %arg14[%get3A_368] : memref<10240xf32, #tpu.memory_space<vmem>>[vector<16xi32>], vector<16xf32>,
      %gather3A_393 = tpu.vector_load_idx %arg14[%get3A_371] : memref<10240xf32, #tpu.memory_space<vmem>>[vector<16xi32>], vector<16xf32>,
      %sub3A_394 = arith.subf %gather3A_392, %gather3A_393 : vector<16xf32>
      %mul3A_395 = arith.mulf %sub3A_394, %get3A_13 : vector<16xf32>
      %add3A_396 = arith.addf %mul3A_395, %broadcast_in_dim3A_14 : vector<16xf32>
      %sub3A_397 = arith.subf %add3A_396, %broadcast_in_dim3A_14 : vector<16xf32>
      %mul3A_398 = arith.mulf %get3A_7, %sub3A_397 : vector<16xf32>
      %sub3A_399 = arith.subf %sub3A_394, %mul3A_398 : vector<16xf32>
      %broadcast_in_dim3A_400 = arith.constant 66 : i32
      %broadcast_in_dim3A_401 = vector.broadcast %broadcast_in_dim3A_400 : i32 to vector<16xi32>
      tpu.vector_store_idx %arg16[%add3A_365, %broadcast_in_dim3A_401], %sub3A_399 : memref<128x128xf32, #tpu.memory_space<vmem>>[vector<16xi32>, vector<16xi32>], vector<16xf32>,
      %mul3A_402 = arith.mulf %sub3A_379, %sub3A_379 : vector<16xf32>
      %mul3A_403 = arith.mulf %sub3A_389, %sub3A_389 : vector<16xf32>
      %add3A_404 = arith.addf %mul3A_402, %mul3A_403 : vector<16xf32>
      %mul3A_405 = arith.mulf %sub3A_399, %sub3A_399 : vector<16xf32>
      %add3A_406 = arith.addf %add3A_404, %mul3A_405 : vector<16xf32>
      %broadcast_in_dim3A_407 = arith.constant 67 : i32
      %broadcast_in_dim3A_408 = vector.broadcast %broadcast_in_dim3A_407 : i32 to vector<16xi32>
      tpu.vector_store_idx %arg16[%add3A_365, %broadcast_in_dim3A_408], %add3A_406 : memref<128x128xf32, #tpu.memory_space<vmem>>[vector<16xi32>, vector<16xi32>], vector<16xf32>,
      %iota3A_409 = tpu.iota {dimensions = array<i32: 0>} : vector<16xi32>
      %add3A_410 = arith.constant 112 : i32
      %add3A_411 = vector.broadcast %add3A_410 : i32 to vector<16xi32>
      %add3A_412 = arith.addi %add3A_411, %iota3A_409 : vector<16xi32>
      %get3A_413 = arith.index_cast %add3A_50 : i32 to index
      %get3A_414 = arith.constant 112 : index
      %get3A_415 = tpu.vector_load %arg10[%get3A_413, %get3A_414] {strides = array<i32>} : memref<40x128xi32, #tpu.memory_space<vmem>>, vector<16xi32>,
      %get3A_416 = arith.index_cast %add3A_50 : i32 to index
      %get3A_417 = arith.constant 112 : index
      %get3A_418 = tpu.vector_load %arg11[%get3A_416, %get3A_417] {strides = array<i32>} : memref<40x128xi32, #tpu.memory_space<vmem>>, vector<16xi32>,
      %gather3A_419 = tpu.vector_load_idx %arg12[%get3A_415] : memref<10240xf32, #tpu.memory_space<vmem>>[vector<16xi32>], vector<16xf32>,
      %gather3A_420 = tpu.vector_load_idx %arg12[%get3A_418] : memref<10240xf32, #tpu.memory_space<vmem>>[vector<16xi32>], vector<16xf32>,
      %sub3A_421 = arith.subf %gather3A_419, %gather3A_420 : vector<16xf32>
      %mul3A_422 = arith.mulf %sub3A_421, %get3A_9 : vector<16xf32>
      %add3A_423 = arith.addf %mul3A_422, %broadcast_in_dim3A_14 : vector<16xf32>
      %sub3A_424 = arith.subf %add3A_423, %broadcast_in_dim3A_14 : vector<16xf32>
      %mul3A_425 = arith.mulf %get3A_3, %sub3A_424 : vector<16xf32>
      %sub3A_426 = arith.subf %sub3A_421, %mul3A_425 : vector<16xf32>
      %broadcast_in_dim3A_427 = arith.constant 64 : i32
      %broadcast_in_dim3A_428 = vector.broadcast %broadcast_in_dim3A_427 : i32 to vector<16xi32>
      tpu.vector_store_idx %arg16[%add3A_412, %broadcast_in_dim3A_428], %sub3A_426 : memref<128x128xf32, #tpu.memory_space<vmem>>[vector<16xi32>, vector<16xi32>], vector<16xf32>,
      %gather3A_429 = tpu.vector_load_idx %arg13[%get3A_415] : memref<10240xf32, #tpu.memory_space<vmem>>[vector<16xi32>], vector<16xf32>,
      %gather3A_430 = tpu.vector_load_idx %arg13[%get3A_418] : memref<10240xf32, #tpu.memory_space<vmem>>[vector<16xi32>], vector<16xf32>,
      %sub3A_431 = arith.subf %gather3A_429, %gather3A_430 : vector<16xf32>
      %mul3A_432 = arith.mulf %sub3A_431, %get3A_11 : vector<16xf32>
      %add3A_433 = arith.addf %mul3A_432, %broadcast_in_dim3A_14 : vector<16xf32>
      %sub3A_434 = arith.subf %add3A_433, %broadcast_in_dim3A_14 : vector<16xf32>
      %mul3A_435 = arith.mulf %get3A_5, %sub3A_434 : vector<16xf32>
      %sub3A_436 = arith.subf %sub3A_431, %mul3A_435 : vector<16xf32>
      %broadcast_in_dim3A_437 = arith.constant 65 : i32
      %broadcast_in_dim3A_438 = vector.broadcast %broadcast_in_dim3A_437 : i32 to vector<16xi32>
      tpu.vector_store_idx %arg16[%add3A_412, %broadcast_in_dim3A_438], %sub3A_436 : memref<128x128xf32, #tpu.memory_space<vmem>>[vector<16xi32>, vector<16xi32>], vector<16xf32>,
      %gather3A_439 = tpu.vector_load_idx %arg14[%get3A_415] : memref<10240xf32, #tpu.memory_space<vmem>>[vector<16xi32>], vector<16xf32>,
      %gather3A_440 = tpu.vector_load_idx %arg14[%get3A_418] : memref<10240xf32, #tpu.memory_space<vmem>>[vector<16xi32>], vector<16xf32>,
      %sub3A_441 = arith.subf %gather3A_439, %gather3A_440 : vector<16xf32>
      %mul3A_442 = arith.mulf %sub3A_441, %get3A_13 : vector<16xf32>
      %add3A_443 = arith.addf %mul3A_442, %broadcast_in_dim3A_14 : vector<16xf32>
      %sub3A_444 = arith.subf %add3A_443, %broadcast_in_dim3A_14 : vector<16xf32>
      %mul3A_445 = arith.mulf %get3A_7, %sub3A_444 : vector<16xf32>
      %sub3A_446 = arith.subf %sub3A_441, %mul3A_445 : vector<16xf32>
      %broadcast_in_dim3A_447 = arith.constant 66 : i32
      %broadcast_in_dim3A_448 = vector.broadcast %broadcast_in_dim3A_447 : i32 to vector<16xi32>
      tpu.vector_store_idx %arg16[%add3A_412, %broadcast_in_dim3A_448], %sub3A_446 : memref<128x128xf32, #tpu.memory_space<vmem>>[vector<16xi32>, vector<16xi32>], vector<16xf32>,
      %mul3A_449 = arith.mulf %sub3A_426, %sub3A_426 : vector<16xf32>
      %mul3A_450 = arith.mulf %sub3A_436, %sub3A_436 : vector<16xf32>
      %add3A_451 = arith.addf %mul3A_449, %mul3A_450 : vector<16xf32>
      %mul3A_452 = arith.mulf %sub3A_446, %sub3A_446 : vector<16xf32>
      %add3A_453 = arith.addf %add3A_451, %mul3A_452 : vector<16xf32>
      %broadcast_in_dim3A_454 = arith.constant 67 : i32
      %broadcast_in_dim3A_455 = vector.broadcast %broadcast_in_dim3A_454 : i32 to vector<16xi32>
      tpu.vector_store_idx %arg16[%add3A_412, %broadcast_in_dim3A_455], %add3A_453 : memref<128x128xf32, #tpu.memory_space<vmem>>[vector<16xi32>, vector<16xi32>], vector<16xf32>,
      %mul3A_456 = arith.constant 5120 : i32
      %mul3A_457 = arith.muli %add3A, %mul3A_456 : i32
      %mul3A_458 = arith.constant 128 : i32
      %mul3A_459 = arith.muli %add3A_50, %mul3A_458 : i32
      %add3A_460 = arith.addi %mul3A_457, %mul3A_459 : i32
      "tpu.region"() ({
        %run_scoped3A = tpu.sem_alloc : memref<!tpu.dma_semaphore, #tpu.memory_space<semaphore_mem>>
        %dma_start3A_879 = arith.constant 0 : i32
        %dma_start3A_880 = tpu.memref_slice %arg9[%add3A_460, %dma_start3A_879] : memref<163840x128xf32, #tpu.memory_space<hbm>> -> memref<128x128xf32, #tpu.memory_space<hbm>>
        %dma_start3A_881 = arith.constant 0 : i32
        %dma_start3A_882 = tpu.memref_slice %arg9[%add3A_460, %dma_start3A_881] : memref<163840x128xf32, #tpu.memory_space<hbm>> -> memref<128x128xf32, #tpu.memory_space<hbm>>
        tpu.enqueue_dma source(%arg16 : memref<128x128xf32, #tpu.memory_space<vmem>>) target(%dma_start3A_882 : memref<128x128xf32, #tpu.memory_space<hbm>>) target_semaphore(%run_scoped3A : memref<!tpu.dma_semaphore, #tpu.memory_space<semaphore_mem>>)
        %dma_wait3A_883 = arith.constant 0 : i32
        %dma_wait3A_884 = tpu.memref_slice %arg9[%add3A_460, %dma_wait3A_883] : memref<163840x128xf32, #tpu.memory_space<hbm>> -> memref<128x128xf32, #tpu.memory_space<hbm>>
        %dma_wait3A_885 = arith.constant 0 : i32
        %dma_wait3A_886 = tpu.memref_slice %arg9[%add3A_460, %dma_wait3A_885] : memref<163840x128xf32, #tpu.memory_space<hbm>> -> memref<128x128xf32, #tpu.memory_space<hbm>>
        tpu.wait_dma2 semaphore(%run_scoped3A : memref<!tpu.dma_semaphore, #tpu.memory_space<semaphore_mem>>) src(%arg16 : memref<128x128xf32, #tpu.memory_space<vmem>>) dst(%dma_wait3A_886 : memref<128x128xf32, #tpu.memory_space<hbm>>)
        tpu.yield
      }) : () -> ()
      %mul3A_461 = arith.constant 2 : i32
      %mul3A_462 = arith.muli %scan3A_46, %mul3A_461 : i32
      %add3A_463 = arith.constant 1 : i32
      %add3A_464 = arith.addi %mul3A_462, %add3A_463 : i32
      %add3A_465 = arith.constant 1 : i32
      %add3A_466 = arith.addi %add3A_464, %add3A_465 : i32
      %min3A_467 = arith.constant 39 : i32
      %min3A_468 = arith.minsi %add3A_466, %min3A_467 : i32
      %dma_start3A_469 = arith.constant 0 : i32
      %dma_start3A_470 = tpu.memref_slice %arg10[%min3A_468, %dma_start3A_469] : memref<40x128xi32, #tpu.memory_space<vmem>> -> memref<1x128xi32, #tpu.memory_space<vmem>>
      %dma_start3A_471 = tpu.memref_squeeze %dma_start3A_470 : memref<1x128xi32, #tpu.memory_space<vmem>> -> memref<128xi32, #tpu.memory_space<vmem>>
      %dma_start3A_472 = arith.constant 0 : i32
      %dma_start3A_473 = arith.constant 0 : i32
      %dma_start3A_474 = tpu.memref_slice %arg2[%dma_start3A_472, %dma_start3A_473] : memref<10240x128xf32, #tpu.memory_space<hbm>> -> memref<10240x128xf32, #tpu.memory_space<hbm>>
      tpu.enqueue_indirect_dma source(%dma_start3A_474 : memref<10240x128xf32, #tpu.memory_space<hbm>>) target(%arg16 : memref<128x128xf32, #tpu.memory_space<vmem>>) offsets(%dma_start3A_471 : memref<128xi32, #tpu.memory_space<vmem>>) semaphore(%arg20 : memref<!tpu.dma_semaphore, #tpu.memory_space<semaphore_mem>>)
      %dma_start3A_475 = arith.constant 0 : i32
      %dma_start3A_476 = tpu.memref_slice %arg11[%min3A_468, %dma_start3A_475] : memref<40x128xi32, #tpu.memory_space<vmem>> -> memref<1x128xi32, #tpu.memory_space<vmem>>
      %dma_start3A_477 = tpu.memref_squeeze %dma_start3A_476 : memref<1x128xi32, #tpu.memory_space<vmem>> -> memref<128xi32, #tpu.memory_space<vmem>>
      %dma_start3A_478 = arith.constant 0 : i32
      %dma_start3A_479 = arith.constant 0 : i32
      %dma_start3A_480 = tpu.memref_slice %arg2[%dma_start3A_478, %dma_start3A_479] : memref<10240x128xf32, #tpu.memory_space<hbm>> -> memref<10240x128xf32, #tpu.memory_space<hbm>>
      tpu.enqueue_indirect_dma source(%dma_start3A_480 : memref<10240x128xf32, #tpu.memory_space<hbm>>) target(%arg18 : memref<128x128xf32, #tpu.memory_space<vmem>>) offsets(%dma_start3A_477 : memref<128xi32, #tpu.memory_space<vmem>>) semaphore(%arg22 : memref<!tpu.dma_semaphore, #tpu.memory_space<semaphore_mem>>)
      %dma_wait3A_481 = arith.constant 0 : i32
      %dma_wait3A_482 = arith.constant 0 : i32
      %dma_wait3A_483 = tpu.memref_slice %arg10[%dma_wait3A_481, %dma_wait3A_482] : memref<40x128xi32, #tpu.memory_space<vmem>> -> memref<1x128xi32, #tpu.memory_space<vmem>>
      %dma_wait3A_484 = tpu.memref_squeeze %dma_wait3A_483 : memref<1x128xi32, #tpu.memory_space<vmem>> -> memref<128xi32, #tpu.memory_space<vmem>>
      %dma_wait3A_485 = arith.constant 0 : i32
      %dma_wait3A_486 = arith.constant 0 : i32
      %dma_wait3A_487 = tpu.memref_slice %arg2[%dma_wait3A_485, %dma_wait3A_486] : memref<10240x128xf32, #tpu.memory_space<hbm>> -> memref<10240x128xf32, #tpu.memory_space<hbm>>
      tpu.wait_indirect_dma semaphore(%arg21 : memref<!tpu.dma_semaphore, #tpu.memory_space<semaphore_mem>>) src(%dma_wait3A_487 : memref<10240x128xf32, #tpu.memory_space<hbm>>) dst(%arg17 : memref<128x128xf32, #tpu.memory_space<vmem>>)
      %dma_wait3A_488 = arith.constant 0 : i32
      %dma_wait3A_489 = arith.constant 0 : i32
      %dma_wait3A_490 = tpu.memref_slice %arg11[%dma_wait3A_488, %dma_wait3A_489] : memref<40x128xi32, #tpu.memory_space<vmem>> -> memref<1x128xi32, #tpu.memory_space<vmem>>
      %dma_wait3A_491 = tpu.memref_squeeze %dma_wait3A_490 : memref<1x128xi32, #tpu.memory_space<vmem>> -> memref<128xi32, #tpu.memory_space<vmem>>
      %dma_wait3A_492 = arith.constant 0 : i32
      %dma_wait3A_493 = arith.constant 0 : i32
      %dma_wait3A_494 = tpu.memref_slice %arg2[%dma_wait3A_492, %dma_wait3A_493] : memref<10240x128xf32, #tpu.memory_space<hbm>> -> memref<10240x128xf32, #tpu.memory_space<hbm>>
      tpu.wait_indirect_dma semaphore(%arg23 : memref<!tpu.dma_semaphore, #tpu.memory_space<semaphore_mem>>) src(%dma_wait3A_494 : memref<10240x128xf32, #tpu.memory_space<hbm>>) dst(%arg19 : memref<128x128xf32, #tpu.memory_space<vmem>>)
      %scan3A_495 = arith.constant 0 : i32
      %scan3A_496 = arith.constant 0 : i32
      %scan3A_497 = arith.constant 32 : i32
      %scan3A_498 = arith.addi %scan3A_496, %scan3A_497 : i32
      %scan3A_499 = arith.constant 1 : i32
      scf.for %scan3A_879 = %scan3A_496 to %scan3A_498 step %scan3A_499  : i32 {
        %mul3A_880 = arith.constant 4 : i32
        %mul3A_881 = arith.muli %scan3A_879, %mul3A_880 : i32
        %add3A_882 = arith.constant 0 : i32
        %add3A_883 = arith.addi %mul3A_881, %add3A_882 : i32
        %get3A_884 = arith.index_cast %add3A_883 : i32 to index
        %get3A_885 = arith.constant 64 : index
        %get3A_886 = tpu.vector_load %arg19[%get3A_884, %get3A_885] {strides = array<i32>} : memref<128x128xf32, #tpu.memory_space<vmem>>, vector<16xf32>,
        %swap3A = arith.index_cast %add3A_883 : i32 to index
        %swap3A_887 = arith.constant 0 : index
        %swap3A_888 = tpu.vector_load %arg17[%swap3A, %swap3A_887] {strides = array<i32>} : memref<128x128xf32, #tpu.memory_space<vmem>>, vector<16xf32>,
        tpu.vector_store %arg17[%swap3A, %swap3A_887], %get3A_886 {add = true, strides = array<i32>} : memref<128x128xf32, #tpu.memory_space<vmem>>, vector<16xf32>,
        %get3A_889 = arith.index_cast %add3A_883 : i32 to index
        %get3A_890 = arith.constant 80 : index
        %get3A_891 = tpu.vector_load %arg19[%get3A_889, %get3A_890] {strides = array<i32>} : memref<128x128xf32, #tpu.memory_space<vmem>>, vector<16xf32>,
        %swap3A_892 = arith.index_cast %add3A_883 : i32 to index
        %swap3A_893 = arith.constant 16 : index
        %swap3A_894 = tpu.vector_load %arg17[%swap3A_892, %swap3A_893] {strides = array<i32>} : memref<128x128xf32, #tpu.memory_space<vmem>>, vector<16xf32>,
        tpu.vector_store %arg17[%swap3A_892, %swap3A_893], %get3A_891 {add = true, strides = array<i32>} : memref<128x128xf32, #tpu.memory_space<vmem>>, vector<16xf32>,
        %get3A_895 = arith.index_cast %add3A_883 : i32 to index
        %get3A_896 = arith.constant 96 : index
        %get3A_897 = tpu.vector_load %arg19[%get3A_895, %get3A_896] {strides = array<i32>} : memref<128x128xf32, #tpu.memory_space<vmem>>, vector<16xf32>,
        %swap3A_898 = arith.index_cast %add3A_883 : i32 to index
        %swap3A_899 = arith.constant 32 : index
        %swap3A_900 = tpu.vector_load %arg17[%swap3A_898, %swap3A_899] {strides = array<i32>} : memref<128x128xf32, #tpu.memory_space<vmem>>, vector<16xf32>,
        tpu.vector_store %arg17[%swap3A_898, %swap3A_899], %get3A_897 {add = true, strides = array<i32>} : memref<128x128xf32, #tpu.memory_space<vmem>>, vector<16xf32>,
        %get3A_901 = arith.index_cast %add3A_883 : i32 to index
        %get3A_902 = arith.constant 112 : index
        %get3A_903 = tpu.vector_load %arg19[%get3A_901, %get3A_902] {strides = array<i32>} : memref<128x128xf32, #tpu.memory_space<vmem>>, vector<16xf32>,
        %swap3A_904 = arith.index_cast %add3A_883 : i32 to index
        %swap3A_905 = arith.constant 48 : index
        %swap3A_906 = tpu.vector_load %arg17[%swap3A_904, %swap3A_905] {strides = array<i32>} : memref<128x128xf32, #tpu.memory_space<vmem>>, vector<16xf32>,
        tpu.vector_store %arg17[%swap3A_904, %swap3A_905], %get3A_903 {add = true, strides = array<i32>} : memref<128x128xf32, #tpu.memory_space<vmem>>, vector<16xf32>,
        %mul3A_907 = arith.constant 4 : i32
        %mul3A_908 = arith.muli %scan3A_879, %mul3A_907 : i32
        %add3A_909 = arith.constant 1 : i32
        %add3A_910 = arith.addi %mul3A_908, %add3A_909 : i32
        %get3A_911 = arith.index_cast %add3A_910 : i32 to index
        %get3A_912 = arith.constant 64 : index
        %get3A_913 = tpu.vector_load %arg19[%get3A_911, %get3A_912] {strides = array<i32>} : memref<128x128xf32, #tpu.memory_space<vmem>>, vector<16xf32>,
        %swap3A_914 = arith.index_cast %add3A_910 : i32 to index
        %swap3A_915 = arith.constant 0 : index
        %swap3A_916 = tpu.vector_load %arg17[%swap3A_914, %swap3A_915] {strides = array<i32>} : memref<128x128xf32, #tpu.memory_space<vmem>>, vector<16xf32>,
        tpu.vector_store %arg17[%swap3A_914, %swap3A_915], %get3A_913 {add = true, strides = array<i32>} : memref<128x128xf32, #tpu.memory_space<vmem>>, vector<16xf32>,
        %get3A_917 = arith.index_cast %add3A_910 : i32 to index
        %get3A_918 = arith.constant 80 : index
        %get3A_919 = tpu.vector_load %arg19[%get3A_917, %get3A_918] {strides = array<i32>} : memref<128x128xf32, #tpu.memory_space<vmem>>, vector<16xf32>,
        %swap3A_920 = arith.index_cast %add3A_910 : i32 to index
        %swap3A_921 = arith.constant 16 : index
        %swap3A_922 = tpu.vector_load %arg17[%swap3A_920, %swap3A_921] {strides = array<i32>} : memref<128x128xf32, #tpu.memory_space<vmem>>, vector<16xf32>,
        tpu.vector_store %arg17[%swap3A_920, %swap3A_921], %get3A_919 {add = true, strides = array<i32>} : memref<128x128xf32, #tpu.memory_space<vmem>>, vector<16xf32>,
        %get3A_923 = arith.index_cast %add3A_910 : i32 to index
        %get3A_924 = arith.constant 96 : index
        %get3A_925 = tpu.vector_load %arg19[%get3A_923, %get3A_924] {strides = array<i32>} : memref<128x128xf32, #tpu.memory_space<vmem>>, vector<16xf32>,
        %swap3A_926 = arith.index_cast %add3A_910 : i32 to index
        %swap3A_927 = arith.constant 32 : index
        %swap3A_928 = tpu.vector_load %arg17[%swap3A_926, %swap3A_927] {strides = array<i32>} : memref<128x128xf32, #tpu.memory_space<vmem>>, vector<16xf32>,
        tpu.vector_store %arg17[%swap3A_926, %swap3A_927], %get3A_925 {add = true, strides = array<i32>} : memref<128x128xf32, #tpu.memory_space<vmem>>, vector<16xf32>,
        %get3A_929 = arith.index_cast %add3A_910 : i32 to index
        %get3A_930 = arith.constant 112 : index
        %get3A_931 = tpu.vector_load %arg19[%get3A_929, %get3A_930] {strides = array<i32>} : memref<128x128xf32, #tpu.memory_space<vmem>>, vector<16xf32>,
        %swap3A_932 = arith.index_cast %add3A_910 : i32 to index
        %swap3A_933 = arith.constant 48 : index
        %swap3A_934 = tpu.vector_load %arg17[%swap3A_932, %swap3A_933] {strides = array<i32>} : memref<128x128xf32, #tpu.memory_space<vmem>>, vector<16xf32>,
        tpu.vector_store %arg17[%swap3A_932, %swap3A_933], %get3A_931 {add = true, strides = array<i32>} : memref<128x128xf32, #tpu.memory_space<vmem>>, vector<16xf32>,
        %mul3A_935 = arith.constant 4 : i32
        %mul3A_936 = arith.muli %scan3A_879, %mul3A_935 : i32
        %add3A_937 = arith.constant 2 : i32
        %add3A_938 = arith.addi %mul3A_936, %add3A_937 : i32
        %get3A_939 = arith.index_cast %add3A_938 : i32 to index
        %get3A_940 = arith.constant 64 : index
        %get3A_941 = tpu.vector_load %arg19[%get3A_939, %get3A_940] {strides = array<i32>} : memref<128x128xf32, #tpu.memory_space<vmem>>, vector<16xf32>,
        %swap3A_942 = arith.index_cast %add3A_938 : i32 to index
        %swap3A_943 = arith.constant 0 : index
        %swap3A_944 = tpu.vector_load %arg17[%swap3A_942, %swap3A_943] {strides = array<i32>} : memref<128x128xf32, #tpu.memory_space<vmem>>, vector<16xf32>,
        tpu.vector_store %arg17[%swap3A_942, %swap3A_943], %get3A_941 {add = true, strides = array<i32>} : memref<128x128xf32, #tpu.memory_space<vmem>>, vector<16xf32>,
        %get3A_945 = arith.index_cast %add3A_938 : i32 to index
        %get3A_946 = arith.constant 80 : index
        %get3A_947 = tpu.vector_load %arg19[%get3A_945, %get3A_946] {strides = array<i32>} : memref<128x128xf32, #tpu.memory_space<vmem>>, vector<16xf32>,
        %swap3A_948 = arith.index_cast %add3A_938 : i32 to index
        %swap3A_949 = arith.constant 16 : index
        %swap3A_950 = tpu.vector_load %arg17[%swap3A_948, %swap3A_949] {strides = array<i32>} : memref<128x128xf32, #tpu.memory_space<vmem>>, vector<16xf32>,
        tpu.vector_store %arg17[%swap3A_948, %swap3A_949], %get3A_947 {add = true, strides = array<i32>} : memref<128x128xf32, #tpu.memory_space<vmem>>, vector<16xf32>,
        %get3A_951 = arith.index_cast %add3A_938 : i32 to index
        %get3A_952 = arith.constant 96 : index
        %get3A_953 = tpu.vector_load %arg19[%get3A_951, %get3A_952] {strides = array<i32>} : memref<128x128xf32, #tpu.memory_space<vmem>>, vector<16xf32>,
        %swap3A_954 = arith.index_cast %add3A_938 : i32 to index
        %swap3A_955 = arith.constant 32 : index
        %swap3A_956 = tpu.vector_load %arg17[%swap3A_954, %swap3A_955] {strides = array<i32>} : memref<128x128xf32, #tpu.memory_space<vmem>>, vector<16xf32>,
        tpu.vector_store %arg17[%swap3A_954, %swap3A_955], %get3A_953 {add = true, strides = array<i32>} : memref<128x128xf32, #tpu.memory_space<vmem>>, vector<16xf32>,
        %get3A_957 = arith.index_cast %add3A_938 : i32 to index
        %get3A_958 = arith.constant 112 : index
        %get3A_959 = tpu.vector_load %arg19[%get3A_957, %get3A_958] {strides = array<i32>} : memref<128x128xf32, #tpu.memory_space<vmem>>, vector<16xf32>,
        %swap3A_960 = arith.index_cast %add3A_938 : i32 to index
        %swap3A_961 = arith.constant 48 : index
        %swap3A_962 = tpu.vector_load %arg17[%swap3A_960, %swap3A_961] {strides = array<i32>} : memref<128x128xf32, #tpu.memory_space<vmem>>, vector<16xf32>,
        tpu.vector_store %arg17[%swap3A_960, %swap3A_961], %get3A_959 {add = true, strides = array<i32>} : memref<128x128xf32, #tpu.memory_space<vmem>>, vector<16xf32>,
        %mul3A_963 = arith.constant 4 : i32
        %mul3A_964 = arith.muli %scan3A_879, %mul3A_963 : i32
        %add3A_965 = arith.constant 3 : i32
        %add3A_966 = arith.addi %mul3A_964, %add3A_965 : i32
        %get3A_967 = arith.index_cast %add3A_966 : i32 to index
        %get3A_968 = arith.constant 64 : index
        %get3A_969 = tpu.vector_load %arg19[%get3A_967, %get3A_968] {strides = array<i32>} : memref<128x128xf32, #tpu.memory_space<vmem>>, vector<16xf32>,
        %swap3A_970 = arith.index_cast %add3A_966 : i32 to index
        %swap3A_971 = arith.constant 0 : index
        %swap3A_972 = tpu.vector_load %arg17[%swap3A_970, %swap3A_971] {strides = array<i32>} : memref<128x128xf32, #tpu.memory_space<vmem>>, vector<16xf32>,
        tpu.vector_store %arg17[%swap3A_970, %swap3A_971], %get3A_969 {add = true, strides = array<i32>} : memref<128x128xf32, #tpu.memory_space<vmem>>, vector<16xf32>,
        %get3A_973 = arith.index_cast %add3A_966 : i32 to index
        %get3A_974 = arith.constant 80 : index
        %get3A_975 = tpu.vector_load %arg19[%get3A_973, %get3A_974] {strides = array<i32>} : memref<128x128xf32, #tpu.memory_space<vmem>>, vector<16xf32>,
        %swap3A_976 = arith.index_cast %add3A_966 : i32 to index
        %swap3A_977 = arith.constant 16 : index
        %swap3A_978 = tpu.vector_load %arg17[%swap3A_976, %swap3A_977] {strides = array<i32>} : memref<128x128xf32, #tpu.memory_space<vmem>>, vector<16xf32>,
        tpu.vector_store %arg17[%swap3A_976, %swap3A_977], %get3A_975 {add = true, strides = array<i32>} : memref<128x128xf32, #tpu.memory_space<vmem>>, vector<16xf32>,
        %get3A_979 = arith.index_cast %add3A_966 : i32 to index
        %get3A_980 = arith.constant 96 : index
        %get3A_981 = tpu.vector_load %arg19[%get3A_979, %get3A_980] {strides = array<i32>} : memref<128x128xf32, #tpu.memory_space<vmem>>, vector<16xf32>,
        %swap3A_982 = arith.index_cast %add3A_966 : i32 to index
        %swap3A_983 = arith.constant 32 : index
        %swap3A_984 = tpu.vector_load %arg17[%swap3A_982, %swap3A_983] {strides = array<i32>} : memref<128x128xf32, #tpu.memory_space<vmem>>, vector<16xf32>,
        tpu.vector_store %arg17[%swap3A_982, %swap3A_983], %get3A_981 {add = true, strides = array<i32>} : memref<128x128xf32, #tpu.memory_space<vmem>>, vector<16xf32>,
        %get3A_985 = arith.index_cast %add3A_966 : i32 to index
        %get3A_986 = arith.constant 112 : index
        %get3A_987 = tpu.vector_load %arg19[%get3A_985, %get3A_986] {strides = array<i32>} : memref<128x128xf32, #tpu.memory_space<vmem>>, vector<16xf32>,
        %swap3A_988 = arith.index_cast %add3A_966 : i32 to index
        %swap3A_989 = arith.constant 48 : index
        %swap3A_990 = tpu.vector_load %arg17[%swap3A_988, %swap3A_989] {strides = array<i32>} : memref<128x128xf32, #tpu.memory_space<vmem>>, vector<16xf32>,
        tpu.vector_store %arg17[%swap3A_988, %swap3A_989], %get3A_987 {add = true, strides = array<i32>} : memref<128x128xf32, #tpu.memory_space<vmem>>, vector<16xf32>,
      }
      %scan3A_500 = arith.constant 32 : i32
      %iota3A_501 = tpu.iota {dimensions = array<i32: 0>} : vector<16xi32>
      %get3A_502 = arith.index_cast %add3A_464 : i32 to index
      %get3A_503 = arith.constant 0 : index
      %get3A_504 = tpu.vector_load %arg10[%get3A_502, %get3A_503] {strides = array<i32>} : memref<40x128xi32, #tpu.memory_space<vmem>>, vector<16xi32>,
      %get3A_505 = arith.index_cast %add3A_464 : i32 to index
      %get3A_506 = arith.constant 0 : index
      %get3A_507 = tpu.vector_load %arg11[%get3A_505, %get3A_506] {strides = array<i32>} : memref<40x128xi32, #tpu.memory_space<vmem>>, vector<16xi32>,
      %gather3A_508 = tpu.vector_load_idx %arg12[%get3A_504] : memref<10240xf32, #tpu.memory_space<vmem>>[vector<16xi32>], vector<16xf32>,
      %gather3A_509 = tpu.vector_load_idx %arg12[%get3A_507] : memref<10240xf32, #tpu.memory_space<vmem>>[vector<16xi32>], vector<16xf32>,
      %sub3A_510 = arith.subf %gather3A_508, %gather3A_509 : vector<16xf32>
      %mul3A_511 = arith.mulf %sub3A_510, %get3A_9 : vector<16xf32>
      %add3A_512 = arith.addf %mul3A_511, %broadcast_in_dim3A_14 : vector<16xf32>
      %sub3A_513 = arith.subf %add3A_512, %broadcast_in_dim3A_14 : vector<16xf32>
      %mul3A_514 = arith.mulf %get3A_3, %sub3A_513 : vector<16xf32>
      %sub3A_515 = arith.subf %sub3A_510, %mul3A_514 : vector<16xf32>
      %broadcast_in_dim3A_516 = arith.constant 64 : i32
      %broadcast_in_dim3A_517 = vector.broadcast %broadcast_in_dim3A_516 : i32 to vector<16xi32>
      tpu.vector_store_idx %arg17[%iota3A_501, %broadcast_in_dim3A_517], %sub3A_515 : memref<128x128xf32, #tpu.memory_space<vmem>>[vector<16xi32>, vector<16xi32>], vector<16xf32>,
      %gather3A_518 = tpu.vector_load_idx %arg13[%get3A_504] : memref<10240xf32, #tpu.memory_space<vmem>>[vector<16xi32>], vector<16xf32>,
      %gather3A_519 = tpu.vector_load_idx %arg13[%get3A_507] : memref<10240xf32, #tpu.memory_space<vmem>>[vector<16xi32>], vector<16xf32>,
      %sub3A_520 = arith.subf %gather3A_518, %gather3A_519 : vector<16xf32>
      %mul3A_521 = arith.mulf %sub3A_520, %get3A_11 : vector<16xf32>
      %add3A_522 = arith.addf %mul3A_521, %broadcast_in_dim3A_14 : vector<16xf32>
      %sub3A_523 = arith.subf %add3A_522, %broadcast_in_dim3A_14 : vector<16xf32>
      %mul3A_524 = arith.mulf %get3A_5, %sub3A_523 : vector<16xf32>
      %sub3A_525 = arith.subf %sub3A_520, %mul3A_524 : vector<16xf32>
      %broadcast_in_dim3A_526 = arith.constant 65 : i32
      %broadcast_in_dim3A_527 = vector.broadcast %broadcast_in_dim3A_526 : i32 to vector<16xi32>
      tpu.vector_store_idx %arg17[%iota3A_501, %broadcast_in_dim3A_527], %sub3A_525 : memref<128x128xf32, #tpu.memory_space<vmem>>[vector<16xi32>, vector<16xi32>], vector<16xf32>,
      %gather3A_528 = tpu.vector_load_idx %arg14[%get3A_504] : memref<10240xf32, #tpu.memory_space<vmem>>[vector<16xi32>], vector<16xf32>,
      %gather3A_529 = tpu.vector_load_idx %arg14[%get3A_507] : memref<10240xf32, #tpu.memory_space<vmem>>[vector<16xi32>], vector<16xf32>,
      %sub3A_530 = arith.subf %gather3A_528, %gather3A_529 : vector<16xf32>
      %mul3A_531 = arith.mulf %sub3A_530, %get3A_13 : vector<16xf32>
      %add3A_532 = arith.addf %mul3A_531, %broadcast_in_dim3A_14 : vector<16xf32>
      %sub3A_533 = arith.subf %add3A_532, %broadcast_in_dim3A_14 : vector<16xf32>
      %mul3A_534 = arith.mulf %get3A_7, %sub3A_533 : vector<16xf32>
      %sub3A_535 = arith.subf %sub3A_530, %mul3A_534 : vector<16xf32>
      %broadcast_in_dim3A_536 = arith.constant 66 : i32
      %broadcast_in_dim3A_537 = vector.broadcast %broadcast_in_dim3A_536 : i32 to vector<16xi32>
      tpu.vector_store_idx %arg17[%iota3A_501, %broadcast_in_dim3A_537], %sub3A_535 : memref<128x128xf32, #tpu.memory_space<vmem>>[vector<16xi32>, vector<16xi32>], vector<16xf32>,
      %mul3A_538 = arith.mulf %sub3A_515, %sub3A_515 : vector<16xf32>
      %mul3A_539 = arith.mulf %sub3A_525, %sub3A_525 : vector<16xf32>
      %add3A_540 = arith.addf %mul3A_538, %mul3A_539 : vector<16xf32>
      %mul3A_541 = arith.mulf %sub3A_535, %sub3A_535 : vector<16xf32>
      %add3A_542 = arith.addf %add3A_540, %mul3A_541 : vector<16xf32>
      %broadcast_in_dim3A_543 = arith.constant 67 : i32
      %broadcast_in_dim3A_544 = vector.broadcast %broadcast_in_dim3A_543 : i32 to vector<16xi32>
      tpu.vector_store_idx %arg17[%iota3A_501, %broadcast_in_dim3A_544], %add3A_542 : memref<128x128xf32, #tpu.memory_space<vmem>>[vector<16xi32>, vector<16xi32>], vector<16xf32>,
      %iota3A_545 = tpu.iota {dimensions = array<i32: 0>} : vector<16xi32>
      %add3A_546 = arith.constant 16 : i32
      %add3A_547 = vector.broadcast %add3A_546 : i32 to vector<16xi32>
      %add3A_548 = arith.addi %add3A_547, %iota3A_545 : vector<16xi32>
      %get3A_549 = arith.index_cast %add3A_464 : i32 to index
      %get3A_550 = arith.constant 16 : index
      %get3A_551 = tpu.vector_load %arg10[%get3A_549, %get3A_550] {strides = array<i32>} : memref<40x128xi32, #tpu.memory_space<vmem>>, vector<16xi32>,
      %get3A_552 = arith.index_cast %add3A_464 : i32 to index
      %get3A_553 = arith.constant 16 : index
      %get3A_554 = tpu.vector_load %arg11[%get3A_552, %get3A_553] {strides = array<i32>} : memref<40x128xi32, #tpu.memory_space<vmem>>, vector<16xi32>,
      %gather3A_555 = tpu.vector_load_idx %arg12[%get3A_551] : memref<10240xf32, #tpu.memory_space<vmem>>[vector<16xi32>], vector<16xf32>,
      %gather3A_556 = tpu.vector_load_idx %arg12[%get3A_554] : memref<10240xf32, #tpu.memory_space<vmem>>[vector<16xi32>], vector<16xf32>,
      %sub3A_557 = arith.subf %gather3A_555, %gather3A_556 : vector<16xf32>
      %mul3A_558 = arith.mulf %sub3A_557, %get3A_9 : vector<16xf32>
      %add3A_559 = arith.addf %mul3A_558, %broadcast_in_dim3A_14 : vector<16xf32>
      %sub3A_560 = arith.subf %add3A_559, %broadcast_in_dim3A_14 : vector<16xf32>
      %mul3A_561 = arith.mulf %get3A_3, %sub3A_560 : vector<16xf32>
      %sub3A_562 = arith.subf %sub3A_557, %mul3A_561 : vector<16xf32>
      %broadcast_in_dim3A_563 = arith.constant 64 : i32
      %broadcast_in_dim3A_564 = vector.broadcast %broadcast_in_dim3A_563 : i32 to vector<16xi32>
      tpu.vector_store_idx %arg17[%add3A_548, %broadcast_in_dim3A_564], %sub3A_562 : memref<128x128xf32, #tpu.memory_space<vmem>>[vector<16xi32>, vector<16xi32>], vector<16xf32>,
      %gather3A_565 = tpu.vector_load_idx %arg13[%get3A_551] : memref<10240xf32, #tpu.memory_space<vmem>>[vector<16xi32>], vector<16xf32>,
      %gather3A_566 = tpu.vector_load_idx %arg13[%get3A_554] : memref<10240xf32, #tpu.memory_space<vmem>>[vector<16xi32>], vector<16xf32>,
      %sub3A_567 = arith.subf %gather3A_565, %gather3A_566 : vector<16xf32>
      %mul3A_568 = arith.mulf %sub3A_567, %get3A_11 : vector<16xf32>
      %add3A_569 = arith.addf %mul3A_568, %broadcast_in_dim3A_14 : vector<16xf32>
      %sub3A_570 = arith.subf %add3A_569, %broadcast_in_dim3A_14 : vector<16xf32>
      %mul3A_571 = arith.mulf %get3A_5, %sub3A_570 : vector<16xf32>
      %sub3A_572 = arith.subf %sub3A_567, %mul3A_571 : vector<16xf32>
      %broadcast_in_dim3A_573 = arith.constant 65 : i32
      %broadcast_in_dim3A_574 = vector.broadcast %broadcast_in_dim3A_573 : i32 to vector<16xi32>
      tpu.vector_store_idx %arg17[%add3A_548, %broadcast_in_dim3A_574], %sub3A_572 : memref<128x128xf32, #tpu.memory_space<vmem>>[vector<16xi32>, vector<16xi32>], vector<16xf32>,
      %gather3A_575 = tpu.vector_load_idx %arg14[%get3A_551] : memref<10240xf32, #tpu.memory_space<vmem>>[vector<16xi32>], vector<16xf32>,
      %gather3A_576 = tpu.vector_load_idx %arg14[%get3A_554] : memref<10240xf32, #tpu.memory_space<vmem>>[vector<16xi32>], vector<16xf32>,
      %sub3A_577 = arith.subf %gather3A_575, %gather3A_576 : vector<16xf32>
      %mul3A_578 = arith.mulf %sub3A_577, %get3A_13 : vector<16xf32>
      %add3A_579 = arith.addf %mul3A_578, %broadcast_in_dim3A_14 : vector<16xf32>
      %sub3A_580 = arith.subf %add3A_579, %broadcast_in_dim3A_14 : vector<16xf32>
      %mul3A_581 = arith.mulf %get3A_7, %sub3A_580 : vector<16xf32>
      %sub3A_582 = arith.subf %sub3A_577, %mul3A_581 : vector<16xf32>
      %broadcast_in_dim3A_583 = arith.constant 66 : i32
      %broadcast_in_dim3A_584 = vector.broadcast %broadcast_in_dim3A_583 : i32 to vector<16xi32>
      tpu.vector_store_idx %arg17[%add3A_548, %broadcast_in_dim3A_584], %sub3A_582 : memref<128x128xf32, #tpu.memory_space<vmem>>[vector<16xi32>, vector<16xi32>], vector<16xf32>,
      %mul3A_585 = arith.mulf %sub3A_562, %sub3A_562 : vector<16xf32>
      %mul3A_586 = arith.mulf %sub3A_572, %sub3A_572 : vector<16xf32>
      %add3A_587 = arith.addf %mul3A_585, %mul3A_586 : vector<16xf32>
      %mul3A_588 = arith.mulf %sub3A_582, %sub3A_582 : vector<16xf32>
      %add3A_589 = arith.addf %add3A_587, %mul3A_588 : vector<16xf32>
      %broadcast_in_dim3A_590 = arith.constant 67 : i32
      %broadcast_in_dim3A_591 = vector.broadcast %broadcast_in_dim3A_590 : i32 to vector<16xi32>
      tpu.vector_store_idx %arg17[%add3A_548, %broadcast_in_dim3A_591], %add3A_589 : memref<128x128xf32, #tpu.memory_space<vmem>>[vector<16xi32>, vector<16xi32>], vector<16xf32>,
      %iota3A_592 = tpu.iota {dimensions = array<i32: 0>} : vector<16xi32>
      %add3A_593 = arith.constant 32 : i32
      %add3A_594 = vector.broadcast %add3A_593 : i32 to vector<16xi32>
      %add3A_595 = arith.addi %add3A_594, %iota3A_592 : vector<16xi32>
      %get3A_596 = arith.index_cast %add3A_464 : i32 to index
      %get3A_597 = arith.constant 32 : index
      %get3A_598 = tpu.vector_load %arg10[%get3A_596, %get3A_597] {strides = array<i32>} : memref<40x128xi32, #tpu.memory_space<vmem>>, vector<16xi32>,
      %get3A_599 = arith.index_cast %add3A_464 : i32 to index
      %get3A_600 = arith.constant 32 : index
      %get3A_601 = tpu.vector_load %arg11[%get3A_599, %get3A_600] {strides = array<i32>} : memref<40x128xi32, #tpu.memory_space<vmem>>, vector<16xi32>,
      %gather3A_602 = tpu.vector_load_idx %arg12[%get3A_598] : memref<10240xf32, #tpu.memory_space<vmem>>[vector<16xi32>], vector<16xf32>,
      %gather3A_603 = tpu.vector_load_idx %arg12[%get3A_601] : memref<10240xf32, #tpu.memory_space<vmem>>[vector<16xi32>], vector<16xf32>,
      %sub3A_604 = arith.subf %gather3A_602, %gather3A_603 : vector<16xf32>
      %mul3A_605 = arith.mulf %sub3A_604, %get3A_9 : vector<16xf32>
      %add3A_606 = arith.addf %mul3A_605, %broadcast_in_dim3A_14 : vector<16xf32>
      %sub3A_607 = arith.subf %add3A_606, %broadcast_in_dim3A_14 : vector<16xf32>
      %mul3A_608 = arith.mulf %get3A_3, %sub3A_607 : vector<16xf32>
      %sub3A_609 = arith.subf %sub3A_604, %mul3A_608 : vector<16xf32>
      %broadcast_in_dim3A_610 = arith.constant 64 : i32
      %broadcast_in_dim3A_611 = vector.broadcast %broadcast_in_dim3A_610 : i32 to vector<16xi32>
      tpu.vector_store_idx %arg17[%add3A_595, %broadcast_in_dim3A_611], %sub3A_609 : memref<128x128xf32, #tpu.memory_space<vmem>>[vector<16xi32>, vector<16xi32>], vector<16xf32>,
      %gather3A_612 = tpu.vector_load_idx %arg13[%get3A_598] : memref<10240xf32, #tpu.memory_space<vmem>>[vector<16xi32>], vector<16xf32>,
      %gather3A_613 = tpu.vector_load_idx %arg13[%get3A_601] : memref<10240xf32, #tpu.memory_space<vmem>>[vector<16xi32>], vector<16xf32>,
      %sub3A_614 = arith.subf %gather3A_612, %gather3A_613 : vector<16xf32>
      %mul3A_615 = arith.mulf %sub3A_614, %get3A_11 : vector<16xf32>
      %add3A_616 = arith.addf %mul3A_615, %broadcast_in_dim3A_14 : vector<16xf32>
      %sub3A_617 = arith.subf %add3A_616, %broadcast_in_dim3A_14 : vector<16xf32>
      %mul3A_618 = arith.mulf %get3A_5, %sub3A_617 : vector<16xf32>
      %sub3A_619 = arith.subf %sub3A_614, %mul3A_618 : vector<16xf32>
      %broadcast_in_dim3A_620 = arith.constant 65 : i32
      %broadcast_in_dim3A_621 = vector.broadcast %broadcast_in_dim3A_620 : i32 to vector<16xi32>
      tpu.vector_store_idx %arg17[%add3A_595, %broadcast_in_dim3A_621], %sub3A_619 : memref<128x128xf32, #tpu.memory_space<vmem>>[vector<16xi32>, vector<16xi32>], vector<16xf32>,
      %gather3A_622 = tpu.vector_load_idx %arg14[%get3A_598] : memref<10240xf32, #tpu.memory_space<vmem>>[vector<16xi32>], vector<16xf32>,
      %gather3A_623 = tpu.vector_load_idx %arg14[%get3A_601] : memref<10240xf32, #tpu.memory_space<vmem>>[vector<16xi32>], vector<16xf32>,
      %sub3A_624 = arith.subf %gather3A_622, %gather3A_623 : vector<16xf32>
      %mul3A_625 = arith.mulf %sub3A_624, %get3A_13 : vector<16xf32>
      %add3A_626 = arith.addf %mul3A_625, %broadcast_in_dim3A_14 : vector<16xf32>
      %sub3A_627 = arith.subf %add3A_626, %broadcast_in_dim3A_14 : vector<16xf32>
      %mul3A_628 = arith.mulf %get3A_7, %sub3A_627 : vector<16xf32>
      %sub3A_629 = arith.subf %sub3A_624, %mul3A_628 : vector<16xf32>
      %broadcast_in_dim3A_630 = arith.constant 66 : i32
      %broadcast_in_dim3A_631 = vector.broadcast %broadcast_in_dim3A_630 : i32 to vector<16xi32>
      tpu.vector_store_idx %arg17[%add3A_595, %broadcast_in_dim3A_631], %sub3A_629 : memref<128x128xf32, #tpu.memory_space<vmem>>[vector<16xi32>, vector<16xi32>], vector<16xf32>,
      %mul3A_632 = arith.mulf %sub3A_609, %sub3A_609 : vector<16xf32>
      %mul3A_633 = arith.mulf %sub3A_619, %sub3A_619 : vector<16xf32>
      %add3A_634 = arith.addf %mul3A_632, %mul3A_633 : vector<16xf32>
      %mul3A_635 = arith.mulf %sub3A_629, %sub3A_629 : vector<16xf32>
      %add3A_636 = arith.addf %add3A_634, %mul3A_635 : vector<16xf32>
      %broadcast_in_dim3A_637 = arith.constant 67 : i32
      %broadcast_in_dim3A_638 = vector.broadcast %broadcast_in_dim3A_637 : i32 to vector<16xi32>
      tpu.vector_store_idx %arg17[%add3A_595, %broadcast_in_dim3A_638], %add3A_636 : memref<128x128xf32, #tpu.memory_space<vmem>>[vector<16xi32>, vector<16xi32>], vector<16xf32>,
      %iota3A_639 = tpu.iota {dimensions = array<i32: 0>} : vector<16xi32>
      %add3A_640 = arith.constant 48 : i32
      %add3A_641 = vector.broadcast %add3A_640 : i32 to vector<16xi32>
      %add3A_642 = arith.addi %add3A_641, %iota3A_639 : vector<16xi32>
      %get3A_643 = arith.index_cast %add3A_464 : i32 to index
      %get3A_644 = arith.constant 48 : index
      %get3A_645 = tpu.vector_load %arg10[%get3A_643, %get3A_644] {strides = array<i32>} : memref<40x128xi32, #tpu.memory_space<vmem>>, vector<16xi32>,
      %get3A_646 = arith.index_cast %add3A_464 : i32 to index
      %get3A_647 = arith.constant 48 : index
      %get3A_648 = tpu.vector_load %arg11[%get3A_646, %get3A_647] {strides = array<i32>} : memref<40x128xi32, #tpu.memory_space<vmem>>, vector<16xi32>,
      %gather3A_649 = tpu.vector_load_idx %arg12[%get3A_645] : memref<10240xf32, #tpu.memory_space<vmem>>[vector<16xi32>], vector<16xf32>,
      %gather3A_650 = tpu.vector_load_idx %arg12[%get3A_648] : memref<10240xf32, #tpu.memory_space<vmem>>[vector<16xi32>], vector<16xf32>,
      %sub3A_651 = arith.subf %gather3A_649, %gather3A_650 : vector<16xf32>
      %mul3A_652 = arith.mulf %sub3A_651, %get3A_9 : vector<16xf32>
      %add3A_653 = arith.addf %mul3A_652, %broadcast_in_dim3A_14 : vector<16xf32>
      %sub3A_654 = arith.subf %add3A_653, %broadcast_in_dim3A_14 : vector<16xf32>
      %mul3A_655 = arith.mulf %get3A_3, %sub3A_654 : vector<16xf32>
      %sub3A_656 = arith.subf %sub3A_651, %mul3A_655 : vector<16xf32>
      %broadcast_in_dim3A_657 = arith.constant 64 : i32
      %broadcast_in_dim3A_658 = vector.broadcast %broadcast_in_dim3A_657 : i32 to vector<16xi32>
      tpu.vector_store_idx %arg17[%add3A_642, %broadcast_in_dim3A_658], %sub3A_656 : memref<128x128xf32, #tpu.memory_space<vmem>>[vector<16xi32>, vector<16xi32>], vector<16xf32>,
      %gather3A_659 = tpu.vector_load_idx %arg13[%get3A_645] : memref<10240xf32, #tpu.memory_space<vmem>>[vector<16xi32>], vector<16xf32>,
      %gather3A_660 = tpu.vector_load_idx %arg13[%get3A_648] : memref<10240xf32, #tpu.memory_space<vmem>>[vector<16xi32>], vector<16xf32>,
      %sub3A_661 = arith.subf %gather3A_659, %gather3A_660 : vector<16xf32>
      %mul3A_662 = arith.mulf %sub3A_661, %get3A_11 : vector<16xf32>
      %add3A_663 = arith.addf %mul3A_662, %broadcast_in_dim3A_14 : vector<16xf32>
      %sub3A_664 = arith.subf %add3A_663, %broadcast_in_dim3A_14 : vector<16xf32>
      %mul3A_665 = arith.mulf %get3A_5, %sub3A_664 : vector<16xf32>
      %sub3A_666 = arith.subf %sub3A_661, %mul3A_665 : vector<16xf32>
      %broadcast_in_dim3A_667 = arith.constant 65 : i32
      %broadcast_in_dim3A_668 = vector.broadcast %broadcast_in_dim3A_667 : i32 to vector<16xi32>
      tpu.vector_store_idx %arg17[%add3A_642, %broadcast_in_dim3A_668], %sub3A_666 : memref<128x128xf32, #tpu.memory_space<vmem>>[vector<16xi32>, vector<16xi32>], vector<16xf32>,
      %gather3A_669 = tpu.vector_load_idx %arg14[%get3A_645] : memref<10240xf32, #tpu.memory_space<vmem>>[vector<16xi32>], vector<16xf32>,
      %gather3A_670 = tpu.vector_load_idx %arg14[%get3A_648] : memref<10240xf32, #tpu.memory_space<vmem>>[vector<16xi32>], vector<16xf32>,
      %sub3A_671 = arith.subf %gather3A_669, %gather3A_670 : vector<16xf32>
      %mul3A_672 = arith.mulf %sub3A_671, %get3A_13 : vector<16xf32>
      %add3A_673 = arith.addf %mul3A_672, %broadcast_in_dim3A_14 : vector<16xf32>
      %sub3A_674 = arith.subf %add3A_673, %broadcast_in_dim3A_14 : vector<16xf32>
      %mul3A_675 = arith.mulf %get3A_7, %sub3A_674 : vector<16xf32>
      %sub3A_676 = arith.subf %sub3A_671, %mul3A_675 : vector<16xf32>
      %broadcast_in_dim3A_677 = arith.constant 66 : i32
      %broadcast_in_dim3A_678 = vector.broadcast %broadcast_in_dim3A_677 : i32 to vector<16xi32>
      tpu.vector_store_idx %arg17[%add3A_642, %broadcast_in_dim3A_678], %sub3A_676 : memref<128x128xf32, #tpu.memory_space<vmem>>[vector<16xi32>, vector<16xi32>], vector<16xf32>,
      %mul3A_679 = arith.mulf %sub3A_656, %sub3A_656 : vector<16xf32>
      %mul3A_680 = arith.mulf %sub3A_666, %sub3A_666 : vector<16xf32>
      %add3A_681 = arith.addf %mul3A_679, %mul3A_680 : vector<16xf32>
      %mul3A_682 = arith.mulf %sub3A_676, %sub3A_676 : vector<16xf32>
      %add3A_683 = arith.addf %add3A_681, %mul3A_682 : vector<16xf32>
      %broadcast_in_dim3A_684 = arith.constant 67 : i32
      %broadcast_in_dim3A_685 = vector.broadcast %broadcast_in_dim3A_684 : i32 to vector<16xi32>
      tpu.vector_store_idx %arg17[%add3A_642, %broadcast_in_dim3A_685], %add3A_683 : memref<128x128xf32, #tpu.memory_space<vmem>>[vector<16xi32>, vector<16xi32>], vector<16xf32>,
      %iota3A_686 = tpu.iota {dimensions = array<i32: 0>} : vector<16xi32>
      %add3A_687 = arith.constant 64 : i32
      %add3A_688 = vector.broadcast %add3A_687 : i32 to vector<16xi32>
      %add3A_689 = arith.addi %add3A_688, %iota3A_686 : vector<16xi32>
      %get3A_690 = arith.index_cast %add3A_464 : i32 to index
      %get3A_691 = arith.constant 64 : index
      %get3A_692 = tpu.vector_load %arg10[%get3A_690, %get3A_691] {strides = array<i32>} : memref<40x128xi32, #tpu.memory_space<vmem>>, vector<16xi32>,
      %get3A_693 = arith.index_cast %add3A_464 : i32 to index
      %get3A_694 = arith.constant 64 : index
      %get3A_695 = tpu.vector_load %arg11[%get3A_693, %get3A_694] {strides = array<i32>} : memref<40x128xi32, #tpu.memory_space<vmem>>, vector<16xi32>,
      %gather3A_696 = tpu.vector_load_idx %arg12[%get3A_692] : memref<10240xf32, #tpu.memory_space<vmem>>[vector<16xi32>], vector<16xf32>,
      %gather3A_697 = tpu.vector_load_idx %arg12[%get3A_695] : memref<10240xf32, #tpu.memory_space<vmem>>[vector<16xi32>], vector<16xf32>,
      %sub3A_698 = arith.subf %gather3A_696, %gather3A_697 : vector<16xf32>
      %mul3A_699 = arith.mulf %sub3A_698, %get3A_9 : vector<16xf32>
      %add3A_700 = arith.addf %mul3A_699, %broadcast_in_dim3A_14 : vector<16xf32>
      %sub3A_701 = arith.subf %add3A_700, %broadcast_in_dim3A_14 : vector<16xf32>
      %mul3A_702 = arith.mulf %get3A_3, %sub3A_701 : vector<16xf32>
      %sub3A_703 = arith.subf %sub3A_698, %mul3A_702 : vector<16xf32>
      %broadcast_in_dim3A_704 = arith.constant 64 : i32
      %broadcast_in_dim3A_705 = vector.broadcast %broadcast_in_dim3A_704 : i32 to vector<16xi32>
      tpu.vector_store_idx %arg17[%add3A_689, %broadcast_in_dim3A_705], %sub3A_703 : memref<128x128xf32, #tpu.memory_space<vmem>>[vector<16xi32>, vector<16xi32>], vector<16xf32>,
      %gather3A_706 = tpu.vector_load_idx %arg13[%get3A_692] : memref<10240xf32, #tpu.memory_space<vmem>>[vector<16xi32>], vector<16xf32>,
      %gather3A_707 = tpu.vector_load_idx %arg13[%get3A_695] : memref<10240xf32, #tpu.memory_space<vmem>>[vector<16xi32>], vector<16xf32>,
      %sub3A_708 = arith.subf %gather3A_706, %gather3A_707 : vector<16xf32>
      %mul3A_709 = arith.mulf %sub3A_708, %get3A_11 : vector<16xf32>
      %add3A_710 = arith.addf %mul3A_709, %broadcast_in_dim3A_14 : vector<16xf32>
      %sub3A_711 = arith.subf %add3A_710, %broadcast_in_dim3A_14 : vector<16xf32>
      %mul3A_712 = arith.mulf %get3A_5, %sub3A_711 : vector<16xf32>
      %sub3A_713 = arith.subf %sub3A_708, %mul3A_712 : vector<16xf32>
      %broadcast_in_dim3A_714 = arith.constant 65 : i32
      %broadcast_in_dim3A_715 = vector.broadcast %broadcast_in_dim3A_714 : i32 to vector<16xi32>
      tpu.vector_store_idx %arg17[%add3A_689, %broadcast_in_dim3A_715], %sub3A_713 : memref<128x128xf32, #tpu.memory_space<vmem>>[vector<16xi32>, vector<16xi32>], vector<16xf32>,
      %gather3A_716 = tpu.vector_load_idx %arg14[%get3A_692] : memref<10240xf32, #tpu.memory_space<vmem>>[vector<16xi32>], vector<16xf32>,
      %gather3A_717 = tpu.vector_load_idx %arg14[%get3A_695] : memref<10240xf32, #tpu.memory_space<vmem>>[vector<16xi32>], vector<16xf32>,
      %sub3A_718 = arith.subf %gather3A_716, %gather3A_717 : vector<16xf32>
      %mul3A_719 = arith.mulf %sub3A_718, %get3A_13 : vector<16xf32>
      %add3A_720 = arith.addf %mul3A_719, %broadcast_in_dim3A_14 : vector<16xf32>
      %sub3A_721 = arith.subf %add3A_720, %broadcast_in_dim3A_14 : vector<16xf32>
      %mul3A_722 = arith.mulf %get3A_7, %sub3A_721 : vector<16xf32>
      %sub3A_723 = arith.subf %sub3A_718, %mul3A_722 : vector<16xf32>
      %broadcast_in_dim3A_724 = arith.constant 66 : i32
      %broadcast_in_dim3A_725 = vector.broadcast %broadcast_in_dim3A_724 : i32 to vector<16xi32>
      tpu.vector_store_idx %arg17[%add3A_689, %broadcast_in_dim3A_725], %sub3A_723 : memref<128x128xf32, #tpu.memory_space<vmem>>[vector<16xi32>, vector<16xi32>], vector<16xf32>,
      %mul3A_726 = arith.mulf %sub3A_703, %sub3A_703 : vector<16xf32>
      %mul3A_727 = arith.mulf %sub3A_713, %sub3A_713 : vector<16xf32>
      %add3A_728 = arith.addf %mul3A_726, %mul3A_727 : vector<16xf32>
      %mul3A_729 = arith.mulf %sub3A_723, %sub3A_723 : vector<16xf32>
      %add3A_730 = arith.addf %add3A_728, %mul3A_729 : vector<16xf32>
      %broadcast_in_dim3A_731 = arith.constant 67 : i32
      %broadcast_in_dim3A_732 = vector.broadcast %broadcast_in_dim3A_731 : i32 to vector<16xi32>
      tpu.vector_store_idx %arg17[%add3A_689, %broadcast_in_dim3A_732], %add3A_730 : memref<128x128xf32, #tpu.memory_space<vmem>>[vector<16xi32>, vector<16xi32>], vector<16xf32>,
      %iota3A_733 = tpu.iota {dimensions = array<i32: 0>} : vector<16xi32>
      %add3A_734 = arith.constant 80 : i32
      %add3A_735 = vector.broadcast %add3A_734 : i32 to vector<16xi32>
      %add3A_736 = arith.addi %add3A_735, %iota3A_733 : vector<16xi32>
      %get3A_737 = arith.index_cast %add3A_464 : i32 to index
      %get3A_738 = arith.constant 80 : index
      %get3A_739 = tpu.vector_load %arg10[%get3A_737, %get3A_738] {strides = array<i32>} : memref<40x128xi32, #tpu.memory_space<vmem>>, vector<16xi32>,
      %get3A_740 = arith.index_cast %add3A_464 : i32 to index
      %get3A_741 = arith.constant 80 : index
      %get3A_742 = tpu.vector_load %arg11[%get3A_740, %get3A_741] {strides = array<i32>} : memref<40x128xi32, #tpu.memory_space<vmem>>, vector<16xi32>,
      %gather3A_743 = tpu.vector_load_idx %arg12[%get3A_739] : memref<10240xf32, #tpu.memory_space<vmem>>[vector<16xi32>], vector<16xf32>,
      %gather3A_744 = tpu.vector_load_idx %arg12[%get3A_742] : memref<10240xf32, #tpu.memory_space<vmem>>[vector<16xi32>], vector<16xf32>,
      %sub3A_745 = arith.subf %gather3A_743, %gather3A_744 : vector<16xf32>
      %mul3A_746 = arith.mulf %sub3A_745, %get3A_9 : vector<16xf32>
      %add3A_747 = arith.addf %mul3A_746, %broadcast_in_dim3A_14 : vector<16xf32>
      %sub3A_748 = arith.subf %add3A_747, %broadcast_in_dim3A_14 : vector<16xf32>
      %mul3A_749 = arith.mulf %get3A_3, %sub3A_748 : vector<16xf32>
      %sub3A_750 = arith.subf %sub3A_745, %mul3A_749 : vector<16xf32>
      %broadcast_in_dim3A_751 = arith.constant 64 : i32
      %broadcast_in_dim3A_752 = vector.broadcast %broadcast_in_dim3A_751 : i32 to vector<16xi32>
      tpu.vector_store_idx %arg17[%add3A_736, %broadcast_in_dim3A_752], %sub3A_750 : memref<128x128xf32, #tpu.memory_space<vmem>>[vector<16xi32>, vector<16xi32>], vector<16xf32>,
      %gather3A_753 = tpu.vector_load_idx %arg13[%get3A_739] : memref<10240xf32, #tpu.memory_space<vmem>>[vector<16xi32>], vector<16xf32>,
      %gather3A_754 = tpu.vector_load_idx %arg13[%get3A_742] : memref<10240xf32, #tpu.memory_space<vmem>>[vector<16xi32>], vector<16xf32>,
      %sub3A_755 = arith.subf %gather3A_753, %gather3A_754 : vector<16xf32>
      %mul3A_756 = arith.mulf %sub3A_755, %get3A_11 : vector<16xf32>
      %add3A_757 = arith.addf %mul3A_756, %broadcast_in_dim3A_14 : vector<16xf32>
      %sub3A_758 = arith.subf %add3A_757, %broadcast_in_dim3A_14 : vector<16xf32>
      %mul3A_759 = arith.mulf %get3A_5, %sub3A_758 : vector<16xf32>
      %sub3A_760 = arith.subf %sub3A_755, %mul3A_759 : vector<16xf32>
      %broadcast_in_dim3A_761 = arith.constant 65 : i32
      %broadcast_in_dim3A_762 = vector.broadcast %broadcast_in_dim3A_761 : i32 to vector<16xi32>
      tpu.vector_store_idx %arg17[%add3A_736, %broadcast_in_dim3A_762], %sub3A_760 : memref<128x128xf32, #tpu.memory_space<vmem>>[vector<16xi32>, vector<16xi32>], vector<16xf32>,
      %gather3A_763 = tpu.vector_load_idx %arg14[%get3A_739] : memref<10240xf32, #tpu.memory_space<vmem>>[vector<16xi32>], vector<16xf32>,
      %gather3A_764 = tpu.vector_load_idx %arg14[%get3A_742] : memref<10240xf32, #tpu.memory_space<vmem>>[vector<16xi32>], vector<16xf32>,
      %sub3A_765 = arith.subf %gather3A_763, %gather3A_764 : vector<16xf32>
      %mul3A_766 = arith.mulf %sub3A_765, %get3A_13 : vector<16xf32>
      %add3A_767 = arith.addf %mul3A_766, %broadcast_in_dim3A_14 : vector<16xf32>
      %sub3A_768 = arith.subf %add3A_767, %broadcast_in_dim3A_14 : vector<16xf32>
      %mul3A_769 = arith.mulf %get3A_7, %sub3A_768 : vector<16xf32>
      %sub3A_770 = arith.subf %sub3A_765, %mul3A_769 : vector<16xf32>
      %broadcast_in_dim3A_771 = arith.constant 66 : i32
      %broadcast_in_dim3A_772 = vector.broadcast %broadcast_in_dim3A_771 : i32 to vector<16xi32>
      tpu.vector_store_idx %arg17[%add3A_736, %broadcast_in_dim3A_772], %sub3A_770 : memref<128x128xf32, #tpu.memory_space<vmem>>[vector<16xi32>, vector<16xi32>], vector<16xf32>,
      %mul3A_773 = arith.mulf %sub3A_750, %sub3A_750 : vector<16xf32>
      %mul3A_774 = arith.mulf %sub3A_760, %sub3A_760 : vector<16xf32>
      %add3A_775 = arith.addf %mul3A_773, %mul3A_774 : vector<16xf32>
      %mul3A_776 = arith.mulf %sub3A_770, %sub3A_770 : vector<16xf32>
      %add3A_777 = arith.addf %add3A_775, %mul3A_776 : vector<16xf32>
      %broadcast_in_dim3A_778 = arith.constant 67 : i32
      %broadcast_in_dim3A_779 = vector.broadcast %broadcast_in_dim3A_778 : i32 to vector<16xi32>
      tpu.vector_store_idx %arg17[%add3A_736, %broadcast_in_dim3A_779], %add3A_777 : memref<128x128xf32, #tpu.memory_space<vmem>>[vector<16xi32>, vector<16xi32>], vector<16xf32>,
      %iota3A_780 = tpu.iota {dimensions = array<i32: 0>} : vector<16xi32>
      %add3A_781 = arith.constant 96 : i32
      %add3A_782 = vector.broadcast %add3A_781 : i32 to vector<16xi32>
      %add3A_783 = arith.addi %add3A_782, %iota3A_780 : vector<16xi32>
      %get3A_784 = arith.index_cast %add3A_464 : i32 to index
      %get3A_785 = arith.constant 96 : index
      %get3A_786 = tpu.vector_load %arg10[%get3A_784, %get3A_785] {strides = array<i32>} : memref<40x128xi32, #tpu.memory_space<vmem>>, vector<16xi32>,
      %get3A_787 = arith.index_cast %add3A_464 : i32 to index
      %get3A_788 = arith.constant 96 : index
      %get3A_789 = tpu.vector_load %arg11[%get3A_787, %get3A_788] {strides = array<i32>} : memref<40x128xi32, #tpu.memory_space<vmem>>, vector<16xi32>,
      %gather3A_790 = tpu.vector_load_idx %arg12[%get3A_786] : memref<10240xf32, #tpu.memory_space<vmem>>[vector<16xi32>], vector<16xf32>,
      %gather3A_791 = tpu.vector_load_idx %arg12[%get3A_789] : memref<10240xf32, #tpu.memory_space<vmem>>[vector<16xi32>], vector<16xf32>,
      %sub3A_792 = arith.subf %gather3A_790, %gather3A_791 : vector<16xf32>
      %mul3A_793 = arith.mulf %sub3A_792, %get3A_9 : vector<16xf32>
      %add3A_794 = arith.addf %mul3A_793, %broadcast_in_dim3A_14 : vector<16xf32>
      %sub3A_795 = arith.subf %add3A_794, %broadcast_in_dim3A_14 : vector<16xf32>
      %mul3A_796 = arith.mulf %get3A_3, %sub3A_795 : vector<16xf32>
      %sub3A_797 = arith.subf %sub3A_792, %mul3A_796 : vector<16xf32>
      %broadcast_in_dim3A_798 = arith.constant 64 : i32
      %broadcast_in_dim3A_799 = vector.broadcast %broadcast_in_dim3A_798 : i32 to vector<16xi32>
      tpu.vector_store_idx %arg17[%add3A_783, %broadcast_in_dim3A_799], %sub3A_797 : memref<128x128xf32, #tpu.memory_space<vmem>>[vector<16xi32>, vector<16xi32>], vector<16xf32>,
      %gather3A_800 = tpu.vector_load_idx %arg13[%get3A_786] : memref<10240xf32, #tpu.memory_space<vmem>>[vector<16xi32>], vector<16xf32>,
      %gather3A_801 = tpu.vector_load_idx %arg13[%get3A_789] : memref<10240xf32, #tpu.memory_space<vmem>>[vector<16xi32>], vector<16xf32>,
      %sub3A_802 = arith.subf %gather3A_800, %gather3A_801 : vector<16xf32>
      %mul3A_803 = arith.mulf %sub3A_802, %get3A_11 : vector<16xf32>
      %add3A_804 = arith.addf %mul3A_803, %broadcast_in_dim3A_14 : vector<16xf32>
      %sub3A_805 = arith.subf %add3A_804, %broadcast_in_dim3A_14 : vector<16xf32>
      %mul3A_806 = arith.mulf %get3A_5, %sub3A_805 : vector<16xf32>
      %sub3A_807 = arith.subf %sub3A_802, %mul3A_806 : vector<16xf32>
      %broadcast_in_dim3A_808 = arith.constant 65 : i32
      %broadcast_in_dim3A_809 = vector.broadcast %broadcast_in_dim3A_808 : i32 to vector<16xi32>
      tpu.vector_store_idx %arg17[%add3A_783, %broadcast_in_dim3A_809], %sub3A_807 : memref<128x128xf32, #tpu.memory_space<vmem>>[vector<16xi32>, vector<16xi32>], vector<16xf32>,
      %gather3A_810 = tpu.vector_load_idx %arg14[%get3A_786] : memref<10240xf32, #tpu.memory_space<vmem>>[vector<16xi32>], vector<16xf32>,
      %gather3A_811 = tpu.vector_load_idx %arg14[%get3A_789] : memref<10240xf32, #tpu.memory_space<vmem>>[vector<16xi32>], vector<16xf32>,
      %sub3A_812 = arith.subf %gather3A_810, %gather3A_811 : vector<16xf32>
      %mul3A_813 = arith.mulf %sub3A_812, %get3A_13 : vector<16xf32>
      %add3A_814 = arith.addf %mul3A_813, %broadcast_in_dim3A_14 : vector<16xf32>
      %sub3A_815 = arith.subf %add3A_814, %broadcast_in_dim3A_14 : vector<16xf32>
      %mul3A_816 = arith.mulf %get3A_7, %sub3A_815 : vector<16xf32>
      %sub3A_817 = arith.subf %sub3A_812, %mul3A_816 : vector<16xf32>
      %broadcast_in_dim3A_818 = arith.constant 66 : i32
      %broadcast_in_dim3A_819 = vector.broadcast %broadcast_in_dim3A_818 : i32 to vector<16xi32>
      tpu.vector_store_idx %arg17[%add3A_783, %broadcast_in_dim3A_819], %sub3A_817 : memref<128x128xf32, #tpu.memory_space<vmem>>[vector<16xi32>, vector<16xi32>], vector<16xf32>,
      %mul3A_820 = arith.mulf %sub3A_797, %sub3A_797 : vector<16xf32>
      %mul3A_821 = arith.mulf %sub3A_807, %sub3A_807 : vector<16xf32>
      %add3A_822 = arith.addf %mul3A_820, %mul3A_821 : vector<16xf32>
      %mul3A_823 = arith.mulf %sub3A_817, %sub3A_817 : vector<16xf32>
      %add3A_824 = arith.addf %add3A_822, %mul3A_823 : vector<16xf32>
      %broadcast_in_dim3A_825 = arith.constant 67 : i32
      %broadcast_in_dim3A_826 = vector.broadcast %broadcast_in_dim3A_825 : i32 to vector<16xi32>
      tpu.vector_store_idx %arg17[%add3A_783, %broadcast_in_dim3A_826], %add3A_824 : memref<128x128xf32, #tpu.memory_space<vmem>>[vector<16xi32>, vector<16xi32>], vector<16xf32>,
      %iota3A_827 = tpu.iota {dimensions = array<i32: 0>} : vector<16xi32>
      %add3A_828 = arith.constant 112 : i32
      %add3A_829 = vector.broadcast %add3A_828 : i32 to vector<16xi32>
      %add3A_830 = arith.addi %add3A_829, %iota3A_827 : vector<16xi32>
      %get3A_831 = arith.index_cast %add3A_464 : i32 to index
      %get3A_832 = arith.constant 112 : index
      %get3A_833 = tpu.vector_load %arg10[%get3A_831, %get3A_832] {strides = array<i32>} : memref<40x128xi32, #tpu.memory_space<vmem>>, vector<16xi32>,
      %get3A_834 = arith.index_cast %add3A_464 : i32 to index
      %get3A_835 = arith.constant 112 : index
      %get3A_836 = tpu.vector_load %arg11[%get3A_834, %get3A_835] {strides = array<i32>} : memref<40x128xi32, #tpu.memory_space<vmem>>, vector<16xi32>,
      %gather3A_837 = tpu.vector_load_idx %arg12[%get3A_833] : memref<10240xf32, #tpu.memory_space<vmem>>[vector<16xi32>], vector<16xf32>,
      %gather3A_838 = tpu.vector_load_idx %arg12[%get3A_836] : memref<10240xf32, #tpu.memory_space<vmem>>[vector<16xi32>], vector<16xf32>,
      %sub3A_839 = arith.subf %gather3A_837, %gather3A_838 : vector<16xf32>
      %mul3A_840 = arith.mulf %sub3A_839, %get3A_9 : vector<16xf32>
      %add3A_841 = arith.addf %mul3A_840, %broadcast_in_dim3A_14 : vector<16xf32>
      %sub3A_842 = arith.subf %add3A_841, %broadcast_in_dim3A_14 : vector<16xf32>
      %mul3A_843 = arith.mulf %get3A_3, %sub3A_842 : vector<16xf32>
      %sub3A_844 = arith.subf %sub3A_839, %mul3A_843 : vector<16xf32>
      %broadcast_in_dim3A_845 = arith.constant 64 : i32
      %broadcast_in_dim3A_846 = vector.broadcast %broadcast_in_dim3A_845 : i32 to vector<16xi32>
      tpu.vector_store_idx %arg17[%add3A_830, %broadcast_in_dim3A_846], %sub3A_844 : memref<128x128xf32, #tpu.memory_space<vmem>>[vector<16xi32>, vector<16xi32>], vector<16xf32>,
      %gather3A_847 = tpu.vector_load_idx %arg13[%get3A_833] : memref<10240xf32, #tpu.memory_space<vmem>>[vector<16xi32>], vector<16xf32>,
      %gather3A_848 = tpu.vector_load_idx %arg13[%get3A_836] : memref<10240xf32, #tpu.memory_space<vmem>>[vector<16xi32>], vector<16xf32>,
      %sub3A_849 = arith.subf %gather3A_847, %gather3A_848 : vector<16xf32>
      %mul3A_850 = arith.mulf %sub3A_849, %get3A_11 : vector<16xf32>
      %add3A_851 = arith.addf %mul3A_850, %broadcast_in_dim3A_14 : vector<16xf32>
      %sub3A_852 = arith.subf %add3A_851, %broadcast_in_dim3A_14 : vector<16xf32>
      %mul3A_853 = arith.mulf %get3A_5, %sub3A_852 : vector<16xf32>
      %sub3A_854 = arith.subf %sub3A_849, %mul3A_853 : vector<16xf32>
      %broadcast_in_dim3A_855 = arith.constant 65 : i32
      %broadcast_in_dim3A_856 = vector.broadcast %broadcast_in_dim3A_855 : i32 to vector<16xi32>
      tpu.vector_store_idx %arg17[%add3A_830, %broadcast_in_dim3A_856], %sub3A_854 : memref<128x128xf32, #tpu.memory_space<vmem>>[vector<16xi32>, vector<16xi32>], vector<16xf32>,
      %gather3A_857 = tpu.vector_load_idx %arg14[%get3A_833] : memref<10240xf32, #tpu.memory_space<vmem>>[vector<16xi32>], vector<16xf32>,
      %gather3A_858 = tpu.vector_load_idx %arg14[%get3A_836] : memref<10240xf32, #tpu.memory_space<vmem>>[vector<16xi32>], vector<16xf32>,
      %sub3A_859 = arith.subf %gather3A_857, %gather3A_858 : vector<16xf32>
      %mul3A_860 = arith.mulf %sub3A_859, %get3A_13 : vector<16xf32>
      %add3A_861 = arith.addf %mul3A_860, %broadcast_in_dim3A_14 : vector<16xf32>
      %sub3A_862 = arith.subf %add3A_861, %broadcast_in_dim3A_14 : vector<16xf32>
      %mul3A_863 = arith.mulf %get3A_7, %sub3A_862 : vector<16xf32>
      %sub3A_864 = arith.subf %sub3A_859, %mul3A_863 : vector<16xf32>
      %broadcast_in_dim3A_865 = arith.constant 66 : i32
      %broadcast_in_dim3A_866 = vector.broadcast %broadcast_in_dim3A_865 : i32 to vector<16xi32>
      tpu.vector_store_idx %arg17[%add3A_830, %broadcast_in_dim3A_866], %sub3A_864 : memref<128x128xf32, #tpu.memory_space<vmem>>[vector<16xi32>, vector<16xi32>], vector<16xf32>,
      %mul3A_867 = arith.mulf %sub3A_844, %sub3A_844 : vector<16xf32>
      %mul3A_868 = arith.mulf %sub3A_854, %sub3A_854 : vector<16xf32>
      %add3A_869 = arith.addf %mul3A_867, %mul3A_868 : vector<16xf32>
      %mul3A_870 = arith.mulf %sub3A_864, %sub3A_864 : vector<16xf32>
      %add3A_871 = arith.addf %add3A_869, %mul3A_870 : vector<16xf32>
      %broadcast_in_dim3A_872 = arith.constant 67 : i32
      %broadcast_in_dim3A_873 = vector.broadcast %broadcast_in_dim3A_872 : i32 to vector<16xi32>
      tpu.vector_store_idx %arg17[%add3A_830, %broadcast_in_dim3A_873], %add3A_871 : memref<128x128xf32, #tpu.memory_space<vmem>>[vector<16xi32>, vector<16xi32>], vector<16xf32>,
      %mul3A_874 = arith.constant 5120 : i32
      %mul3A_875 = arith.muli %add3A, %mul3A_874 : i32
      %mul3A_876 = arith.constant 128 : i32
      %mul3A_877 = arith.muli %add3A_464, %mul3A_876 : i32
      %add3A_878 = arith.addi %mul3A_875, %mul3A_877 : i32
      "tpu.region"() ({
        %run_scoped3A = tpu.sem_alloc : memref<!tpu.dma_semaphore, #tpu.memory_space<semaphore_mem>>
        %dma_start3A_879 = arith.constant 0 : i32
        %dma_start3A_880 = tpu.memref_slice %arg9[%add3A_878, %dma_start3A_879] : memref<163840x128xf32, #tpu.memory_space<hbm>> -> memref<128x128xf32, #tpu.memory_space<hbm>>
        %dma_start3A_881 = arith.constant 0 : i32
        %dma_start3A_882 = tpu.memref_slice %arg9[%add3A_878, %dma_start3A_881] : memref<163840x128xf32, #tpu.memory_space<hbm>> -> memref<128x128xf32, #tpu.memory_space<hbm>>
        tpu.enqueue_dma source(%arg17 : memref<128x128xf32, #tpu.memory_space<vmem>>) target(%dma_start3A_882 : memref<128x128xf32, #tpu.memory_space<hbm>>) target_semaphore(%run_scoped3A : memref<!tpu.dma_semaphore, #tpu.memory_space<semaphore_mem>>)
        %dma_wait3A_883 = arith.constant 0 : i32
        %dma_wait3A_884 = tpu.memref_slice %arg9[%add3A_878, %dma_wait3A_883] : memref<163840x128xf32, #tpu.memory_space<hbm>> -> memref<128x128xf32, #tpu.memory_space<hbm>>
        %dma_wait3A_885 = arith.constant 0 : i32
        %dma_wait3A_886 = tpu.memref_slice %arg9[%add3A_878, %dma_wait3A_885] : memref<163840x128xf32, #tpu.memory_space<hbm>> -> memref<128x128xf32, #tpu.memory_space<hbm>>
        tpu.wait_dma2 semaphore(%run_scoped3A : memref<!tpu.dma_semaphore, #tpu.memory_space<semaphore_mem>>) src(%arg17 : memref<128x128xf32, #tpu.memory_space<vmem>>) dst(%dma_wait3A_886 : memref<128x128xf32, #tpu.memory_space<hbm>>)
        tpu.yield
      }) : () -> ()
    }
    %scan3A_32 = arith.constant 20 : i32
    %dma_wait3A = arith.constant 0 : i32
    %dma_wait3A_33 = arith.constant 0 : i32
    %dma_wait3A_34 = tpu.memref_slice %arg10[%dma_wait3A, %dma_wait3A_33] : memref<40x128xi32, #tpu.memory_space<vmem>> -> memref<1x128xi32, #tpu.memory_space<vmem>>
    %dma_wait3A_35 = tpu.memref_squeeze %dma_wait3A_34 : memref<1x128xi32, #tpu.memory_space<vmem>> -> memref<128xi32, #tpu.memory_space<vmem>>
    %dma_wait3A_36 = arith.constant 0 : i32
    %dma_wait3A_37 = arith.constant 0 : i32
    %dma_wait3A_38 = tpu.memref_slice %arg2[%dma_wait3A_36, %dma_wait3A_37] : memref<10240x128xf32, #tpu.memory_space<hbm>> -> memref<10240x128xf32, #tpu.memory_space<hbm>>
    tpu.wait_indirect_dma semaphore(%arg20 : memref<!tpu.dma_semaphore, #tpu.memory_space<semaphore_mem>>) src(%dma_wait3A_38 : memref<10240x128xf32, #tpu.memory_space<hbm>>) dst(%arg16 : memref<128x128xf32, #tpu.memory_space<vmem>>)
    %dma_wait3A_39 = arith.constant 0 : i32
    %dma_wait3A_40 = arith.constant 0 : i32
    %dma_wait3A_41 = tpu.memref_slice %arg11[%dma_wait3A_39, %dma_wait3A_40] : memref<40x128xi32, #tpu.memory_space<vmem>> -> memref<1x128xi32, #tpu.memory_space<vmem>>
    %dma_wait3A_42 = tpu.memref_squeeze %dma_wait3A_41 : memref<1x128xi32, #tpu.memory_space<vmem>> -> memref<128xi32, #tpu.memory_space<vmem>>
    %dma_wait3A_43 = arith.constant 0 : i32
    %dma_wait3A_44 = arith.constant 0 : i32
    %dma_wait3A_45 = tpu.memref_slice %arg2[%dma_wait3A_43, %dma_wait3A_44] : memref<10240x128xf32, #tpu.memory_space<hbm>> -> memref<10240x128xf32, #tpu.memory_space<hbm>>
    tpu.wait_indirect_dma semaphore(%arg22 : memref<!tpu.dma_semaphore, #tpu.memory_space<semaphore_mem>>) src(%dma_wait3A_45 : memref<10240x128xf32, #tpu.memory_space<hbm>>) dst(%arg18 : memref<128x128xf32, #tpu.memory_space<vmem>>)
    return
  }
}

#map = affine_map<(d0, d1) -> (0, 0)>
#map1 = affine_map<(d0, d1) -> (0, 0, 0)>
module attributes {stable_mosaic.version = 14 : i64} {
  func.func @_sc_scatter_body(%arg0: i32, %arg1: i32, %arg2: memref<163840x128xf32, #tpu.memory_space<hbm>>, %arg3: memref<1280x128xi32, #tpu.memory_space<hbm>>, %arg4: memref<640x128xf32, #tpu.memory_space<hbm>>, %arg5: memref<2x10240x128xf32, #tpu.memory_space<hbm>>, %arg6: memref<40x128xi32, #tpu.memory_space<vmem>>, %arg7: memref<128x128xf32, #tpu.memory_space<vmem>>, %arg8: memref<128x128xf32, #tpu.memory_space<vmem>>, %arg9: memref<10240x128xf32, #tpu.memory_space<vmem_shared>>, %arg10: memref<!tpu.dma_semaphore, #tpu.memory_space<semaphore_mem>>, %arg11: memref<!tpu.dma_semaphore, #tpu.memory_space<semaphore_mem>>) attributes {dimension_semantics = [#tpu.dimension_semantics<core_parallel>, #tpu.dimension_semantics<subcore_parallel>], iteration_bounds = array<i64: 2, 16>, scalar_prefetch = 0 : i64, scratch_operands = 6 : i64, tpu.core_type = #tpu.core_type<sc_vector_subcore>, window_params = [{transform_indices = #map}, {transform_indices = #map}, {transform_indices = #map}, {transform_indices = #map1}]} {
    %mul3A = arith.constant 2 : i32
    %mul3A_0 = arith.muli %arg1, %mul3A : i32
    %add3A = arith.addi %mul3A_0, %arg0 : i32
    %mul3A_1 = arith.constant 40 : i32
    %mul3A_2 = arith.muli %add3A, %mul3A_1 : i32
    %mul3A_3 = arith.constant 640 : i32
    %mul3A_4 = arith.muli %arg1, %mul3A_3 : i32
    "tpu.region"() ({
      %run_scoped3A = tpu.sem_alloc : memref<!tpu.dma_semaphore, #tpu.memory_space<semaphore_mem>>
      %dma_start3A_23 = arith.constant 0 : i32
      %dma_start3A_24 = tpu.memref_slice %arg9[%mul3A_4, %dma_start3A_23] : memref<10240x128xf32, #tpu.memory_space<vmem_shared>> -> memref<640x128xf32, #tpu.memory_space<vmem_shared>>
      tpu.enqueue_dma source(%arg4 : memref<640x128xf32, #tpu.memory_space<hbm>>) target(%dma_start3A_24 : memref<640x128xf32, #tpu.memory_space<vmem_shared>>) target_semaphore(%run_scoped3A : memref<!tpu.dma_semaphore, #tpu.memory_space<semaphore_mem>>)
      %dma_wait3A_25 = arith.constant 0 : i32
      %dma_wait3A_26 = tpu.memref_slice %arg9[%mul3A_4, %dma_wait3A_25] : memref<10240x128xf32, #tpu.memory_space<vmem_shared>> -> memref<640x128xf32, #tpu.memory_space<vmem_shared>>
      tpu.wait_dma2 semaphore(%run_scoped3A : memref<!tpu.dma_semaphore, #tpu.memory_space<semaphore_mem>>) src(%arg4 : memref<640x128xf32, #tpu.memory_space<hbm>>) dst(%dma_wait3A_26 : memref<640x128xf32, #tpu.memory_space<vmem_shared>>)
      tpu.yield
    }) : () -> ()
    "tpu.region"() ({
      %run_scoped3A = tpu.sem_alloc : memref<!tpu.dma_semaphore, #tpu.memory_space<semaphore_mem>>
      %dma_start3A_23 = arith.constant 0 : i32
      %dma_start3A_24 = tpu.memref_slice %arg3[%mul3A_2, %dma_start3A_23] : memref<1280x128xi32, #tpu.memory_space<hbm>> -> memref<40x128xi32, #tpu.memory_space<hbm>>
      %dma_start3A_25 = arith.constant 0 : i32
      %dma_start3A_26 = tpu.memref_slice %arg3[%mul3A_2, %dma_start3A_25] : memref<1280x128xi32, #tpu.memory_space<hbm>> -> memref<40x128xi32, #tpu.memory_space<hbm>>
      tpu.enqueue_dma source(%dma_start3A_26 : memref<40x128xi32, #tpu.memory_space<hbm>>) target(%arg6 : memref<40x128xi32, #tpu.memory_space<vmem>>) target_semaphore(%run_scoped3A : memref<!tpu.dma_semaphore, #tpu.memory_space<semaphore_mem>>)
      %dma_wait3A_27 = arith.constant 0 : i32
      %dma_wait3A_28 = tpu.memref_slice %arg3[%mul3A_2, %dma_wait3A_27] : memref<1280x128xi32, #tpu.memory_space<hbm>> -> memref<40x128xi32, #tpu.memory_space<hbm>>
      %dma_wait3A_29 = arith.constant 0 : i32
      %dma_wait3A_30 = tpu.memref_slice %arg3[%mul3A_2, %dma_wait3A_29] : memref<1280x128xi32, #tpu.memory_space<hbm>> -> memref<40x128xi32, #tpu.memory_space<hbm>>
      tpu.wait_dma2 semaphore(%run_scoped3A : memref<!tpu.dma_semaphore, #tpu.memory_space<semaphore_mem>>) src(%dma_wait3A_30 : memref<40x128xi32, #tpu.memory_space<hbm>>) dst(%arg6 : memref<40x128xi32, #tpu.memory_space<vmem>>)
      tpu.yield
    }) : () -> ()
    %barrier3A = arith.constant 0 : index
    tpu.barrier barrier_id(%barrier3A)
    %mul3A_5 = arith.constant 5120 : i32
    %mul3A_6 = arith.muli %add3A, %mul3A_5 : i32
    %add3A_7 = arith.constant 0 : i32
    %add3A_8 = arith.addi %mul3A_6, %add3A_7 : i32
    %dma_start3A = arith.constant 0 : i32
    %dma_start3A_9 = tpu.memref_slice %arg2[%add3A_8, %dma_start3A] : memref<163840x128xf32, #tpu.memory_space<hbm>> -> memref<128x128xf32, #tpu.memory_space<hbm>>
    %dma_start3A_10 = arith.constant 0 : i32
    %dma_start3A_11 = tpu.memref_slice %arg2[%add3A_8, %dma_start3A_10] : memref<163840x128xf32, #tpu.memory_space<hbm>> -> memref<128x128xf32, #tpu.memory_space<hbm>>
    tpu.enqueue_dma source(%dma_start3A_11 : memref<128x128xf32, #tpu.memory_space<hbm>>) target(%arg7 : memref<128x128xf32, #tpu.memory_space<vmem>>) target_semaphore(%arg10 : memref<!tpu.dma_semaphore, #tpu.memory_space<semaphore_mem>>)
    %scan3A = arith.constant 0 : i32
    %scan3A_12 = arith.constant 0 : i32
    %scan3A_13 = arith.constant 20 : i32
    %scan3A_14 = arith.addi %scan3A_12, %scan3A_13 : i32
    %scan3A_15 = arith.constant 1 : i32
    scf.for %scan3A_23 = %scan3A_12 to %scan3A_14 step %scan3A_15  : i32 {
      %mul3A_24 = arith.constant 2 : i32
      %mul3A_25 = arith.muli %scan3A_23, %mul3A_24 : i32
      %add3A_26 = arith.constant 0 : i32
      %add3A_27 = arith.addi %mul3A_25, %add3A_26 : i32
      %add3A_28 = arith.constant 1 : i32
      %add3A_29 = arith.addi %add3A_27, %add3A_28 : i32
      %min3A = arith.constant 39 : i32
      %min3A_30 = arith.minsi %add3A_29, %min3A : i32
      %mul3A_31 = arith.constant 5120 : i32
      %mul3A_32 = arith.muli %add3A, %mul3A_31 : i32
      %mul3A_33 = arith.constant 128 : i32
      %mul3A_34 = arith.muli %min3A_30, %mul3A_33 : i32
      %add3A_35 = arith.addi %mul3A_32, %mul3A_34 : i32
      %dma_start3A_36 = arith.constant 0 : i32
      %dma_start3A_37 = tpu.memref_slice %arg2[%add3A_35, %dma_start3A_36] : memref<163840x128xf32, #tpu.memory_space<hbm>> -> memref<128x128xf32, #tpu.memory_space<hbm>>
      %dma_start3A_38 = arith.constant 0 : i32
      %dma_start3A_39 = tpu.memref_slice %arg2[%add3A_35, %dma_start3A_38] : memref<163840x128xf32, #tpu.memory_space<hbm>> -> memref<128x128xf32, #tpu.memory_space<hbm>>
      tpu.enqueue_dma source(%dma_start3A_39 : memref<128x128xf32, #tpu.memory_space<hbm>>) target(%arg8 : memref<128x128xf32, #tpu.memory_space<vmem>>) target_semaphore(%arg11 : memref<!tpu.dma_semaphore, #tpu.memory_space<semaphore_mem>>)
      %dma_wait3A_40 = arith.constant 0 : i32
      %dma_wait3A_41 = arith.constant 0 : i32
      %dma_wait3A_42 = tpu.memref_slice %arg2[%dma_wait3A_40, %dma_wait3A_41] : memref<163840x128xf32, #tpu.memory_space<hbm>> -> memref<128x128xf32, #tpu.memory_space<hbm>>
      %dma_wait3A_43 = arith.constant 0 : i32
      %dma_wait3A_44 = arith.constant 0 : i32
      %dma_wait3A_45 = tpu.memref_slice %arg2[%dma_wait3A_43, %dma_wait3A_44] : memref<163840x128xf32, #tpu.memory_space<hbm>> -> memref<128x128xf32, #tpu.memory_space<hbm>>
      tpu.wait_dma2 semaphore(%arg10 : memref<!tpu.dma_semaphore, #tpu.memory_space<semaphore_mem>>) src(%dma_wait3A_45 : memref<128x128xf32, #tpu.memory_space<hbm>>) dst(%arg7 : memref<128x128xf32, #tpu.memory_space<vmem>>)
      "tpu.region"() ({
        %run_scoped3A = tpu.sem_alloc : memref<!tpu.dma_semaphore, #tpu.memory_space<semaphore_mem>>
        %dma_start3A_69 = arith.constant 0 : i32
        %dma_start3A_70 = tpu.memref_slice %arg6[%add3A_27, %dma_start3A_69] : memref<40x128xi32, #tpu.memory_space<vmem>> -> memref<1x128xi32, #tpu.memory_space<vmem>>
        %dma_start3A_71 = tpu.memref_squeeze %dma_start3A_70 : memref<1x128xi32, #tpu.memory_space<vmem>> -> memref<128xi32, #tpu.memory_space<vmem>>
        %dma_start3A_72 = arith.constant 0 : i32
        %dma_start3A_73 = arith.constant 0 : i32
        %dma_start3A_74 = tpu.memref_slice %arg9[%dma_start3A_72, %dma_start3A_73] : memref<10240x128xf32, #tpu.memory_space<vmem_shared>> -> memref<10240x128xf32, #tpu.memory_space<vmem_shared>>
        tpu.enqueue_indirect_dma source(%arg7 : memref<128x128xf32, #tpu.memory_space<vmem>>) target(%dma_start3A_74 : memref<10240x128xf32, #tpu.memory_space<vmem_shared>>) offsets(%dma_start3A_71 : memref<128xi32, #tpu.memory_space<vmem>>) semaphore(%run_scoped3A : memref<!tpu.dma_semaphore, #tpu.memory_space<semaphore_mem>>) {add = true}
        %dma_wait3A_75 = arith.constant 0 : i32
        %dma_wait3A_76 = tpu.memref_slice %arg6[%add3A_27, %dma_wait3A_75] : memref<40x128xi32, #tpu.memory_space<vmem>> -> memref<1x128xi32, #tpu.memory_space<vmem>>
        %dma_wait3A_77 = tpu.memref_squeeze %dma_wait3A_76 : memref<1x128xi32, #tpu.memory_space<vmem>> -> memref<128xi32, #tpu.memory_space<vmem>>
        %dma_wait3A_78 = arith.constant 0 : i32
        %dma_wait3A_79 = arith.constant 0 : i32
        %dma_wait3A_80 = tpu.memref_slice %arg9[%dma_wait3A_78, %dma_wait3A_79] : memref<10240x128xf32, #tpu.memory_space<vmem_shared>> -> memref<10240x128xf32, #tpu.memory_space<vmem_shared>>
        tpu.wait_indirect_dma semaphore(%run_scoped3A : memref<!tpu.dma_semaphore, #tpu.memory_space<semaphore_mem>>) src(%arg7 : memref<128x128xf32, #tpu.memory_space<vmem>>) dst(%dma_wait3A_80 : memref<10240x128xf32, #tpu.memory_space<vmem_shared>>)
        tpu.yield
      }) : () -> ()
      %mul3A_46 = arith.constant 2 : i32
      %mul3A_47 = arith.muli %scan3A_23, %mul3A_46 : i32
      %add3A_48 = arith.constant 1 : i32
      %add3A_49 = arith.addi %mul3A_47, %add3A_48 : i32
      %add3A_50 = arith.constant 1 : i32
      %add3A_51 = arith.addi %add3A_49, %add3A_50 : i32
      %min3A_52 = arith.constant 39 : i32
      %min3A_53 = arith.minsi %add3A_51, %min3A_52 : i32
      %mul3A_54 = arith.constant 5120 : i32
      %mul3A_55 = arith.muli %add3A, %mul3A_54 : i32
      %mul3A_56 = arith.constant 128 : i32
      %mul3A_57 = arith.muli %min3A_53, %mul3A_56 : i32
      %add3A_58 = arith.addi %mul3A_55, %mul3A_57 : i32
      %dma_start3A_59 = arith.constant 0 : i32
      %dma_start3A_60 = tpu.memref_slice %arg2[%add3A_58, %dma_start3A_59] : memref<163840x128xf32, #tpu.memory_space<hbm>> -> memref<128x128xf32, #tpu.memory_space<hbm>>
      %dma_start3A_61 = arith.constant 0 : i32
      %dma_start3A_62 = tpu.memref_slice %arg2[%add3A_58, %dma_start3A_61] : memref<163840x128xf32, #tpu.memory_space<hbm>> -> memref<128x128xf32, #tpu.memory_space<hbm>>
      tpu.enqueue_dma source(%dma_start3A_62 : memref<128x128xf32, #tpu.memory_space<hbm>>) target(%arg7 : memref<128x128xf32, #tpu.memory_space<vmem>>) target_semaphore(%arg10 : memref<!tpu.dma_semaphore, #tpu.memory_space<semaphore_mem>>)
      %dma_wait3A_63 = arith.constant 0 : i32
      %dma_wait3A_64 = arith.constant 0 : i32
      %dma_wait3A_65 = tpu.memref_slice %arg2[%dma_wait3A_63, %dma_wait3A_64] : memref<163840x128xf32, #tpu.memory_space<hbm>> -> memref<128x128xf32, #tpu.memory_space<hbm>>
      %dma_wait3A_66 = arith.constant 0 : i32
      %dma_wait3A_67 = arith.constant 0 : i32
      %dma_wait3A_68 = tpu.memref_slice %arg2[%dma_wait3A_66, %dma_wait3A_67] : memref<163840x128xf32, #tpu.memory_space<hbm>> -> memref<128x128xf32, #tpu.memory_space<hbm>>
      tpu.wait_dma2 semaphore(%arg11 : memref<!tpu.dma_semaphore, #tpu.memory_space<semaphore_mem>>) src(%dma_wait3A_68 : memref<128x128xf32, #tpu.memory_space<hbm>>) dst(%arg8 : memref<128x128xf32, #tpu.memory_space<vmem>>)
      "tpu.region"() ({
        %run_scoped3A = tpu.sem_alloc : memref<!tpu.dma_semaphore, #tpu.memory_space<semaphore_mem>>
        %dma_start3A_69 = arith.constant 0 : i32
        %dma_start3A_70 = tpu.memref_slice %arg6[%add3A_49, %dma_start3A_69] : memref<40x128xi32, #tpu.memory_space<vmem>> -> memref<1x128xi32, #tpu.memory_space<vmem>>
        %dma_start3A_71 = tpu.memref_squeeze %dma_start3A_70 : memref<1x128xi32, #tpu.memory_space<vmem>> -> memref<128xi32, #tpu.memory_space<vmem>>
        %dma_start3A_72 = arith.constant 0 : i32
        %dma_start3A_73 = arith.constant 0 : i32
        %dma_start3A_74 = tpu.memref_slice %arg9[%dma_start3A_72, %dma_start3A_73] : memref<10240x128xf32, #tpu.memory_space<vmem_shared>> -> memref<10240x128xf32, #tpu.memory_space<vmem_shared>>
        tpu.enqueue_indirect_dma source(%arg8 : memref<128x128xf32, #tpu.memory_space<vmem>>) target(%dma_start3A_74 : memref<10240x128xf32, #tpu.memory_space<vmem_shared>>) offsets(%dma_start3A_71 : memref<128xi32, #tpu.memory_space<vmem>>) semaphore(%run_scoped3A : memref<!tpu.dma_semaphore, #tpu.memory_space<semaphore_mem>>) {add = true}
        %dma_wait3A_75 = arith.constant 0 : i32
        %dma_wait3A_76 = tpu.memref_slice %arg6[%add3A_49, %dma_wait3A_75] : memref<40x128xi32, #tpu.memory_space<vmem>> -> memref<1x128xi32, #tpu.memory_space<vmem>>
        %dma_wait3A_77 = tpu.memref_squeeze %dma_wait3A_76 : memref<1x128xi32, #tpu.memory_space<vmem>> -> memref<128xi32, #tpu.memory_space<vmem>>
        %dma_wait3A_78 = arith.constant 0 : i32
        %dma_wait3A_79 = arith.constant 0 : i32
        %dma_wait3A_80 = tpu.memref_slice %arg9[%dma_wait3A_78, %dma_wait3A_79] : memref<10240x128xf32, #tpu.memory_space<vmem_shared>> -> memref<10240x128xf32, #tpu.memory_space<vmem_shared>>
        tpu.wait_indirect_dma semaphore(%run_scoped3A : memref<!tpu.dma_semaphore, #tpu.memory_space<semaphore_mem>>) src(%arg8 : memref<128x128xf32, #tpu.memory_space<vmem>>) dst(%dma_wait3A_80 : memref<10240x128xf32, #tpu.memory_space<vmem_shared>>)
        tpu.yield
      }) : () -> ()
    }
    %scan3A_16 = arith.constant 20 : i32
    %dma_wait3A = arith.constant 0 : i32
    %dma_wait3A_17 = arith.constant 0 : i32
    %dma_wait3A_18 = tpu.memref_slice %arg2[%dma_wait3A, %dma_wait3A_17] : memref<163840x128xf32, #tpu.memory_space<hbm>> -> memref<128x128xf32, #tpu.memory_space<hbm>>
    %dma_wait3A_19 = arith.constant 0 : i32
    %dma_wait3A_20 = arith.constant 0 : i32
    %dma_wait3A_21 = tpu.memref_slice %arg2[%dma_wait3A_19, %dma_wait3A_20] : memref<163840x128xf32, #tpu.memory_space<hbm>> -> memref<128x128xf32, #tpu.memory_space<hbm>>
    tpu.wait_dma2 semaphore(%arg10 : memref<!tpu.dma_semaphore, #tpu.memory_space<semaphore_mem>>) src(%dma_wait3A_21 : memref<128x128xf32, #tpu.memory_space<hbm>>) dst(%arg7 : memref<128x128xf32, #tpu.memory_space<vmem>>)
    %barrier3A_22 = arith.constant 0 : index
    tpu.barrier barrier_id(%barrier3A_22)
    "tpu.region"() ({
      %run_scoped3A = tpu.sem_alloc : memref<!tpu.dma_semaphore, #tpu.memory_space<semaphore_mem>>
      %dma_start3A_23 = arith.constant 0 : i32
      %dma_start3A_24 = tpu.memref_slice %arg5[%arg0, %mul3A_4, %dma_start3A_23] : memref<2x10240x128xf32, #tpu.memory_space<hbm>> -> memref<1x640x128xf32, #tpu.memory_space<hbm>>
      %dma_start3A_25 = tpu.memref_squeeze %dma_start3A_24 : memref<1x640x128xf32, #tpu.memory_space<hbm>> -> memref<640x128xf32, #tpu.memory_space<hbm>>
      %dma_start3A_26 = arith.constant 0 : i32
      %dma_start3A_27 = tpu.memref_slice %arg9[%mul3A_4, %dma_start3A_26] : memref<10240x128xf32, #tpu.memory_space<vmem_shared>> -> memref<640x128xf32, #tpu.memory_space<vmem_shared>>
      tpu.enqueue_dma source(%dma_start3A_27 : memref<640x128xf32, #tpu.memory_space<vmem_shared>>) target(%dma_start3A_25 : memref<640x128xf32, #tpu.memory_space<hbm>>) target_semaphore(%run_scoped3A : memref<!tpu.dma_semaphore, #tpu.memory_space<semaphore_mem>>)
      %dma_wait3A_28 = arith.constant 0 : i32
      %dma_wait3A_29 = tpu.memref_slice %arg5[%arg0, %mul3A_4, %dma_wait3A_28] : memref<2x10240x128xf32, #tpu.memory_space<hbm>> -> memref<1x640x128xf32, #tpu.memory_space<hbm>>
      %dma_wait3A_30 = tpu.memref_squeeze %dma_wait3A_29 : memref<1x640x128xf32, #tpu.memory_space<hbm>> -> memref<640x128xf32, #tpu.memory_space<hbm>>
      %dma_wait3A_31 = arith.constant 0 : i32
      %dma_wait3A_32 = tpu.memref_slice %arg9[%mul3A_4, %dma_wait3A_31] : memref<10240x128xf32, #tpu.memory_space<vmem_shared>> -> memref<640x128xf32, #tpu.memory_space<vmem_shared>>
      tpu.wait_dma2 semaphore(%run_scoped3A : memref<!tpu.dma_semaphore, #tpu.memory_space<semaphore_mem>>) src(%dma_wait3A_32 : memref<640x128xf32, #tpu.memory_space<vmem_shared>>) dst(%dma_wait3A_30 : memref<640x128xf32, #tpu.memory_space<hbm>>)
      tpu.yield
    }) : () -> ()
    return
  }
}

module attributes {stable_mosaic.version = 14 : i64} {
  func.func @_preproj_body(%arg0: i32, %arg1: memref<1000x128xf32, #tpu.memory_space<vmem>>, %arg2: memref<128x128xf32, #tpu.memory_space<vmem>>, %arg3: memref<1000x128xf32, #tpu.memory_space<vmem>>) attributes {dimension_semantics = [#tpu.dimension_semantics<arbitrary>], iteration_bounds = array<i64: 10>, scalar_prefetch = 0 : i64, scratch_operands = 0 : i64, tpu.core_type = #tpu.core_type<tc>, window_params = [{transform_indices = @transform_0, window_bounds = array<i64: 1000, 128>}, {pipeline_mode = #tpu.pipeline_mode<synchronous>, transform_indices = @transform_1, window_bounds = array<i64: 128, 128>}, {transform_indices = @transform_2, window_bounds = array<i64: 1000, 128>}]} {
    %get3A = arith.constant 0 : index
    %get3A_0 = arith.constant 0 : index
    %get3A_1 = vector.load %arg1[%get3A, %get3A_0] : memref<1000x128xf32, #tpu.memory_space<vmem>>, vector<1000x128xf32>
    %get3A_2 = arith.constant 0 : index
    %get3A_3 = arith.constant 0 : index
    %get3A_4 = vector.load %arg2[%get3A_2, %get3A_3] : memref<128x128xf32, #tpu.memory_space<vmem>>, vector<128x128xf32>
    %dot_general3A = arith.constant dense<0.000000e+00> : vector<1000x128xf32>
    %dot_general3A_5 = tpu.matmul %get3A_1, %get3A_4, %dot_general3A {dimension_numbers = #tpu.dot_dimension_numbers<[1], [0], [0], [1], [0, 0, 1, 1], [], []>, transpose_lhs_hint = false} : vector<1000x128xf32>, vector<128x128xf32>, vector<1000x128xf32> -> vector<1000x128xf32>
    %swap3A = arith.constant 0 : index
    %swap3A_6 = arith.constant 0 : index
    %swap3A_7 = vector.load %arg3[%swap3A, %swap3A_6] : memref<1000x128xf32, #tpu.memory_space<vmem>>, vector<1000x128xf32>
    tpu.vector_store %arg3[%swap3A, %swap3A_6], %dot_general3A_5 {strides = array<i32>} : memref<1000x128xf32, #tpu.memory_space<vmem>>, vector<1000x128xf32>,
    return
  }
  func.func @transform_0(%arg0: i32) -> (i32, i32) {
    %c0_i32 = arith.constant 0 : i32
    %c0_i32_0 = arith.constant 0 : i32
    return %arg0, %c0_i32 : i32, i32
  }
  func.func @transform_1(%arg0: i32) -> (i32, i32) {
    %c0_i32 = arith.constant 0 : i32
    %c0_i32_0 = arith.constant 0 : i32
    %c0_i32_1 = arith.constant 0 : i32
    return %c0_i32, %c0_i32_0 : i32, i32
  }
  func.func @transform_2(%arg0: i32) -> (i32, i32) {
    %c0_i32 = arith.constant 0 : i32
    %c0_i32_0 = arith.constant 0 : i32
    return %arg0, %c0_i32 : i32, i32
  }
}

module attributes {stable_mosaic.version = 14 : i64} {
  func.func @_edge_body(%arg0: i32, %arg1: memref<2048x128xf32, #tpu.memory_space<vmem>>, %arg2: memref<1x64xf32, #tpu.memory_space<vmem>>, %arg3: memref<1x64xf32, #tpu.memory_space<vmem>>, %arg4: memref<64x64xbf16, #tpu.memory_space<vmem>>, %arg5: memref<1x64xf32, #tpu.memory_space<vmem>>, %arg6: memref<64x64xbf16, #tpu.memory_space<vmem>>, %arg7: memref<1x64xf32, #tpu.memory_space<vmem>>, %arg8: memref<64x1xf32, #tpu.memory_space<vmem>>, %arg9: memref<2048x128xf32, #tpu.memory_space<vmem>>) attributes {dimension_semantics = [#tpu.dimension_semantics<arbitrary>], iteration_bounds = array<i64: 80>, scalar_prefetch = 0 : i64, scratch_operands = 0 : i64, tpu.core_type = #tpu.core_type<tc>, window_params = [{transform_indices = @transform_0, window_bounds = array<i64: 2048, 128>}, {pipeline_mode = #tpu.pipeline_mode<synchronous>, transform_indices = @transform_1, window_bounds = array<i64: 1, 64>}, {pipeline_mode = #tpu.pipeline_mode<synchronous>, transform_indices = @transform_2, window_bounds = array<i64: 1, 64>}, {pipeline_mode = #tpu.pipeline_mode<synchronous>, transform_indices = @transform_3, window_bounds = array<i64: 64, 64>}, {pipeline_mode = #tpu.pipeline_mode<synchronous>, transform_indices = @transform_4, window_bounds = array<i64: 1, 64>}, {pipeline_mode = #tpu.pipeline_mode<synchronous>, transform_indices = @transform_5, window_bounds = array<i64: 64, 64>}, {pipeline_mode = #tpu.pipeline_mode<synchronous>, transform_indices = @transform_6, window_bounds = array<i64: 1, 64>}, {pipeline_mode = #tpu.pipeline_mode<synchronous>, transform_indices = @transform_7, window_bounds = array<i64: 64, 1>}, {transform_indices = @transform_8, window_bounds = array<i64: 2048, 128>}]} {
    %get3A = arith.constant 0 : index
    %get3A_0 = arith.constant 0 : index
    %get3A_1 = vector.load %arg1[%get3A, %get3A_0] : memref<2048x128xf32, #tpu.memory_space<vmem>>, vector<2048x128xf32>
    %slice3A = vector.extract_strided_slice %get3A_1 {offsets = [0, 64], sizes = [2048, 3], strides = [1, 1]} : vector<2048x128xf32> to vector<2048x3xf32>
    %slice3A_2 = vector.extract_strided_slice %get3A_1 {offsets = [0, 67], sizes = [2048, 1], strides = [1, 1]} : vector<2048x128xf32> to vector<2048x1xf32>
    %broadcast_in_dim3A = arith.constant 1.000000e+00 : f32
    %broadcast_in_dim3A_3 = vector.broadcast %broadcast_in_dim3A : f32 to vector<1x64xf32>
    %dot_general3A = arith.constant dense<0.000000e+00> : vector<2048x64xf32>
    %dot_general3A_4 = tpu.matmul %slice3A_2, %broadcast_in_dim3A_3, %dot_general3A {dimension_numbers = #tpu.dot_dimension_numbers<[1], [0], [0], [1], [0, 0, 1, 1], [], []>, transpose_lhs_hint = false} : vector<2048x1xf32>, vector<1x64xf32>, vector<2048x64xf32> -> vector<2048x64xf32>
    %add3A = arith.constant 9.99999993E-9 : f32
    %add3A_5 = vector.broadcast %add3A : f32 to vector<2048x64xf32>
    %add3A_6 = arith.addf %dot_general3A_4, %add3A_5 : vector<2048x64xf32>
    %sqrt3A = math.sqrt %add3A_6 : vector<2048x64xf32>
    %slice3A_7 = vector.extract_strided_slice %get3A_1 {offsets = [0, 0], sizes = [2048, 64], strides = [1, 1]} : vector<2048x128xf32> to vector<2048x64xf32>
    %get3A_8 = arith.constant 0 : index
    %get3A_9 = arith.constant 0 : index
    %get3A_10 = vector.load %arg2[%get3A_8, %get3A_9] : memref<1x64xf32, #tpu.memory_space<vmem>>, vector<1x64xf32>
    %mul3A = vector.broadcast %get3A_10 : vector<1x64xf32> to vector<2048x64xf32>
    %mul3A_11 = arith.mulf %sqrt3A, %mul3A : vector<2048x64xf32>
    %add3A_12 = arith.addf %slice3A_7, %mul3A_11 : vector<2048x64xf32>
    %get3A_13 = arith.constant 0 : index
    %get3A_14 = arith.constant 0 : index
    %get3A_15 = vector.load %arg3[%get3A_13, %get3A_14] : memref<1x64xf32, #tpu.memory_space<vmem>>, vector<1x64xf32>
    %add3A_16 = vector.broadcast %get3A_15 : vector<1x64xf32> to vector<2048x64xf32>
    %add3A_17 = arith.addf %add3A_12, %add3A_16 : vector<2048x64xf32>
    %mul3A_18 = arith.constant 5.000000e-01 : f32
    %mul3A_19 = vector.broadcast %mul3A_18 : f32 to vector<2048x64xf32>
    %mul3A_20 = arith.mulf %mul3A_19, %add3A_17 : vector<2048x64xf32>
    %tanh3A = math.tanh %mul3A_20 : vector<2048x64xf32>
    %mul3A_21 = arith.constant 5.000000e-01 : f32
    %mul3A_22 = vector.broadcast %mul3A_21 : f32 to vector<2048x64xf32>
    %mul3A_23 = arith.mulf %mul3A_22, %tanh3A : vector<2048x64xf32>
    %add3A_24 = arith.constant 5.000000e-01 : f32
    %add3A_25 = vector.broadcast %add3A_24 : f32 to vector<2048x64xf32>
    %add3A_26 = arith.addf %mul3A_23, %add3A_25 : vector<2048x64xf32>
    %mul3A_27 = arith.mulf %add3A_17, %add3A_26 : vector<2048x64xf32>
    %convert_element_type3A = arith.truncf %mul3A_27 : vector<2048x64xf32> to vector<2048x64xbf16>
    %get3A_28 = arith.constant 0 : index
    %get3A_29 = arith.constant 0 : index
    %get3A_30 = vector.load %arg4[%get3A_28, %get3A_29] : memref<64x64xbf16, #tpu.memory_space<vmem>>, vector<64x64xbf16>
    %dot_general3A_31 = arith.constant dense<0.000000e+00> : vector<2048x64xf32>
    %dot_general3A_32 = tpu.matmul %convert_element_type3A, %get3A_30, %dot_general3A_31 {dimension_numbers = #tpu.dot_dimension_numbers<[1], [0], [0], [1], [0, 0, 1, 1], [], []>, transpose_lhs_hint = false} : vector<2048x64xbf16>, vector<64x64xbf16>, vector<2048x64xf32> -> vector<2048x64xf32>
    %get3A_33 = arith.constant 0 : index
    %get3A_34 = arith.constant 0 : index
    %get3A_35 = vector.load %arg5[%get3A_33, %get3A_34] : memref<1x64xf32, #tpu.memory_space<vmem>>, vector<1x64xf32>
    %add3A_36 = vector.broadcast %get3A_35 : vector<1x64xf32> to vector<2048x64xf32>
    %add3A_37 = arith.addf %dot_general3A_32, %add3A_36 : vector<2048x64xf32>
    %mul3A_38 = arith.constant 5.000000e-01 : f32
    %mul3A_39 = vector.broadcast %mul3A_38 : f32 to vector<2048x64xf32>
    %mul3A_40 = arith.mulf %mul3A_39, %add3A_37 : vector<2048x64xf32>
    %tanh3A_41 = math.tanh %mul3A_40 : vector<2048x64xf32>
    %mul3A_42 = arith.constant 5.000000e-01 : f32
    %mul3A_43 = vector.broadcast %mul3A_42 : f32 to vector<2048x64xf32>
    %mul3A_44 = arith.mulf %mul3A_43, %tanh3A_41 : vector<2048x64xf32>
    %add3A_45 = arith.constant 5.000000e-01 : f32
    %add3A_46 = vector.broadcast %add3A_45 : f32 to vector<2048x64xf32>
    %add3A_47 = arith.addf %mul3A_44, %add3A_46 : vector<2048x64xf32>
    %mul3A_48 = arith.mulf %add3A_37, %add3A_47 : vector<2048x64xf32>
    %convert_element_type3A_49 = arith.truncf %mul3A_48 : vector<2048x64xf32> to vector<2048x64xbf16>
    %get3A_50 = arith.constant 0 : index
    %get3A_51 = arith.constant 0 : index
    %get3A_52 = vector.load %arg6[%get3A_50, %get3A_51] : memref<64x64xbf16, #tpu.memory_space<vmem>>, vector<64x64xbf16>
    %dot_general3A_53 = arith.constant dense<0.000000e+00> : vector<2048x64xf32>
    %dot_general3A_54 = tpu.matmul %convert_element_type3A_49, %get3A_52, %dot_general3A_53 {dimension_numbers = #tpu.dot_dimension_numbers<[1], [0], [0], [1], [0, 0, 1, 1], [], []>, transpose_lhs_hint = false} : vector<2048x64xbf16>, vector<64x64xbf16>, vector<2048x64xf32> -> vector<2048x64xf32>
    %get3A_55 = arith.constant 0 : index
    %get3A_56 = arith.constant 0 : index
    %get3A_57 = vector.load %arg7[%get3A_55, %get3A_56] : memref<1x64xf32, #tpu.memory_space<vmem>>, vector<1x64xf32>
    %add3A_58 = vector.broadcast %get3A_57 : vector<1x64xf32> to vector<2048x64xf32>
    %add3A_59 = arith.addf %dot_general3A_54, %add3A_58 : vector<2048x64xf32>
    %mul3A_60 = arith.constant 5.000000e-01 : f32
    %mul3A_61 = vector.broadcast %mul3A_60 : f32 to vector<2048x64xf32>
    %mul3A_62 = arith.mulf %mul3A_61, %add3A_59 : vector<2048x64xf32>
    %tanh3A_63 = math.tanh %mul3A_62 : vector<2048x64xf32>
    %mul3A_64 = arith.constant 5.000000e-01 : f32
    %mul3A_65 = vector.broadcast %mul3A_64 : f32 to vector<2048x64xf32>
    %mul3A_66 = arith.mulf %mul3A_65, %tanh3A_63 : vector<2048x64xf32>
    %add3A_67 = arith.constant 5.000000e-01 : f32
    %add3A_68 = vector.broadcast %add3A_67 : f32 to vector<2048x64xf32>
    %add3A_69 = arith.addf %mul3A_66, %add3A_68 : vector<2048x64xf32>
    %mul3A_70 = arith.mulf %add3A_59, %add3A_69 : vector<2048x64xf32>
    %get3A_71 = arith.constant 0 : index
    %get3A_72 = arith.constant 0 : index
    %get3A_73 = vector.load %arg8[%get3A_71, %get3A_72] : memref<64x1xf32, #tpu.memory_space<vmem>>, vector<64x1xf32>
    %dot_general3A_74 = arith.constant dense<0.000000e+00> : vector<2048x1xf32>
    %dot_general3A_75 = tpu.matmul %mul3A_70, %get3A_73, %dot_general3A_74 {dimension_numbers = #tpu.dot_dimension_numbers<[1], [0], [0], [1], [0, 0, 1, 1], [], []>, transpose_lhs_hint = false} : vector<2048x64xf32>, vector<64x1xf32>, vector<2048x1xf32> -> vector<2048x1xf32>
    %slice3A_76 = vector.extract_strided_slice %sqrt3A {offsets = [0, 0], sizes = [2048, 1], strides = [1, 1]} : vector<2048x64xf32> to vector<2048x1xf32>
    %add3A_77 = arith.constant 1.000000e+00 : f32
    %add3A_78 = vector.broadcast %add3A_77 : f32 to vector<2048x1xf32>
    %add3A_79 = arith.addf %slice3A_76, %add3A_78 : vector<2048x1xf32>
    %div3A = arith.divf %dot_general3A_75, %add3A_79 : vector<2048x1xf32>
    %mul3A_80 = vector.broadcast %div3A : vector<2048x1xf32> to vector<2048x3xf32>
    %mul3A_81 = arith.mulf %slice3A, %mul3A_80 : vector<2048x3xf32>
    %broadcast_in_dim3A_82 = arith.constant 0.000000e+00 : f32
    %broadcast_in_dim3A_83 = vector.broadcast %broadcast_in_dim3A_82 : f32 to vector<2048x61xf32>
    %concatenate3A = tpu.concatenate %mul3A_48, %mul3A_81, %broadcast_in_dim3A_83 in 1 : vector<2048x64xf32>, vector<2048x3xf32>, vector<2048x61xf32> -> vector<2048x128xf32>
    %swap3A = arith.constant 0 : index
    %swap3A_84 = arith.constant 0 : index
    %swap3A_85 = vector.load %arg9[%swap3A, %swap3A_84] : memref<2048x128xf32, #tpu.memory_space<vmem>>, vector<2048x128xf32>
    tpu.vector_store %arg9[%swap3A, %swap3A_84], %concatenate3A {strides = array<i32>} : memref<2048x128xf32, #tpu.memory_space<vmem>>, vector<2048x128xf32>,
    return
  }
  func.func @transform_0(%arg0: i32) -> (i32, i32) {
    %c0_i32 = arith.constant 0 : i32
    %c0_i32_0 = arith.constant 0 : i32
    return %arg0, %c0_i32 : i32, i32
  }
  func.func @transform_1(%arg0: i32) -> (i32, i32) {
    %c0_i32 = arith.constant 0 : i32
    %c0_i32_0 = arith.constant 0 : i32
    %c0_i32_1 = arith.constant 0 : i32
    return %c0_i32, %c0_i32_0 : i32, i32
  }
  func.func @transform_2(%arg0: i32) -> (i32, i32) {
    %c0_i32 = arith.constant 0 : i32
    %c0_i32_0 = arith.constant 0 : i32
    %c0_i32_1 = arith.constant 0 : i32
    return %c0_i32, %c0_i32_0 : i32, i32
  }
  func.func @transform_3(%arg0: i32) -> (i32, i32) {
    %c0_i32 = arith.constant 0 : i32
    %c0_i32_0 = arith.constant 0 : i32
    %c0_i32_1 = arith.constant 0 : i32
    return %c0_i32, %c0_i32_0 : i32, i32
  }
  func.func @transform_4(%arg0: i32) -> (i32, i32) {
    %c0_i32 = arith.constant 0 : i32
    %c0_i32_0 = arith.constant 0 : i32
    %c0_i32_1 = arith.constant 0 : i32
    return %c0_i32, %c0_i32_0 : i32, i32
  }
  func.func @transform_5(%arg0: i32) -> (i32, i32) {
    %c0_i32 = arith.constant 0 : i32
    %c0_i32_0 = arith.constant 0 : i32
    %c0_i32_1 = arith.constant 0 : i32
    return %c0_i32, %c0_i32_0 : i32, i32
  }
  func.func @transform_6(%arg0: i32) -> (i32, i32) {
    %c0_i32 = arith.constant 0 : i32
    %c0_i32_0 = arith.constant 0 : i32
    %c0_i32_1 = arith.constant 0 : i32
    return %c0_i32, %c0_i32_0 : i32, i32
  }
  func.func @transform_7(%arg0: i32) -> (i32, i32) {
    %c0_i32 = arith.constant 0 : i32
    %c0_i32_0 = arith.constant 0 : i32
    %c0_i32_1 = arith.constant 0 : i32
    return %c0_i32, %c0_i32_0 : i32, i32
  }
  func.func @transform_8(%arg0: i32) -> (i32, i32) {
    %c0_i32 = arith.constant 0 : i32
    %c0_i32_0 = arith.constant 0 : i32
    return %arg0, %c0_i32 : i32, i32
  }
}

module attributes {stable_mosaic.version = 14 : i64} {
  func.func @_node_body(%arg0: i32, %arg1: memref<1000x128xf32, #tpu.memory_space<vmem>>, %arg2: memref<1000x3xf32, #tpu.memory_space<vmem>>, %arg3: memref<4x1000x128xf32, #tpu.memory_space<vmem>>, %arg4: memref<128x64xf32, #tpu.memory_space<vmem>>, %arg5: memref<64x64xf32, #tpu.memory_space<vmem>>, %arg6: memref<1x64xf32, #tpu.memory_space<vmem>>, %arg7: memref<64x128xf32, #tpu.memory_space<vmem>>, %arg8: memref<1x128xf32, #tpu.memory_space<vmem>>, %arg9: memref<1000x128xf32, #tpu.memory_space<vmem>>, %arg10: memref<1000x3xf32, #tpu.memory_space<vmem>>) attributes {dimension_semantics = [#tpu.dimension_semantics<arbitrary>], iteration_bounds = array<i64: 10>, scalar_prefetch = 0 : i64, scratch_operands = 0 : i64, tpu.core_type = #tpu.core_type<tc>, window_params = [{transform_indices = @transform_0, window_bounds = array<i64: 1000, 128>}, {transform_indices = @transform_1, window_bounds = array<i64: 1000, 3>}, {transform_indices = @transform_2, window_bounds = array<i64: 4, 1000, 128>}, {pipeline_mode = #tpu.pipeline_mode<synchronous>, transform_indices = @transform_3, window_bounds = array<i64: 128, 64>}, {pipeline_mode = #tpu.pipeline_mode<synchronous>, transform_indices = @transform_4, window_bounds = array<i64: 64, 64>}, {pipeline_mode = #tpu.pipeline_mode<synchronous>, transform_indices = @transform_5, window_bounds = array<i64: 1, 64>}, {pipeline_mode = #tpu.pipeline_mode<synchronous>, transform_indices = @transform_6, window_bounds = array<i64: 64, 128>}, {pipeline_mode = #tpu.pipeline_mode<synchronous>, transform_indices = @transform_7, window_bounds = array<i64: 1, 128>}, {transform_indices = @transform_8, window_bounds = array<i64: 1000, 128>}, {transform_indices = @transform_9, window_bounds = array<i64: 1000, 3>}]} {
    %get3A = arith.constant 0 : index
    %get3A_0 = arith.constant 0 : index
    %get3A_1 = arith.constant 0 : index
    %get3A_2 = vector.load %arg3[%get3A, %get3A_0, %get3A_1] : memref<4x1000x128xf32, #tpu.memory_space<vmem>>, vector<4x1000x128xf32>
    %slice3A = vector.extract_strided_slice %get3A_2 {offsets = [0, 0, 0], sizes = [1, 1000, 128], strides = [1, 1, 1]} : vector<4x1000x128xf32> to vector<1x1000x128xf32>
    %squeeze3A = vector.shape_cast %slice3A : vector<1x1000x128xf32> to vector<1000x128xf32>
    %slice3A_3 = vector.extract_strided_slice %get3A_2 {offsets = [1, 0, 0], sizes = [1, 1000, 128], strides = [1, 1, 1]} : vector<4x1000x128xf32> to vector<1x1000x128xf32>
    %squeeze3A_4 = vector.shape_cast %slice3A_3 : vector<1x1000x128xf32> to vector<1000x128xf32>
    %add3A = arith.addf %squeeze3A, %squeeze3A_4 : vector<1000x128xf32>
    %slice3A_5 = vector.extract_strided_slice %get3A_2 {offsets = [2, 0, 0], sizes = [1, 1000, 128], strides = [1, 1, 1]} : vector<4x1000x128xf32> to vector<1x1000x128xf32>
    %squeeze3A_6 = vector.shape_cast %slice3A_5 : vector<1x1000x128xf32> to vector<1000x128xf32>
    %add3A_7 = arith.addf %add3A, %squeeze3A_6 : vector<1000x128xf32>
    %slice3A_8 = vector.extract_strided_slice %get3A_2 {offsets = [3, 0, 0], sizes = [1, 1000, 128], strides = [1, 1, 1]} : vector<4x1000x128xf32> to vector<1x1000x128xf32>
    %squeeze3A_9 = vector.shape_cast %slice3A_8 : vector<1x1000x128xf32> to vector<1000x128xf32>
    %add3A_10 = arith.addf %add3A_7, %squeeze3A_9 : vector<1000x128xf32>
    %slice3A_11 = vector.extract_strided_slice %add3A_10 {offsets = [0, 0], sizes = [1000, 64], strides = [1, 1]} : vector<1000x128xf32> to vector<1000x64xf32>
    %get3A_12 = arith.constant 0 : index
    %get3A_13 = arith.constant 0 : index
    %get3A_14 = vector.load %arg1[%get3A_12, %get3A_13] : memref<1000x128xf32, #tpu.memory_space<vmem>>, vector<1000x128xf32>
    %get3A_15 = arith.constant 0 : index
    %get3A_16 = arith.constant 0 : index
    %get3A_17 = vector.load %arg4[%get3A_15, %get3A_16] : memref<128x64xf32, #tpu.memory_space<vmem>>, vector<128x64xf32>
    %dot_general3A = arith.constant dense<0.000000e+00> : vector<1000x64xf32>
    %dot_general3A_18 = tpu.matmul %get3A_14, %get3A_17, %dot_general3A {dimension_numbers = #tpu.dot_dimension_numbers<[1], [0], [0], [1], [0, 0, 1, 1], [], []>, transpose_lhs_hint = false} : vector<1000x128xf32>, vector<128x64xf32>, vector<1000x64xf32> -> vector<1000x64xf32>
    %get3A_19 = arith.constant 0 : index
    %get3A_20 = arith.constant 0 : index
    %get3A_21 = vector.load %arg5[%get3A_19, %get3A_20] : memref<64x64xf32, #tpu.memory_space<vmem>>, vector<64x64xf32>
    %dot_general3A_22 = arith.constant dense<0.000000e+00> : vector<1000x64xf32>
    %dot_general3A_23 = tpu.matmul %slice3A_11, %get3A_21, %dot_general3A_22 {dimension_numbers = #tpu.dot_dimension_numbers<[1], [0], [0], [1], [0, 0, 1, 1], [], []>, transpose_lhs_hint = false} : vector<1000x64xf32>, vector<64x64xf32>, vector<1000x64xf32> -> vector<1000x64xf32>
    %add3A_24 = arith.addf %dot_general3A_18, %dot_general3A_23 : vector<1000x64xf32>
    %get3A_25 = arith.constant 0 : index
    %get3A_26 = arith.constant 0 : index
    %get3A_27 = vector.load %arg6[%get3A_25, %get3A_26] : memref<1x64xf32, #tpu.memory_space<vmem>>, vector<1x64xf32>
    %add3A_28 = vector.broadcast %get3A_27 : vector<1x64xf32> to vector<1000x64xf32>
    %add3A_29 = arith.addf %add3A_24, %add3A_28 : vector<1000x64xf32>
    %logistic3A = arith.negf %add3A_29 : vector<1000x64xf32>
    %logistic3A_30 = math.exp %logistic3A : vector<1000x64xf32>
    %logistic3A_31 = arith.constant 1.000000e+00 : f32
    %logistic3A_32 = vector.broadcast %logistic3A_31 : f32 to vector<1000x64xf32>
    %logistic3A_33 = arith.addf %logistic3A_32, %logistic3A_30 : vector<1000x64xf32>
    %logistic3A_34 = arith.divf %logistic3A_32, %logistic3A_33 : vector<1000x64xf32>
    %mul3A = arith.mulf %add3A_29, %logistic3A_34 : vector<1000x64xf32>
    %get3A_35 = arith.constant 0 : index
    %get3A_36 = arith.constant 0 : index
    %get3A_37 = vector.load %arg7[%get3A_35, %get3A_36] : memref<64x128xf32, #tpu.memory_space<vmem>>, vector<64x128xf32>
    %dot_general3A_38 = arith.constant dense<0.000000e+00> : vector<1000x128xf32>
    %dot_general3A_39 = tpu.matmul %mul3A, %get3A_37, %dot_general3A_38 {dimension_numbers = #tpu.dot_dimension_numbers<[1], [0], [0], [1], [0, 0, 1, 1], [], []>, transpose_lhs_hint = false} : vector<1000x64xf32>, vector<64x128xf32>, vector<1000x128xf32> -> vector<1000x128xf32>
    %get3A_40 = arith.constant 0 : index
    %get3A_41 = arith.constant 0 : index
    %get3A_42 = vector.load %arg8[%get3A_40, %get3A_41] : memref<1x128xf32, #tpu.memory_space<vmem>>, vector<1x128xf32>
    %add3A_43 = vector.broadcast %get3A_42 : vector<1x128xf32> to vector<1000x128xf32>
    %add3A_44 = arith.addf %dot_general3A_39, %add3A_43 : vector<1000x128xf32>
    %swap3A = arith.constant 0 : index
    %swap3A_45 = arith.constant 0 : index
    %swap3A_46 = vector.load %arg9[%swap3A, %swap3A_45] : memref<1000x128xf32, #tpu.memory_space<vmem>>, vector<1000x128xf32>
    tpu.vector_store %arg9[%swap3A, %swap3A_45], %add3A_44 {strides = array<i32>} : memref<1000x128xf32, #tpu.memory_space<vmem>>, vector<1000x128xf32>,
    %get3A_47 = arith.constant 0 : index
    %get3A_48 = arith.constant 0 : index
    %get3A_49 = vector.load %arg2[%get3A_47, %get3A_48] : memref<1000x3xf32, #tpu.memory_space<vmem>>, vector<1000x3xf32>
    %slice3A_50 = vector.extract_strided_slice %add3A_10 {offsets = [0, 64], sizes = [1000, 3], strides = [1, 1]} : vector<1000x128xf32> to vector<1000x3xf32>
    %add3A_51 = arith.addf %get3A_49, %slice3A_50 : vector<1000x3xf32>
    %swap3A_52 = arith.constant 0 : index
    %swap3A_53 = arith.constant 0 : index
    %swap3A_54 = vector.load %arg10[%swap3A_52, %swap3A_53] : memref<1000x3xf32, #tpu.memory_space<vmem>>, vector<1000x3xf32>
    tpu.vector_store %arg10[%swap3A_52, %swap3A_53], %add3A_51 {strides = array<i32>} : memref<1000x3xf32, #tpu.memory_space<vmem>>, vector<1000x3xf32>,
    return
  }
  func.func @transform_0(%arg0: i32) -> (i32, i32) {
    %c0_i32 = arith.constant 0 : i32
    %c0_i32_0 = arith.constant 0 : i32
    return %arg0, %c0_i32 : i32, i32
  }
  func.func @transform_1(%arg0: i32) -> (i32, i32) {
    %c0_i32 = arith.constant 0 : i32
    %c0_i32_0 = arith.constant 0 : i32
    return %arg0, %c0_i32 : i32, i32
  }
  func.func @transform_2(%arg0: i32) -> (i32, i32, i32) {
    %c0_i32 = arith.constant 0 : i32
    %c0_i32_0 = arith.constant 0 : i32
    %c0_i32_1 = arith.constant 0 : i32
    return %c0_i32, %arg0, %c0_i32_0 : i32, i32, i32
  }
  func.func @transform_3(%arg0: i32) -> (i32, i32) {
    %c0_i32 = arith.constant 0 : i32
    %c0_i32_0 = arith.constant 0 : i32
    %c0_i32_1 = arith.constant 0 : i32
    return %c0_i32, %c0_i32_0 : i32, i32
  }
  func.func @transform_4(%arg0: i32) -> (i32, i32) {
    %c0_i32 = arith.constant 0 : i32
    %c0_i32_0 = arith.constant 0 : i32
    %c0_i32_1 = arith.constant 0 : i32
    return %c0_i32, %c0_i32_0 : i32, i32
  }
  func.func @transform_5(%arg0: i32) -> (i32, i32) {
    %c0_i32 = arith.constant 0 : i32
    %c0_i32_0 = arith.constant 0 : i32
    %c0_i32_1 = arith.constant 0 : i32
    return %c0_i32, %c0_i32_0 : i32, i32
  }
  func.func @transform_6(%arg0: i32) -> (i32, i32) {
    %c0_i32 = arith.constant 0 : i32
    %c0_i32_0 = arith.constant 0 : i32
    %c0_i32_1 = arith.constant 0 : i32
    return %c0_i32, %c0_i32_0 : i32, i32
  }
  func.func @transform_7(%arg0: i32) -> (i32, i32) {
    %c0_i32 = arith.constant 0 : i32
    %c0_i32_0 = arith.constant 0 : i32
    %c0_i32_1 = arith.constant 0 : i32
    return %c0_i32, %c0_i32_0 : i32, i32
  }
  func.func @transform_8(%arg0: i32) -> (i32, i32) {
    %c0_i32 = arith.constant 0 : i32
    %c0_i32_0 = arith.constant 0 : i32
    return %arg0, %c0_i32 : i32, i32
  }
  func.func @transform_9(%arg0: i32) -> (i32, i32) {
    %c0_i32 = arith.constant 0 : i32
    %c0_i32_0 = arith.constant 0 : i32
    return %arg0, %c0_i32 : i32, i32
  }
}

</mosaic_0001>

<sc_bundles>
// kernel: kernel.10.cloned.1.call-start
scs
__scs_entry_jumppad:
0x0: {  	(pc) =	sbr.rel $0x88, $3  }
0x1: {  	(tag) =	ssettag $0x0;
	lr =	simm.s32 $0x1  }
0x2: {  	[smem:$0x3F92] =	sst lr;
	_ =	strace $0xD0000000  }
0x3: {  	_ = 	snop  }
0x4: {  	_ = 	snop  }
0x5: {  	_ = 	snop  }
0x6: {  	_ = 	snop  }
0x7: {  	_ = 	snop  }
__scs_overlays_trampoline_lowered:
0x8: {  	[smem:$0x3FA1] =	sst s0  }
0x9: {  	[smem:$0x3FA2] =	sst s1  }
0xa: {  	[smem:$0x3FA3] =	sst s2  }
0xb: {  	[smem:$0x3FA4] =	sst s3  }
0xc: {  	[smem:$0x3FA5] =	sst s4  }
0xd: {  	[smem:$0x3FA6] =	sst s5  }
0xe: {  	[smem:$0x3FA7] =	sst s6  }
0xf: {  	[smem:$0x3FA8] =	sst s7  }
0x10: {  	[smem:$0x3FA9] =	sst s8  }
0x11: {  	[smem:$0x3FAA] =	sst s9;
	s0 =	simm.s32 @!p0 $0x0  }
0x12: {  	s1 =	sld [smem:$0x3F90];
	s0 =	simm.s32 @p0 $0x1  }
0x13: {  	[smem:$0x3FAB] =	sst s0;
	s0 =	simm.s32 @!p1 $0x0  }
0x14: {  	s2 =	sld [smem:$0x3F8F];
	s0 =	simm.s32 @p1 $0x1  }
0x15: {  	[smem:$0x3FAC] =	sst s0;
	s0 =	simm.s32 @!p2 $0x0  }
0x16: {  	s3 =	sld [smem:$0x3FDB];
	s0 =	simm.s32 @p2 $0x1  }
0x17: {  	s4 =	simm.s32 $0x1BF5;
	[smem:$0x3FAE] =	sst s0  }
0x18: {  	s0 =	sld [smem:$0x3F91];
	_ =	swait.ge [sflag:s4], $0x0  }
0x19: {  	s7 =	sld [smem:$0x3F92]  }
0x1a: {  	s8 =	sadd.s32 $0xFFFFE003, lr  }
0x1b: {  	s9 =	sadd.s32 $0xFFFFFEF7, lr;
	s5 =	simm.s32 $0xFFFFFFFF;
	p2 =	slt.u32 s8, $0xFFFFF086  }
0x1c: {  	p1 =	slt.u32 s9, $0xF7A;
	s5 =	simm.s32 @!p2 $0x0  }
0x1d: {  	s5 =	simm.s32 @p1 $0x1;
	p0 =	seq.s32 s7, s2  }
0x1e: {  	s7 =	smul.u32 @!p0 $0xF7A, s2;
	p2 =	seq.s32 @!p0 s5, $0x0  }
0x1f: {  	s9 =	smul.u32 $0xF7A, s1;
	s8 =	simm.s32 @!p0 $0x1BF5;
	p2 =	por !p2, p0  }
0x20: {  	[sflag:s8] =	ssyncset.s32 @!p0 $0xFFFFF086;
	s6 =	sadd.s32 @!p0 s3, s7;
	s7 =	simm.s32 @!p0 $0x108  }
0x21: {  	s3 =	sadd.s32 s3, s9;
	s6 =	sadd.s32 @!p0 $0x88, s6;
	s7 =	simm.s32 @p2 $0x1082  }
0x22: {  	[simem:s7], [sflag:s8] =	dma.local @!p0 [hbm:s6], $0xF7A  }
0x23: {  	s9 =	sor.u32 $0xD0000000, s2;
	s6 =	simm.s32 $0x108;
	_ =	swait.ge @!p0 [sflag:s8], $0x0  }
0x24: {  	s3 =	sadd.s32 $0x88, s3;
	s6 =	simm.s32 @!p1 $0x1082;
	[sflag:s4] =	ssyncset.s32 $0xFFFFF086  }
0x25: {  	[simem:s6], [sflag:s4] =	dma.local [hbm:s3], $0xF7A  }
0x26: {  	[smem:$0x3F92] =	sst s1;
	(tag) =	ssettag s2;
	_ =	strace s9  }
0x27: {  	s1 =	sld [smem:$0x3FA2]  }
0x28: {  	s2 =	sld [smem:$0x3FA3]  }
0x29: {  	s4 =	sld [smem:$0x3FA5]  }
0x2a: {  	p0 =	seq.s32 s5, $0x0;
	s5 =	sld [smem:$0x3FA6]  }
0x2b: {  	s6 =	sld [smem:$0x3FA7]  }
0x2c: {  	s7 =	sld [smem:$0x3FA8]  }
0x2d: {  	s3 =	simm.s32 $0x108;
	s8 =	sld [smem:$0x3FA9]  }
0x2e: {  	s3 =	simm.s32 @!p0 $0x1082;
	s9 =	sld [smem:$0x3FAA]  }
0x2f: {  	lr =	sadd.s32 s0, s3;
	s0 =	sld [smem:$0x3FA1]  }
0x30: {  	s3 =	sld [smem:$0x3FA4]  }
0x31: {  	[smem:$0x3FAD] =	sst s10  }
0x32: {  	s10 =	sld [smem:$0x3FAB];
	_ =	sdelay $0x3  }
0x33: {  	p0 =	seq.s32 s10, $0x1;
	s10 =	sld [smem:$0x3FAD];
	_ =	sdelay $0x3  }
0x34: {  	[smem:$0x3FAD] =	sst s10  }
0x35: {  	s10 =	sld [smem:$0x3FAC];
	_ =	sdelay $0x3  }
0x36: {  	p1 =	seq.s32 s10, $0x1;
	s10 =	sld [smem:$0x3FAD];
	_ =	sdelay $0x3  }
0x37: {  	[smem:$0x3FAD] =	sst s10  }
0x38: {  	s10 =	sld [smem:$0x3FAE]  }
0x39: {  	_ = 	snop;
	(pc) =	sbr.ind lr, $3  }
0x3a: {  	_ = 	snop  }
0x3b: {  	_ = 	snop  }
0x3c: {  	p2 =	seq.s32 s10, $0x1;
	s10 =	sld [smem:$0x3FAD]  }
0x3d: {  	_ =	shalt  }
0x3e: {  	_ =	shalt  }
0x3f: {  	_ =	shalt  }
0x40: {  	_ =	shalt  }
0x41: {  	_ =	shalt  }
0x42: {  	_ =	shalt  }
0x43: {  	_ =	shalt  }
0x44: {  	_ =	shalt  }
0x45: {  	_ =	shalt  }
0x46: {  	_ =	shalt  }
0x47: {  	_ =	shalt  }
0x48: {  	_ =	shalt  }
0x49: {  	_ =	shalt  }
0x4a: {  	_ =	shalt  }
0x4b: {  	_ =	shalt  }
0x4c: {  	_ =	shalt  }
0x4d: {  	_ =	shalt  }
0x4e: {  	_ =	shalt  }
0x4f: {  	_ =	shalt  }
0x50: {  	_ =	shalt  }
0x51: {  	_ =	shalt  }
0x52: {  	_ =	shalt  }
0x53: {  	_ =	shalt  }
0x54: {  	_ =	shalt  }
0x55: {  	_ =	shalt  }
0x56: {  	_ =	shalt  }
0x57: {  	_ =	shalt  }
0x58: {  	_ =	shalt  }
0x59: {  	_ =	shalt  }
0x5a: {  	_ =	shalt  }
0x5b: {  	_ =	shalt  }
0x5c: {  	_ =	shalt  }
0x5d: {  	_ =	shalt  }
0x5e: {  	_ =	shalt  }
0x5f: {  	_ =	shalt  }
0x60: {  	_ =	shalt  }
0x61: {  	_ =	shalt  }
0x62: {  	_ =	shalt  }
0x63: {  	_ =	shalt  }
0x64: {  	_ =	shalt  }
0x65: {  	_ =	shalt  }
0x66: {  	_ =	shalt  }
0x67: {  	_ =	shalt  }
0x68: {  	_ =	shalt  }
0x69: {  	_ =	shalt  }
0x6a: {  	_ =	shalt  }
0x6b: {  	_ =	shalt  }
0x6c: {  	_ =	shalt  }
0x6d: {  	_ =	shalt  }
0x6e: {  	_ =	shalt  }
0x6f: {  	_ =	shalt  }
0x70: {  	_ =	shalt  }
0x71: {  	_ =	shalt  }
0x72: {  	_ =	shalt  }
0x73: {  	_ =	shalt  }
0x74: {  	_ =	shalt  }
0x75: {  	_ =	shalt  }
0x76: {  	_ =	shalt  }
0x77: {  	_ =	shalt  }
0x78: {  	_ =	shalt  }
0x79: {  	_ =	shalt  }
0x7a: {  	_ =	shalt  }
0x7b: {  	_ =	shalt  }
0x7c: {  	_ =	shalt  }
0x7d: {  	_ =	shalt  }
0x7e: {  	_ =	shalt  }
0x7f: {  	_ =	shalt  }
0x80: {  	_ =	shalt  }
0x81: {  	_ =	shalt  }
0x82: {  	_ =	shalt  }
0x83: {  	_ =	shalt  }
0x84: {  	_ =	shalt  }
0x85: {  	_ =	shalt  }
0x86: {  	_ =	shalt  }
0x87: {  	_ =	shalt  }
.Lfunc_end0:
.L_simem_size_0:
called_computation_lowered:
.L_overlay_start_0:
0x88: {  	s2 =	sld [smem:$0x3FD9]  }
0x89: {  	s3 =	sld [smem:$0x3FFE];
	_ =	sdelay $0x1  }
0x8a: {  	s1 =	srdreg.scid  }
0x8b: {  	s0 =	sand.u32 $0x1, s1  }
0x8c: {  	s15 =	sshll.u32 s0, $0xA;
	s2 =	sadd.s32 s3, s2  }
0x8d: {  	s2 =	sadd.s32 s2, s15  }
0x8e: {  	[smem:$0x3FB9] =	sst s2  }
0x8f: {  	_ = 	snop  }
0x90: {  	s2 =	sld [smem:$0x3FD0];
	_ =	sdelay $0x2  }
0x91: {  	s16 =	simm.s32 $0xB;
	s4 =	simm.s32 $0x10  }
0x92: {  	[smem:s4], [sflag:s16] =	dma.local [hbm:s2], $0x1  }
0x93: {  	_ =	swait.eq [sflag:s16], $0x1  }
0x94: {  	[sflag:s16] =	ssyncset.done $0x0  }
0x95: {  	[sflag:s16] =	ssyncadd.s32 $0xFFFFFFFF  }
0x96: {  	s17 =	sld [smem:$0x11];
	(tm) =	ssettm $0x1  }
0x97: {  	s18 =	sld [smem:$0x3FFB];
	_ =	sdelay $0x3  }
0x98: {  	_ =	strace s18  }
0x99: {  	s2 =	sld [smem:$0x3FFC];
	_ =	sdelay $0x3  }
0x9a: {  	_ =	strace s2  }
0x9b: {  	s2 =	sld [smem:$0x3FFD];
	_ =	sdelay $0x3  }
0x9c: {  	_ =	strace s2  }
0x9d: {  	_ =	strace $0x8FFFFFFF  }
0x9e: {  	s19 =	sld [smem:$0x3FDB];
	_ =	sdelay $0x1  }
0x9f: {  	s20 =	simm.s32 $_scs_section_size  }
0xa0: {  	s5 =	simm.s32 $_size__tile_overlayer_lowered;
	s6 =	simm.s32 $_tile_overlayer_lowered  }
0xa1: {  	s7 =	simm.s32 $0x1BFF;
	s21 =	sshll.u32 s6, $0x1;
	s4 =	sadd.s32 s20, s19  }
0xa2: {  	s22 =	simm.s32 $0x0;
	s5 =	sshll.u32 s5, $0x1;
	s6 =	sadd.s32 s21, s4  }
0xa3: {  	[timem:s22], [sflag:s7] =	dma.local [hbm:s6], s5  }
0xa4: {  	_ =	swait.ge [sflag:s7], s5  }
0xa5: {  	s5 =	ssub.s32 $0x0, s5;
	[sflag:s7] =	ssyncset.done $0x0  }
0xa6: {  	[sflag:s7] =	ssyncadd.s32 s5;
	_ =	sdelay $0x1  }
0xa7: {  	s23 =	simm.s32 $0x1B8B  }
0xa8: {  	_ =	swait.ge [sflag:s23], $0x1  }
0xa9: {  	[sflag:s23] =	ssyncset.done $0x0  }
0xaa: {  	[sflag:s23] =	ssyncadd.s32 $0xFFFFFFFF  }
0xab: {  	s5 =	sld [smem:$0x0]  }
0xac: {  	s6 =	sand.u32 $0xFFFFFFFE, s1  }
0xad: {  	p0 =	sne.s32 s1, s6  }
0xae: {  	s6 =	sshll.u32 @p0 s6, $0xE  }
0xaf: {  	s6 =	sadd.s32 @p0 $0x11B8D, s6;
	s7 =	sshll.u32 @p0 s5, $0x11  }
0xb0: {  	s6 =	sor.u32 @p0 s7, s6  }
0xb1: {  	[sflag:s6] =	ssyncadd.remote.s32 @p0 $0x1;
	_ =	sdelay $0x1  }
0xb2: {  	s6 =	simm.s32 @p0 $0x1B8D  }
0xb3: {  	_ =	swait.eq @p0 [sflag:s6], $0x1  }
0xb4: {  	[sflag:s6] =	ssyncadd.s32 @p0 $0xFFFFFFFF  }
0xb5: {  	s7 =	sshll.u32 @!p0 s1, $0xE  }
0xb6: {  	s7 =	sor.u32 @!p0 $0x4000, s7;
	s6 =	simm.s32 @!p0 $0x1B8D  }
0xb7: {  	s5 =	sshll.u32 @!p0 s5, $0x11;
	s7 =	sadd.s32 @!p0 $0x11B8D, s7;
	_ =	swait.eq @!p0 [sflag:s6], $0x1  }
0xb8: {  	s5 =	sor.u32 @!p0 s5, s7;
	[sflag:s6] =	ssyncadd.s32 @!p0 $0xFFFFFFFF  }
0xb9: {  	s25 =	simm.s32 $0x1B8E;
	s24 =	sld [smem:$0x3FFE];
	[sflag:s5] =	ssyncadd.remote.s32 @!p0 $0x1  }
0xba: {  	s26 =	simm.s32 $execute0_lowered;
	[smem:$0x3FD2] =	sst s25  }
0xbb: {  	s6 =	sshll.u32 s26, $0x1;
	_ =	strace $0x80000049;
	[dreg:$0x1] =	wrdreg $0xFFFFFFFF  }
0xbc: {  	s28 =	simm.s32 $_size_execute0_lowered;
	s4 =	sadd.s32 s4, s6;
	[dreg:$0x0] =	wrdreg $0x0  }
0xbd: {  	s6 =	sshll.u32 s28, $0x1;
	[dreg:$0x2] =	wrdreg s4  }
0xbe: {  	[dreg:$0x3] =	wrdreg s6  }
0xbf: {  	[dreg:$0x4] =	wrdreg $0xC0  }
0xc0: {  	_ =	task [dreg:s22], $0x5FFFF  }
0xc1: {  	[dreg:$0x1] =	wrdreg $0xFFFFFFFF  }
0xc2: {  	[dreg:$0x0] =	wrdreg $0x60  }
0xc3: {  	[dreg:$0x2] =	wrdreg s24  }
0xc4: {  	[dreg:$0x3] =	wrdreg s17  }
0xc5: {  	[dreg:$0x4] =	wrdreg $0x9  }
0xc6: {  	_ =	task.clear_ibuf [dreg:s22], $0x5FFFF;
	_ =	strace $0x90000049  }
0xc7: {  	s29 =	simm.s32 $0x9;
	_ =	strace $0x8000004B  }
0xc8: {  	_ =	swait.ge [sflag:s29], $0x1  }
0xc9: {  	[sflag:s29] =	ssyncadd.s32 $0xFFFFFFFF  }
0xca: {  	_ =	strace $0x9000004B  }
0xcb: {  	_ =	sfence  }
0xcc: {  	s30 =	sld [smem:$0x0];
	_ =	sdelay $0x2  }
0xcd: {  	s31 =	sshll.u32 s1, $0xD;
	s1 =	sshrl.u32 s1, $0x2  }
0xce: {  	s4 =	sand.u32 $0x4000, s31;
	s1 =	sadd.s32 s1, s30  }
0xcf: {  	s0 =	sor.u32 s4, s0;
	s1 =	sshll.u32 s1, $0x11  }
0xd0: {  	s0 =	sor.u32 s1, s0  }
0xd1: {  	s0 =	sadd.s32 $0x8F2B, s0  }
0xd2: {  	[sflag:s0] =	ssyncadd.remote.s32 $0x1  }
0xd3: {  	_ =	sfence.sel $0xFFFF  }
0xd4: {  	[dreg:$0x0] =	wrdreg $0xFFFFFFFF;
	(pc) =	sbr.abs _section_cstart, $3  }
0xd5: {  	[dreg:$0x1] =	wrdreg $0xFFFFFFFF  }
0xd6: {  	_ =	task.clear_ibuf [dreg:s22], $0x2FFFF;
	_ =	strace $0x9FFFFFFF  }
0xd7: {  	(tm) =	ssettm $0x7FFFFFFF  }
tec
execute0_lowered:
.L_overlay_start_1:
0x0: {  	(tag) =	ssettag $0x1  }
0x1: {  	s0 =	rddreg [dreg:$0x0];
	v0 =	vlaneseq.u32  }
0x2: {  	s1 =	srdreg.scid;
	s2 =	stileid.u32;
	s3 =	simm.s32 $0x0;
	v31 =	vmul.u32 $0x80, v0  }
0x3: {  	s14 =	simm.s32 $0x5;
	s15 =	simm.s32 $0x1400;
	s16 =	simm.s32 $0x2800  }
0x4: {  	s17 =	simm.s32 $0x5000;
	s18 =	simm.s32 $0x7800;
	s20 =	simm.s32 $0x80;
	v0 =	vor.u32 $0x40, v31;
	v1 =	vor.u32 $0x41, v31;
	v2 =	vor.u32 $0x42, v31  }
0x5: {  	s21 =	simm.s32 $0xA080;
	s22 =	simm.s32 $0x12080;
	s23 =	simm.s32 $0xE080;
	v3 =	vor.u32 $0x43, v31;
	v4 =	vor.u32 $0x840, v31;
	v5 =	vor.u32 $0x841, v31  }
0x6: {  	s24 =	simm.s32 $0x16080;
	s25 =	simm.s32 $0x1;
	s26 =	simm.s32 $0x3;
	v6 =	vor.u32 $0x842, v31;
	v7 =	vor.u32 $0x843, v31;
	v8 =	vor.u32 $0x1040, v31  }
0x7: {  	s28 =	simm.s32 $0x2;
	s29 =	simm.s32 $0x4;
	s30 =	simm.s32 $0x0;
	v9 =	vor.u32 $0x1041, v31;
	v10 =	vor.u32 $0x1042, v31;
	v11 =	vor.u32 $0x1043, v31  }
0x8: {  	s1 =	sand.u32 $0x1, s1;
	[smem:$0x7FF] =	sst s3;
	s4 =	sadd.s32 $0x9C00, s0;
	v12 =	vor.u32 $0x1840, v31;
	v13 =	vor.u32 $0x1841, v31;
	v14 =	vor.u32 $0x1842, v31  }
0x9: {  	s2 =	sshll.u32 s2, $0x1;
	s6 =	sadd.s32 $0x9600, s0;
	s7 =	sadd.s32 $0x2BBE00, s0;
	v15 =	vor.u32 $0x1843, v31;
	v16 =	vor.u32 $0x2040, v31;
	v17 =	vor.u32 $0x2041, v31  }
0xa: {  	s8 =	sadd.s32 $0x31C00, s0;
	s2 =	sor.u32 s1, s2;
	_ =	strace $0x8000004A;
	v18 =	vor.u32 $0x2042, v31;
	v19 =	vor.u32 $0x2043, v31;
	v20 =	vor.u32 $0x2840, v31  }
0xb: {  	[dreg:$0x3] =	wrdreg s6;
	s1 =	ssub.s32 $0x2, s1;
	s5 =	smul.u32 $0x280, s2;
	v21 =	vor.u32 $0x2841, v31;
	v22 =	vor.u32 $0x2842, v31;
	v23 =	vor.u32 $0x2843, v31  }
0xc: {  	s6 =	sadd.s32 $0x9000, s0;
	s31 =	sshrl.u32 s1, $0x1;
	s11 =	smul.u32 $0x1400, s2;
	v24 =	vor.u32 $0x3040, v31;
	v25 =	vor.u32 $0x3041, v31;
	v26 =	vor.u32 $0x3042, v31  }
0xd: {  	s12 =	smul.u32 $0xA0000, s2;
	v27 =	vor.u32 $0x3043, v31;
	v28 =	vor.u32 $0x3840, v31;
	v29 =	vor.u32 $0x3841, v31;
	s5 =	sadd.s32 s5, s0;
	s0 =	ssub.s32 s1, s31  }
0xe: {  	v30 =	vor.u32 $0x3842, v31;
	v31 =	vor.u32 $0x3843, v31;
	s9 =	sadd.s32 $0x2B6E00, s5;
	s10 =	sadd.s32 $0x2B1E00, s5;
	s13 =	smax.u32 s0, $0x1  }
.LBB2_1:
0xf: {  	[tilespmem:s3], [sflag:$0x5] =	stream.linear.gather [hbm4b:s9+s3], $0x1400, $0x38;
	[tilespmem:$0x1A080] =	vst v63  }
0x10: {  	_ =	swait.ge [sflag:s14], $0x1400  }
0x11: {  	[sflag:s14] =	ssyncset.done $0x0  }
0x12: {  	[sflag:s14] =	ssyncadd.s32 $0xFFFFEC00  }
0x13: {  	[tilespmem:s15], [sflag:$0x5] =	stream.linear.gather [hbm4b:s10+s3], $0x1400, $0x38;
	[tilespmem:$0x1A080] =	vst v63  }
0x14: {  	_ =	swait.ge [sflag:s14], $0x1400  }
0x15: {  	[sflag:s14] =	ssyncset.done $0x0  }
0x16: {  	s0 =	rddreg [dreg:$0x3];
	[sflag:s14] =	ssyncadd.s32 $0xFFFFEC00  }
0x17: {  	[tilespmem:s16], [sflag:$0x5] =	stream.linear.gather [hbm4b:s0+s3], $0x2800, $0x38;
	[tilespmem:$0x1A080] =	vst v63  }
0x18: {  	_ =	swait.ge [sflag:s14], $0x2800  }
0x19: {  	[sflag:s14] =	ssyncset.done $0x0  }
0x1a: {  	[sflag:s14] =	ssyncadd.s32 $0xFFFFD800  }
0x1b: {  	[tilespmem:s17], [sflag:$0x5] =	stream.linear.gather [hbm4b:s6+s3], $0x2800, $0x38;
	[tilespmem:$0x1A080] =	vst v63  }
0x1c: {  	_ =	swait.ge [sflag:s14], $0x2800  }
0x1d: {  	[sflag:s14] =	ssyncset.done $0x0  }
0x1e: {  	[sflag:s14] =	ssyncadd.s32 $0xFFFFD800  }
0x1f: {  	s5 =	rddreg [dreg:$0x1]  }
0x20: {  	[tilespmem:s18], [sflag:$0x5] =	stream.linear.gather [hbm4b:s5+s3], $0x2800, $0x38;
	[tilespmem:$0x1A080] =	vst v63  }
0x21: {  	_ =	swait.ge [sflag:s14], $0x2800  }
0x22: {  	[sflag:s14] =	ssyncset.done $0x0  }
0x23: {  	s19 =	simm.s32 $0xA000;
	[sflag:s14] =	ssyncadd.s32 $0xFFFFD800  }
0x24: {  	[tilespmem:s19], [sflag:$0x5] =	stream.linear.gather [hbm4b:s8+s3], $0x80, $0x38;
	[tilespmem:$0x1A080] =	vst v63  }
0x25: {  	_ =	swait.ge [sflag:s14], $0x80  }
0x26: {  	[sflag:s14] =	ssyncset.done $0x0  }
0x27: {  	[sflag:s14] =	ssyncadd.s32 $0xFFFFFF80  }
0x28: {  	v32 =	vld [tilespmem:$0xA000]  }
0x29: {  	v33 =	vld [tilespmem:$0xA010]  }
0x2a: {  	v34 =	vld [tilespmem:$0xA020]  }
0x2b: {  	v35 =	vld [tilespmem:$0xA030]  }
0x2c: {  	v36 =	vld [tilespmem:$0xA040]  }
0x2d: {  	v37 =	vld [tilespmem:$0xA050];
	[tilespmem:s21], [sflag:$0x1] =	stream.indirect.gather [hbm4b:s4+s20], $0x80, s3, s20, $0xb8  }
0x2e: {  	s31 =	simm.s32 $0x0  }
0x2f: {  	[tilespmem:s22], [sflag:$0x3] =	stream.indirect.gather [hbm4b:s4+s20], $0x80, s15, s20, $0xb8;
	[tilespmem:$0x1A080] =	vst v63  }
.LBB2_2:
0x30: {  	s1 =	sshll.u32 s31, $0x8  }
0x31: {  	s0 =	sor.u32 $0x80, s1  }
0x32: {  	[tilespmem:s23], [sflag:$0x2] =	stream.indirect.gather [hbm4b:s4+s20], $0x80, s0, s20, $0xb8;
	[tilespmem:$0x1A080] =	vst v63  }
0x33: {  	s2 =	sadd.s32 $0x1480, s1  }
0x34: {  	[tilespmem:s24], [sflag:$0x4] =	stream.indirect.gather [hbm4b:s4+s20], $0x80, s2, s20, $0xb8;
	[tilespmem:$0x1A080] =	vst v63  }
0x35: {  	_ =	swait.ge [sflag:s25], $0x4000  }
0x36: {  	[sflag:s25] =	ssyncset.done $0x0  }
0x37: {  	[sflag:s25] =	ssyncadd.s32 $0xFFFFC000  }
0x38: {  	_ =	swait.ge [sflag:s26], $0x4000  }
0x39: {  	s19 =	simm.s32 $0x0;
	[sflag:s26] =	ssyncset.done $0x0  }
0x3a: {  	s5 =	simm.s32 $0x800;
	s2 =	sshll.u32 s31, $0x1;
	[sflag:s26] =	ssyncadd.s32 $0xFFFFC000  }
.LBB2_3:
0x3b: {  	p0 =	sne.s32 s5, $0xF800;
	v38 =	vld [tilespmem:s19+$0x12270]  }
0x3c: {  	v39 =	vld [tilespmem:s19+$0x120C0]  }
0x3d: {  	v40 =	vld [tilespmem:s19+$0x120D0]  }
0x3e: {  	v41 =	vld [tilespmem:s19+$0x120E0]  }
0x3f: {  	v42 =	vld [tilespmem:s19+$0x120F0]  }
0x40: {  	[tilespmem:s19+$0xA230] =	vst.add.f32.msk $0xffff, v38  }
0x41: {  	v38 =	vld [tilespmem:s19+$0x12140]  }
0x42: {  	v43 =	vld [tilespmem:s19+$0x12150]  }
0x43: {  	v44 =	vld [tilespmem:s19+$0x12160]  }
0x44: {  	v45 =	vld [tilespmem:s19+$0x12170]  }
0x45: {  	v46 =	vld [tilespmem:s19+$0x121C0]  }
0x46: {  	v47 =	vld [tilespmem:s19+$0x121D0]  }
0x47: {  	v48 =	vld [tilespmem:s19+$0x121E0]  }
0x48: {  	v49 =	vld [tilespmem:s19+$0x121F0]  }
0x49: {  	v50 =	vld [tilespmem:s19+$0x12240]  }
0x4a: {  	v51 =	vld [tilespmem:s19+$0x12250]  }
0x4b: {  	v52 =	vld [tilespmem:s19+$0x12260]  }
0x4c: {  	[tilespmem:s19+$0xA080] =	vst.add.f32.msk $0xffff, v39  }
0x4d: {  	[tilespmem:s19+$0xA090] =	vst.add.f32.msk $0xffff, v40  }
0x4e: {  	[tilespmem:s19+$0xA0A0] =	vst.add.f32.msk $0xffff, v41  }
0x4f: {  	[tilespmem:s19+$0xA0B0] =	vst.add.f32.msk $0xffff, v42  }
0x50: {  	[tilespmem:s19+$0xA100] =	vst.add.f32.msk $0xffff, v38  }
0x51: {  	[tilespmem:s19+$0xA110] =	vst.add.f32.msk $0xffff, v43  }
0x52: {  	[tilespmem:s19+$0xA120] =	vst.add.f32.msk $0xffff, v44  }
0x53: {  	[tilespmem:s19+$0xA130] =	vst.add.f32.msk $0xffff, v45  }
0x54: {  	[tilespmem:s19+$0xA180] =	vst.add.f32.msk $0xffff, v46  }
0x55: {  	[tilespmem:s19+$0xA190] =	vst.add.f32.msk $0xffff, v47  }
.Ltmp0:
0x56: {  	[tilespmem:s19+$0xA1A0] =	vst.add.f32.msk $0xffff, v48;
	(pc) =	sbr.rel @p0 .LBB2_3-.Ltmp0, $4  }
0x57: {  	[tilespmem:s19+$0xA1B0] =	vst.add.f32.msk $0xffff, v49  }
0x58: {  	[tilespmem:s19+$0xA200] =	vst.add.f32.msk $0xffff, v50  }
0x59: {  	[tilespmem:s19+$0xA210] =	vst.add.f32.msk $0xffff, v51  }
0x5a: {  	[tilespmem:s19+$0xA220] =	vst.add.f32.msk $0xffff, v52;
	s19 =	sshra.s32 s5, $0x2;
	s5 =	sadd.s32 $0x800, s5  }
0x5b: {  	v38 =	vld [tilespmem:s19+$0x12270]  }
0x5c: {  	v39 =	vld [tilespmem:s19+$0x120C0]  }
0x5d: {  	v40 =	vld [tilespmem:s19+$0x120D0]  }
0x5e: {  	v41 =	vld [tilespmem:s19+$0x120E0]  }
0x5f: {  	v42 =	vld [tilespmem:s19+$0x120F0]  }
0x60: {  	v63 =	vld [tilespmem:s19+$0x12140]  }
0x61: {  	v43 =	vld [tilespmem:s19+$0x12150]  }
0x62: {  	v44 =	vld [tilespmem:s19+$0x12160]  }
0x63: {  	v45 =	vld [tilespmem:s19+$0x12170]  }
0x64: {  	v46 =	vld [tilespmem:s19+$0x121C0]  }
0x65: {  	v47 =	vld [tilespmem:s19+$0x121D0]  }
0x66: {  	v48 =	vld [tilespmem:s19+$0x121E0]  }
0x67: {  	v49 =	vld [tilespmem:s19+$0x121F0]  }
0x68: {  	v50 =	vld [tilespmem:s19+$0x12240]  }
0x69: {  	v51 =	vld [tilespmem:s19+$0x12250]  }
0x6a: {  	v52 =	vld [tilespmem:s19+$0x12260]  }
0x6b: {  	[tilespmem:s19+$0xA230] =	vst.add.f32.msk $0xffff, v38  }
0x6c: {  	[tilespmem:s19+$0xA080] =	vst.add.f32.msk $0xffff, v39  }
0x6d: {  	[tilespmem:s19+$0xA090] =	vst.add.f32.msk $0xffff, v40  }
0x6e: {  	[tilespmem:s19+$0xA0A0] =	vst.add.f32.msk $0xffff, v41  }
0x6f: {  	[tilespmem:s19+$0xA0B0] =	vst.add.f32.msk $0xffff, v42  }
0x70: {  	[tilespmem:s19+$0xA100] =	vst.add.f32.msk $0xffff, v63  }
0x71: {  	[tilespmem:s19+$0xA110] =	vst.add.f32.msk $0xffff, v43  }
0x72: {  	[tilespmem:s19+$0xA120] =	vst.add.f32.msk $0xffff, v44  }
0x73: {  	[tilespmem:s19+$0xA130] =	vst.add.f32.msk $0xffff, v45  }
0x74: {  	[tilespmem:s19+$0xA180] =	vst.add.f32.msk $0xffff, v46  }
0x75: {  	[tilespmem:s19+$0xA190] =	vst.add.f32.msk $0xffff, v47  }
0x76: {  	[tilespmem:s19+$0xA1A0] =	vst.add.f32.msk $0xffff, v48  }
0x77: {  	[tilespmem:s19+$0xA1B0] =	vst.add.f32.msk $0xffff, v49  }
0x78: {  	[tilespmem:s19+$0xA200] =	vst.add.f32.msk $0xffff, v50  }
0x79: {  	[tilespmem:s19+$0xA210] =	vst.add.f32.msk $0xffff, v51  }
0x7a: {  	[tilespmem:s19+$0xA220] =	vst.add.f32.msk $0xffff, v52  }
0x7b: {  	v38 =	vld [tilespmem:s1+$0x0]  }
0x7c: {  	v39 =	vld [tilespmem:s1+$0x1400];
	_ =	sdelay $0x6  }
0x7d: {  	v40 =	vld.idx.msk [tilespmem:v38+s16+$0x0], $0xffff  }
0x7e: {  	v41 =	vld.idx.msk [tilespmem:v39+s16+$0x0], $0xffff;
	_ =	sdelay $0x4  }
0x7f: {  	v40 =	vsub.f32 v40, v41;
	_ =	sdelay $0x1  }
0x80: {  	v41 =	vmul.f32 v40, v35;
	_ =	sdelay $0x1  }
0x81: {  	v41 =	vadd.f32 $1.258291200e+07, v41;
	_ =	sdelay $0x1  }
0x82: {  	v41 =	vadd.f32 $-1.258291200e+07, v41;
	_ =	sdelay $0x1  }
0x83: {  	v41 =	vmul.f32 v41, v32;
	_ =	sdelay $0x1  }
0x84: {  	v40 =	vsub.f32 v40, v41;
	_ =	sdelay $0x1  }
0x85: {  	[tilespmem:v0+s21+$0x0] =	vst.idx.msk $0xffff, v40  }
0x86: {  	v50 =	vld.idx.msk [tilespmem:v38+s17+$0x0], $0xffff  }
0x87: {  	v42 =	vld.idx.msk [tilespmem:v39+s17+$0x0], $0xffff;
	_ =	sdelay $0x4  }
0x88: {  	v41 =	vsub.f32 v50, v42;
	_ =	sdelay $0x1  }
0x89: {  	v42 =	vmul.f32 v41, v36;
	_ =	sdelay $0x1  }
0x8a: {  	v42 =	vadd.f32 $1.258291200e+07, v42;
	_ =	sdelay $0x1  }
0x8b: {  	v42 =	vadd.f32 $-1.258291200e+07, v42;
	_ =	sdelay $0x1  }
0x8c: {  	v42 =	vmul.f32 v42, v33;
	_ =	sdelay $0x1  }
0x8d: {  	v41 =	vsub.f32 v41, v42;
	_ =	sdelay $0x1  }
0x8e: {  	[tilespmem:v1+s21+$0x0] =	vst.idx.msk $0xffff, v41  }
0x8f: {  	v38 =	vld.idx.msk [tilespmem:v38+s18+$0x0], $0xffff  }
0x90: {  	v39 =	vld.idx.msk [tilespmem:v39+s18+$0x0], $0xffff;
	_ =	sdelay $0x4  }
0x91: {  	v38 =	vsub.f32 v38, v39;
	_ =	sdelay $0x1  }
0x92: {  	v39 =	vmul.f32 v38, v37;
	_ =	sdelay $0x1  }
0x93: {  	v39 =	vadd.f32 $1.258291200e+07, v39;
	_ =	sdelay $0x1  }
0x94: {  	v39 =	vadd.f32 $-1.258291200e+07, v39;
	_ =	sdelay $0x1  }
0x95: {  	v39 =	vmul.f32 v39, v34;
	_ =	sdelay $0x1  }
0x96: {  	v51 =	vmul.f32 v40, v40;
	v52 =	vmul.f32 v41, v41;
	v38 =	vsub.f32 v38, v39;
	_ =	sdelay $0x1  }
0x97: {  	v39 =	vadd.f32 v52, v51;
	v53 =	vmul.f32 v38, v38;
	_ =	sdelay $0x1  }
0x98: {  	v39 =	vadd.f32 v53, v39  }
0x99: {  	[tilespmem:v2+s21+$0x0] =	vst.idx.msk $0xffff, v38  }
0x9a: {  	s5 =	sor.u32 $0x10, s1;
	[tilespmem:v3+s21+$0x0] =	vst.idx.msk $0xffff, v39  }
0x9b: {  	v38 =	vld [tilespmem:s5+$0x0]  }
0x9c: {  	v39 =	vld [tilespmem:s1+$0x1410];
	_ =	sdelay $0x6  }
0x9d: {  	v54 =	vld.idx.msk [tilespmem:v38+s16+$0x0], $0xffff  }
0x9e: {  	v55 =	vld.idx.msk [tilespmem:v39+s16+$0x0], $0xffff;
	_ =	sdelay $0x4  }
0x9f: {  	v40 =	vsub.f32 v54, v55;
	_ =	sdelay $0x1  }
0xa0: {  	v41 =	vmul.f32 v40, v35;
	_ =	sdelay $0x1  }
0xa1: {  	v41 =	vadd.f32 $1.258291200e+07, v41;
	_ =	sdelay $0x1  }
0xa2: {  	v41 =	vadd.f32 $-1.258291200e+07, v41;
	_ =	sdelay $0x1  }
0xa3: {  	v41 =	vmul.f32 v41, v32;
	_ =	sdelay $0x1  }
0xa4: {  	v40 =	vsub.f32 v40, v41;
	_ =	sdelay $0x1  }
0xa5: {  	[tilespmem:v4+s21+$0x0] =	vst.idx.msk $0xffff, v40  }
0xa6: {  	v56 =	vld.idx.msk [tilespmem:v38+s17+$0x0], $0xffff  }
0xa7: {  	v57 =	vld.idx.msk [tilespmem:v39+s17+$0x0], $0xffff;
	_ =	sdelay $0x4  }
0xa8: {  	v41 =	vsub.f32 v56, v57;
	_ =	sdelay $0x1  }
0xa9: {  	v42 =	vmul.f32 v41, v36;
	_ =	sdelay $0x1  }
0xaa: {  	v42 =	vadd.f32 $1.258291200e+07, v42;
	_ =	sdelay $0x1  }
0xab: {  	v42 =	vadd.f32 $-1.258291200e+07, v42;
	_ =	sdelay $0x1  }
0xac: {  	v42 =	vmul.f32 v42, v33;
	_ =	sdelay $0x1  }
0xad: {  	v41 =	vsub.f32 v41, v42;
	_ =	sdelay $0x1  }
0xae: {  	[tilespmem:v5+s21+$0x0] =	vst.idx.msk $0xffff, v41  }
0xaf: {  	v38 =	vld.idx.msk [tilespmem:v38+s18+$0x0], $0xffff  }
0xb0: {  	v39 =	vld.idx.msk [tilespmem:v39+s18+$0x0], $0xffff;
	_ =	sdelay $0x4  }
0xb1: {  	v38 =	vsub.f32 v38, v39;
	_ =	sdelay $0x1  }
0xb2: {  	v39 =	vmul.f32 v38, v37;
	_ =	sdelay $0x1  }
0xb3: {  	v39 =	vadd.f32 $1.258291200e+07, v39;
	_ =	sdelay $0x1  }
0xb4: {  	v39 =	vadd.f32 $-1.258291200e+07, v39;
	_ =	sdelay $0x1  }
0xb5: {  	v39 =	vmul.f32 v39, v34;
	_ =	sdelay $0x1  }
0xb6: {  	v58 =	vmul.f32 v40, v40;
	v59 =	vmul.f32 v41, v41;
	v38 =	vsub.f32 v38, v39;
	_ =	sdelay $0x1  }
0xb7: {  	v39 =	vadd.f32 v59, v58;
	v60 =	vmul.f32 v38, v38;
	_ =	sdelay $0x1  }
0xb8: {  	v39 =	vadd.f32 v60, v39  }
0xb9: {  	[tilespmem:v6+s21+$0x0] =	vst.idx.msk $0xffff, v38  }
0xba: {  	s19 =	sor.u32 $0x20, s1;
	[tilespmem:v7+s21+$0x0] =	vst.idx.msk $0xffff, v39  }
0xbb: {  	v38 =	vld [tilespmem:s19+$0x0]  }
0xbc: {  	v39 =	vld [tilespmem:s1+$0x1420];
	_ =	sdelay $0x6  }
0xbd: {  	v61 =	vld.idx.msk [tilespmem:v38+s16+$0x0], $0xffff  }
0xbe: {  	v62 =	vld.idx.msk [tilespmem:v39+s16+$0x0], $0xffff;
	_ =	sdelay $0x4  }
0xbf: {  	v40 =	vsub.f32 v61, v62;
	_ =	sdelay $0x1  }
0xc0: {  	v41 =	vmul.f32 v40, v35;
	_ =	sdelay $0x1  }
0xc1: {  	v41 =	vadd.f32 $1.258291200e+07, v41;
	_ =	sdelay $0x1  }
0xc2: {  	v41 =	vadd.f32 $-1.258291200e+07, v41;
	_ =	sdelay $0x1  }
0xc3: {  	v41 =	vmul.f32 v41, v32;
	_ =	sdelay $0x1  }
0xc4: {  	v40 =	vsub.f32 v40, v41;
	_ =	sdelay $0x1  }
0xc5: {  	[tilespmem:v8+s21+$0x0] =	vst.idx.msk $0xffff, v40  }
0xc6: {  	v63 =	vld.idx.msk [tilespmem:v38+s17+$0x0], $0xffff  }
0xc7: {  	v45 =	vld.idx.msk [tilespmem:v39+s17+$0x0], $0xffff;
	_ =	sdelay $0x4  }
0xc8: {  	v41 =	vsub.f32 v63, v45;
	_ =	sdelay $0x1  }
0xc9: {  	v42 =	vmul.f32 v41, v36;
	_ =	sdelay $0x1  }
0xca: {  	v42 =	vadd.f32 $1.258291200e+07, v42;
	_ =	sdelay $0x1  }
0xcb: {  	v42 =	vadd.f32 $-1.258291200e+07, v42;
	_ =	sdelay $0x1  }
0xcc: {  	v42 =	vmul.f32 v42, v33;
	_ =	sdelay $0x1  }
0xcd: {  	v41 =	vsub.f32 v41, v42;
	_ =	sdelay $0x1  }
0xce: {  	[tilespmem:v9+s21+$0x0] =	vst.idx.msk $0xffff, v41  }
0xcf: {  	v38 =	vld.idx.msk [tilespmem:v38+s18+$0x0], $0xffff  }
0xd0: {  	v39 =	vld.idx.msk [tilespmem:v39+s18+$0x0], $0xffff;
	_ =	sdelay $0x4  }
0xd1: {  	v38 =	vsub.f32 v38, v39;
	_ =	sdelay $0x1  }
0xd2: {  	v39 =	vmul.f32 v38, v37;
	_ =	sdelay $0x1  }
0xd3: {  	v39 =	vadd.f32 $1.258291200e+07, v39;
	_ =	sdelay $0x1  }
0xd4: {  	v39 =	vadd.f32 $-1.258291200e+07, v39;
	_ =	sdelay $0x1  }
0xd5: {  	v39 =	vmul.f32 v39, v34;
	_ =	sdelay $0x1  }
0xd6: {  	v46 =	vmul.f32 v40, v40;
	v47 =	vmul.f32 v41, v41;
	v38 =	vsub.f32 v38, v39;
	_ =	sdelay $0x1  }
0xd7: {  	v39 =	vadd.f32 v47, v46;
	v48 =	vmul.f32 v38, v38;
	_ =	sdelay $0x1  }
0xd8: {  	v39 =	vadd.f32 v48, v39  }
0xd9: {  	[tilespmem:v10+s21+$0x0] =	vst.idx.msk $0xffff, v38  }
0xda: {  	s19 =	sor.u32 $0x30, s1;
	[tilespmem:v11+s21+$0x0] =	vst.idx.msk $0xffff, v39  }
0xdb: {  	v38 =	vld [tilespmem:s19+$0x0]  }
0xdc: {  	v39 =	vld [tilespmem:s1+$0x1430];
	_ =	sdelay $0x6  }
0xdd: {  	v49 =	vld.idx.msk [tilespmem:v38+s16+$0x0], $0xffff  }
0xde: {  	v50 =	vld.idx.msk [tilespmem:v39+s16+$0x0], $0xffff;
	_ =	sdelay $0x4  }
0xdf: {  	v40 =	vsub.f32 v49, v50;
	_ =	sdelay $0x1  }
0xe0: {  	v41 =	vmul.f32 v40, v35;
	_ =	sdelay $0x1  }
0xe1: {  	v41 =	vadd.f32 $1.258291200e+07, v41;
	_ =	sdelay $0x1  }
0xe2: {  	v41 =	vadd.f32 $-1.258291200e+07, v41;
	_ =	sdelay $0x1  }
0xe3: {  	v41 =	vmul.f32 v41, v32;
	_ =	sdelay $0x1  }
0xe4: {  	v40 =	vsub.f32 v40, v41;
	_ =	sdelay $0x1  }
0xe5: {  	[tilespmem:v12+s21+$0x0] =	vst.idx.msk $0xffff, v40  }
0xe6: {  	v51 =	vld.idx.msk [tilespmem:v38+s17+$0x0], $0xffff  }
0xe7: {  	v52 =	vld.idx.msk [tilespmem:v39+s17+$0x0], $0xffff;
	_ =	sdelay $0x4  }
0xe8: {  	v41 =	vsub.f32 v51, v52;
	_ =	sdelay $0x1  }
0xe9: {  	v42 =	vmul.f32 v41, v36;
	_ =	sdelay $0x1  }
0xea: {  	v42 =	vadd.f32 $1.258291200e+07, v42;
	_ =	sdelay $0x1  }
0xeb: {  	v42 =	vadd.f32 $-1.258291200e+07, v42;
	_ =	sdelay $0x1  }
0xec: {  	v42 =	vmul.f32 v42, v33;
	_ =	sdelay $0x1  }
0xed: {  	v41 =	vsub.f32 v41, v42;
	_ =	sdelay $0x1  }
0xee: {  	[tilespmem:v13+s21+$0x0] =	vst.idx.msk $0xffff, v41  }
0xef: {  	v38 =	vld.idx.msk [tilespmem:v38+s18+$0x0], $0xffff  }
0xf0: {  	v39 =	vld.idx.msk [tilespmem:v39+s18+$0x0], $0xffff;
	_ =	sdelay $0x4  }
0xf1: {  	v38 =	vsub.f32 v38, v39;
	_ =	sdelay $0x1  }
0xf2: {  	v39 =	vmul.f32 v38, v37;
	_ =	sdelay $0x1  }
0xf3: {  	v39 =	vadd.f32 $1.258291200e+07, v39;
	_ =	sdelay $0x1  }
0xf4: {  	v39 =	vadd.f32 $-1.258291200e+07, v39;
	_ =	sdelay $0x1  }
0xf5: {  	v39 =	vmul.f32 v39, v34;
	_ =	sdelay $0x1  }
0xf6: {  	v53 =	vmul.f32 v40, v40;
	v54 =	vmul.f32 v41, v41;
	v38 =	vsub.f32 v38, v39;
	_ =	sdelay $0x1  }
0xf7: {  	v39 =	vadd.f32 v54, v53;
	v55 =	vmul.f32 v38, v38;
	_ =	sdelay $0x1  }
0xf8: {  	v39 =	vadd.f32 v55, v39  }
0xf9: {  	[tilespmem:v14+s21+$0x0] =	vst.idx.msk $0xffff, v38  }
0xfa: {  	s19 =	sor.u32 $0x40, s1;
	[tilespmem:v15+s21+$0x0] =	vst.idx.msk $0xffff, v39  }
0xfb: {  	v38 =	vld [tilespmem:s19+$0x0]  }
0xfc: {  	v39 =	vld [tilespmem:s1+$0x1440];
	_ =	sdelay $0x6  }
0xfd: {  	v56 =	vld.idx.msk [tilespmem:v38+s16+$0x0], $0xffff  }
0xfe: {  	v57 =	vld.idx.msk [tilespmem:v39+s16+$0x0], $0xffff;
	_ =	sdelay $0x4  }
0xff: {  	v40 =	vsub.f32 v56, v57;
	_ =	sdelay $0x1  }
0x100: {  	v41 =	vmul.f32 v40, v35;
	_ =	sdelay $0x1  }
0x101: {  	v41 =	vadd.f32 $1.258291200e+07, v41;
	_ =	sdelay $0x1  }
0x102: {  	v41 =	vadd.f32 $-1.258291200e+07, v41;
	_ =	sdelay $0x1  }
0x103: {  	v41 =	vmul.f32 v41, v32;
	_ =	sdelay $0x1  }
0x104: {  	v40 =	vsub.f32 v40, v41;
	_ =	sdelay $0x1  }
0x105: {  	[tilespmem:v16+s21+$0x0] =	vst.idx.msk $0xffff, v40  }
0x106: {  	v58 =	vld.idx.msk [tilespmem:v38+s17+$0x0], $0xffff  }
0x107: {  	v59 =	vld.idx.msk [tilespmem:v39+s17+$0x0], $0xffff;
	_ =	sdelay $0x4  }
0x108: {  	v41 =	vsub.f32 v58, v59;
	_ =	sdelay $0x1  }
0x109: {  	v42 =	vmul.f32 v41, v36;
	_ =	sdelay $0x1  }
0x10a: {  	v42 =	vadd.f32 $1.258291200e+07, v42;
	_ =	sdelay $0x1  }
0x10b: {  	v42 =	vadd.f32 $-1.258291200e+07, v42;
	_ =	sdelay $0x1  }
0x10c: {  	v42 =	vmul.f32 v42, v33;
	_ =	sdelay $0x1  }
0x10d: {  	v41 =	vsub.f32 v41, v42;
	_ =	sdelay $0x1  }
0x10e: {  	[tilespmem:v17+s21+$0x0] =	vst.idx.msk $0xffff, v41  }
0x10f: {  	v38 =	vld.idx.msk [tilespmem:v38+s18+$0x0], $0xffff  }
0x110: {  	v39 =	vld.idx.msk [tilespmem:v39+s18+$0x0], $0xffff;
	_ =	sdelay $0x4  }
0x111: {  	v38 =	vsub.f32 v38, v39;
	_ =	sdelay $0x1  }
0x112: {  	v39 =	vmul.f32 v38, v37;
	_ =	sdelay $0x1  }
0x113: {  	v39 =	vadd.f32 $1.258291200e+07, v39;
	_ =	sdelay $0x1  }
0x114: {  	v39 =	vadd.f32 $-1.258291200e+07, v39;
	_ =	sdelay $0x1  }
0x115: {  	v39 =	vmul.f32 v39, v34;
	_ =	sdelay $0x1  }
0x116: {  	v60 =	vmul.f32 v40, v40;
	v61 =	vmul.f32 v41, v41;
	v38 =	vsub.f32 v38, v39;
	_ =	sdelay $0x1  }
0x117: {  	v39 =	vadd.f32 v61, v60;
	v62 =	vmul.f32 v38, v38;
	_ =	sdelay $0x1  }
0x118: {  	v39 =	vadd.f32 v62, v39  }
0x119: {  	[tilespmem:v18+s21+$0x0] =	vst.idx.msk $0xffff, v38  }
0x11a: {  	s19 =	sor.u32 $0x50, s1;
	[tilespmem:v19+s21+$0x0] =	vst.idx.msk $0xffff, v39  }
0x11b: {  	v38 =	vld [tilespmem:s19+$0x0]  }
0x11c: {  	v39 =	vld [tilespmem:s1+$0x1450];
	_ =	sdelay $0x6  }
0x11d: {  	v63 =	vld.idx.msk [tilespmem:v38+s16+$0x0], $0xffff  }
0x11e: {  	v44 =	vld.idx.msk [tilespmem:v39+s16+$0x0], $0xffff;
	_ =	sdelay $0x4  }
0x11f: {  	v40 =	vsub.f32 v63, v44;
	_ =	sdelay $0x1  }
0x120: {  	v41 =	vmul.f32 v40, v35;
	_ =	sdelay $0x1  }
0x121: {  	v41 =	vadd.f32 $1.258291200e+07, v41;
	_ =	sdelay $0x1  }
0x122: {  	v41 =	vadd.f32 $-1.258291200e+07, v41;
	_ =	sdelay $0x1  }
0x123: {  	v41 =	vmul.f32 v41, v32;
	_ =	sdelay $0x1  }
0x124: {  	v40 =	vsub.f32 v40, v41;
	_ =	sdelay $0x1  }
0x125: {  	[tilespmem:v20+s21+$0x0] =	vst.idx.msk $0xffff, v40  }
0x126: {  	v45 =	vld.idx.msk [tilespmem:v38+s17+$0x0], $0xffff  }
0x127: {  	v46 =	vld.idx.msk [tilespmem:v39+s17+$0x0], $0xffff;
	_ =	sdelay $0x4  }
0x128: {  	v41 =	vsub.f32 v45, v46;
	_ =	sdelay $0x1  }
0x129: {  	v42 =	vmul.f32 v41, v36;
	_ =	sdelay $0x1  }
0x12a: {  	v42 =	vadd.f32 $1.258291200e+07, v42;
	_ =	sdelay $0x1  }
0x12b: {  	v42 =	vadd.f32 $-1.258291200e+07, v42;
	_ =	sdelay $0x1  }
0x12c: {  	v42 =	vmul.f32 v42, v33;
	_ =	sdelay $0x1  }
0x12d: {  	v41 =	vsub.f32 v41, v42;
	_ =	sdelay $0x1  }
0x12e: {  	[tilespmem:v21+s21+$0x0] =	vst.idx.msk $0xffff, v41  }
0x12f: {  	v38 =	vld.idx.msk [tilespmem:v38+s18+$0x0], $0xffff  }
0x130: {  	v39 =	vld.idx.msk [tilespmem:v39+s18+$0x0], $0xffff;
	_ =	sdelay $0x4  }
0x131: {  	v38 =	vsub.f32 v38, v39;
	_ =	sdelay $0x1  }
0x132: {  	v39 =	vmul.f32 v38, v37;
	_ =	sdelay $0x1  }
0x133: {  	v39 =	vadd.f32 $1.258291200e+07, v39;
	_ =	sdelay $0x1  }
0x134: {  	v39 =	vadd.f32 $-1.258291200e+07, v39;
	_ =	sdelay $0x1  }
0x135: {  	v39 =	vmul.f32 v39, v34;
	_ =	sdelay $0x1  }
0x136: {  	v47 =	vmul.f32 v40, v40;
	v48 =	vmul.f32 v41, v41;
	v38 =	vsub.f32 v38, v39;
	_ =	sdelay $0x1  }
0x137: {  	v39 =	vadd.f32 v48, v47;
	v49 =	vmul.f32 v38, v38;
	_ =	sdelay $0x1  }
0x138: {  	v39 =	vadd.f32 v49, v39  }
0x139: {  	[tilespmem:v22+s21+$0x0] =	vst.idx.msk $0xffff, v38  }
0x13a: {  	s19 =	sor.u32 $0x60, s1;
	[tilespmem:v23+s21+$0x0] =	vst.idx.msk $0xffff, v39  }
0x13b: {  	v38 =	vld [tilespmem:s19+$0x0]  }
0x13c: {  	v39 =	vld [tilespmem:s1+$0x1460];
	_ =	sdelay $0x6  }
0x13d: {  	v50 =	vld.idx.msk [tilespmem:v38+s16+$0x0], $0xffff  }
0x13e: {  	v51 =	vld.idx.msk [tilespmem:v39+s16+$0x0], $0xffff;
	_ =	sdelay $0x4  }
0x13f: {  	v40 =	vsub.f32 v50, v51;
	_ =	sdelay $0x1  }
0x140: {  	v41 =	vmul.f32 v40, v35;
	_ =	sdelay $0x1  }
0x141: {  	v41 =	vadd.f32 $1.258291200e+07, v41;
	_ =	sdelay $0x1  }
0x142: {  	v41 =	vadd.f32 $-1.258291200e+07, v41;
	_ =	sdelay $0x1  }
0x143: {  	v41 =	vmul.f32 v41, v32;
	_ =	sdelay $0x1  }
0x144: {  	v40 =	vsub.f32 v40, v41;
	_ =	sdelay $0x1  }
0x145: {  	[tilespmem:v24+s21+$0x0] =	vst.idx.msk $0xffff, v40  }
0x146: {  	v52 =	vld.idx.msk [tilespmem:v38+s17+$0x0], $0xffff  }
0x147: {  	v53 =	vld.idx.msk [tilespmem:v39+s17+$0x0], $0xffff;
	_ =	sdelay $0x4  }
0x148: {  	v41 =	vsub.f32 v52, v53;
	_ =	sdelay $0x1  }
0x149: {  	v42 =	vmul.f32 v41, v36;
	_ =	sdelay $0x1  }
0x14a: {  	v42 =	vadd.f32 $1.258291200e+07, v42;
	_ =	sdelay $0x1  }
0x14b: {  	v42 =	vadd.f32 $-1.258291200e+07, v42;
	_ =	sdelay $0x1  }
0x14c: {  	v42 =	vmul.f32 v42, v33;
	_ =	sdelay $0x1  }
0x14d: {  	v41 =	vsub.f32 v41, v42;
	_ =	sdelay $0x1  }
0x14e: {  	[tilespmem:v25+s21+$0x0] =	vst.idx.msk $0xffff, v41  }
0x14f: {  	v38 =	vld.idx.msk [tilespmem:v38+s18+$0x0], $0xffff  }
0x150: {  	v39 =	vld.idx.msk [tilespmem:v39+s18+$0x0], $0xffff;
	_ =	sdelay $0x4  }
0x151: {  	v38 =	vsub.f32 v38, v39;
	_ =	sdelay $0x1  }
0x152: {  	v39 =	vmul.f32 v38, v37;
	_ =	sdelay $0x1  }
0x153: {  	v39 =	vadd.f32 $1.258291200e+07, v39;
	_ =	sdelay $0x1  }
0x154: {  	v39 =	vadd.f32 $-1.258291200e+07, v39;
	_ =	sdelay $0x1  }
0x155: {  	v39 =	vmul.f32 v39, v34;
	_ =	sdelay $0x1  }
0x156: {  	v54 =	vmul.f32 v40, v40;
	v55 =	vmul.f32 v41, v41;
	v38 =	vsub.f32 v38, v39;
	_ =	sdelay $0x1  }
0x157: {  	v39 =	vadd.f32 v55, v54;
	v56 =	vmul.f32 v38, v38;
	_ =	sdelay $0x1  }
0x158: {  	v39 =	vadd.f32 v56, v39  }
0x159: {  	[tilespmem:v26+s21+$0x0] =	vst.idx.msk $0xffff, v38  }
0x15a: {  	s19 =	sor.u32 $0x70, s1;
	[tilespmem:v27+s21+$0x0] =	vst.idx.msk $0xffff, v39  }
0x15b: {  	v38 =	vld [tilespmem:s19+$0x0]  }
0x15c: {  	v39 =	vld [tilespmem:s1+$0x1470];
	_ =	sdelay $0x6  }
0x15d: {  	v57 =	vld.idx.msk [tilespmem:v38+s16+$0x0], $0xffff  }
0x15e: {  	v58 =	vld.idx.msk [tilespmem:v39+s16+$0x0], $0xffff;
	_ =	sdelay $0x4  }
0x15f: {  	v40 =	vsub.f32 v57, v58;
	_ =	sdelay $0x1  }
0x160: {  	v41 =	vmul.f32 v40, v35;
	_ =	sdelay $0x1  }
0x161: {  	v41 =	vadd.f32 $1.258291200e+07, v41;
	_ =	sdelay $0x1  }
0x162: {  	v41 =	vadd.f32 $-1.258291200e+07, v41;
	_ =	sdelay $0x1  }
0x163: {  	v41 =	vmul.f32 v41, v32;
	_ =	sdelay $0x1  }
0x164: {  	v40 =	vsub.f32 v40, v41;
	_ =	sdelay $0x1  }
0x165: {  	[tilespmem:v28+s21+$0x0] =	vst.idx.msk $0xffff, v40  }
0x166: {  	v59 =	vld.idx.msk [tilespmem:v38+s17+$0x0], $0xffff  }
0x167: {  	v60 =	vld.idx.msk [tilespmem:v39+s17+$0x0], $0xffff;
	_ =	sdelay $0x4  }
0x168: {  	v41 =	vsub.f32 v59, v60;
	_ =	sdelay $0x1  }
0x169: {  	v42 =	vmul.f32 v41, v36;
	_ =	sdelay $0x1  }
0x16a: {  	v42 =	vadd.f32 $1.258291200e+07, v42;
	_ =	sdelay $0x1  }
0x16b: {  	v42 =	vadd.f32 $-1.258291200e+07, v42;
	_ =	sdelay $0x1  }
0x16c: {  	v42 =	vmul.f32 v42, v33;
	_ =	sdelay $0x1  }
0x16d: {  	v41 =	vsub.f32 v41, v42;
	_ =	sdelay $0x1  }
0x16e: {  	[tilespmem:v29+s21+$0x0] =	vst.idx.msk $0xffff, v41  }
0x16f: {  	v38 =	vld.idx.msk [tilespmem:v38+s18+$0x0], $0xffff  }
0x170: {  	v39 =	vld.idx.msk [tilespmem:v39+s18+$0x0], $0xffff;
	_ =	sdelay $0x4  }
0x171: {  	v38 =	vsub.f32 v38, v39;
	_ =	sdelay $0x1  }
0x172: {  	v39 =	vmul.f32 v38, v37;
	_ =	sdelay $0x1  }
0x173: {  	v39 =	vadd.f32 $1.258291200e+07, v39;
	_ =	sdelay $0x1  }
0x174: {  	v39 =	vadd.f32 $-1.258291200e+07, v39;
	_ =	sdelay $0x1  }
0x175: {  	v39 =	vmul.f32 v39, v34;
	_ =	sdelay $0x1  }
0x176: {  	v61 =	vmul.f32 v40, v40;
	v62 =	vmul.f32 v41, v41;
	v38 =	vsub.f32 v38, v39;
	_ =	sdelay $0x1  }
0x177: {  	v39 =	vadd.f32 v62, v61;
	v63 =	vmul.f32 v38, v38  }
0x178: {  	s19 =	sshll.u32 s31, $0xF  }
0x179: {  	s5 =	sadd.s32 s12, s19;
	v39 =	vadd.f32 v63, v39  }
0x17a: {  	s5 =	sshrl.u32 s5, $0x3;
	[tilespmem:v30+s21+$0x0] =	vst.idx.msk $0xffff, v38  }
0x17b: {  	s19 =	simm.s32 $0x0;
	s5 =	sadd.s32 s7, s5;
	[tilespmem:v31+s21+$0x0] =	vst.idx.msk $0xffff, v39  }
0x17c: {  	[hbm4b:s5+s19] =	stream.linear.scatter [tilespmem:s21], [sflag:$0x5], $0x4000, $0x38;
	[tilespmem:$0x1A080] =	vst v63  }
0x17d: {  	s2 =	smin.u32 s2, $0x25;
	_ =	swait.ge [sflag:s14], $0x4000  }
0x17e: {  	s2 =	sshll.u32 s2, $0x7;
	[sflag:s14] =	ssyncset.done $0x0  }
0x17f: {  	s19 =	sadd.s32 $0x100, s2;
	[sflag:s14] =	ssyncadd.s32 $0xFFFFC000  }
0x180: {  	[tilespmem:s21], [sflag:$0x1] =	stream.indirect.gather [hbm4b:s4+s20], $0x80, s19, s20, $0xb8;
	[tilespmem:$0x1A080] =	vst v63  }
0x181: {  	s2 =	sadd.s32 $0x1500, s2  }
0x182: {  	[tilespmem:s22], [sflag:$0x3] =	stream.indirect.gather [hbm4b:s4+s20], $0x80, s2, s20, $0xb8;
	[tilespmem:$0x1A080] =	vst v63  }
0x183: {  	_ =	swait.ge [sflag:s28], $0x4000  }
0x184: {  	[sflag:s28] =	ssyncset.done $0x0  }
0x185: {  	[sflag:s28] =	ssyncadd.s32 $0xFFFFC000  }
0x186: {  	_ =	swait.ge [sflag:s29], $0x4000  }
0x187: {  	[sflag:s29] =	ssyncset.done $0x0  }
0x188: {  	s5 =	simm.s32 $0x800;
	s2 =	simm.s32 $0x0;
	[sflag:s29] =	ssyncadd.s32 $0xFFFFC000  }
.LBB2_5:
0x189: {  	p0 =	sne.s32 s5, $0xF800;
	v38 =	vld [tilespmem:s2+$0x16270]  }
0x18a: {  	v39 =	vld [tilespmem:s2+$0x160C0]  }
0x18b: {  	v40 =	vld [tilespmem:s2+$0x160D0]  }
0x18c: {  	v41 =	vld [tilespmem:s2+$0x160E0]  }
0x18d: {  	v42 =	vld [tilespmem:s2+$0x160F0]  }
0x18e: {  	[tilespmem:s2+$0xE230] =	vst.add.f32.msk $0xffff, v38  }
0x18f: {  	v38 =	vld [tilespmem:s2+$0x16140]  }
0x190: {  	v43 =	vld [tilespmem:s2+$0x16150]  }
0x191: {  	v44 =	vld [tilespmem:s2+$0x16160]  }
0x192: {  	v45 =	vld [tilespmem:s2+$0x16170]  }
0x193: {  	v46 =	vld [tilespmem:s2+$0x161C0]  }
0x194: {  	v47 =	vld [tilespmem:s2+$0x161D0]  }
0x195: {  	v48 =	vld [tilespmem:s2+$0x161E0]  }
0x196: {  	v49 =	vld [tilespmem:s2+$0x161F0]  }
0x197: {  	v50 =	vld [tilespmem:s2+$0x16240]  }
0x198: {  	v51 =	vld [tilespmem:s2+$0x16250]  }
0x199: {  	v52 =	vld [tilespmem:s2+$0x16260]  }
0x19a: {  	[tilespmem:s2+$0xE080] =	vst.add.f32.msk $0xffff, v39  }
0x19b: {  	[tilespmem:s2+$0xE090] =	vst.add.f32.msk $0xffff, v40  }
0x19c: {  	[tilespmem:s2+$0xE0A0] =	vst.add.f32.msk $0xffff, v41  }
0x19d: {  	[tilespmem:s2+$0xE0B0] =	vst.add.f32.msk $0xffff, v42  }
0x19e: {  	[tilespmem:s2+$0xE100] =	vst.add.f32.msk $0xffff, v38  }
0x19f: {  	[tilespmem:s2+$0xE110] =	vst.add.f32.msk $0xffff, v43  }
0x1a0: {  	[tilespmem:s2+$0xE120] =	vst.add.f32.msk $0xffff, v44  }
0x1a1: {  	[tilespmem:s2+$0xE130] =	vst.add.f32.msk $0xffff, v45  }
0x1a2: {  	[tilespmem:s2+$0xE180] =	vst.add.f32.msk $0xffff, v46  }
0x1a3: {  	[tilespmem:s2+$0xE190] =	vst.add.f32.msk $0xffff, v47  }
.Ltmp1:
0x1a4: {  	[tilespmem:s2+$0xE1A0] =	vst.add.f32.msk $0xffff, v48;
	(pc) =	sbr.rel @p0 .LBB2_5-.Ltmp1, $4  }
0x1a5: {  	[tilespmem:s2+$0xE1B0] =	vst.add.f32.msk $0xffff, v49  }
0x1a6: {  	[tilespmem:s2+$0xE200] =	vst.add.f32.msk $0xffff, v50  }
0x1a7: {  	[tilespmem:s2+$0xE210] =	vst.add.f32.msk $0xffff, v51  }
0x1a8: {  	[tilespmem:s2+$0xE220] =	vst.add.f32.msk $0xffff, v52;
	s2 =	sshra.s32 s5, $0x2;
	s5 =	sadd.s32 $0x800, s5  }
0x1a9: {  	v38 =	vld [tilespmem:s2+$0x16270]  }
0x1aa: {  	v39 =	vld [tilespmem:s2+$0x160C0]  }
0x1ab: {  	v40 =	vld [tilespmem:s2+$0x160D0]  }
0x1ac: {  	v41 =	vld [tilespmem:s2+$0x160E0]  }
0x1ad: {  	v42 =	vld [tilespmem:s2+$0x160F0]  }
0x1ae: {  	v63 =	vld [tilespmem:s2+$0x16140]  }
0x1af: {  	v43 =	vld [tilespmem:s2+$0x16150]  }
0x1b0: {  	v44 =	vld [tilespmem:s2+$0x16160]  }
0x1b1: {  	v45 =	vld [tilespmem:s2+$0x16170]  }
0x1b2: {  	v46 =	vld [tilespmem:s2+$0x161C0]  }
0x1b3: {  	v47 =	vld [tilespmem:s2+$0x161D0]  }
0x1b4: {  	v48 =	vld [tilespmem:s2+$0x161E0]  }
0x1b5: {  	v49 =	vld [tilespmem:s2+$0x161F0]  }
0x1b6: {  	v50 =	vld [tilespmem:s2+$0x16240]  }
0x1b7: {  	v51 =	vld [tilespmem:s2+$0x16250]  }
0x1b8: {  	v52 =	vld [tilespmem:s2+$0x16260]  }
0x1b9: {  	[tilespmem:s2+$0xE230] =	vst.add.f32.msk $0xffff, v38  }
0x1ba: {  	[tilespmem:s2+$0xE080] =	vst.add.f32.msk $0xffff, v39  }
0x1bb: {  	[tilespmem:s2+$0xE090] =	vst.add.f32.msk $0xffff, v40  }
0x1bc: {  	[tilespmem:s2+$0xE0A0] =	vst.add.f32.msk $0xffff, v41  }
0x1bd: {  	[tilespmem:s2+$0xE0B0] =	vst.add.f32.msk $0xffff, v42  }
0x1be: {  	[tilespmem:s2+$0xE100] =	vst.add.f32.msk $0xffff, v63  }
0x1bf: {  	[tilespmem:s2+$0xE110] =	vst.add.f32.msk $0xffff, v43  }
0x1c0: {  	[tilespmem:s2+$0xE120] =	vst.add.f32.msk $0xffff, v44  }
0x1c1: {  	[tilespmem:s2+$0xE130] =	vst.add.f32.msk $0xffff, v45  }
0x1c2: {  	[tilespmem:s2+$0xE180] =	vst.add.f32.msk $0xffff, v46  }
0x1c3: {  	[tilespmem:s2+$0xE190] =	vst.add.f32.msk $0xffff, v47  }
0x1c4: {  	[tilespmem:s2+$0xE1A0] =	vst.add.f32.msk $0xffff, v48  }
0x1c5: {  	[tilespmem:s2+$0xE1B0] =	vst.add.f32.msk $0xffff, v49  }
0x1c6: {  	[tilespmem:s2+$0xE200] =	vst.add.f32.msk $0xffff, v50  }
0x1c7: {  	[tilespmem:s2+$0xE210] =	vst.add.f32.msk $0xffff, v51  }
0x1c8: {  	[tilespmem:s2+$0xE220] =	vst.add.f32.msk $0xffff, v52  }
0x1c9: {  	v38 =	vld [tilespmem:s0+$0x0]  }
0x1ca: {  	v39 =	vld [tilespmem:s0+$0x1400];
	_ =	sdelay $0x6  }
0x1cb: {  	v40 =	vld.idx.msk [tilespmem:v38+s16+$0x0], $0xffff  }
0x1cc: {  	v41 =	vld.idx.msk [tilespmem:v39+s16+$0x0], $0xffff;
	_ =	sdelay $0x4  }
0x1cd: {  	v40 =	vsub.f32 v40, v41;
	_ =	sdelay $0x1  }
0x1ce: {  	v41 =	vmul.f32 v40, v35;
	_ =	sdelay $0x1  }
0x1cf: {  	v41 =	vadd.f32 $1.258291200e+07, v41;
	_ =	sdelay $0x1  }
0x1d0: {  	v41 =	vadd.f32 $-1.258291200e+07, v41;
	_ =	sdelay $0x1  }
0x1d1: {  	v41 =	vmul.f32 v41, v32;
	_ =	sdelay $0x1  }
0x1d2: {  	v40 =	vsub.f32 v40, v41;
	_ =	sdelay $0x1  }
0x1d3: {  	[tilespmem:v0+s23+$0x0] =	vst.idx.msk $0xffff, v40  }
0x1d4: {  	v50 =	vld.idx.msk [tilespmem:v38+s17+$0x0], $0xffff  }
0x1d5: {  	v42 =	vld.idx.msk [tilespmem:v39+s17+$0x0], $0xffff;
	_ =	sdelay $0x4  }
0x1d6: {  	v41 =	vsub.f32 v50, v42;
	_ =	sdelay $0x1  }
0x1d7: {  	v42 =	vmul.f32 v41, v36;
	_ =	sdelay $0x1  }
0x1d8: {  	v42 =	vadd.f32 $1.258291200e+07, v42;
	_ =	sdelay $0x1  }
0x1d9: {  	v42 =	vadd.f32 $-1.258291200e+07, v42;
	_ =	sdelay $0x1  }
0x1da: {  	v42 =	vmul.f32 v42, v33;
	_ =	sdelay $0x1  }
0x1db: {  	v41 =	vsub.f32 v41, v42;
	_ =	sdelay $0x1  }
0x1dc: {  	[tilespmem:v1+s23+$0x0] =	vst.idx.msk $0xffff, v41  }
0x1dd: {  	v38 =	vld.idx.msk [tilespmem:v38+s18+$0x0], $0xffff  }
0x1de: {  	v39 =	vld.idx.msk [tilespmem:v39+s18+$0x0], $0xffff;
	_ =	sdelay $0x4  }
0x1df: {  	v38 =	vsub.f32 v38, v39;
	_ =	sdelay $0x1  }
0x1e0: {  	v39 =	vmul.f32 v38, v37;
	_ =	sdelay $0x1  }
0x1e1: {  	v39 =	vadd.f32 $1.258291200e+07, v39;
	_ =	sdelay $0x1  }
0x1e2: {  	v39 =	vadd.f32 $-1.258291200e+07, v39;
	_ =	sdelay $0x1  }
0x1e3: {  	v39 =	vmul.f32 v39, v34;
	_ =	sdelay $0x1  }
0x1e4: {  	v51 =	vmul.f32 v40, v40;
	v52 =	vmul.f32 v41, v41;
	v38 =	vsub.f32 v38, v39;
	_ =	sdelay $0x1  }
0x1e5: {  	v39 =	vadd.f32 v52, v51;
	v53 =	vmul.f32 v38, v38;
	_ =	sdelay $0x1  }
0x1e6: {  	v39 =	vadd.f32 v53, v39  }
0x1e7: {  	[tilespmem:v2+s23+$0x0] =	vst.idx.msk $0xffff, v38  }
0x1e8: {  	s5 =	sor.u32 $0x90, s1;
	[tilespmem:v3+s23+$0x0] =	vst.idx.msk $0xffff, v39  }
0x1e9: {  	v38 =	vld [tilespmem:s5+$0x0]  }
0x1ea: {  	v39 =	vld [tilespmem:s1+$0x1490];
	_ =	sdelay $0x6  }
0x1eb: {  	v54 =	vld.idx.msk [tilespmem:v38+s16+$0x0], $0xffff  }
0x1ec: {  	v55 =	vld.idx.msk [tilespmem:v39+s16+$0x0], $0xffff;
	_ =	sdelay $0x4  }
0x1ed: {  	v40 =	vsub.f32 v54, v55;
	_ =	sdelay $0x1  }
0x1ee: {  	v41 =	vmul.f32 v40, v35;
	_ =	sdelay $0x1  }
0x1ef: {  	v41 =	vadd.f32 $1.258291200e+07, v41;
	_ =	sdelay $0x1  }
0x1f0: {  	v41 =	vadd.f32 $-1.258291200e+07, v41;
	_ =	sdelay $0x1  }
0x1f1: {  	v41 =	vmul.f32 v41, v32;
	_ =	sdelay $0x1  }
0x1f2: {  	v40 =	vsub.f32 v40, v41;
	_ =	sdelay $0x1  }
0x1f3: {  	[tilespmem:v4+s23+$0x0] =	vst.idx.msk $0xffff, v40  }
0x1f4: {  	v56 =	vld.idx.msk [tilespmem:v38+s17+$0x0], $0xffff  }
0x1f5: {  	v57 =	vld.idx.msk [tilespmem:v39+s17+$0x0], $0xffff;
	_ =	sdelay $0x4  }
0x1f6: {  	v41 =	vsub.f32 v56, v57;
	_ =	sdelay $0x1  }
0x1f7: {  	v42 =	vmul.f32 v41, v36;
	_ =	sdelay $0x1  }
0x1f8: {  	v42 =	vadd.f32 $1.258291200e+07, v42;
	_ =	sdelay $0x1  }
0x1f9: {  	v42 =	vadd.f32 $-1.258291200e+07, v42;
	_ =	sdelay $0x1  }
0x1fa: {  	v42 =	vmul.f32 v42, v33;
	_ =	sdelay $0x1  }
0x1fb: {  	v41 =	vsub.f32 v41, v42;
	_ =	sdelay $0x1  }
0x1fc: {  	[tilespmem:v5+s23+$0x0] =	vst.idx.msk $0xffff, v41  }
0x1fd: {  	v38 =	vld.idx.msk [tilespmem:v38+s18+$0x0], $0xffff  }
0x1fe: {  	v39 =	vld.idx.msk [tilespmem:v39+s18+$0x0], $0xffff;
	_ =	sdelay $0x4  }
0x1ff: {  	v38 =	vsub.f32 v38, v39;
	_ =	sdelay $0x1  }
0x200: {  	v39 =	vmul.f32 v38, v37;
	_ =	sdelay $0x1  }
0x201: {  	v39 =	vadd.f32 $1.258291200e+07, v39;
	_ =	sdelay $0x1  }
0x202: {  	v39 =	vadd.f32 $-1.258291200e+07, v39;
	_ =	sdelay $0x1  }
0x203: {  	v39 =	vmul.f32 v39, v34;
	_ =	sdelay $0x1  }
0x204: {  	v58 =	vmul.f32 v40, v40;
	v59 =	vmul.f32 v41, v41;
	v38 =	vsub.f32 v38, v39;
	_ =	sdelay $0x1  }
0x205: {  	v39 =	vadd.f32 v59, v58;
	v60 =	vmul.f32 v38, v38;
	_ =	sdelay $0x1  }
0x206: {  	v39 =	vadd.f32 v60, v39  }
0x207: {  	[tilespmem:v6+s23+$0x0] =	vst.idx.msk $0xffff, v38  }
0x208: {  	s19 =	sor.u32 $0xA0, s1;
	[tilespmem:v7+s23+$0x0] =	vst.idx.msk $0xffff, v39  }
0x209: {  	v38 =	vld [tilespmem:s19+$0x0]  }
0x20a: {  	v39 =	vld [tilespmem:s1+$0x14A0];
	_ =	sdelay $0x6  }
0x20b: {  	v61 =	vld.idx.msk [tilespmem:v38+s16+$0x0], $0xffff  }
0x20c: {  	v62 =	vld.idx.msk [tilespmem:v39+s16+$0x0], $0xffff;
	_ =	sdelay $0x4  }
0x20d: {  	v40 =	vsub.f32 v61, v62;
	_ =	sdelay $0x1  }
0x20e: {  	v41 =	vmul.f32 v40, v35;
	_ =	sdelay $0x1  }
0x20f: {  	v41 =	vadd.f32 $1.258291200e+07, v41;
	_ =	sdelay $0x1  }
0x210: {  	v41 =	vadd.f32 $-1.258291200e+07, v41;
	_ =	sdelay $0x1  }
0x211: {  	v41 =	vmul.f32 v41, v32;
	_ =	sdelay $0x1  }
0x212: {  	v40 =	vsub.f32 v40, v41;
	_ =	sdelay $0x1  }
0x213: {  	[tilespmem:v8+s23+$0x0] =	vst.idx.msk $0xffff, v40  }
0x214: {  	v63 =	vld.idx.msk [tilespmem:v38+s17+$0x0], $0xffff  }
0x215: {  	v45 =	vld.idx.msk [tilespmem:v39+s17+$0x0], $0xffff;
	_ =	sdelay $0x4  }
0x216: {  	v41 =	vsub.f32 v63, v45;
	_ =	sdelay $0x1  }
0x217: {  	v42 =	vmul.f32 v41, v36;
	_ =	sdelay $0x1  }
0x218: {  	v42 =	vadd.f32 $1.258291200e+07, v42;
	_ =	sdelay $0x1  }
0x219: {  	v42 =	vadd.f32 $-1.258291200e+07, v42;
	_ =	sdelay $0x1  }
0x21a: {  	v42 =	vmul.f32 v42, v33;
	_ =	sdelay $0x1  }
0x21b: {  	v41 =	vsub.f32 v41, v42;
	_ =	sdelay $0x1  }
0x21c: {  	[tilespmem:v9+s23+$0x0] =	vst.idx.msk $0xffff, v41  }
0x21d: {  	v38 =	vld.idx.msk [tilespmem:v38+s18+$0x0], $0xffff  }
0x21e: {  	v39 =	vld.idx.msk [tilespmem:v39+s18+$0x0], $0xffff;
	_ =	sdelay $0x4  }
0x21f: {  	v38 =	vsub.f32 v38, v39;
	_ =	sdelay $0x1  }
0x220: {  	v39 =	vmul.f32 v38, v37;
	_ =	sdelay $0x1  }
0x221: {  	v39 =	vadd.f32 $1.258291200e+07, v39;
	_ =	sdelay $0x1  }
0x222: {  	v39 =	vadd.f32 $-1.258291200e+07, v39;
	_ =	sdelay $0x1  }
0x223: {  	v39 =	vmul.f32 v39, v34;
	_ =	sdelay $0x1  }
0x224: {  	v46 =	vmul.f32 v40, v40;
	v47 =	vmul.f32 v41, v41;
	v38 =	vsub.f32 v38, v39;
	_ =	sdelay $0x1  }
0x225: {  	v39 =	vadd.f32 v47, v46;
	v48 =	vmul.f32 v38, v38;
	_ =	sdelay $0x1  }
0x226: {  	v39 =	vadd.f32 v48, v39  }
0x227: {  	[tilespmem:v10+s23+$0x0] =	vst.idx.msk $0xffff, v38  }
0x228: {  	s5 =	sor.u32 $0xB0, s1;
	[tilespmem:v11+s23+$0x0] =	vst.idx.msk $0xffff, v39  }
0x229: {  	v38 =	vld [tilespmem:s5+$0x0]  }
0x22a: {  	v39 =	vld [tilespmem:s1+$0x14B0];
	_ =	sdelay $0x6  }
0x22b: {  	v49 =	vld.idx.msk [tilespmem:v38+s16+$0x0], $0xffff  }
0x22c: {  	v50 =	vld.idx.msk [tilespmem:v39+s16+$0x0], $0xffff;
	_ =	sdelay $0x4  }
0x22d: {  	v40 =	vsub.f32 v49, v50;
	_ =	sdelay $0x1  }
0x22e: {  	v41 =	vmul.f32 v40, v35;
	_ =	sdelay $0x1  }
0x22f: {  	v41 =	vadd.f32 $1.258291200e+07, v41;
	_ =	sdelay $0x1  }
0x230: {  	v41 =	vadd.f32 $-1.258291200e+07, v41;
	_ =	sdelay $0x1  }
0x231: {  	v41 =	vmul.f32 v41, v32;
	_ =	sdelay $0x1  }
0x232: {  	v40 =	vsub.f32 v40, v41;
	_ =	sdelay $0x1  }
0x233: {  	[tilespmem:v12+s23+$0x0] =	vst.idx.msk $0xffff, v40  }
0x234: {  	v51 =	vld.idx.msk [tilespmem:v38+s17+$0x0], $0xffff  }
0x235: {  	v52 =	vld.idx.msk [tilespmem:v39+s17+$0x0], $0xffff;
	_ =	sdelay $0x4  }
0x236: {  	v41 =	vsub.f32 v51, v52;
	_ =	sdelay $0x1  }
0x237: {  	v42 =	vmul.f32 v41, v36;
	_ =	sdelay $0x1  }
0x238: {  	v42 =	vadd.f32 $1.258291200e+07, v42;
	_ =	sdelay $0x1  }
0x239: {  	v42 =	vadd.f32 $-1.258291200e+07, v42;
	_ =	sdelay $0x1  }
0x23a: {  	v42 =	vmul.f32 v42, v33;
	_ =	sdelay $0x1  }
0x23b: {  	v41 =	vsub.f32 v41, v42;
	_ =	sdelay $0x1  }
0x23c: {  	[tilespmem:v13+s23+$0x0] =	vst.idx.msk $0xffff, v41  }
0x23d: {  	v38 =	vld.idx.msk [tilespmem:v38+s18+$0x0], $0xffff  }
0x23e: {  	v39 =	vld.idx.msk [tilespmem:v39+s18+$0x0], $0xffff;
	_ =	sdelay $0x4  }
0x23f: {  	v38 =	vsub.f32 v38, v39;
	_ =	sdelay $0x1  }
0x240: {  	v39 =	vmul.f32 v38, v37;
	_ =	sdelay $0x1  }
0x241: {  	v39 =	vadd.f32 $1.258291200e+07, v39;
	_ =	sdelay $0x1  }
0x242: {  	v39 =	vadd.f32 $-1.258291200e+07, v39;
	_ =	sdelay $0x1  }
0x243: {  	v39 =	vmul.f32 v39, v34;
	_ =	sdelay $0x1  }
0x244: {  	v53 =	vmul.f32 v40, v40;
	v54 =	vmul.f32 v41, v41;
	v38 =	vsub.f32 v38, v39;
	_ =	sdelay $0x1  }
0x245: {  	v39 =	vadd.f32 v54, v53;
	v55 =	vmul.f32 v38, v38;
	_ =	sdelay $0x1  }
0x246: {  	v39 =	vadd.f32 v55, v39  }
0x247: {  	[tilespmem:v14+s23+$0x0] =	vst.idx.msk $0xffff, v38  }
0x248: {  	s19 =	sor.u32 $0xC0, s1;
	[tilespmem:v15+s23+$0x0] =	vst.idx.msk $0xffff, v39  }
0x249: {  	v38 =	vld [tilespmem:s19+$0x0]  }
0x24a: {  	v39 =	vld [tilespmem:s1+$0x14C0];
	_ =	sdelay $0x6  }
0x24b: {  	v56 =	vld.idx.msk [tilespmem:v38+s16+$0x0], $0xffff  }
0x24c: {  	v57 =	vld.idx.msk [tilespmem:v39+s16+$0x0], $0xffff;
	_ =	sdelay $0x4  }
0x24d: {  	v40 =	vsub.f32 v56, v57;
	_ =	sdelay $0x1  }
0x24e: {  	v41 =	vmul.f32 v40, v35;
	_ =	sdelay $0x1  }
0x24f: {  	v41 =	vadd.f32 $1.258291200e+07, v41;
	_ =	sdelay $0x1  }
0x250: {  	v41 =	vadd.f32 $-1.258291200e+07, v41;
	_ =	sdelay $0x1  }
0x251: {  	v41 =	vmul.f32 v41, v32;
	_ =	sdelay $0x1  }
0x252: {  	v40 =	vsub.f32 v40, v41;
	_ =	sdelay $0x1  }
0x253: {  	[tilespmem:v16+s23+$0x0] =	vst.idx.msk $0xffff, v40  }
0x254: {  	v58 =	vld.idx.msk [tilespmem:v38+s17+$0x0], $0xffff  }
0x255: {  	v59 =	vld.idx.msk [tilespmem:v39+s17+$0x0], $0xffff;
	_ =	sdelay $0x4  }
0x256: {  	v41 =	vsub.f32 v58, v59;
	_ =	sdelay $0x1  }
0x257: {  	v42 =	vmul.f32 v41, v36;
	_ =	sdelay $0x1  }
0x258: {  	v42 =	vadd.f32 $1.258291200e+07, v42;
	_ =	sdelay $0x1  }
0x259: {  	v42 =	vadd.f32 $-1.258291200e+07, v42;
	_ =	sdelay $0x1  }
0x25a: {  	v42 =	vmul.f32 v42, v33;
	_ =	sdelay $0x1  }
0x25b: {  	v41 =	vsub.f32 v41, v42;
	_ =	sdelay $0x1  }
0x25c: {  	[tilespmem:v17+s23+$0x0] =	vst.idx.msk $0xffff, v41  }
0x25d: {  	v38 =	vld.idx.msk [tilespmem:v38+s18+$0x0], $0xffff  }
0x25e: {  	v39 =	vld.idx.msk [tilespmem:v39+s18+$0x0], $0xffff;
	_ =	sdelay $0x4  }
0x25f: {  	v38 =	vsub.f32 v38, v39;
	_ =	sdelay $0x1  }
0x260: {  	v39 =	vmul.f32 v38, v37;
	_ =	sdelay $0x1  }
0x261: {  	v39 =	vadd.f32 $1.258291200e+07, v39;
	_ =	sdelay $0x1  }
0x262: {  	v39 =	vadd.f32 $-1.258291200e+07, v39;
	_ =	sdelay $0x1  }
0x263: {  	v39 =	vmul.f32 v39, v34;
	_ =	sdelay $0x1  }
0x264: {  	v60 =	vmul.f32 v40, v40;
	v61 =	vmul.f32 v41, v41;
	v38 =	vsub.f32 v38, v39;
	_ =	sdelay $0x1  }
0x265: {  	v39 =	vadd.f32 v61, v60;
	v62 =	vmul.f32 v38, v38;
	_ =	sdelay $0x1  }
0x266: {  	v39 =	vadd.f32 v62, v39  }
0x267: {  	[tilespmem:v18+s23+$0x0] =	vst.idx.msk $0xffff, v38  }
0x268: {  	s5 =	sor.u32 $0xD0, s1;
	[tilespmem:v19+s23+$0x0] =	vst.idx.msk $0xffff, v39  }
0x269: {  	v38 =	vld [tilespmem:s5+$0x0]  }
0x26a: {  	v39 =	vld [tilespmem:s1+$0x14D0];
	_ =	sdelay $0x6  }
0x26b: {  	v63 =	vld.idx.msk [tilespmem:v38+s16+$0x0], $0xffff  }
0x26c: {  	v44 =	vld.idx.msk [tilespmem:v39+s16+$0x0], $0xffff;
	_ =	sdelay $0x4  }
0x26d: {  	v40 =	vsub.f32 v63, v44;
	_ =	sdelay $0x1  }
0x26e: {  	v41 =	vmul.f32 v40, v35;
	_ =	sdelay $0x1  }
0x26f: {  	v41 =	vadd.f32 $1.258291200e+07, v41;
	_ =	sdelay $0x1  }
0x270: {  	v41 =	vadd.f32 $-1.258291200e+07, v41;
	_ =	sdelay $0x1  }
0x271: {  	v41 =	vmul.f32 v41, v32;
	_ =	sdelay $0x1  }
0x272: {  	v40 =	vsub.f32 v40, v41;
	_ =	sdelay $0x1  }
0x273: {  	[tilespmem:v20+s23+$0x0] =	vst.idx.msk $0xffff, v40  }
0x274: {  	v45 =	vld.idx.msk [tilespmem:v38+s17+$0x0], $0xffff  }
0x275: {  	v46 =	vld.idx.msk [tilespmem:v39+s17+$0x0], $0xffff;
	_ =	sdelay $0x4  }
0x276: {  	v41 =	vsub.f32 v45, v46;
	_ =	sdelay $0x1  }
0x277: {  	v42 =	vmul.f32 v41, v36;
	_ =	sdelay $0x1  }
0x278: {  	v42 =	vadd.f32 $1.258291200e+07, v42;
	_ =	sdelay $0x1  }
0x279: {  	v42 =	vadd.f32 $-1.258291200e+07, v42;
	_ =	sdelay $0x1  }
0x27a: {  	v42 =	vmul.f32 v42, v33;
	_ =	sdelay $0x1  }
0x27b: {  	v41 =	vsub.f32 v41, v42;
	_ =	sdelay $0x1  }
0x27c: {  	[tilespmem:v21+s23+$0x0] =	vst.idx.msk $0xffff, v41  }
0x27d: {  	v38 =	vld.idx.msk [tilespmem:v38+s18+$0x0], $0xffff  }
0x27e: {  	v39 =	vld.idx.msk [tilespmem:v39+s18+$0x0], $0xffff;
	_ =	sdelay $0x4  }
0x27f: {  	v38 =	vsub.f32 v38, v39;
	_ =	sdelay $0x1  }
0x280: {  	v39 =	vmul.f32 v38, v37;
	_ =	sdelay $0x1  }
0x281: {  	v39 =	vadd.f32 $1.258291200e+07, v39;
	_ =	sdelay $0x1  }
0x282: {  	v39 =	vadd.f32 $-1.258291200e+07, v39;
	_ =	sdelay $0x1  }
0x283: {  	v39 =	vmul.f32 v39, v34;
	_ =	sdelay $0x1  }
0x284: {  	v47 =	vmul.f32 v40, v40;
	v48 =	vmul.f32 v41, v41;
	v38 =	vsub.f32 v38, v39;
	_ =	sdelay $0x1  }
0x285: {  	v39 =	vadd.f32 v48, v47;
	v49 =	vmul.f32 v38, v38;
	_ =	sdelay $0x1  }
0x286: {  	v39 =	vadd.f32 v49, v39  }
0x287: {  	[tilespmem:v22+s23+$0x0] =	vst.idx.msk $0xffff, v38  }
0x288: {  	s19 =	sor.u32 $0xE0, s1;
	[tilespmem:v23+s23+$0x0] =	vst.idx.msk $0xffff, v39  }
0x289: {  	v38 =	vld [tilespmem:s19+$0x0]  }
0x28a: {  	v39 =	vld [tilespmem:s1+$0x14E0];
	_ =	sdelay $0x6  }
0x28b: {  	v50 =	vld.idx.msk [tilespmem:v38+s16+$0x0], $0xffff  }
0x28c: {  	v51 =	vld.idx.msk [tilespmem:v39+s16+$0x0], $0xffff;
	_ =	sdelay $0x4  }
0x28d: {  	v40 =	vsub.f32 v50, v51;
	_ =	sdelay $0x1  }
0x28e: {  	v41 =	vmul.f32 v40, v35;
	_ =	sdelay $0x1  }
0x28f: {  	v41 =	vadd.f32 $1.258291200e+07, v41;
	_ =	sdelay $0x1  }
0x290: {  	v41 =	vadd.f32 $-1.258291200e+07, v41;
	_ =	sdelay $0x1  }
0x291: {  	v41 =	vmul.f32 v41, v32;
	_ =	sdelay $0x1  }
0x292: {  	v40 =	vsub.f32 v40, v41;
	_ =	sdelay $0x1  }
0x293: {  	[tilespmem:v24+s23+$0x0] =	vst.idx.msk $0xffff, v40  }
0x294: {  	v52 =	vld.idx.msk [tilespmem:v38+s17+$0x0], $0xffff  }
0x295: {  	v53 =	vld.idx.msk [tilespmem:v39+s17+$0x0], $0xffff;
	_ =	sdelay $0x4  }
0x296: {  	v41 =	vsub.f32 v52, v53;
	_ =	sdelay $0x1  }
0x297: {  	v42 =	vmul.f32 v41, v36;
	_ =	sdelay $0x1  }
0x298: {  	v42 =	vadd.f32 $1.258291200e+07, v42;
	_ =	sdelay $0x1  }
0x299: {  	v42 =	vadd.f32 $-1.258291200e+07, v42;
	_ =	sdelay $0x1  }
0x29a: {  	v42 =	vmul.f32 v42, v33;
	_ =	sdelay $0x1  }
0x29b: {  	v41 =	vsub.f32 v41, v42;
	_ =	sdelay $0x1  }
0x29c: {  	[tilespmem:v25+s23+$0x0] =	vst.idx.msk $0xffff, v41  }
0x29d: {  	v38 =	vld.idx.msk [tilespmem:v38+s18+$0x0], $0xffff  }
0x29e: {  	v39 =	vld.idx.msk [tilespmem:v39+s18+$0x0], $0xffff;
	_ =	sdelay $0x4  }
0x29f: {  	v38 =	vsub.f32 v38, v39;
	_ =	sdelay $0x1  }
0x2a0: {  	v39 =	vmul.f32 v38, v37;
	_ =	sdelay $0x1  }
0x2a1: {  	v39 =	vadd.f32 $1.258291200e+07, v39;
	_ =	sdelay $0x1  }
0x2a2: {  	v39 =	vadd.f32 $-1.258291200e+07, v39;
	_ =	sdelay $0x1  }
0x2a3: {  	v39 =	vmul.f32 v39, v34;
	_ =	sdelay $0x1  }
0x2a4: {  	v54 =	vmul.f32 v40, v40;
	v55 =	vmul.f32 v41, v41;
	v38 =	vsub.f32 v38, v39;
	_ =	sdelay $0x1  }
0x2a5: {  	v39 =	vadd.f32 v55, v54;
	v56 =	vmul.f32 v38, v38;
	_ =	sdelay $0x1  }
0x2a6: {  	v39 =	vadd.f32 v56, v39  }
0x2a7: {  	[tilespmem:v26+s23+$0x0] =	vst.idx.msk $0xffff, v38  }
0x2a8: {  	s5 =	sor.u32 $0xF0, s1;
	[tilespmem:v27+s23+$0x0] =	vst.idx.msk $0xffff, v39  }
0x2a9: {  	v38 =	vld [tilespmem:s5+$0x0]  }
0x2aa: {  	v39 =	vld [tilespmem:s1+$0x14F0];
	_ =	sdelay $0x6  }
0x2ab: {  	v57 =	vld.idx.msk [tilespmem:v38+s16+$0x0], $0xffff  }
0x2ac: {  	v58 =	vld.idx.msk [tilespmem:v39+s16+$0x0], $0xffff;
	_ =	sdelay $0x4  }
0x2ad: {  	v40 =	vsub.f32 v57, v58;
	_ =	sdelay $0x1  }
0x2ae: {  	v41 =	vmul.f32 v40, v35;
	_ =	sdelay $0x1  }
0x2af: {  	v41 =	vadd.f32 $1.258291200e+07, v41;
	_ =	sdelay $0x1  }
0x2b0: {  	v41 =	vadd.f32 $-1.258291200e+07, v41;
	_ =	sdelay $0x1  }
0x2b1: {  	v41 =	vmul.f32 v41, v32;
	_ =	sdelay $0x1  }
0x2b2: {  	v40 =	vsub.f32 v40, v41;
	_ =	sdelay $0x1  }
0x2b3: {  	[tilespmem:v28+s23+$0x0] =	vst.idx.msk $0xffff, v40  }
0x2b4: {  	v59 =	vld.idx.msk [tilespmem:v38+s17+$0x0], $0xffff  }
0x2b5: {  	v60 =	vld.idx.msk [tilespmem:v39+s17+$0x0], $0xffff;
	_ =	sdelay $0x4  }
0x2b6: {  	v41 =	vsub.f32 v59, v60;
	_ =	sdelay $0x1  }
0x2b7: {  	v42 =	vmul.f32 v41, v36;
	_ =	sdelay $0x1  }
0x2b8: {  	v42 =	vadd.f32 $1.258291200e+07, v42;
	_ =	sdelay $0x1  }
0x2b9: {  	v42 =	vadd.f32 $-1.258291200e+07, v42;
	_ =	sdelay $0x1  }
0x2ba: {  	v42 =	vmul.f32 v42, v33;
	_ =	sdelay $0x1  }
0x2bb: {  	v41 =	vsub.f32 v41, v42;
	_ =	sdelay $0x1  }
0x2bc: {  	[tilespmem:v29+s23+$0x0] =	vst.idx.msk $0xffff, v41  }
0x2bd: {  	v38 =	vld.idx.msk [tilespmem:v38+s18+$0x0], $0xffff  }
0x2be: {  	v39 =	vld.idx.msk [tilespmem:v39+s18+$0x0], $0xffff;
	_ =	sdelay $0x4  }
0x2bf: {  	v38 =	vsub.f32 v38, v39;
	_ =	sdelay $0x1  }
0x2c0: {  	v39 =	vmul.f32 v38, v37;
	_ =	sdelay $0x1  }
0x2c1: {  	v39 =	vadd.f32 $1.258291200e+07, v39;
	_ =	sdelay $0x1  }
0x2c2: {  	v39 =	vadd.f32 $-1.258291200e+07, v39;
	_ =	sdelay $0x1  }
0x2c3: {  	v39 =	vmul.f32 v39, v34;
	_ =	sdelay $0x1  }
0x2c4: {  	v61 =	vmul.f32 v40, v40;
	v62 =	vmul.f32 v41, v41;
	v38 =	vsub.f32 v38, v39;
	_ =	sdelay $0x1  }
0x2c5: {  	v39 =	vadd.f32 v62, v61;
	v63 =	vmul.f32 v38, v38;
	_ =	sdelay $0x1  }
0x2c6: {  	s31 =	sadd.s32 $0x1, s31;
	s19 =	sadd.s32 s11, s0;
	v39 =	vadd.f32 v63, v39  }
0x2c7: {  	p0 =	sne.s32 s31, $0x14;
	s0 =	sshll.u32 s19, $0x4;
	[tilespmem:v30+s23+$0x0] =	vst.idx.msk $0xffff, v38  }
.Ltmp2:
0x2c8: {  	s0 =	sadd.s32 s7, s0;
	[tilespmem:v31+s23+$0x0] =	vst.idx.msk $0xffff, v39;
	(pc) =	sbr.rel @p0 .LBB2_2-.Ltmp2, $4  }
0x2c9: {  	[hbm4b:s0+s3] =	stream.linear.scatter [tilespmem:s23], [sflag:$0x5], $0x4000, $0x38;
	[tilespmem:$0x1A080] =	vst v63  }
0x2ca: {  	_ =	swait.ge [sflag:s14], $0x4000  }
0x2cb: {  	[sflag:s14] =	ssyncset.done $0x0  }
0x2cc: {  	[sflag:s14] =	ssyncadd.s32 $0xFFFFC000  }
0x2cd: {  	s30 =	sadd.s32 $0x1, s30  }
0x2ce: {  	_ =	swait.ge [sflag:s25], $0x4000;
	p0 =	sne.s32 s30, s13  }
.Ltmp3:
0x2cf: {  	[sflag:s25] =	ssyncset.done $0x0;
	(pc) =	sbr.rel @p0 .LBB2_1-.Ltmp3, $4  }
0x2d0: {  	[sflag:s25] =	ssyncadd.s32 $0xFFFFC000  }
0x2d1: {  	_ =	swait.ge [sflag:s26], $0x4000  }
0x2d2: {  	[sflag:s26] =	ssyncset.done $0x0  }
0x2d3: {  	[sflag:s26] =	ssyncadd.s32 $0xFFFFC000  }
0x2d4: {  	_ =	sfence.sel $0x180000  }
0x2d5: {  	[bflag:$0x0] =	sbarrier.arrive $0xFFFF  }
0x2d6: {  	_ =	strace $0x9000004A  }
0x2d7: {  	s0 =	stileid.u32;
	[bflag:$0x2] =	sbarrier.arrive $0xFFFF  }
0x2d8: {  	p0 =	sne.s32 s0, $0x0;
	s0 =	rddreg [dreg:$0x2]  }
0x2d9: {  	s0 =	sadd.s32 @!p0 $0x100000, s0  }
0x2da: {  	[sflag:s0] =	ssyncadd.tile.s32 @!p0 $0x1;
	_ =	shalt  }
.Lfunc_end2:
_tile_overlayer_lowered:
.L_overlay_start_2:
0x2db: {  	(tag) =	ssettag $0x2  }
0x2dc: {  	s0 =	rddreg [dreg:$0x0];
	s2 =	stileid.u32  }
0x2dd: {  	s1 =	rddreg [dreg:$0x1];
	p0 =	sne.s32 s2, $0x0  }
0x2de: {  	s3 =	rddreg [dreg:$0x2];
	[bflag:$0x3] =	sbarrier.arrive $0xFFFF;
	s2 =	simm.s32 @!p0 $0x1C05  }
0x2df: {  	[timem:s3], [sflag:s2] =	dma.local @!p0 [hbm:s0], s1  }
0x2e0: {  	s0 =	simm.s32 @!p0 $0x5  }
0x2e1: {  	_ =	swait.ge @!p0 [sflag:s0], s1  }
0x2e2: {  	s1 =	ssub.s32 @!p0 $0x0, s1;
	[sflag:s0] =	ssyncset.done @!p0 $0x0  }
0x2e3: {  	[sflag:s0] =	ssyncadd.s32 @!p0 s1  }
0x2e4: {  	[bflag:$0x3] =	sbarrier.arrive $0xFFFF  }
0x2e5: {  	_ =	shalt  }

// kernel: kernel.13.cloned.1.call-start
scs
__scs_entry_jumppad:
0x0: {  	(pc) =	sbr.rel $0x88, $3  }
0x1: {  	(tag) =	ssettag $0x0;
	lr =	simm.s32 $0x1  }
0x2: {  	[smem:$0x3F92] =	sst lr;
	_ =	strace $0xD0000000  }
0x3: {  	_ = 	snop  }
0x4: {  	_ = 	snop  }
0x5: {  	_ = 	snop  }
0x6: {  	_ = 	snop  }
0x7: {  	_ = 	snop  }
__scs_overlays_trampoline_lowered:
0x8: {  	[smem:$0x3FA1] =	sst s0  }
0x9: {  	[smem:$0x3FA2] =	sst s1  }
0xa: {  	[smem:$0x3FA3] =	sst s2  }
0xb: {  	[smem:$0x3FA4] =	sst s3  }
0xc: {  	[smem:$0x3FA5] =	sst s4  }
0xd: {  	[smem:$0x3FA6] =	sst s5  }
0xe: {  	[smem:$0x3FA7] =	sst s6  }
0xf: {  	[smem:$0x3FA8] =	sst s7  }
0x10: {  	[smem:$0x3FA9] =	sst s8  }
0x11: {  	[smem:$0x3FAA] =	sst s9;
	s0 =	simm.s32 @!p0 $0x0  }
0x12: {  	s1 =	sld [smem:$0x3F90];
	s0 =	simm.s32 @p0 $0x1  }
0x13: {  	[smem:$0x3FAB] =	sst s0;
	s0 =	simm.s32 @!p1 $0x0  }
0x14: {  	s2 =	sld [smem:$0x3F8F];
	s0 =	simm.s32 @p1 $0x1  }
0x15: {  	[smem:$0x3FAC] =	sst s0;
	s0 =	simm.s32 @!p2 $0x0  }
0x16: {  	s3 =	sld [smem:$0x3FDB];
	s0 =	simm.s32 @p2 $0x1  }
0x17: {  	s4 =	simm.s32 $0x1BF5;
	[smem:$0x3FAE] =	sst s0  }
0x18: {  	s0 =	sld [smem:$0x3F91];
	_ =	swait.ge [sflag:s4], $0x0  }
0x19: {  	s7 =	sld [smem:$0x3F92]  }
0x1a: {  	s8 =	sadd.s32 $0xFFFFE003, lr  }
0x1b: {  	s9 =	sadd.s32 $0xFFFFFEF7, lr;
	s5 =	simm.s32 $0xFFFFFFFF;
	p2 =	slt.u32 s8, $0xFFFFF086  }
0x1c: {  	p1 =	slt.u32 s9, $0xF7A;
	s5 =	simm.s32 @!p2 $0x0  }
0x1d: {  	s5 =	simm.s32 @p1 $0x1;
	p0 =	seq.s32 s7, s2  }
0x1e: {  	s7 =	smul.u32 @!p0 $0xF7A, s2;
	p2 =	seq.s32 @!p0 s5, $0x0  }
0x1f: {  	s9 =	smul.u32 $0xF7A, s1;
	s8 =	simm.s32 @!p0 $0x1BF5;
	p2 =	por !p2, p0  }
0x20: {  	[sflag:s8] =	ssyncset.s32 @!p0 $0xFFFFF086;
	s6 =	sadd.s32 @!p0 s3, s7;
	s7 =	simm.s32 @!p0 $0x108  }
0x21: {  	s3 =	sadd.s32 s3, s9;
	s6 =	sadd.s32 @!p0 $0x88, s6;
	s7 =	simm.s32 @p2 $0x1082  }
0x22: {  	[simem:s7], [sflag:s8] =	dma.local @!p0 [hbm:s6], $0xF7A  }
0x23: {  	s9 =	sor.u32 $0xD0000000, s2;
	s6 =	simm.s32 $0x108;
	_ =	swait.ge @!p0 [sflag:s8], $0x0  }
0x24: {  	s3 =	sadd.s32 $0x88, s3;
	s6 =	simm.s32 @!p1 $0x1082;
	[sflag:s4] =	ssyncset.s32 $0xFFFFF086  }
0x25: {  	[simem:s6], [sflag:s4] =	dma.local [hbm:s3], $0xF7A  }
0x26: {  	[smem:$0x3F92] =	sst s1;
	(tag) =	ssettag s2;
	_ =	strace s9  }
0x27: {  	s1 =	sld [smem:$0x3FA2]  }
0x28: {  	s2 =	sld [smem:$0x3FA3]  }
0x29: {  	s4 =	sld [smem:$0x3FA5]  }
0x2a: {  	p0 =	seq.s32 s5, $0x0;
	s5 =	sld [smem:$0x3FA6]  }
0x2b: {  	s6 =	sld [smem:$0x3FA7]  }
0x2c: {  	s7 =	sld [smem:$0x3FA8]  }
0x2d: {  	s3 =	simm.s32 $0x108;
	s8 =	sld [smem:$0x3FA9]  }
0x2e: {  	s3 =	simm.s32 @!p0 $0x1082;
	s9 =	sld [smem:$0x3FAA]  }
0x2f: {  	lr =	sadd.s32 s0, s3;
	s0 =	sld [smem:$0x3FA1]  }
0x30: {  	s3 =	sld [smem:$0x3FA4]  }
0x31: {  	[smem:$0x3FAD] =	sst s10  }
0x32: {  	s10 =	sld [smem:$0x3FAB];
	_ =	sdelay $0x3  }
0x33: {  	p0 =	seq.s32 s10, $0x1;
	s10 =	sld [smem:$0x3FAD];
	_ =	sdelay $0x3  }
0x34: {  	[smem:$0x3FAD] =	sst s10  }
0x35: {  	s10 =	sld [smem:$0x3FAC];
	_ =	sdelay $0x3  }
0x36: {  	p1 =	seq.s32 s10, $0x1;
	s10 =	sld [smem:$0x3FAD];
	_ =	sdelay $0x3  }
0x37: {  	[smem:$0x3FAD] =	sst s10  }
0x38: {  	s10 =	sld [smem:$0x3FAE]  }
0x39: {  	_ = 	snop;
	(pc) =	sbr.ind lr, $3  }
0x3a: {  	_ = 	snop  }
0x3b: {  	_ = 	snop  }
0x3c: {  	p2 =	seq.s32 s10, $0x1;
	s10 =	sld [smem:$0x3FAD]  }
0x3d: {  	_ =	shalt  }
0x3e: {  	_ =	shalt  }
0x3f: {  	_ =	shalt  }
0x40: {  	_ =	shalt  }
0x41: {  	_ =	shalt  }
0x42: {  	_ =	shalt  }
0x43: {  	_ =	shalt  }
0x44: {  	_ =	shalt  }
0x45: {  	_ =	shalt  }
0x46: {  	_ =	shalt  }
0x47: {  	_ =	shalt  }
0x48: {  	_ =	shalt  }
0x49: {  	_ =	shalt  }
0x4a: {  	_ =	shalt  }
0x4b: {  	_ =	shalt  }
0x4c: {  	_ =	shalt  }
0x4d: {  	_ =	shalt  }
0x4e: {  	_ =	shalt  }
0x4f: {  	_ =	shalt  }
0x50: {  	_ =	shalt  }
0x51: {  	_ =	shalt  }
0x52: {  	_ =	shalt  }
0x53: {  	_ =	shalt  }
0x54: {  	_ =	shalt  }
0x55: {  	_ =	shalt  }
0x56: {  	_ =	shalt  }
0x57: {  	_ =	shalt  }
0x58: {  	_ =	shalt  }
0x59: {  	_ =	shalt  }
0x5a: {  	_ =	shalt  }
0x5b: {  	_ =	shalt  }
0x5c: {  	_ =	shalt  }
0x5d: {  	_ =	shalt  }
0x5e: {  	_ =	shalt  }
0x5f: {  	_ =	shalt  }
0x60: {  	_ =	shalt  }
0x61: {  	_ =	shalt  }
0x62: {  	_ =	shalt  }
0x63: {  	_ =	shalt  }
0x64: {  	_ =	shalt  }
0x65: {  	_ =	shalt  }
0x66: {  	_ =	shalt  }
0x67: {  	_ =	shalt  }
0x68: {  	_ =	shalt  }
0x69: {  	_ =	shalt  }
0x6a: {  	_ =	shalt  }
0x6b: {  	_ =	shalt  }
0x6c: {  	_ =	shalt  }
0x6d: {  	_ =	shalt  }
0x6e: {  	_ =	shalt  }
0x6f: {  	_ =	shalt  }
0x70: {  	_ =	shalt  }
0x71: {  	_ =	shalt  }
0x72: {  	_ =	shalt  }
0x73: {  	_ =	shalt  }
0x74: {  	_ =	shalt  }
0x75: {  	_ =	shalt  }
0x76: {  	_ =	shalt  }
0x77: {  	_ =	shalt  }
0x78: {  	_ =	shalt  }
0x79: {  	_ =	shalt  }
0x7a: {  	_ =	shalt  }
0x7b: {  	_ =	shalt  }
0x7c: {  	_ =	shalt  }
0x7d: {  	_ =	shalt  }
0x7e: {  	_ =	shalt  }
0x7f: {  	_ =	shalt  }
0x80: {  	_ =	shalt  }
0x81: {  	_ =	shalt  }
0x82: {  	_ =	shalt  }
0x83: {  	_ =	shalt  }
0x84: {  	_ =	shalt  }
0x85: {  	_ =	shalt  }
0x86: {  	_ =	shalt  }
0x87: {  	_ =	shalt  }
.Lfunc_end0:
.L_simem_size_0:
called_computation.1_lowered:
.L_overlay_start_0:
0x88: {  	s2 =	sld [smem:$0x3FD9]  }
0x89: {  	s3 =	sld [smem:$0x3FFE];
	_ =	sdelay $0x1  }
0x8a: {  	s1 =	srdreg.scid  }
0x8b: {  	s0 =	sand.u32 $0x1, s1  }
0x8c: {  	s17 =	sshll.u32 s0, $0xA;
	s2 =	sadd.s32 s3, s2  }
0x8d: {  	s2 =	sadd.s32 s2, s17  }
0x8e: {  	[smem:$0x3FB9] =	sst s2  }
0x8f: {  	_ = 	snop  }
0x90: {  	(tm) =	ssettm $0x1  }
0x91: {  	s18 =	sld [smem:$0x3FFB];
	_ =	sdelay $0x3  }
0x92: {  	_ =	strace s18  }
0x93: {  	s2 =	sld [smem:$0x3FFC];
	_ =	sdelay $0x3  }
0x94: {  	_ =	strace s2  }
0x95: {  	s2 =	sld [smem:$0x3FFD];
	_ =	sdelay $0x3  }
0x96: {  	_ =	strace s2  }
0x97: {  	_ =	strace $0x8FFFFFFF  }
0x98: {  	s19 =	sld [smem:$0x3FDB];
	_ =	sdelay $0x1  }
0x99: {  	s20 =	simm.s32 $_scs_section_size  }
0x9a: {  	s4 =	simm.s32 $_size__tile_overlayer_lowered;
	s5 =	simm.s32 $_tile_overlayer_lowered  }
0x9b: {  	s6 =	simm.s32 $0x1BFF;
	s21 =	sshll.u32 s5, $0x1;
	s3 =	sadd.s32 s20, s19  }
0x9c: {  	s22 =	simm.s32 $0x0;
	s4 =	sshll.u32 s4, $0x1;
	s5 =	sadd.s32 s21, s3  }
0x9d: {  	[timem:s22], [sflag:s6] =	dma.local [hbm:s5], s4  }
0x9e: {  	_ =	swait.ge [sflag:s6], s4  }
0x9f: {  	s4 =	ssub.s32 $0x0, s4;
	[sflag:s6] =	ssyncset.done $0x0  }
0xa0: {  	[sflag:s6] =	ssyncadd.s32 s4;
	_ =	sdelay $0x1  }
0xa1: {  	s23 =	simm.s32 $0x1B8B  }
0xa2: {  	_ =	swait.ge [sflag:s23], $0x1  }
0xa3: {  	[sflag:s23] =	ssyncset.done $0x0  }
0xa4: {  	[sflag:s23] =	ssyncadd.s32 $0xFFFFFFFF  }
0xa5: {  	s4 =	sld [smem:$0x0]  }
0xa6: {  	s5 =	sand.u32 $0xFFFFFFFE, s1  }
0xa7: {  	p0 =	sne.s32 s1, s5  }
0xa8: {  	s5 =	sshll.u32 @p0 s5, $0xE  }
0xa9: {  	s5 =	sadd.s32 @p0 $0x11B8D, s5;
	s6 =	sshll.u32 @p0 s4, $0x11  }
0xaa: {  	s5 =	sor.u32 @p0 s6, s5  }
0xab: {  	[sflag:s5] =	ssyncadd.remote.s32 @p0 $0x1;
	_ =	sdelay $0x1  }
0xac: {  	s5 =	simm.s32 @p0 $0x1B8D  }
0xad: {  	_ =	swait.eq @p0 [sflag:s5], $0x1  }
0xae: {  	[sflag:s5] =	ssyncadd.s32 @p0 $0xFFFFFFFF  }
0xaf: {  	s6 =	sshll.u32 @!p0 s1, $0xE  }
0xb0: {  	s6 =	sor.u32 @!p0 $0x4000, s6;
	s5 =	simm.s32 @!p0 $0x1B8D  }
0xb1: {  	s4 =	sshll.u32 @!p0 s4, $0x11;
	s6 =	sadd.s32 @!p0 $0x11B8D, s6;
	_ =	swait.eq @!p0 [sflag:s5], $0x1  }
0xb2: {  	s4 =	sor.u32 @!p0 s4, s6;
	[sflag:s5] =	ssyncadd.s32 @!p0 $0xFFFFFFFF  }
0xb3: {  	s25 =	simm.s32 $0x1B8E;
	s24 =	sld [smem:$0x3FFE];
	[sflag:s4] =	ssyncadd.remote.s32 @!p0 $0x1  }
0xb4: {  	s26 =	simm.s32 $execute0_lowered;
	[smem:$0x3FD2] =	sst s25  }
0xb5: {  	s5 =	sshll.u32 s26, $0x1;
	_ =	strace $0x8000004F;
	[dreg:$0x1] =	wrdreg $0xFFFFFFFF  }
0xb6: {  	s28 =	simm.s32 $_size_execute0_lowered;
	s3 =	sadd.s32 s3, s5;
	[dreg:$0x0] =	wrdreg $0x0  }
0xb7: {  	s5 =	sshll.u32 s28, $0x1;
	[dreg:$0x2] =	wrdreg s3  }
0xb8: {  	[dreg:$0x3] =	wrdreg s5  }
0xb9: {  	[dreg:$0x4] =	wrdreg $0xC0  }
0xba: {  	_ =	task [dreg:s22], $0x5FFFF  }
0xbb: {  	[dreg:$0x1] =	wrdreg $0xFFFFFFFF  }
0xbc: {  	[dreg:$0x0] =	wrdreg $0x60  }
0xbd: {  	[dreg:$0x2] =	wrdreg s24  }
0xbe: {  	[dreg:$0x3] =	wrdreg $0x94000  }
0xbf: {  	[dreg:$0x4] =	wrdreg $0x9  }
0xc0: {  	_ =	task.clear_ibuf [dreg:s22], $0x5FFFF;
	_ =	strace $0x9000004F  }
0xc1: {  	s29 =	simm.s32 $0x9;
	_ =	strace $0x80000051  }
0xc2: {  	_ =	swait.ge [sflag:s29], $0x1  }
0xc3: {  	[sflag:s29] =	ssyncadd.s32 $0xFFFFFFFF  }
0xc4: {  	_ =	strace $0x90000051  }
0xc5: {  	_ =	sfence  }
0xc6: {  	s30 =	sld [smem:$0x0];
	_ =	sdelay $0x2  }
0xc7: {  	s31 =	sshll.u32 s1, $0xD;
	s1 =	sshrl.u32 s1, $0x2  }
0xc8: {  	s4 =	sand.u32 $0x4000, s31;
	s1 =	sadd.s32 s1, s30  }
0xc9: {  	s0 =	sor.u32 s4, s0;
	s1 =	sshll.u32 s1, $0x11  }
0xca: {  	s0 =	sor.u32 s1, s0  }
0xcb: {  	s0 =	sadd.s32 $0x8F2B, s0  }
0xcc: {  	[sflag:s0] =	ssyncadd.remote.s32 $0x1  }
0xcd: {  	_ =	sfence.sel $0xFFFF  }
0xce: {  	[dreg:$0x0] =	wrdreg $0xFFFFFFFF;
	(pc) =	sbr.abs _section_cstart, $3  }
0xcf: {  	[dreg:$0x1] =	wrdreg $0xFFFFFFFF  }
0xd0: {  	_ =	task.clear_ibuf [dreg:s22], $0x2FFFF;
	_ =	strace $0x9FFFFFFF  }
0xd1: {  	(tm) =	ssettm $0x7FFFFFFF  }
tec
execute0_lowered:
.L_overlay_start_1:
0x0: {  	(tag) =	ssettag $0x1  }
0x1: {  	s1 =	srdreg.scid;
	s5 =	rddreg [dreg:$0x0]  }
0x2: {  	s0 =	stileid.u32;
	s2 =	rddreg [dreg:$0x1];
	s3 =	simm.s32 $0x0  }
0x3: {  	s17 =	simm.s32 $0x1;
	s18 =	simm.s32 $0x80;
	s9 =	smul.u32 $0x14000, s0  }
0x4: {  	s19 =	simm.s32 $0x2;
	s20 =	simm.s32 $0x1300;
	s11 =	smul.u32 $0x50000, s0  }
0x5: {  	s21 =	simm.s32 $0x1380;
	s6 =	sand.u32 $0x1, s1;
	s28 =	smul.u32 $0x140000, s0  }
0x6: {  	s22 =	sshll.u32 s0, $0x1;
	s1 =	rddreg [dreg:$0x2];
	s8 =	smul.u32 $0x140000, s6  }
0x7: {  	[smem:$0x7FF] =	sst s3;
	s7 =	sor.u32 s6, s22;
	s16 =	smul.u32 $0xA0000, s6  }
0x8: {  	s12 =	sadd.s32 $0x7BBE00, s5;
	s26 =	sshll.u32 s0, $0x6;
	s4 =	smul.u32 $0x280, s7  }
0x9: {  	_ =	strace $0x80000050;
	s23 =	ssub.s32 $0x2, s6;
	s14 =	smul.u32 $0x14000, s7  }
0xa: {  	s22 =	simm.s32 $0x0;
	s13 =	sshrl.u32 s23, $0x1;
	s24 =	smul.u32 $0xA0000, s7  }
0xb: {  	s25 =	sshrl.u32 s11, $0x2;
	s8 =	sadd.s32 s9, s8;
	s9 =	ssub.s32 s23, s13  }
0xc: {  	s15 =	sadd.s32 s25, s2;
	s11 =	sadd.s32 s16, s28;
	s16 =	simm.s32 $0x5400  }
0xd: {  	s10 =	sadd.s32 s4, s5;
	s4 =	sadd.s32 $0x4000, s5;
	s8 =	sshrl.u32 s8, $0x3  }
0xe: {  	s7 =	sadd.s32 s12, s14;
	s9 =	smax.u32 s9, $0x1;
	s29 =	sshrl.u32 s24, $0x3  }
0xf: {  	s30 =	sor.u32 $0x8000, s11;
	s11 =	sor.u32 $0x4000, s11;
	s14 =	simm.s32 $0x3  }
0x10: {  	s8 =	sadd.s32 s8, s5;
	s5 =	sor.u32 $0x1C03, s26;
	s6 =	sadd.s32 $0x2B6E00, s10  }
0x11: {  	s10 =	sadd.s32 s12, s29;
	s13 =	sshrl.u32 s30, $0x3;
	s31 =	sshrl.u32 s11, $0x3  }
0x12: {  	s8 =	sadd.s32 $0x81E00, s8;
	s10 =	sadd.s32 $0x13800, s10;
	s11 =	sadd.s32 s13, s12  }
0x13: {  	s12 =	sadd.s32 s31, s12;
	s13 =	sshrl.u32 s15, $0x3;
	s15 =	simm.s32 $0x1400  }
.LBB2_1:
0x14: {  	[spmem:s13], [sflag:s5] =	dma.local [hbm:s4], $0x2800  }
0x15: {  	_ =	swait.ge [sflag:s14], $0x2800  }
0x16: {  	[sflag:s14] =	ssyncset.done $0x0  }
0x17: {  	[sflag:s14] =	ssyncadd.s32 $0xFFFFD800  }
0x18: {  	[tilespmem:s3], [sflag:$0x3] =	stream.linear.gather [hbm4b:s6+s3], $0x1400, $0x38;
	[tilespmem:$0x1D400] =	vst v63  }
0x19: {  	_ =	swait.ge [sflag:s14], $0x1400  }
0x1a: {  	[sflag:s14] =	ssyncset.done $0x0  }
0x1b: {  	[sflag:s14] =	ssyncadd.s32 $0xFFFFEC00  }
0x1c: {  	[bflag:$0x0] =	sbarrier.arrive $0xFFFF  }
0x1d: {  	[tilespmem:s15], [sflag:$0x1] =	stream.linear.gather [hbm4b:s7+s3], $0x4000, $0x38;
	[tilespmem:$0x1D400] =	vst v63  }
0x1e: {  	s23 =	sadd.s32 $0x0, s12  }
0x1f: {  	[tilespmem:s16], [sflag:$0x2] =	stream.linear.gather [hbm4b:s23+s3], $0x4000, $0x38;
	[tilespmem:$0x1D400] =	vst v63  }
0x20: {  	_ =	swait.ge [sflag:s17], $0x4000  }
0x21: {  	[sflag:s17] =	ssyncset.done $0x0  }
0x22: {  	[sflag:s17] =	ssyncadd.s32 $0xFFFFC000  }
0x23: {  	[spmem:s2] =	stream.indirect.scatter.add.f32 [tilespmem:s15], [sflag:$0x3], $0x80, s3, s18, $0xb8;
	[tilespmem:$0x1D400] =	vst v63  }
0x24: {  	_ =	swait.ge [sflag:s14], $0x4000  }
0x25: {  	[sflag:s14] =	ssyncset.done $0x0  }
0x26: {  	s30 =	sadd.s32 $0x0, s11;
	[sflag:s14] =	ssyncadd.s32 $0xFFFFC000  }
0x27: {  	[tilespmem:s15], [sflag:$0x1] =	stream.linear.gather [hbm4b:s30+s3], $0x4000, $0x38;
	[tilespmem:$0x1D400] =	vst v63  }
0x28: {  	_ =	swait.ge [sflag:s19], $0x4000  }
0x29: {  	[sflag:s19] =	ssyncset.done $0x0  }
0x2a: {  	s31 =	simm.s32 $0x80;
	[sflag:s19] =	ssyncadd.s32 $0xFFFFC000  }
0x2b: {  	[spmem:s2] =	stream.indirect.scatter.add.f32 [tilespmem:s16], [sflag:$0x3], $0x80, s31, s18, $0xb8;
	[tilespmem:$0x1D400] =	vst v63  }
0x2c: {  	s24 =	simm.s32 $0x1000;
	_ =	swait.ge [sflag:s14], $0x4000  }
0x2d: {  	s25 =	simm.s32 $0x2000;
	s23 =	simm.s32 $0x100;
	[sflag:s14] =	ssyncset.done $0x0  }
.LBB2_2:
0x2e: {  	s26 =	sadd.s32 s24, s12  }
0x2f: {  	[sflag:s14] =	ssyncadd.s32 $0xFFFFC000;
	s28 =	smov.u32 s25;
	s29 =	sadd.s32 $0x1000, s25  }
0x30: {  	[tilespmem:s16], [sflag:$0x2] =	stream.linear.gather [hbm4b:s26+s3], $0x4000, $0x38;
	[tilespmem:$0x1D400] =	vst v63  }
0x31: {  	p0 =	sne.s32 s25, $0x12000;
	_ =	swait.ge [sflag:s17], $0x4000  }
0x32: {  	[sflag:s17] =	ssyncset.done $0x0  }
0x33: {  	[sflag:s17] =	ssyncadd.s32 $0xFFFFC000  }
0x34: {  	[spmem:s2] =	stream.indirect.scatter.add.f32 [tilespmem:s15], [sflag:$0x3], $0x80, s23, s18, $0xb8;
	[tilespmem:$0x1D400] =	vst v63  }
0x35: {  	_ =	swait.ge [sflag:s14], $0x4000  }
0x36: {  	[sflag:s14] =	ssyncset.done $0x0  }
0x37: {  	s25 =	sadd.s32 s24, s11;
	s24 =	smov.u32 s28;
	[sflag:s14] =	ssyncadd.s32 $0xFFFFC000  }
0x38: {  	[tilespmem:s15], [sflag:$0x1] =	stream.linear.gather [hbm4b:s25+s3], $0x4000, $0x38;
	[tilespmem:$0x1D400] =	vst v63  }
0x39: {  	_ =	swait.ge [sflag:s19], $0x4000  }
.Ltmp0:
0x3a: {  	[sflag:s19] =	ssyncset.done $0x0;
	(pc) =	sbr.rel @p0 .LBB2_2-.Ltmp0, $4  }
0x3b: {  	s25 =	sadd.s32 $0x80, s23;
	[sflag:s19] =	ssyncadd.s32 $0xFFFFC000  }
0x3c: {  	[spmem:s2] =	stream.indirect.scatter.add.f32 [tilespmem:s16], [sflag:$0x3], $0x80, s25, s18, $0xb8;
	[tilespmem:$0x1D400] =	vst v63  }
0x3d: {  	_ =	swait.ge [sflag:s14], $0x4000  }
0x3e: {  	s23 =	sadd.s32 $0x100, s23;
	s25 =	smov.u32 s29;
	[sflag:s14] =	ssyncset.done $0x0  }
0x3f: {  	s25 =	sadd.s32 s24, s12;
	[sflag:s14] =	ssyncadd.s32 $0xFFFFC000  }
0x40: {  	[tilespmem:s16], [sflag:$0x2] =	stream.linear.gather [hbm4b:s25+s3], $0x4000, $0x38;
	[tilespmem:$0x1D400] =	vst v63  }
0x41: {  	_ =	swait.ge [sflag:s17], $0x4000  }
0x42: {  	[sflag:s17] =	ssyncset.done $0x0  }
0x43: {  	[sflag:s17] =	ssyncadd.s32 $0xFFFFC000  }
0x44: {  	[spmem:s2] =	stream.indirect.scatter.add.f32 [tilespmem:s15], [sflag:$0x3], $0x80, s23, s18, $0xb8;
	[tilespmem:$0x1D400] =	vst v63  }
0x45: {  	_ =	swait.ge [sflag:s14], $0x4000  }
0x46: {  	[sflag:s14] =	ssyncset.done $0x0  }
0x47: {  	s30 =	sadd.s32 s24, s11;
	[sflag:s14] =	ssyncadd.s32 $0xFFFFC000  }
0x48: {  	[tilespmem:s15], [sflag:$0x1] =	stream.linear.gather [hbm4b:s30+s3], $0x4000, $0x38;
	[tilespmem:$0x1D400] =	vst v63  }
0x49: {  	_ =	swait.ge [sflag:s19], $0x4000  }
0x4a: {  	[sflag:s19] =	ssyncset.done $0x0  }
0x4b: {  	s31 =	sadd.s32 $0x80, s23;
	[sflag:s19] =	ssyncadd.s32 $0xFFFFC000  }
0x4c: {  	[spmem:s2] =	stream.indirect.scatter.add.f32 [tilespmem:s16], [sflag:$0x3], $0x80, s31, s18, $0xb8;
	[tilespmem:$0x1D400] =	vst v63  }
0x4d: {  	_ =	swait.ge [sflag:s14], $0x4000  }
0x4e: {  	[sflag:s14] =	ssyncset.done $0x0  }
0x4f: {  	[sflag:s14] =	ssyncadd.s32 $0xFFFFC000  }
0x50: {  	[tilespmem:s16], [sflag:$0x2] =	stream.linear.gather [hbm4b:s10+s3], $0x4000, $0x38;
	[tilespmem:$0x1D400] =	vst v63  }
0x51: {  	_ =	swait.ge [sflag:s17], $0x4000  }
0x52: {  	[sflag:s17] =	ssyncset.done $0x0  }
0x53: {  	[sflag:s17] =	ssyncadd.s32 $0xFFFFC000  }
0x54: {  	[spmem:s2] =	stream.indirect.scatter.add.f32 [tilespmem:s15], [sflag:$0x3], $0x80, s20, s18, $0xb8;
	[tilespmem:$0x1D400] =	vst v63  }
0x55: {  	_ =	swait.ge [sflag:s14], $0x4000  }
0x56: {  	[sflag:s14] =	ssyncset.done $0x0  }
0x57: {  	[sflag:s14] =	ssyncadd.s32 $0xFFFFC000  }
0x58: {  	[tilespmem:s15], [sflag:$0x1] =	stream.linear.gather [hbm4b:s10+s3], $0x4000, $0x38;
	[tilespmem:$0x1D400] =	vst v63  }
0x59: {  	_ =	swait.ge [sflag:s19], $0x4000  }
0x5a: {  	[sflag:s19] =	ssyncset.done $0x0  }
0x5b: {  	[sflag:s19] =	ssyncadd.s32 $0xFFFFC000  }
0x5c: {  	[spmem:s2] =	stream.indirect.scatter.add.f32 [tilespmem:s16], [sflag:$0x3], $0x80, s21, s18, $0xb8;
	[tilespmem:$0x1D400] =	vst v63  }
0x5d: {  	_ =	swait.ge [sflag:s14], $0x4000  }
0x5e: {  	[sflag:s14] =	ssyncset.done $0x0  }
0x5f: {  	[sflag:s14] =	ssyncadd.s32 $0xFFFFC000  }
0x60: {  	_ =	swait.ge [sflag:s17], $0x4000  }
0x61: {  	s22 =	sadd.s32 $0x1, s22;
	[sflag:s17] =	ssyncset.done $0x0  }
0x62: {  	p0 =	sne.s32 s22, s9;
	[sflag:s17] =	ssyncadd.s32 $0xFFFFC000  }
.Ltmp1:
0x63: {  	[bflag:$0x0] =	sbarrier.arrive $0xFFFF;
	(pc) =	sbr.rel @p0 .LBB2_1-.Ltmp1, $4  }
0x64: {  	[hbm:s8], [sflag:s5] =	dma.local [spmem:s13], $0x2800  }
0x65: {  	_ =	swait.ge [sflag:s14], $0x2800  }
0x66: {  	[sflag:s14] =	ssyncset.done $0x0  }
0x67: {  	[sflag:s14] =	ssyncadd.s32 $0xFFFFD800  }
0x68: {  	_ =	sfence.sel $0x180000  }
0x69: {  	[bflag:$0x0] =	sbarrier.arrive $0xFFFF  }
0x6a: {  	p0 =	sne.s32 s0, $0x0;
	_ =	strace $0x90000050  }
0x6b: {  	s0 =	sadd.s32 @!p0 $0x100000, s1;
	[bflag:$0x2] =	sbarrier.arrive $0xFFFF  }
0x6c: {  	[sflag:s0] =	ssyncadd.tile.s32 @!p0 $0x1;
	_ =	shalt  }
.Lfunc_end2:
_tile_overlayer_lowered:
.L_overlay_start_2:
0x6d: {  	(tag) =	ssettag $0x2  }
0x6e: {  	s0 =	rddreg [dreg:$0x0];
	s2 =	stileid.u32  }
0x6f: {  	s1 =	rddreg [dreg:$0x1];
	p0 =	sne.s32 s2, $0x0  }
0x70: {  	s3 =	rddreg [dreg:$0x2];
	[bflag:$0x3] =	sbarrier.arrive $0xFFFF;
	s2 =	simm.s32 @!p0 $0x1C03  }
0x71: {  	[timem:s3], [sflag:s2] =	dma.local @!p0 [hbm:s0], s1  }
0x72: {  	s0 =	simm.s32 @!p0 $0x3  }
0x73: {  	_ =	swait.ge @!p0 [sflag:s0], s1  }
0x74: {  	s1 =	ssub.s32 @!p0 $0x0, s1;
	[sflag:s0] =	ssyncset.done @!p0 $0x0  }
0x75: {  	[sflag:s0] =	ssyncadd.s32 @!p0 s1  }
0x76: {  	[bflag:$0x3] =	sbarrier.arrive $0xFFFF  }
0x77: {  	_ =	shalt  }

// kernel: kernel.16.cloned.1.call-start
scs
__scs_entry_jumppad:
0x0: {  	(pc) =	sbr.rel $0x88, $3  }
0x1: {  	(tag) =	ssettag $0x0;
	lr =	simm.s32 $0x1  }
0x2: {  	[smem:$0x3F92] =	sst lr;
	_ =	strace $0xD0000000  }
0x3: {  	_ = 	snop  }
0x4: {  	_ = 	snop  }
0x5: {  	_ = 	snop  }
0x6: {  	_ = 	snop  }
0x7: {  	_ = 	snop  }
__scs_overlays_trampoline_lowered:
0x8: {  	[smem:$0x3FA1] =	sst s0  }
0x9: {  	[smem:$0x3FA2] =	sst s1  }
0xa: {  	[smem:$0x3FA3] =	sst s2  }
0xb: {  	[smem:$0x3FA4] =	sst s3  }
0xc: {  	[smem:$0x3FA5] =	sst s4  }
0xd: {  	[smem:$0x3FA6] =	sst s5  }
0xe: {  	[smem:$0x3FA7] =	sst s6  }
0xf: {  	[smem:$0x3FA8] =	sst s7  }
0x10: {  	[smem:$0x3FA9] =	sst s8  }
0x11: {  	[smem:$0x3FAA] =	sst s9;
	s0 =	simm.s32 @!p0 $0x0  }
0x12: {  	s1 =	sld [smem:$0x3F90];
	s0 =	simm.s32 @p0 $0x1  }
0x13: {  	[smem:$0x3FAB] =	sst s0;
	s0 =	simm.s32 @!p1 $0x0  }
0x14: {  	s2 =	sld [smem:$0x3F8F];
	s0 =	simm.s32 @p1 $0x1  }
0x15: {  	[smem:$0x3FAC] =	sst s0;
	s0 =	simm.s32 @!p2 $0x0  }
0x16: {  	s3 =	sld [smem:$0x3FDB];
	s0 =	simm.s32 @p2 $0x1  }
0x17: {  	s4 =	simm.s32 $0x1BF5;
	[smem:$0x3FAE] =	sst s0  }
0x18: {  	s0 =	sld [smem:$0x3F91];
	_ =	swait.ge [sflag:s4], $0x0  }
0x19: {  	s7 =	sld [smem:$0x3F92]  }
0x1a: {  	s8 =	sadd.s32 $0xFFFFE003, lr  }
0x1b: {  	s9 =	sadd.s32 $0xFFFFFEF7, lr;
	s5 =	simm.s32 $0xFFFFFFFF;
	p2 =	slt.u32 s8, $0xFFFFF086  }
0x1c: {  	p1 =	slt.u32 s9, $0xF7A;
	s5 =	simm.s32 @!p2 $0x0  }
0x1d: {  	s5 =	simm.s32 @p1 $0x1;
	p0 =	seq.s32 s7, s2  }
0x1e: {  	s7 =	smul.u32 @!p0 $0xF7A, s2;
	p2 =	seq.s32 @!p0 s5, $0x0  }
0x1f: {  	s9 =	smul.u32 $0xF7A, s1;
	s8 =	simm.s32 @!p0 $0x1BF5;
	p2 =	por !p2, p0  }
0x20: {  	[sflag:s8] =	ssyncset.s32 @!p0 $0xFFFFF086;
	s6 =	sadd.s32 @!p0 s3, s7;
	s7 =	simm.s32 @!p0 $0x108  }
0x21: {  	s3 =	sadd.s32 s3, s9;
	s6 =	sadd.s32 @!p0 $0x88, s6;
	s7 =	simm.s32 @p2 $0x1082  }
0x22: {  	[simem:s7], [sflag:s8] =	dma.local @!p0 [hbm:s6], $0xF7A  }
0x23: {  	s9 =	sor.u32 $0xD0000000, s2;
	s6 =	simm.s32 $0x108;
	_ =	swait.ge @!p0 [sflag:s8], $0x0  }
0x24: {  	s3 =	sadd.s32 $0x88, s3;
	s6 =	simm.s32 @!p1 $0x1082;
	[sflag:s4] =	ssyncset.s32 $0xFFFFF086  }
0x25: {  	[simem:s6], [sflag:s4] =	dma.local [hbm:s3], $0xF7A  }
0x26: {  	[smem:$0x3F92] =	sst s1;
	(tag) =	ssettag s2;
	_ =	strace s9  }
0x27: {  	s1 =	sld [smem:$0x3FA2]  }
0x28: {  	s2 =	sld [smem:$0x3FA3]  }
0x29: {  	s4 =	sld [smem:$0x3FA5]  }
0x2a: {  	p0 =	seq.s32 s5, $0x0;
	s5 =	sld [smem:$0x3FA6]  }
0x2b: {  	s6 =	sld [smem:$0x3FA7]  }
0x2c: {  	s7 =	sld [smem:$0x3FA8]  }
0x2d: {  	s3 =	simm.s32 $0x108;
	s8 =	sld [smem:$0x3FA9]  }
0x2e: {  	s3 =	simm.s32 @!p0 $0x1082;
	s9 =	sld [smem:$0x3FAA]  }
0x2f: {  	lr =	sadd.s32 s0, s3;
	s0 =	sld [smem:$0x3FA1]  }
0x30: {  	s3 =	sld [smem:$0x3FA4]  }
0x31: {  	[smem:$0x3FAD] =	sst s10  }
0x32: {  	s10 =	sld [smem:$0x3FAB];
	_ =	sdelay $0x3  }
0x33: {  	p0 =	seq.s32 s10, $0x1;
	s10 =	sld [smem:$0x3FAD];
	_ =	sdelay $0x3  }
0x34: {  	[smem:$0x3FAD] =	sst s10  }
0x35: {  	s10 =	sld [smem:$0x3FAC];
	_ =	sdelay $0x3  }
0x36: {  	p1 =	seq.s32 s10, $0x1;
	s10 =	sld [smem:$0x3FAD];
	_ =	sdelay $0x3  }
0x37: {  	[smem:$0x3FAD] =	sst s10  }
0x38: {  	s10 =	sld [smem:$0x3FAE]  }
0x39: {  	_ = 	snop;
	(pc) =	sbr.ind lr, $3  }
0x3a: {  	_ = 	snop  }
0x3b: {  	_ = 	snop  }
0x3c: {  	p2 =	seq.s32 s10, $0x1;
	s10 =	sld [smem:$0x3FAD]  }
0x3d: {  	_ =	shalt  }
0x3e: {  	_ =	shalt  }
0x3f: {  	_ =	shalt  }
0x40: {  	_ =	shalt  }
0x41: {  	_ =	shalt  }
0x42: {  	_ =	shalt  }
0x43: {  	_ =	shalt  }
0x44: {  	_ =	shalt  }
0x45: {  	_ =	shalt  }
0x46: {  	_ =	shalt  }
0x47: {  	_ =	shalt  }
0x48: {  	_ =	shalt  }
0x49: {  	_ =	shalt  }
0x4a: {  	_ =	shalt  }
0x4b: {  	_ =	shalt  }
0x4c: {  	_ =	shalt  }
0x4d: {  	_ =	shalt  }
0x4e: {  	_ =	shalt  }
0x4f: {  	_ =	shalt  }
0x50: {  	_ =	shalt  }
0x51: {  	_ =	shalt  }
0x52: {  	_ =	shalt  }
0x53: {  	_ =	shalt  }
0x54: {  	_ =	shalt  }
0x55: {  	_ =	shalt  }
0x56: {  	_ =	shalt  }
0x57: {  	_ =	shalt  }
0x58: {  	_ =	shalt  }
0x59: {  	_ =	shalt  }
0x5a: {  	_ =	shalt  }
0x5b: {  	_ =	shalt  }
0x5c: {  	_ =	shalt  }
0x5d: {  	_ =	shalt  }
0x5e: {  	_ =	shalt  }
0x5f: {  	_ =	shalt  }
0x60: {  	_ =	shalt  }
0x61: {  	_ =	shalt  }
0x62: {  	_ =	shalt  }
0x63: {  	_ =	shalt  }
0x64: {  	_ =	shalt  }
0x65: {  	_ =	shalt  }
0x66: {  	_ =	shalt  }
0x67: {  	_ =	shalt  }
0x68: {  	_ =	shalt  }
0x69: {  	_ =	shalt  }
0x6a: {  	_ =	shalt  }
0x6b: {  	_ =	shalt  }
0x6c: {  	_ =	shalt  }
0x6d: {  	_ =	shalt  }
0x6e: {  	_ =	shalt  }
0x6f: {  	_ =	shalt  }
0x70: {  	_ =	shalt  }
0x71: {  	_ =	shalt  }
0x72: {  	_ =	shalt  }
0x73: {  	_ =	shalt  }
0x74: {  	_ =	shalt  }
0x75: {  	_ =	shalt  }
0x76: {  	_ =	shalt  }
0x77: {  	_ =	shalt  }
0x78: {  	_ =	shalt  }
0x79: {  	_ =	shalt  }
0x7a: {  	_ =	shalt  }
0x7b: {  	_ =	shalt  }
0x7c: {  	_ =	shalt  }
0x7d: {  	_ =	shalt  }
0x7e: {  	_ =	shalt  }
0x7f: {  	_ =	shalt  }
0x80: {  	_ =	shalt  }
0x81: {  	_ =	shalt  }
0x82: {  	_ =	shalt  }
0x83: {  	_ =	shalt  }
0x84: {  	_ =	shalt  }
0x85: {  	_ =	shalt  }
0x86: {  	_ =	shalt  }
0x87: {  	_ =	shalt  }
.Lfunc_end0:
.L_simem_size_0:
called_computation.2_lowered:
.L_overlay_start_0:
0x88: {  	s2 =	sld [smem:$0x3FD9]  }
0x89: {  	s3 =	sld [smem:$0x3FFE];
	_ =	sdelay $0x1  }
0x8a: {  	s1 =	srdreg.scid  }
0x8b: {  	s0 =	sand.u32 $0x1, s1  }
0x8c: {  	s14 =	sshll.u32 s0, $0xA;
	s2 =	sadd.s32 s3, s2  }
0x8d: {  	s2 =	sadd.s32 s2, s14  }
0x8e: {  	[smem:$0x3FB9] =	sst s2  }
0x8f: {  	_ = 	snop  }
0x90: {  	s2 =	sld [smem:$0x3FD0];
	_ =	sdelay $0x2  }
0x91: {  	s15 =	simm.s32 $0xB;
	s4 =	simm.s32 $0x10  }
0x92: {  	[smem:s4], [sflag:s15] =	dma.local [hbm:s2], $0x1  }
0x93: {  	_ =	swait.eq [sflag:s15], $0x1  }
0x94: {  	[sflag:s15] =	ssyncset.done $0x0  }
0x95: {  	s16 =	sld [smem:$0x10];
	[sflag:s15] =	ssyncadd.s32 $0xFFFFFFFF  }
0x96: {  	s17 =	sld [smem:$0x11];
	(tm) =	ssettm $0x1  }
0x97: {  	s18 =	sld [smem:$0x3FFB];
	_ =	sdelay $0x3  }
0x98: {  	_ =	strace s18  }
0x99: {  	s4 =	sld [smem:$0x3FFC];
	_ =	sdelay $0x3  }
0x9a: {  	_ =	strace s4  }
0x9b: {  	s4 =	sld [smem:$0x3FFD];
	_ =	sdelay $0x3  }
0x9c: {  	_ =	strace s4  }
0x9d: {  	_ =	strace $0x8FFFFFFF  }
0x9e: {  	s19 =	sld [smem:$0x3FDB];
	_ =	sdelay $0x1  }
0x9f: {  	s5 =	simm.s32 $_scs_section_size  }
0xa0: {  	s6 =	simm.s32 $_size__tile_overlayer_lowered;
	s7 =	simm.s32 $_tile_overlayer_lowered  }
0xa1: {  	s22 =	simm.s32 $0x1BFF;
	s21 =	sshll.u32 s7, $0x1;
	s4 =	sadd.s32 s5, s19  }
0xa2: {  	s8 =	simm.s32 $0x0;
	s20 =	sshll.u32 s6, $0x1;
	s6 =	sadd.s32 s21, s4  }
0xa3: {  	[timem:s8], [sflag:s22] =	dma.local [hbm:s6], s20  }
0xa4: {  	_ =	swait.ge [sflag:s22], s20  }
0xa5: {  	s5 =	ssub.s32 $0x0, s20;
	[sflag:s22] =	ssyncset.done $0x0  }
0xa6: {  	[sflag:s22] =	ssyncadd.s32 s5;
	_ =	sdelay $0x1  }
0xa7: {  	s23 =	simm.s32 $0x1B8B  }
0xa8: {  	_ =	swait.ge [sflag:s23], $0x1  }
0xa9: {  	[sflag:s23] =	ssyncset.done $0x0  }
0xaa: {  	s25 =	simm.s32 $0x1B8E;
	s24 =	sld [smem:$0x3FFE];
	[sflag:s23] =	ssyncadd.s32 $0xFFFFFFFF  }
0xab: {  	s26 =	simm.s32 $execute0_lowered;
	[smem:$0x3FD2] =	sst s25  }
0xac: {  	s6 =	sshll.u32 s26, $0x1;
	_ =	strace $0x80000046;
	[dreg:$0x1] =	wrdreg $0xFFFFFFFF  }
0xad: {  	s28 =	simm.s32 $_size_execute0_lowered;
	s4 =	sadd.s32 s4, s6;
	[dreg:$0x0] =	wrdreg $0x0  }
0xae: {  	s6 =	sshll.u32 s28, $0x1;
	[dreg:$0x2] =	wrdreg s4  }
0xaf: {  	[dreg:$0x3] =	wrdreg s6  }
0xb0: {  	[dreg:$0x4] =	wrdreg $0xC0  }
0xb1: {  	_ =	task [dreg:s8], $0x5FFFF  }
0xb2: {  	[dreg:$0x1] =	wrdreg $0xFFFFFFFF  }
0xb3: {  	[dreg:$0x0] =	wrdreg $0x60  }
0xb4: {  	[dreg:$0x2] =	wrdreg s24  }
0xb5: {  	[dreg:$0x3] =	wrdreg s17  }
0xb6: {  	[dreg:$0x4] =	wrdreg s16  }
0xb7: {  	[dreg:$0x5] =	wrdreg $0xA  }
0xb8: {  	_ =	task.clear_ibuf [dreg:s8], $0x6FFFF;
	_ =	strace $0x90000046  }
0xb9: {  	s29 =	simm.s32 $0xA;
	_ =	strace $0x80000048  }
0xba: {  	_ =	swait.ge [sflag:s29], $0x1  }
0xbb: {  	[sflag:s29] =	ssyncadd.s32 $0xFFFFFFFF  }
0xbc: {  	_ =	strace $0x90000048  }
0xbd: {  	_ =	sfence  }
0xbe: {  	s30 =	sld [smem:$0x0];
	_ =	sdelay $0x2  }
0xbf: {  	s31 =	sshll.u32 s1, $0xD;
	s1 =	sshrl.u32 s1, $0x2  }
0xc0: {  	s3 =	sand.u32 $0x4000, s31;
	s1 =	sadd.s32 s1, s30  }
0xc1: {  	s0 =	sor.u32 s3, s0;
	s1 =	sshll.u32 s1, $0x11  }
0xc2: {  	s0 =	sor.u32 s1, s0  }
0xc3: {  	s0 =	sadd.s32 $0x8F2B, s0  }
0xc4: {  	[sflag:s0] =	ssyncadd.remote.s32 $0x1  }
0xc5: {  	_ =	sfence.sel $0xFFFF  }
0xc6: {  	[dreg:$0x0] =	wrdreg $0xFFFFFFFF;
	(pc) =	sbr.abs _section_cstart, $3  }
0xc7: {  	[dreg:$0x1] =	wrdreg $0xFFFFFFFF  }
0xc8: {  	_ =	task.clear_ibuf [dreg:s8], $0x2FFFF;
	_ =	strace $0x9FFFFFFF  }
0xc9: {  	(tm) =	ssettm $0x7FFFFFFF  }
tec
execute0_lowered:
.L_overlay_start_1:
0x0: {  	(tag) =	ssettag $0x1  }
0x1: {  	s0 =	rddreg [dreg:$0x0]  }
0x2: {  	s1 =	rddreg [dreg:$0x2];
	v0 =	vlaneseq.u32  }
0x3: {  	s2 =	srdreg.scid;
	s4 =	stileid.u32;
	s3 =	simm.s32 $0x0;
	v31 =	vmul.u32 $0x80, v0  }
0x4: {  	s14 =	simm.s32 $0x5;
	s15 =	simm.s32 $0x1400;
	s16 =	simm.s32 $0x2800  }
0x5: {  	s17 =	simm.s32 $0x5000;
	s18 =	simm.s32 $0x7800;
	s20 =	simm.s32 $0x80;
	v0 =	vor.u32 $0x40, v31;
	v1 =	vor.u32 $0x41, v31  }
0x6: {  	s21 =	simm.s32 $0xA080;
	s22 =	simm.s32 $0x12080;
	s23 =	simm.s32 $0xE080;
	v2 =	vor.u32 $0x42, v31;
	v3 =	vor.u32 $0x43, v31;
	v4 =	vor.u32 $0x840, v31  }
0x7: {  	s24 =	simm.s32 $0x16080;
	s25 =	simm.s32 $0x1;
	s26 =	simm.s32 $0x3;
	v5 =	vor.u32 $0x841, v31;
	v6 =	vor.u32 $0x842, v31;
	v7 =	vor.u32 $0x843, v31  }
0x8: {  	s28 =	simm.s32 $0x2;
	s29 =	simm.s32 $0x4;
	s30 =	simm.s32 $0x0;
	v8 =	vor.u32 $0x1040, v31;
	v9 =	vor.u32 $0x1041, v31;
	v10 =	vor.u32 $0x1042, v31  }
0x9: {  	s2 =	sand.u32 $0x1, s2;
	s4 =	sshll.u32 s4, $0x1;
	[smem:$0x7FF] =	sst s3;
	v11 =	vor.u32 $0x1043, v31;
	v12 =	vor.u32 $0x1840, v31;
	v13 =	vor.u32 $0x1841, v31  }
0xa: {  	s6 =	sadd.s32 $0x9600, s0;
	s7 =	sadd.s32 $0x31C00, s0;
	s8 =	sadd.s32 $0x31E00, s0;
	v14 =	vor.u32 $0x1842, v31;
	v15 =	vor.u32 $0x1843, v31;
	v16 =	vor.u32 $0x2040, v31  }
0xb: {  	s5 =	sor.u32 s2, s4;
	_ =	strace $0x80000047;
	s4 =	sadd.s32 $0x9C00, s0;
	v17 =	vor.u32 $0x2041, v31;
	v18 =	vor.u32 $0x2042, v31;
	v19 =	vor.u32 $0x2043, v31  }
0xc: {  	[dreg:$0x4] =	wrdreg s6;
	s2 =	ssub.s32 $0x2, s2;
	s9 =	smul.u32 $0x280, s5;
	v20 =	vor.u32 $0x2840, v31;
	v21 =	vor.u32 $0x2841, v31;
	v22 =	vor.u32 $0x2842, v31  }
0xd: {  	s6 =	sadd.s32 $0x9000, s0;
	s11 =	sshrl.u32 s2, $0x1;
	s12 =	smul.u32 $0xA0000, s5;
	v23 =	vor.u32 $0x2843, v31;
	v24 =	vor.u32 $0x3040, v31;
	v25 =	vor.u32 $0x3041, v31  }
0xe: {  	v26 =	vor.u32 $0x3042, v31;
	v27 =	vor.u32 $0x3043, v31;
	v28 =	vor.u32 $0x3840, v31;
	s31 =	ssub.s32 s2, s11;
	s11 =	smul.u32 $0x1400, s5;
	s10 =	sadd.s32 s9, s0  }
0xf: {  	v29 =	vor.u32 $0x3841, v31;
	v30 =	vor.u32 $0x3842, v31;
	v31 =	vor.u32 $0x3843, v31;
	s9 =	sadd.s32 s1, s9;
	s13 =	smax.u32 s31, $0x1;
	s10 =	sadd.s32 $0x4000, s10  }
.LBB2_1:
0x10: {  	[tilespmem:s3], [sflag:$0x5] =	stream.linear.gather [hbm4b:s9+s3], $0x1400, $0x38;
	[tilespmem:$0x1A080] =	vst v63  }
0x11: {  	_ =	swait.ge [sflag:s14], $0x1400  }
0x12: {  	[sflag:s14] =	ssyncset.done $0x0  }
0x13: {  	[sflag:s14] =	ssyncadd.s32 $0xFFFFEC00  }
0x14: {  	[tilespmem:s15], [sflag:$0x5] =	stream.linear.gather [hbm4b:s10+s3], $0x1400, $0x38;
	[tilespmem:$0x1A080] =	vst v63  }
0x15: {  	_ =	swait.ge [sflag:s14], $0x1400  }
0x16: {  	[sflag:s14] =	ssyncset.done $0x0  }
0x17: {  	s0 =	rddreg [dreg:$0x4];
	[sflag:s14] =	ssyncadd.s32 $0xFFFFEC00  }
0x18: {  	[tilespmem:s16], [sflag:$0x5] =	stream.linear.gather [hbm4b:s0+s3], $0x2800, $0x38;
	[tilespmem:$0x1A080] =	vst v63  }
0x19: {  	_ =	swait.ge [sflag:s14], $0x2800  }
0x1a: {  	[sflag:s14] =	ssyncset.done $0x0  }
0x1b: {  	[sflag:s14] =	ssyncadd.s32 $0xFFFFD800  }
0x1c: {  	[tilespmem:s17], [sflag:$0x5] =	stream.linear.gather [hbm4b:s6+s3], $0x2800, $0x38;
	[tilespmem:$0x1A080] =	vst v63  }
0x1d: {  	_ =	swait.ge [sflag:s14], $0x2800  }
0x1e: {  	[sflag:s14] =	ssyncset.done $0x0  }
0x1f: {  	[sflag:s14] =	ssyncadd.s32 $0xFFFFD800  }
0x20: {  	s5 =	rddreg [dreg:$0x1]  }
0x21: {  	[tilespmem:s18], [sflag:$0x5] =	stream.linear.gather [hbm4b:s5+s3], $0x2800, $0x38;
	[tilespmem:$0x1A080] =	vst v63  }
0x22: {  	_ =	swait.ge [sflag:s14], $0x2800  }
0x23: {  	[sflag:s14] =	ssyncset.done $0x0  }
0x24: {  	s19 =	simm.s32 $0xA000;
	[sflag:s14] =	ssyncadd.s32 $0xFFFFD800  }
0x25: {  	[tilespmem:s19], [sflag:$0x5] =	stream.linear.gather [hbm4b:s7+s3], $0x80, $0x38;
	[tilespmem:$0x1A080] =	vst v63  }
0x26: {  	_ =	swait.ge [sflag:s14], $0x80  }
0x27: {  	[sflag:s14] =	ssyncset.done $0x0  }
0x28: {  	[sflag:s14] =	ssyncadd.s32 $0xFFFFFF80  }
0x29: {  	v32 =	vld [tilespmem:$0xA000]  }
0x2a: {  	v33 =	vld [tilespmem:$0xA010]  }
0x2b: {  	v34 =	vld [tilespmem:$0xA020]  }
0x2c: {  	v35 =	vld [tilespmem:$0xA030]  }
0x2d: {  	v36 =	vld [tilespmem:$0xA040]  }
0x2e: {  	v37 =	vld [tilespmem:$0xA050];
	[tilespmem:s21], [sflag:$0x1] =	stream.indirect.gather [hbm4b:s4+s20], $0x80, s3, s20, $0xb8  }
0x2f: {  	s31 =	simm.s32 $0x0  }
0x30: {  	[tilespmem:s22], [sflag:$0x3] =	stream.indirect.gather [hbm4b:s4+s20], $0x80, s15, s20, $0xb8;
	[tilespmem:$0x1A080] =	vst v63  }
.LBB2_2:
0x31: {  	s1 =	sshll.u32 s31, $0x8  }
0x32: {  	s0 =	sor.u32 $0x80, s1  }
0x33: {  	[tilespmem:s23], [sflag:$0x2] =	stream.indirect.gather [hbm4b:s4+s20], $0x80, s0, s20, $0xb8;
	[tilespmem:$0x1A080] =	vst v63  }
0x34: {  	s2 =	sadd.s32 $0x1480, s1  }
0x35: {  	[tilespmem:s24], [sflag:$0x4] =	stream.indirect.gather [hbm4b:s4+s20], $0x80, s2, s20, $0xb8;
	[tilespmem:$0x1A080] =	vst v63  }
0x36: {  	_ =	swait.ge [sflag:s25], $0x4000  }
0x37: {  	[sflag:s25] =	ssyncset.done $0x0  }
0x38: {  	[sflag:s25] =	ssyncadd.s32 $0xFFFFC000  }
0x39: {  	_ =	swait.ge [sflag:s26], $0x4000  }
0x3a: {  	s19 =	simm.s32 $0x0;
	[sflag:s26] =	ssyncset.done $0x0  }
0x3b: {  	s5 =	simm.s32 $0x800;
	s2 =	sshll.u32 s31, $0x1;
	[sflag:s26] =	ssyncadd.s32 $0xFFFFC000  }
.LBB2_3:
0x3c: {  	p0 =	sne.s32 s5, $0xF800;
	v38 =	vld [tilespmem:s19+$0x12270]  }
0x3d: {  	v39 =	vld [tilespmem:s19+$0x120C0]  }
0x3e: {  	v40 =	vld [tilespmem:s19+$0x120D0]  }
0x3f: {  	v41 =	vld [tilespmem:s19+$0x120E0]  }
0x40: {  	v42 =	vld [tilespmem:s19+$0x120F0]  }
0x41: {  	[tilespmem:s19+$0xA230] =	vst.add.f32.msk $0xffff, v38  }
0x42: {  	v38 =	vld [tilespmem:s19+$0x12140]  }
0x43: {  	v43 =	vld [tilespmem:s19+$0x12150]  }
0x44: {  	v44 =	vld [tilespmem:s19+$0x12160]  }
0x45: {  	v45 =	vld [tilespmem:s19+$0x12170]  }
0x46: {  	v46 =	vld [tilespmem:s19+$0x121C0]  }
0x47: {  	v47 =	vld [tilespmem:s19+$0x121D0]  }
0x48: {  	v48 =	vld [tilespmem:s19+$0x121E0]  }
0x49: {  	v49 =	vld [tilespmem:s19+$0x121F0]  }
0x4a: {  	v50 =	vld [tilespmem:s19+$0x12240]  }
0x4b: {  	v51 =	vld [tilespmem:s19+$0x12250]  }
0x4c: {  	v52 =	vld [tilespmem:s19+$0x12260]  }
0x4d: {  	[tilespmem:s19+$0xA080] =	vst.add.f32.msk $0xffff, v39  }
0x4e: {  	[tilespmem:s19+$0xA090] =	vst.add.f32.msk $0xffff, v40  }
0x4f: {  	[tilespmem:s19+$0xA0A0] =	vst.add.f32.msk $0xffff, v41  }
0x50: {  	[tilespmem:s19+$0xA0B0] =	vst.add.f32.msk $0xffff, v42  }
0x51: {  	[tilespmem:s19+$0xA100] =	vst.add.f32.msk $0xffff, v38  }
0x52: {  	[tilespmem:s19+$0xA110] =	vst.add.f32.msk $0xffff, v43  }
0x53: {  	[tilespmem:s19+$0xA120] =	vst.add.f32.msk $0xffff, v44  }
0x54: {  	[tilespmem:s19+$0xA130] =	vst.add.f32.msk $0xffff, v45  }
0x55: {  	[tilespmem:s19+$0xA180] =	vst.add.f32.msk $0xffff, v46  }
0x56: {  	[tilespmem:s19+$0xA190] =	vst.add.f32.msk $0xffff, v47  }
.Ltmp0:
0x57: {  	[tilespmem:s19+$0xA1A0] =	vst.add.f32.msk $0xffff, v48;
	(pc) =	sbr.rel @p0 .LBB2_3-.Ltmp0, $4  }
0x58: {  	[tilespmem:s19+$0xA1B0] =	vst.add.f32.msk $0xffff, v49  }
0x59: {  	[tilespmem:s19+$0xA200] =	vst.add.f32.msk $0xffff, v50  }
0x5a: {  	[tilespmem:s19+$0xA210] =	vst.add.f32.msk $0xffff, v51  }
0x5b: {  	[tilespmem:s19+$0xA220] =	vst.add.f32.msk $0xffff, v52;
	s19 =	sshra.s32 s5, $0x2;
	s5 =	sadd.s32 $0x800, s5  }
0x5c: {  	v38 =	vld [tilespmem:s19+$0x12270]  }
0x5d: {  	v39 =	vld [tilespmem:s19+$0x120C0]  }
0x5e: {  	v40 =	vld [tilespmem:s19+$0x120D0]  }
0x5f: {  	v41 =	vld [tilespmem:s19+$0x120E0]  }
0x60: {  	v42 =	vld [tilespmem:s19+$0x120F0]  }
0x61: {  	v63 =	vld [tilespmem:s19+$0x12140]  }
0x62: {  	v43 =	vld [tilespmem:s19+$0x12150]  }
0x63: {  	v44 =	vld [tilespmem:s19+$0x12160]  }
0x64: {  	v45 =	vld [tilespmem:s19+$0x12170]  }
0x65: {  	v46 =	vld [tilespmem:s19+$0x121C0]  }
0x66: {  	v47 =	vld [tilespmem:s19+$0x121D0]  }
0x67: {  	v48 =	vld [tilespmem:s19+$0x121E0]  }
0x68: {  	v49 =	vld [tilespmem:s19+$0x121F0]  }
0x69: {  	v50 =	vld [tilespmem:s19+$0x12240]  }
0x6a: {  	v51 =	vld [tilespmem:s19+$0x12250]  }
0x6b: {  	v52 =	vld [tilespmem:s19+$0x12260]  }
0x6c: {  	[tilespmem:s19+$0xA230] =	vst.add.f32.msk $0xffff, v38  }
0x6d: {  	[tilespmem:s19+$0xA080] =	vst.add.f32.msk $0xffff, v39  }
0x6e: {  	[tilespmem:s19+$0xA090] =	vst.add.f32.msk $0xffff, v40  }
0x6f: {  	[tilespmem:s19+$0xA0A0] =	vst.add.f32.msk $0xffff, v41  }
0x70: {  	[tilespmem:s19+$0xA0B0] =	vst.add.f32.msk $0xffff, v42  }
0x71: {  	[tilespmem:s19+$0xA100] =	vst.add.f32.msk $0xffff, v63  }
0x72: {  	[tilespmem:s19+$0xA110] =	vst.add.f32.msk $0xffff, v43  }
0x73: {  	[tilespmem:s19+$0xA120] =	vst.add.f32.msk $0xffff, v44  }
0x74: {  	[tilespmem:s19+$0xA130] =	vst.add.f32.msk $0xffff, v45  }
0x75: {  	[tilespmem:s19+$0xA180] =	vst.add.f32.msk $0xffff, v46  }
0x76: {  	[tilespmem:s19+$0xA190] =	vst.add.f32.msk $0xffff, v47  }
0x77: {  	[tilespmem:s19+$0xA1A0] =	vst.add.f32.msk $0xffff, v48  }
0x78: {  	[tilespmem:s19+$0xA1B0] =	vst.add.f32.msk $0xffff, v49  }
0x79: {  	[tilespmem:s19+$0xA200] =	vst.add.f32.msk $0xffff, v50  }
0x7a: {  	[tilespmem:s19+$0xA210] =	vst.add.f32.msk $0xffff, v51  }
0x7b: {  	[tilespmem:s19+$0xA220] =	vst.add.f32.msk $0xffff, v52  }
0x7c: {  	v38 =	vld [tilespmem:s1+$0x0]  }
0x7d: {  	v39 =	vld [tilespmem:s1+$0x1400];
	_ =	sdelay $0x6  }
0x7e: {  	v40 =	vld.idx.msk [tilespmem:v38+s16+$0x0], $0xffff  }
0x7f: {  	v41 =	vld.idx.msk [tilespmem:v39+s16+$0x0], $0xffff;
	_ =	sdelay $0x4  }
0x80: {  	v40 =	vsub.f32 v40, v41;
	_ =	sdelay $0x1  }
0x81: {  	v41 =	vmul.f32 v40, v35;
	_ =	sdelay $0x1  }
0x82: {  	v41 =	vadd.f32 $1.258291200e+07, v41;
	_ =	sdelay $0x1  }
0x83: {  	v41 =	vadd.f32 $-1.258291200e+07, v41;
	_ =	sdelay $0x1  }
0x84: {  	v41 =	vmul.f32 v41, v32;
	_ =	sdelay $0x1  }
0x85: {  	v40 =	vsub.f32 v40, v41;
	_ =	sdelay $0x1  }
0x86: {  	[tilespmem:v0+s21+$0x0] =	vst.idx.msk $0xffff, v40  }
0x87: {  	v50 =	vld.idx.msk [tilespmem:v38+s17+$0x0], $0xffff  }
0x88: {  	v42 =	vld.idx.msk [tilespmem:v39+s17+$0x0], $0xffff;
	_ =	sdelay $0x4  }
0x89: {  	v41 =	vsub.f32 v50, v42;
	_ =	sdelay $0x1  }
0x8a: {  	v42 =	vmul.f32 v41, v36;
	_ =	sdelay $0x1  }
0x8b: {  	v42 =	vadd.f32 $1.258291200e+07, v42;
	_ =	sdelay $0x1  }
0x8c: {  	v42 =	vadd.f32 $-1.258291200e+07, v42;
	_ =	sdelay $0x1  }
0x8d: {  	v42 =	vmul.f32 v42, v33;
	_ =	sdelay $0x1  }
0x8e: {  	v41 =	vsub.f32 v41, v42;
	_ =	sdelay $0x1  }
0x8f: {  	[tilespmem:v1+s21+$0x0] =	vst.idx.msk $0xffff, v41  }
0x90: {  	v38 =	vld.idx.msk [tilespmem:v38+s18+$0x0], $0xffff  }
0x91: {  	v39 =	vld.idx.msk [tilespmem:v39+s18+$0x0], $0xffff;
	_ =	sdelay $0x4  }
0x92: {  	v38 =	vsub.f32 v38, v39;
	_ =	sdelay $0x1  }
0x93: {  	v39 =	vmul.f32 v38, v37;
	_ =	sdelay $0x1  }
0x94: {  	v39 =	vadd.f32 $1.258291200e+07, v39;
	_ =	sdelay $0x1  }
0x95: {  	v39 =	vadd.f32 $-1.258291200e+07, v39;
	_ =	sdelay $0x1  }
0x96: {  	v39 =	vmul.f32 v39, v34;
	_ =	sdelay $0x1  }
0x97: {  	v51 =	vmul.f32 v40, v40;
	v52 =	vmul.f32 v41, v41;
	v38 =	vsub.f32 v38, v39;
	_ =	sdelay $0x1  }
0x98: {  	v39 =	vadd.f32 v52, v51;
	v53 =	vmul.f32 v38, v38;
	_ =	sdelay $0x1  }
0x99: {  	v39 =	vadd.f32 v53, v39  }
0x9a: {  	[tilespmem:v2+s21+$0x0] =	vst.idx.msk $0xffff, v38  }
0x9b: {  	s5 =	sor.u32 $0x10, s1;
	[tilespmem:v3+s21+$0x0] =	vst.idx.msk $0xffff, v39  }
0x9c: {  	v38 =	vld [tilespmem:s5+$0x0]  }
0x9d: {  	v39 =	vld [tilespmem:s1+$0x1410];
	_ =	sdelay $0x6  }
0x9e: {  	v54 =	vld.idx.msk [tilespmem:v38+s16+$0x0], $0xffff  }
0x9f: {  	v55 =	vld.idx.msk [tilespmem:v39+s16+$0x0], $0xffff;
	_ =	sdelay $0x4  }
0xa0: {  	v40 =	vsub.f32 v54, v55;
	_ =	sdelay $0x1  }
0xa1: {  	v41 =	vmul.f32 v40, v35;
	_ =	sdelay $0x1  }
0xa2: {  	v41 =	vadd.f32 $1.258291200e+07, v41;
	_ =	sdelay $0x1  }
0xa3: {  	v41 =	vadd.f32 $-1.258291200e+07, v41;
	_ =	sdelay $0x1  }
0xa4: {  	v41 =	vmul.f32 v41, v32;
	_ =	sdelay $0x1  }
0xa5: {  	v40 =	vsub.f32 v40, v41;
	_ =	sdelay $0x1  }
0xa6: {  	[tilespmem:v4+s21+$0x0] =	vst.idx.msk $0xffff, v40  }
0xa7: {  	v56 =	vld.idx.msk [tilespmem:v38+s17+$0x0], $0xffff  }
0xa8: {  	v57 =	vld.idx.msk [tilespmem:v39+s17+$0x0], $0xffff;
	_ =	sdelay $0x4  }
0xa9: {  	v41 =	vsub.f32 v56, v57;
	_ =	sdelay $0x1  }
0xaa: {  	v42 =	vmul.f32 v41, v36;
	_ =	sdelay $0x1  }
0xab: {  	v42 =	vadd.f32 $1.258291200e+07, v42;
	_ =	sdelay $0x1  }
0xac: {  	v42 =	vadd.f32 $-1.258291200e+07, v42;
	_ =	sdelay $0x1  }
0xad: {  	v42 =	vmul.f32 v42, v33;
	_ =	sdelay $0x1  }
0xae: {  	v41 =	vsub.f32 v41, v42;
	_ =	sdelay $0x1  }
0xaf: {  	[tilespmem:v5+s21+$0x0] =	vst.idx.msk $0xffff, v41  }
0xb0: {  	v38 =	vld.idx.msk [tilespmem:v38+s18+$0x0], $0xffff  }
0xb1: {  	v39 =	vld.idx.msk [tilespmem:v39+s18+$0x0], $0xffff;
	_ =	sdelay $0x4  }
0xb2: {  	v38 =	vsub.f32 v38, v39;
	_ =	sdelay $0x1  }
0xb3: {  	v39 =	vmul.f32 v38, v37;
	_ =	sdelay $0x1  }
0xb4: {  	v39 =	vadd.f32 $1.258291200e+07, v39;
	_ =	sdelay $0x1  }
0xb5: {  	v39 =	vadd.f32 $-1.258291200e+07, v39;
	_ =	sdelay $0x1  }
0xb6: {  	v39 =	vmul.f32 v39, v34;
	_ =	sdelay $0x1  }
0xb7: {  	v58 =	vmul.f32 v40, v40;
	v59 =	vmul.f32 v41, v41;
	v38 =	vsub.f32 v38, v39;
	_ =	sdelay $0x1  }
0xb8: {  	v39 =	vadd.f32 v59, v58;
	v60 =	vmul.f32 v38, v38;
	_ =	sdelay $0x1  }
0xb9: {  	v39 =	vadd.f32 v60, v39  }
0xba: {  	[tilespmem:v6+s21+$0x0] =	vst.idx.msk $0xffff, v38  }
0xbb: {  	s19 =	sor.u32 $0x20, s1;
	[tilespmem:v7+s21+$0x0] =	vst.idx.msk $0xffff, v39  }
0xbc: {  	v38 =	vld [tilespmem:s19+$0x0]  }
0xbd: {  	v39 =	vld [tilespmem:s1+$0x1420];
	_ =	sdelay $0x6  }
0xbe: {  	v61 =	vld.idx.msk [tilespmem:v38+s16+$0x0], $0xffff  }
0xbf: {  	v62 =	vld.idx.msk [tilespmem:v39+s16+$0x0], $0xffff;
	_ =	sdelay $0x4  }
0xc0: {  	v40 =	vsub.f32 v61, v62;
	_ =	sdelay $0x1  }
0xc1: {  	v41 =	vmul.f32 v40, v35;
	_ =	sdelay $0x1  }
0xc2: {  	v41 =	vadd.f32 $1.258291200e+07, v41;
	_ =	sdelay $0x1  }
0xc3: {  	v41 =	vadd.f32 $-1.258291200e+07, v41;
	_ =	sdelay $0x1  }
0xc4: {  	v41 =	vmul.f32 v41, v32;
	_ =	sdelay $0x1  }
0xc5: {  	v40 =	vsub.f32 v40, v41;
	_ =	sdelay $0x1  }
0xc6: {  	[tilespmem:v8+s21+$0x0] =	vst.idx.msk $0xffff, v40  }
0xc7: {  	v63 =	vld.idx.msk [tilespmem:v38+s17+$0x0], $0xffff  }
0xc8: {  	v45 =	vld.idx.msk [tilespmem:v39+s17+$0x0], $0xffff;
	_ =	sdelay $0x4  }
0xc9: {  	v41 =	vsub.f32 v63, v45;
	_ =	sdelay $0x1  }
0xca: {  	v42 =	vmul.f32 v41, v36;
	_ =	sdelay $0x1  }
0xcb: {  	v42 =	vadd.f32 $1.258291200e+07, v42;
	_ =	sdelay $0x1  }
0xcc: {  	v42 =	vadd.f32 $-1.258291200e+07, v42;
	_ =	sdelay $0x1  }
0xcd: {  	v42 =	vmul.f32 v42, v33;
	_ =	sdelay $0x1  }
0xce: {  	v41 =	vsub.f32 v41, v42;
	_ =	sdelay $0x1  }
0xcf: {  	[tilespmem:v9+s21+$0x0] =	vst.idx.msk $0xffff, v41  }
0xd0: {  	v38 =	vld.idx.msk [tilespmem:v38+s18+$0x0], $0xffff  }
0xd1: {  	v39 =	vld.idx.msk [tilespmem:v39+s18+$0x0], $0xffff;
	_ =	sdelay $0x4  }
0xd2: {  	v38 =	vsub.f32 v38, v39;
	_ =	sdelay $0x1  }
0xd3: {  	v39 =	vmul.f32 v38, v37;
	_ =	sdelay $0x1  }
0xd4: {  	v39 =	vadd.f32 $1.258291200e+07, v39;
	_ =	sdelay $0x1  }
0xd5: {  	v39 =	vadd.f32 $-1.258291200e+07, v39;
	_ =	sdelay $0x1  }
0xd6: {  	v39 =	vmul.f32 v39, v34;
	_ =	sdelay $0x1  }
0xd7: {  	v46 =	vmul.f32 v40, v40;
	v47 =	vmul.f32 v41, v41;
	v38 =	vsub.f32 v38, v39;
	_ =	sdelay $0x1  }
0xd8: {  	v39 =	vadd.f32 v47, v46;
	v48 =	vmul.f32 v38, v38;
	_ =	sdelay $0x1  }
0xd9: {  	v39 =	vadd.f32 v48, v39  }
0xda: {  	[tilespmem:v10+s21+$0x0] =	vst.idx.msk $0xffff, v38  }
0xdb: {  	s19 =	sor.u32 $0x30, s1;
	[tilespmem:v11+s21+$0x0] =	vst.idx.msk $0xffff, v39  }
0xdc: {  	v38 =	vld [tilespmem:s19+$0x0]  }
0xdd: {  	v39 =	vld [tilespmem:s1+$0x1430];
	_ =	sdelay $0x6  }
0xde: {  	v49 =	vld.idx.msk [tilespmem:v38+s16+$0x0], $0xffff  }
0xdf: {  	v50 =	vld.idx.msk [tilespmem:v39+s16+$0x0], $0xffff;
	_ =	sdelay $0x4  }
0xe0: {  	v40 =	vsub.f32 v49, v50;
	_ =	sdelay $0x1  }
0xe1: {  	v41 =	vmul.f32 v40, v35;
	_ =	sdelay $0x1  }
0xe2: {  	v41 =	vadd.f32 $1.258291200e+07, v41;
	_ =	sdelay $0x1  }
0xe3: {  	v41 =	vadd.f32 $-1.258291200e+07, v41;
	_ =	sdelay $0x1  }
0xe4: {  	v41 =	vmul.f32 v41, v32;
	_ =	sdelay $0x1  }
0xe5: {  	v40 =	vsub.f32 v40, v41;
	_ =	sdelay $0x1  }
0xe6: {  	[tilespmem:v12+s21+$0x0] =	vst.idx.msk $0xffff, v40  }
0xe7: {  	v51 =	vld.idx.msk [tilespmem:v38+s17+$0x0], $0xffff  }
0xe8: {  	v52 =	vld.idx.msk [tilespmem:v39+s17+$0x0], $0xffff;
	_ =	sdelay $0x4  }
0xe9: {  	v41 =	vsub.f32 v51, v52;
	_ =	sdelay $0x1  }
0xea: {  	v42 =	vmul.f32 v41, v36;
	_ =	sdelay $0x1  }
0xeb: {  	v42 =	vadd.f32 $1.258291200e+07, v42;
	_ =	sdelay $0x1  }
0xec: {  	v42 =	vadd.f32 $-1.258291200e+07, v42;
	_ =	sdelay $0x1  }
0xed: {  	v42 =	vmul.f32 v42, v33;
	_ =	sdelay $0x1  }
0xee: {  	v41 =	vsub.f32 v41, v42;
	_ =	sdelay $0x1  }
0xef: {  	[tilespmem:v13+s21+$0x0] =	vst.idx.msk $0xffff, v41  }
0xf0: {  	v38 =	vld.idx.msk [tilespmem:v38+s18+$0x0], $0xffff  }
0xf1: {  	v39 =	vld.idx.msk [tilespmem:v39+s18+$0x0], $0xffff;
	_ =	sdelay $0x4  }
0xf2: {  	v38 =	vsub.f32 v38, v39;
	_ =	sdelay $0x1  }
0xf3: {  	v39 =	vmul.f32 v38, v37;
	_ =	sdelay $0x1  }
0xf4: {  	v39 =	vadd.f32 $1.258291200e+07, v39;
	_ =	sdelay $0x1  }
0xf5: {  	v39 =	vadd.f32 $-1.258291200e+07, v39;
	_ =	sdelay $0x1  }
0xf6: {  	v39 =	vmul.f32 v39, v34;
	_ =	sdelay $0x1  }
0xf7: {  	v53 =	vmul.f32 v40, v40;
	v54 =	vmul.f32 v41, v41;
	v38 =	vsub.f32 v38, v39;
	_ =	sdelay $0x1  }
0xf8: {  	v39 =	vadd.f32 v54, v53;
	v55 =	vmul.f32 v38, v38;
	_ =	sdelay $0x1  }
0xf9: {  	v39 =	vadd.f32 v55, v39  }
0xfa: {  	[tilespmem:v14+s21+$0x0] =	vst.idx.msk $0xffff, v38  }
0xfb: {  	s19 =	sor.u32 $0x40, s1;
	[tilespmem:v15+s21+$0x0] =	vst.idx.msk $0xffff, v39  }
0xfc: {  	v38 =	vld [tilespmem:s19+$0x0]  }
0xfd: {  	v39 =	vld [tilespmem:s1+$0x1440];
	_ =	sdelay $0x6  }
0xfe: {  	v56 =	vld.idx.msk [tilespmem:v38+s16+$0x0], $0xffff  }
0xff: {  	v57 =	vld.idx.msk [tilespmem:v39+s16+$0x0], $0xffff;
	_ =	sdelay $0x4  }
0x100: {  	v40 =	vsub.f32 v56, v57;
	_ =	sdelay $0x1  }
0x101: {  	v41 =	vmul.f32 v40, v35;
	_ =	sdelay $0x1  }
0x102: {  	v41 =	vadd.f32 $1.258291200e+07, v41;
	_ =	sdelay $0x1  }
0x103: {  	v41 =	vadd.f32 $-1.258291200e+07, v41;
	_ =	sdelay $0x1  }
0x104: {  	v41 =	vmul.f32 v41, v32;
	_ =	sdelay $0x1  }
0x105: {  	v40 =	vsub.f32 v40, v41;
	_ =	sdelay $0x1  }
0x106: {  	[tilespmem:v16+s21+$0x0] =	vst.idx.msk $0xffff, v40  }
0x107: {  	v58 =	vld.idx.msk [tilespmem:v38+s17+$0x0], $0xffff  }
0x108: {  	v59 =	vld.idx.msk [tilespmem:v39+s17+$0x0], $0xffff;
	_ =	sdelay $0x4  }
0x109: {  	v41 =	vsub.f32 v58, v59;
	_ =	sdelay $0x1  }
0x10a: {  	v42 =	vmul.f32 v41, v36;
	_ =	sdelay $0x1  }
0x10b: {  	v42 =	vadd.f32 $1.258291200e+07, v42;
	_ =	sdelay $0x1  }
0x10c: {  	v42 =	vadd.f32 $-1.258291200e+07, v42;
	_ =	sdelay $0x1  }
0x10d: {  	v42 =	vmul.f32 v42, v33;
	_ =	sdelay $0x1  }
0x10e: {  	v41 =	vsub.f32 v41, v42;
	_ =	sdelay $0x1  }
0x10f: {  	[tilespmem:v17+s21+$0x0] =	vst.idx.msk $0xffff, v41  }
0x110: {  	v38 =	vld.idx.msk [tilespmem:v38+s18+$0x0], $0xffff  }
0x111: {  	v39 =	vld.idx.msk [tilespmem:v39+s18+$0x0], $0xffff;
	_ =	sdelay $0x4  }
0x112: {  	v38 =	vsub.f32 v38, v39;
	_ =	sdelay $0x1  }
0x113: {  	v39 =	vmul.f32 v38, v37;
	_ =	sdelay $0x1  }
0x114: {  	v39 =	vadd.f32 $1.258291200e+07, v39;
	_ =	sdelay $0x1  }
0x115: {  	v39 =	vadd.f32 $-1.258291200e+07, v39;
	_ =	sdelay $0x1  }
0x116: {  	v39 =	vmul.f32 v39, v34;
	_ =	sdelay $0x1  }
0x117: {  	v60 =	vmul.f32 v40, v40;
	v61 =	vmul.f32 v41, v41;
	v38 =	vsub.f32 v38, v39;
	_ =	sdelay $0x1  }
0x118: {  	v39 =	vadd.f32 v61, v60;
	v62 =	vmul.f32 v38, v38;
	_ =	sdelay $0x1  }
0x119: {  	v39 =	vadd.f32 v62, v39  }
0x11a: {  	[tilespmem:v18+s21+$0x0] =	vst.idx.msk $0xffff, v38  }
0x11b: {  	s19 =	sor.u32 $0x50, s1;
	[tilespmem:v19+s21+$0x0] =	vst.idx.msk $0xffff, v39  }
0x11c: {  	v38 =	vld [tilespmem:s19+$0x0]  }
0x11d: {  	v39 =	vld [tilespmem:s1+$0x1450];
	_ =	sdelay $0x6  }
0x11e: {  	v63 =	vld.idx.msk [tilespmem:v38+s16+$0x0], $0xffff  }
0x11f: {  	v44 =	vld.idx.msk [tilespmem:v39+s16+$0x0], $0xffff;
	_ =	sdelay $0x4  }
0x120: {  	v40 =	vsub.f32 v63, v44;
	_ =	sdelay $0x1  }
0x121: {  	v41 =	vmul.f32 v40, v35;
	_ =	sdelay $0x1  }
0x122: {  	v41 =	vadd.f32 $1.258291200e+07, v41;
	_ =	sdelay $0x1  }
0x123: {  	v41 =	vadd.f32 $-1.258291200e+07, v41;
	_ =	sdelay $0x1  }
0x124: {  	v41 =	vmul.f32 v41, v32;
	_ =	sdelay $0x1  }
0x125: {  	v40 =	vsub.f32 v40, v41;
	_ =	sdelay $0x1  }
0x126: {  	[tilespmem:v20+s21+$0x0] =	vst.idx.msk $0xffff, v40  }
0x127: {  	v45 =	vld.idx.msk [tilespmem:v38+s17+$0x0], $0xffff  }
0x128: {  	v46 =	vld.idx.msk [tilespmem:v39+s17+$0x0], $0xffff;
	_ =	sdelay $0x4  }
0x129: {  	v41 =	vsub.f32 v45, v46;
	_ =	sdelay $0x1  }
0x12a: {  	v42 =	vmul.f32 v41, v36;
	_ =	sdelay $0x1  }
0x12b: {  	v42 =	vadd.f32 $1.258291200e+07, v42;
	_ =	sdelay $0x1  }
0x12c: {  	v42 =	vadd.f32 $-1.258291200e+07, v42;
	_ =	sdelay $0x1  }
0x12d: {  	v42 =	vmul.f32 v42, v33;
	_ =	sdelay $0x1  }
0x12e: {  	v41 =	vsub.f32 v41, v42;
	_ =	sdelay $0x1  }
0x12f: {  	[tilespmem:v21+s21+$0x0] =	vst.idx.msk $0xffff, v41  }
0x130: {  	v38 =	vld.idx.msk [tilespmem:v38+s18+$0x0], $0xffff  }
0x131: {  	v39 =	vld.idx.msk [tilespmem:v39+s18+$0x0], $0xffff;
	_ =	sdelay $0x4  }
0x132: {  	v38 =	vsub.f32 v38, v39;
	_ =	sdelay $0x1  }
0x133: {  	v39 =	vmul.f32 v38, v37;
	_ =	sdelay $0x1  }
0x134: {  	v39 =	vadd.f32 $1.258291200e+07, v39;
	_ =	sdelay $0x1  }
0x135: {  	v39 =	vadd.f32 $-1.258291200e+07, v39;
	_ =	sdelay $0x1  }
0x136: {  	v39 =	vmul.f32 v39, v34;
	_ =	sdelay $0x1  }
0x137: {  	v47 =	vmul.f32 v40, v40;
	v48 =	vmul.f32 v41, v41;
	v38 =	vsub.f32 v38, v39;
	_ =	sdelay $0x1  }
0x138: {  	v39 =	vadd.f32 v48, v47;
	v49 =	vmul.f32 v38, v38;
	_ =	sdelay $0x1  }
0x139: {  	v39 =	vadd.f32 v49, v39  }
0x13a: {  	[tilespmem:v22+s21+$0x0] =	vst.idx.msk $0xffff, v38  }
0x13b: {  	s19 =	sor.u32 $0x60, s1;
	[tilespmem:v23+s21+$0x0] =	vst.idx.msk $0xffff, v39  }
0x13c: {  	v38 =	vld [tilespmem:s19+$0x0]  }
0x13d: {  	v39 =	vld [tilespmem:s1+$0x1460];
	_ =	sdelay $0x6  }
0x13e: {  	v50 =	vld.idx.msk [tilespmem:v38+s16+$0x0], $0xffff  }
0x13f: {  	v51 =	vld.idx.msk [tilespmem:v39+s16+$0x0], $0xffff;
	_ =	sdelay $0x4  }
0x140: {  	v40 =	vsub.f32 v50, v51;
	_ =	sdelay $0x1  }
0x141: {  	v41 =	vmul.f32 v40, v35;
	_ =	sdelay $0x1  }
0x142: {  	v41 =	vadd.f32 $1.258291200e+07, v41;
	_ =	sdelay $0x1  }
0x143: {  	v41 =	vadd.f32 $-1.258291200e+07, v41;
	_ =	sdelay $0x1  }
0x144: {  	v41 =	vmul.f32 v41, v32;
	_ =	sdelay $0x1  }
0x145: {  	v40 =	vsub.f32 v40, v41;
	_ =	sdelay $0x1  }
0x146: {  	[tilespmem:v24+s21+$0x0] =	vst.idx.msk $0xffff, v40  }
0x147: {  	v52 =	vld.idx.msk [tilespmem:v38+s17+$0x0], $0xffff  }
0x148: {  	v53 =	vld.idx.msk [tilespmem:v39+s17+$0x0], $0xffff;
	_ =	sdelay $0x4  }
0x149: {  	v41 =	vsub.f32 v52, v53;
	_ =	sdelay $0x1  }
0x14a: {  	v42 =	vmul.f32 v41, v36;
	_ =	sdelay $0x1  }
0x14b: {  	v42 =	vadd.f32 $1.258291200e+07, v42;
	_ =	sdelay $0x1  }
0x14c: {  	v42 =	vadd.f32 $-1.258291200e+07, v42;
	_ =	sdelay $0x1  }
0x14d: {  	v42 =	vmul.f32 v42, v33;
	_ =	sdelay $0x1  }
0x14e: {  	v41 =	vsub.f32 v41, v42;
	_ =	sdelay $0x1  }
0x14f: {  	[tilespmem:v25+s21+$0x0] =	vst.idx.msk $0xffff, v41  }
0x150: {  	v38 =	vld.idx.msk [tilespmem:v38+s18+$0x0], $0xffff  }
0x151: {  	v39 =	vld.idx.msk [tilespmem:v39+s18+$0x0], $0xffff;
	_ =	sdelay $0x4  }
0x152: {  	v38 =	vsub.f32 v38, v39;
	_ =	sdelay $0x1  }
0x153: {  	v39 =	vmul.f32 v38, v37;
	_ =	sdelay $0x1  }
0x154: {  	v39 =	vadd.f32 $1.258291200e+07, v39;
	_ =	sdelay $0x1  }
0x155: {  	v39 =	vadd.f32 $-1.258291200e+07, v39;
	_ =	sdelay $0x1  }
0x156: {  	v39 =	vmul.f32 v39, v34;
	_ =	sdelay $0x1  }
0x157: {  	v54 =	vmul.f32 v40, v40;
	v55 =	vmul.f32 v41, v41;
	v38 =	vsub.f32 v38, v39;
	_ =	sdelay $0x1  }
0x158: {  	v39 =	vadd.f32 v55, v54;
	v56 =	vmul.f32 v38, v38;
	_ =	sdelay $0x1  }
0x159: {  	v39 =	vadd.f32 v56, v39  }
0x15a: {  	[tilespmem:v26+s21+$0x0] =	vst.idx.msk $0xffff, v38  }
0x15b: {  	s19 =	sor.u32 $0x70, s1;
	[tilespmem:v27+s21+$0x0] =	vst.idx.msk $0xffff, v39  }
0x15c: {  	v38 =	vld [tilespmem:s19+$0x0]  }
0x15d: {  	v39 =	vld [tilespmem:s1+$0x1470];
	_ =	sdelay $0x6  }
0x15e: {  	v57 =	vld.idx.msk [tilespmem:v38+s16+$0x0], $0xffff  }
0x15f: {  	v58 =	vld.idx.msk [tilespmem:v39+s16+$0x0], $0xffff;
	_ =	sdelay $0x4  }
0x160: {  	v40 =	vsub.f32 v57, v58;
	_ =	sdelay $0x1  }
0x161: {  	v41 =	vmul.f32 v40, v35;
	_ =	sdelay $0x1  }
0x162: {  	v41 =	vadd.f32 $1.258291200e+07, v41;
	_ =	sdelay $0x1  }
0x163: {  	v41 =	vadd.f32 $-1.258291200e+07, v41;
	_ =	sdelay $0x1  }
0x164: {  	v41 =	vmul.f32 v41, v32;
	_ =	sdelay $0x1  }
0x165: {  	v40 =	vsub.f32 v40, v41;
	_ =	sdelay $0x1  }
0x166: {  	[tilespmem:v28+s21+$0x0] =	vst.idx.msk $0xffff, v40  }
0x167: {  	v59 =	vld.idx.msk [tilespmem:v38+s17+$0x0], $0xffff  }
0x168: {  	v60 =	vld.idx.msk [tilespmem:v39+s17+$0x0], $0xffff;
	_ =	sdelay $0x4  }
0x169: {  	v41 =	vsub.f32 v59, v60;
	_ =	sdelay $0x1  }
0x16a: {  	v42 =	vmul.f32 v41, v36;
	_ =	sdelay $0x1  }
0x16b: {  	v42 =	vadd.f32 $1.258291200e+07, v42;
	_ =	sdelay $0x1  }
0x16c: {  	v42 =	vadd.f32 $-1.258291200e+07, v42;
	_ =	sdelay $0x1  }
0x16d: {  	v42 =	vmul.f32 v42, v33;
	_ =	sdelay $0x1  }
0x16e: {  	v41 =	vsub.f32 v41, v42;
	_ =	sdelay $0x1  }
0x16f: {  	[tilespmem:v29+s21+$0x0] =	vst.idx.msk $0xffff, v41  }
0x170: {  	v38 =	vld.idx.msk [tilespmem:v38+s18+$0x0], $0xffff  }
0x171: {  	v39 =	vld.idx.msk [tilespmem:v39+s18+$0x0], $0xffff;
	_ =	sdelay $0x4  }
0x172: {  	v38 =	vsub.f32 v38, v39;
	_ =	sdelay $0x1  }
0x173: {  	v39 =	vmul.f32 v38, v37;
	_ =	sdelay $0x1  }
0x174: {  	v39 =	vadd.f32 $1.258291200e+07, v39;
	_ =	sdelay $0x1  }
0x175: {  	v39 =	vadd.f32 $-1.258291200e+07, v39;
	_ =	sdelay $0x1  }
0x176: {  	v39 =	vmul.f32 v39, v34;
	_ =	sdelay $0x1  }
0x177: {  	v61 =	vmul.f32 v40, v40;
	v62 =	vmul.f32 v41, v41;
	v38 =	vsub.f32 v38, v39;
	_ =	sdelay $0x1  }
0x178: {  	v39 =	vadd.f32 v62, v61;
	v63 =	vmul.f32 v38, v38  }
0x179: {  	s19 =	sshll.u32 s31, $0xF  }
0x17a: {  	s5 =	sadd.s32 s12, s19;
	v39 =	vadd.f32 v63, v39  }
0x17b: {  	s5 =	sshrl.u32 s5, $0x3;
	[tilespmem:v30+s21+$0x0] =	vst.idx.msk $0xffff, v38  }
0x17c: {  	s19 =	simm.s32 $0x0;
	s5 =	sadd.s32 s8, s5;
	[tilespmem:v31+s21+$0x0] =	vst.idx.msk $0xffff, v39  }
0x17d: {  	[hbm4b:s5+s19] =	stream.linear.scatter [tilespmem:s21], [sflag:$0x5], $0x4000, $0x38;
	[tilespmem:$0x1A080] =	vst v63  }
0x17e: {  	s2 =	smin.u32 s2, $0x25;
	_ =	swait.ge [sflag:s14], $0x4000  }
0x17f: {  	s2 =	sshll.u32 s2, $0x7;
	[sflag:s14] =	ssyncset.done $0x0  }
0x180: {  	s19 =	sadd.s32 $0x100, s2;
	[sflag:s14] =	ssyncadd.s32 $0xFFFFC000  }
0x181: {  	[tilespmem:s21], [sflag:$0x1] =	stream.indirect.gather [hbm4b:s4+s20], $0x80, s19, s20, $0xb8;
	[tilespmem:$0x1A080] =	vst v63  }
0x182: {  	s2 =	sadd.s32 $0x1500, s2  }
0x183: {  	[tilespmem:s22], [sflag:$0x3] =	stream.indirect.gather [hbm4b:s4+s20], $0x80, s2, s20, $0xb8;
	[tilespmem:$0x1A080] =	vst v63  }
0x184: {  	_ =	swait.ge [sflag:s28], $0x4000  }
0x185: {  	[sflag:s28] =	ssyncset.done $0x0  }
0x186: {  	[sflag:s28] =	ssyncadd.s32 $0xFFFFC000  }
0x187: {  	_ =	swait.ge [sflag:s29], $0x4000  }
0x188: {  	[sflag:s29] =	ssyncset.done $0x0  }
0x189: {  	s5 =	simm.s32 $0x800;
	s2 =	simm.s32 $0x0;
	[sflag:s29] =	ssyncadd.s32 $0xFFFFC000  }
.LBB2_5:
0x18a: {  	p0 =	sne.s32 s5, $0xF800;
	v38 =	vld [tilespmem:s2+$0x16270]  }
0x18b: {  	v39 =	vld [tilespmem:s2+$0x160C0]  }
0x18c: {  	v40 =	vld [tilespmem:s2+$0x160D0]  }
0x18d: {  	v41 =	vld [tilespmem:s2+$0x160E0]  }
0x18e: {  	v42 =	vld [tilespmem:s2+$0x160F0]  }
0x18f: {  	[tilespmem:s2+$0xE230] =	vst.add.f32.msk $0xffff, v38  }
0x190: {  	v38 =	vld [tilespmem:s2+$0x16140]  }
0x191: {  	v43 =	vld [tilespmem:s2+$0x16150]  }
0x192: {  	v44 =	vld [tilespmem:s2+$0x16160]  }
0x193: {  	v45 =	vld [tilespmem:s2+$0x16170]  }
0x194: {  	v46 =	vld [tilespmem:s2+$0x161C0]  }
0x195: {  	v47 =	vld [tilespmem:s2+$0x161D0]  }
0x196: {  	v48 =	vld [tilespmem:s2+$0x161E0]  }
0x197: {  	v49 =	vld [tilespmem:s2+$0x161F0]  }
0x198: {  	v50 =	vld [tilespmem:s2+$0x16240]  }
0x199: {  	v51 =	vld [tilespmem:s2+$0x16250]  }
0x19a: {  	v52 =	vld [tilespmem:s2+$0x16260]  }
0x19b: {  	[tilespmem:s2+$0xE080] =	vst.add.f32.msk $0xffff, v39  }
0x19c: {  	[tilespmem:s2+$0xE090] =	vst.add.f32.msk $0xffff, v40  }
0x19d: {  	[tilespmem:s2+$0xE0A0] =	vst.add.f32.msk $0xffff, v41  }
0x19e: {  	[tilespmem:s2+$0xE0B0] =	vst.add.f32.msk $0xffff, v42  }
0x19f: {  	[tilespmem:s2+$0xE100] =	vst.add.f32.msk $0xffff, v38  }
0x1a0: {  	[tilespmem:s2+$0xE110] =	vst.add.f32.msk $0xffff, v43  }
0x1a1: {  	[tilespmem:s2+$0xE120] =	vst.add.f32.msk $0xffff, v44  }
0x1a2: {  	[tilespmem:s2+$0xE130] =	vst.add.f32.msk $0xffff, v45  }
0x1a3: {  	[tilespmem:s2+$0xE180] =	vst.add.f32.msk $0xffff, v46  }
0x1a4: {  	[tilespmem:s2+$0xE190] =	vst.add.f32.msk $0xffff, v47  }
.Ltmp1:
0x1a5: {  	[tilespmem:s2+$0xE1A0] =	vst.add.f32.msk $0xffff, v48;
	(pc) =	sbr.rel @p0 .LBB2_5-.Ltmp1, $4  }
0x1a6: {  	[tilespmem:s2+$0xE1B0] =	vst.add.f32.msk $0xffff, v49  }
0x1a7: {  	[tilespmem:s2+$0xE200] =	vst.add.f32.msk $0xffff, v50  }
0x1a8: {  	[tilespmem:s2+$0xE210] =	vst.add.f32.msk $0xffff, v51  }
0x1a9: {  	[tilespmem:s2+$0xE220] =	vst.add.f32.msk $0xffff, v52;
	s2 =	sshra.s32 s5, $0x2;
	s5 =	sadd.s32 $0x800, s5  }
0x1aa: {  	v38 =	vld [tilespmem:s2+$0x16270]  }
0x1ab: {  	v39 =	vld [tilespmem:s2+$0x160C0]  }
0x1ac: {  	v40 =	vld [tilespmem:s2+$0x160D0]  }
0x1ad: {  	v41 =	vld [tilespmem:s2+$0x160E0]  }
0x1ae: {  	v42 =	vld [tilespmem:s2+$0x160F0]  }
0x1af: {  	v63 =	vld [tilespmem:s2+$0x16140]  }
0x1b0: {  	v43 =	vld [tilespmem:s2+$0x16150]  }
0x1b1: {  	v44 =	vld [tilespmem:s2+$0x16160]  }
0x1b2: {  	v45 =	vld [tilespmem:s2+$0x16170]  }
0x1b3: {  	v46 =	vld [tilespmem:s2+$0x161C0]  }
0x1b4: {  	v47 =	vld [tilespmem:s2+$0x161D0]  }
0x1b5: {  	v48 =	vld [tilespmem:s2+$0x161E0]  }
0x1b6: {  	v49 =	vld [tilespmem:s2+$0x161F0]  }
0x1b7: {  	v50 =	vld [tilespmem:s2+$0x16240]  }
0x1b8: {  	v51 =	vld [tilespmem:s2+$0x16250]  }
0x1b9: {  	v52 =	vld [tilespmem:s2+$0x16260]  }
0x1ba: {  	[tilespmem:s2+$0xE230] =	vst.add.f32.msk $0xffff, v38  }
0x1bb: {  	[tilespmem:s2+$0xE080] =	vst.add.f32.msk $0xffff, v39  }
0x1bc: {  	[tilespmem:s2+$0xE090] =	vst.add.f32.msk $0xffff, v40  }
0x1bd: {  	[tilespmem:s2+$0xE0A0] =	vst.add.f32.msk $0xffff, v41  }
0x1be: {  	[tilespmem:s2+$0xE0B0] =	vst.add.f32.msk $0xffff, v42  }
0x1bf: {  	[tilespmem:s2+$0xE100] =	vst.add.f32.msk $0xffff, v63  }
0x1c0: {  	[tilespmem:s2+$0xE110] =	vst.add.f32.msk $0xffff, v43  }
0x1c1: {  	[tilespmem:s2+$0xE120] =	vst.add.f32.msk $0xffff, v44  }
0x1c2: {  	[tilespmem:s2+$0xE130] =	vst.add.f32.msk $0xffff, v45  }
0x1c3: {  	[tilespmem:s2+$0xE180] =	vst.add.f32.msk $0xffff, v46  }
0x1c4: {  	[tilespmem:s2+$0xE190] =	vst.add.f32.msk $0xffff, v47  }
0x1c5: {  	[tilespmem:s2+$0xE1A0] =	vst.add.f32.msk $0xffff, v48  }
0x1c6: {  	[tilespmem:s2+$0xE1B0] =	vst.add.f32.msk $0xffff, v49  }
0x1c7: {  	[tilespmem:s2+$0xE200] =	vst.add.f32.msk $0xffff, v50  }
0x1c8: {  	[tilespmem:s2+$0xE210] =	vst.add.f32.msk $0xffff, v51  }
0x1c9: {  	[tilespmem:s2+$0xE220] =	vst.add.f32.msk $0xffff, v52  }
0x1ca: {  	v38 =	vld [tilespmem:s0+$0x0]  }
0x1cb: {  	v39 =	vld [tilespmem:s0+$0x1400];
	_ =	sdelay $0x6  }
0x1cc: {  	v40 =	vld.idx.msk [tilespmem:v38+s16+$0x0], $0xffff  }
0x1cd: {  	v41 =	vld.idx.msk [tilespmem:v39+s16+$0x0], $0xffff;
	_ =	sdelay $0x4  }
0x1ce: {  	v40 =	vsub.f32 v40, v41;
	_ =	sdelay $0x1  }
0x1cf: {  	v41 =	vmul.f32 v40, v35;
	_ =	sdelay $0x1  }
0x1d0: {  	v41 =	vadd.f32 $1.258291200e+07, v41;
	_ =	sdelay $0x1  }
0x1d1: {  	v41 =	vadd.f32 $-1.258291200e+07, v41;
	_ =	sdelay $0x1  }
0x1d2: {  	v41 =	vmul.f32 v41, v32;
	_ =	sdelay $0x1  }
0x1d3: {  	v40 =	vsub.f32 v40, v41;
	_ =	sdelay $0x1  }
0x1d4: {  	[tilespmem:v0+s23+$0x0] =	vst.idx.msk $0xffff, v40  }
0x1d5: {  	v50 =	vld.idx.msk [tilespmem:v38+s17+$0x0], $0xffff  }
0x1d6: {  	v42 =	vld.idx.msk [tilespmem:v39+s17+$0x0], $0xffff;
	_ =	sdelay $0x4  }
0x1d7: {  	v41 =	vsub.f32 v50, v42;
	_ =	sdelay $0x1  }
0x1d8: {  	v42 =	vmul.f32 v41, v36;
	_ =	sdelay $0x1  }
0x1d9: {  	v42 =	vadd.f32 $1.258291200e+07, v42;
	_ =	sdelay $0x1  }
0x1da: {  	v42 =	vadd.f32 $-1.258291200e+07, v42;
	_ =	sdelay $0x1  }
0x1db: {  	v42 =	vmul.f32 v42, v33;
	_ =	sdelay $0x1  }
0x1dc: {  	v41 =	vsub.f32 v41, v42;
	_ =	sdelay $0x1  }
0x1dd: {  	[tilespmem:v1+s23+$0x0] =	vst.idx.msk $0xffff, v41  }
0x1de: {  	v38 =	vld.idx.msk [tilespmem:v38+s18+$0x0], $0xffff  }
0x1df: {  	v39 =	vld.idx.msk [tilespmem:v39+s18+$0x0], $0xffff;
	_ =	sdelay $0x4  }
0x1e0: {  	v38 =	vsub.f32 v38, v39;
	_ =	sdelay $0x1  }
0x1e1: {  	v39 =	vmul.f32 v38, v37;
	_ =	sdelay $0x1  }
0x1e2: {  	v39 =	vadd.f32 $1.258291200e+07, v39;
	_ =	sdelay $0x1  }
0x1e3: {  	v39 =	vadd.f32 $-1.258291200e+07, v39;
	_ =	sdelay $0x1  }
0x1e4: {  	v39 =	vmul.f32 v39, v34;
	_ =	sdelay $0x1  }
0x1e5: {  	v51 =	vmul.f32 v40, v40;
	v52 =	vmul.f32 v41, v41;
	v38 =	vsub.f32 v38, v39;
	_ =	sdelay $0x1  }
0x1e6: {  	v39 =	vadd.f32 v52, v51;
	v53 =	vmul.f32 v38, v38;
	_ =	sdelay $0x1  }
0x1e7: {  	v39 =	vadd.f32 v53, v39  }
0x1e8: {  	[tilespmem:v2+s23+$0x0] =	vst.idx.msk $0xffff, v38  }
0x1e9: {  	s5 =	sor.u32 $0x90, s1;
	[tilespmem:v3+s23+$0x0] =	vst.idx.msk $0xffff, v39  }
0x1ea: {  	v38 =	vld [tilespmem:s5+$0x0]  }
0x1eb: {  	v39 =	vld [tilespmem:s1+$0x1490];
	_ =	sdelay $0x6  }
0x1ec: {  	v54 =	vld.idx.msk [tilespmem:v38+s16+$0x0], $0xffff  }
0x1ed: {  	v55 =	vld.idx.msk [tilespmem:v39+s16+$0x0], $0xffff;
	_ =	sdelay $0x4  }
0x1ee: {  	v40 =	vsub.f32 v54, v55;
	_ =	sdelay $0x1  }
0x1ef: {  	v41 =	vmul.f32 v40, v35;
	_ =	sdelay $0x1  }
0x1f0: {  	v41 =	vadd.f32 $1.258291200e+07, v41;
	_ =	sdelay $0x1  }
0x1f1: {  	v41 =	vadd.f32 $-1.258291200e+07, v41;
	_ =	sdelay $0x1  }
0x1f2: {  	v41 =	vmul.f32 v41, v32;
	_ =	sdelay $0x1  }
0x1f3: {  	v40 =	vsub.f32 v40, v41;
	_ =	sdelay $0x1  }
0x1f4: {  	[tilespmem:v4+s23+$0x0] =	vst.idx.msk $0xffff, v40  }
0x1f5: {  	v56 =	vld.idx.msk [tilespmem:v38+s17+$0x0], $0xffff  }
0x1f6: {  	v57 =	vld.idx.msk [tilespmem:v39+s17+$0x0], $0xffff;
	_ =	sdelay $0x4  }
0x1f7: {  	v41 =	vsub.f32 v56, v57;
	_ =	sdelay $0x1  }
0x1f8: {  	v42 =	vmul.f32 v41, v36;
	_ =	sdelay $0x1  }
0x1f9: {  	v42 =	vadd.f32 $1.258291200e+07, v42;
	_ =	sdelay $0x1  }
0x1fa: {  	v42 =	vadd.f32 $-1.258291200e+07, v42;
	_ =	sdelay $0x1  }
0x1fb: {  	v42 =	vmul.f32 v42, v33;
	_ =	sdelay $0x1  }
0x1fc: {  	v41 =	vsub.f32 v41, v42;
	_ =	sdelay $0x1  }
0x1fd: {  	[tilespmem:v5+s23+$0x0] =	vst.idx.msk $0xffff, v41  }
0x1fe: {  	v38 =	vld.idx.msk [tilespmem:v38+s18+$0x0], $0xffff  }
0x1ff: {  	v39 =	vld.idx.msk [tilespmem:v39+s18+$0x0], $0xffff;
	_ =	sdelay $0x4  }
0x200: {  	v38 =	vsub.f32 v38, v39;
	_ =	sdelay $0x1  }
0x201: {  	v39 =	vmul.f32 v38, v37;
	_ =	sdelay $0x1  }
0x202: {  	v39 =	vadd.f32 $1.258291200e+07, v39;
	_ =	sdelay $0x1  }
0x203: {  	v39 =	vadd.f32 $-1.258291200e+07, v39;
	_ =	sdelay $0x1  }
0x204: {  	v39 =	vmul.f32 v39, v34;
	_ =	sdelay $0x1  }
0x205: {  	v58 =	vmul.f32 v40, v40;
	v59 =	vmul.f32 v41, v41;
	v38 =	vsub.f32 v38, v39;
	_ =	sdelay $0x1  }
0x206: {  	v39 =	vadd.f32 v59, v58;
	v60 =	vmul.f32 v38, v38;
	_ =	sdelay $0x1  }
0x207: {  	v39 =	vadd.f32 v60, v39  }
0x208: {  	[tilespmem:v6+s23+$0x0] =	vst.idx.msk $0xffff, v38  }
0x209: {  	s19 =	sor.u32 $0xA0, s1;
	[tilespmem:v7+s23+$0x0] =	vst.idx.msk $0xffff, v39  }
0x20a: {  	v38 =	vld [tilespmem:s19+$0x0]  }
0x20b: {  	v39 =	vld [tilespmem:s1+$0x14A0];
	_ =	sdelay $0x6  }
0x20c: {  	v61 =	vld.idx.msk [tilespmem:v38+s16+$0x0], $0xffff  }
0x20d: {  	v62 =	vld.idx.msk [tilespmem:v39+s16+$0x0], $0xffff;
	_ =	sdelay $0x4  }
0x20e: {  	v40 =	vsub.f32 v61, v62;
	_ =	sdelay $0x1  }
0x20f: {  	v41 =	vmul.f32 v40, v35;
	_ =	sdelay $0x1  }
0x210: {  	v41 =	vadd.f32 $1.258291200e+07, v41;
	_ =	sdelay $0x1  }
0x211: {  	v41 =	vadd.f32 $-1.258291200e+07, v41;
	_ =	sdelay $0x1  }
0x212: {  	v41 =	vmul.f32 v41, v32;
	_ =	sdelay $0x1  }
0x213: {  	v40 =	vsub.f32 v40, v41;
	_ =	sdelay $0x1  }
0x214: {  	[tilespmem:v8+s23+$0x0] =	vst.idx.msk $0xffff, v40  }
0x215: {  	v63 =	vld.idx.msk [tilespmem:v38+s17+$0x0], $0xffff  }
0x216: {  	v45 =	vld.idx.msk [tilespmem:v39+s17+$0x0], $0xffff;
	_ =	sdelay $0x4  }
0x217: {  	v41 =	vsub.f32 v63, v45;
	_ =	sdelay $0x1  }
0x218: {  	v42 =	vmul.f32 v41, v36;
	_ =	sdelay $0x1  }
0x219: {  	v42 =	vadd.f32 $1.258291200e+07, v42;
	_ =	sdelay $0x1  }
0x21a: {  	v42 =	vadd.f32 $-1.258291200e+07, v42;
	_ =	sdelay $0x1  }
0x21b: {  	v42 =	vmul.f32 v42, v33;
	_ =	sdelay $0x1  }
0x21c: {  	v41 =	vsub.f32 v41, v42;
	_ =	sdelay $0x1  }
0x21d: {  	[tilespmem:v9+s23+$0x0] =	vst.idx.msk $0xffff, v41  }
0x21e: {  	v38 =	vld.idx.msk [tilespmem:v38+s18+$0x0], $0xffff  }
0x21f: {  	v39 =	vld.idx.msk [tilespmem:v39+s18+$0x0], $0xffff;
	_ =	sdelay $0x4  }
0x220: {  	v38 =	vsub.f32 v38, v39;
	_ =	sdelay $0x1  }
0x221: {  	v39 =	vmul.f32 v38, v37;
	_ =	sdelay $0x1  }
0x222: {  	v39 =	vadd.f32 $1.258291200e+07, v39;
	_ =	sdelay $0x1  }
0x223: {  	v39 =	vadd.f32 $-1.258291200e+07, v39;
	_ =	sdelay $0x1  }
0x224: {  	v39 =	vmul.f32 v39, v34;
	_ =	sdelay $0x1  }
0x225: {  	v46 =	vmul.f32 v40, v40;
	v47 =	vmul.f32 v41, v41;
	v38 =	vsub.f32 v38, v39;
	_ =	sdelay $0x1  }
0x226: {  	v39 =	vadd.f32 v47, v46;
	v48 =	vmul.f32 v38, v38;
	_ =	sdelay $0x1  }
0x227: {  	v39 =	vadd.f32 v48, v39  }
0x228: {  	[tilespmem:v10+s23+$0x0] =	vst.idx.msk $0xffff, v38  }
0x229: {  	s5 =	sor.u32 $0xB0, s1;
	[tilespmem:v11+s23+$0x0] =	vst.idx.msk $0xffff, v39  }
0x22a: {  	v38 =	vld [tilespmem:s5+$0x0]  }
0x22b: {  	v39 =	vld [tilespmem:s1+$0x14B0];
	_ =	sdelay $0x6  }
0x22c: {  	v49 =	vld.idx.msk [tilespmem:v38+s16+$0x0], $0xffff  }
0x22d: {  	v50 =	vld.idx.msk [tilespmem:v39+s16+$0x0], $0xffff;
	_ =	sdelay $0x4  }
0x22e: {  	v40 =	vsub.f32 v49, v50;
	_ =	sdelay $0x1  }
0x22f: {  	v41 =	vmul.f32 v40, v35;
	_ =	sdelay $0x1  }
0x230: {  	v41 =	vadd.f32 $1.258291200e+07, v41;
	_ =	sdelay $0x1  }
0x231: {  	v41 =	vadd.f32 $-1.258291200e+07, v41;
	_ =	sdelay $0x1  }
0x232: {  	v41 =	vmul.f32 v41, v32;
	_ =	sdelay $0x1  }
0x233: {  	v40 =	vsub.f32 v40, v41;
	_ =	sdelay $0x1  }
0x234: {  	[tilespmem:v12+s23+$0x0] =	vst.idx.msk $0xffff, v40  }
0x235: {  	v51 =	vld.idx.msk [tilespmem:v38+s17+$0x0], $0xffff  }
0x236: {  	v52 =	vld.idx.msk [tilespmem:v39+s17+$0x0], $0xffff;
	_ =	sdelay $0x4  }
0x237: {  	v41 =	vsub.f32 v51, v52;
	_ =	sdelay $0x1  }
0x238: {  	v42 =	vmul.f32 v41, v36;
	_ =	sdelay $0x1  }
0x239: {  	v42 =	vadd.f32 $1.258291200e+07, v42;
	_ =	sdelay $0x1  }
0x23a: {  	v42 =	vadd.f32 $-1.258291200e+07, v42;
	_ =	sdelay $0x1  }
0x23b: {  	v42 =	vmul.f32 v42, v33;
	_ =	sdelay $0x1  }
0x23c: {  	v41 =	vsub.f32 v41, v42;
	_ =	sdelay $0x1  }
0x23d: {  	[tilespmem:v13+s23+$0x0] =	vst.idx.msk $0xffff, v41  }
0x23e: {  	v38 =	vld.idx.msk [tilespmem:v38+s18+$0x0], $0xffff  }
0x23f: {  	v39 =	vld.idx.msk [tilespmem:v39+s18+$0x0], $0xffff;
	_ =	sdelay $0x4  }
0x240: {  	v38 =	vsub.f32 v38, v39;
	_ =	sdelay $0x1  }
0x241: {  	v39 =	vmul.f32 v38, v37;
	_ =	sdelay $0x1  }
0x242: {  	v39 =	vadd.f32 $1.258291200e+07, v39;
	_ =	sdelay $0x1  }
0x243: {  	v39 =	vadd.f32 $-1.258291200e+07, v39;
	_ =	sdelay $0x1  }
0x244: {  	v39 =	vmul.f32 v39, v34;
	_ =	sdelay $0x1  }
0x245: {  	v53 =	vmul.f32 v40, v40;
	v54 =	vmul.f32 v41, v41;
	v38 =	vsub.f32 v38, v39;
	_ =	sdelay $0x1  }
0x246: {  	v39 =	vadd.f32 v54, v53;
	v55 =	vmul.f32 v38, v38;
	_ =	sdelay $0x1  }
0x247: {  	v39 =	vadd.f32 v55, v39  }
0x248: {  	[tilespmem:v14+s23+$0x0] =	vst.idx.msk $0xffff, v38  }
0x249: {  	s19 =	sor.u32 $0xC0, s1;
	[tilespmem:v15+s23+$0x0] =	vst.idx.msk $0xffff, v39  }
0x24a: {  	v38 =	vld [tilespmem:s19+$0x0]  }
0x24b: {  	v39 =	vld [tilespmem:s1+$0x14C0];
	_ =	sdelay $0x6  }
0x24c: {  	v56 =	vld.idx.msk [tilespmem:v38+s16+$0x0], $0xffff  }
0x24d: {  	v57 =	vld.idx.msk [tilespmem:v39+s16+$0x0], $0xffff;
	_ =	sdelay $0x4  }
0x24e: {  	v40 =	vsub.f32 v56, v57;
	_ =	sdelay $0x1  }
0x24f: {  	v41 =	vmul.f32 v40, v35;
	_ =	sdelay $0x1  }
0x250: {  	v41 =	vadd.f32 $1.258291200e+07, v41;
	_ =	sdelay $0x1  }
0x251: {  	v41 =	vadd.f32 $-1.258291200e+07, v41;
	_ =	sdelay $0x1  }
0x252: {  	v41 =	vmul.f32 v41, v32;
	_ =	sdelay $0x1  }
0x253: {  	v40 =	vsub.f32 v40, v41;
	_ =	sdelay $0x1  }
0x254: {  	[tilespmem:v16+s23+$0x0] =	vst.idx.msk $0xffff, v40  }
0x255: {  	v58 =	vld.idx.msk [tilespmem:v38+s17+$0x0], $0xffff  }
0x256: {  	v59 =	vld.idx.msk [tilespmem:v39+s17+$0x0], $0xffff;
	_ =	sdelay $0x4  }
0x257: {  	v41 =	vsub.f32 v58, v59;
	_ =	sdelay $0x1  }
0x258: {  	v42 =	vmul.f32 v41, v36;
	_ =	sdelay $0x1  }
0x259: {  	v42 =	vadd.f32 $1.258291200e+07, v42;
	_ =	sdelay $0x1  }
0x25a: {  	v42 =	vadd.f32 $-1.258291200e+07, v42;
	_ =	sdelay $0x1  }
0x25b: {  	v42 =	vmul.f32 v42, v33;
	_ =	sdelay $0x1  }
0x25c: {  	v41 =	vsub.f32 v41, v42;
	_ =	sdelay $0x1  }
0x25d: {  	[tilespmem:v17+s23+$0x0] =	vst.idx.msk $0xffff, v41  }
0x25e: {  	v38 =	vld.idx.msk [tilespmem:v38+s18+$0x0], $0xffff  }
0x25f: {  	v39 =	vld.idx.msk [tilespmem:v39+s18+$0x0], $0xffff;
	_ =	sdelay $0x4  }
0x260: {  	v38 =	vsub.f32 v38, v39;
	_ =	sdelay $0x1  }
0x261: {  	v39 =	vmul.f32 v38, v37;
	_ =	sdelay $0x1  }
0x262: {  	v39 =	vadd.f32 $1.258291200e+07, v39;
	_ =	sdelay $0x1  }
0x263: {  	v39 =	vadd.f32 $-1.258291200e+07, v39;
	_ =	sdelay $0x1  }
0x264: {  	v39 =	vmul.f32 v39, v34;
	_ =	sdelay $0x1  }
0x265: {  	v60 =	vmul.f32 v40, v40;
	v61 =	vmul.f32 v41, v41;
	v38 =	vsub.f32 v38, v39;
	_ =	sdelay $0x1  }
0x266: {  	v39 =	vadd.f32 v61, v60;
	v62 =	vmul.f32 v38, v38;
	_ =	sdelay $0x1  }
0x267: {  	v39 =	vadd.f32 v62, v39  }
0x268: {  	[tilespmem:v18+s23+$0x0] =	vst.idx.msk $0xffff, v38  }
0x269: {  	s5 =	sor.u32 $0xD0, s1;
	[tilespmem:v19+s23+$0x0] =	vst.idx.msk $0xffff, v39  }
0x26a: {  	v38 =	vld [tilespmem:s5+$0x0]  }
0x26b: {  	v39 =	vld [tilespmem:s1+$0x14D0];
	_ =	sdelay $0x6  }
0x26c: {  	v63 =	vld.idx.msk [tilespmem:v38+s16+$0x0], $0xffff  }
0x26d: {  	v44 =	vld.idx.msk [tilespmem:v39+s16+$0x0], $0xffff;
	_ =	sdelay $0x4  }
0x26e: {  	v40 =	vsub.f32 v63, v44;
	_ =	sdelay $0x1  }
0x26f: {  	v41 =	vmul.f32 v40, v35;
	_ =	sdelay $0x1  }
0x270: {  	v41 =	vadd.f32 $1.258291200e+07, v41;
	_ =	sdelay $0x1  }
0x271: {  	v41 =	vadd.f32 $-1.258291200e+07, v41;
	_ =	sdelay $0x1  }
0x272: {  	v41 =	vmul.f32 v41, v32;
	_ =	sdelay $0x1  }
0x273: {  	v40 =	vsub.f32 v40, v41;
	_ =	sdelay $0x1  }
0x274: {  	[tilespmem:v20+s23+$0x0] =	vst.idx.msk $0xffff, v40  }
0x275: {  	v45 =	vld.idx.msk [tilespmem:v38+s17+$0x0], $0xffff  }
0x276: {  	v46 =	vld.idx.msk [tilespmem:v39+s17+$0x0], $0xffff;
	_ =	sdelay $0x4  }
0x277: {  	v41 =	vsub.f32 v45, v46;
	_ =	sdelay $0x1  }
0x278: {  	v42 =	vmul.f32 v41, v36;
	_ =	sdelay $0x1  }
0x279: {  	v42 =	vadd.f32 $1.258291200e+07, v42;
	_ =	sdelay $0x1  }
0x27a: {  	v42 =	vadd.f32 $-1.258291200e+07, v42;
	_ =	sdelay $0x1  }
0x27b: {  	v42 =	vmul.f32 v42, v33;
	_ =	sdelay $0x1  }
0x27c: {  	v41 =	vsub.f32 v41, v42;
	_ =	sdelay $0x1  }
0x27d: {  	[tilespmem:v21+s23+$0x0] =	vst.idx.msk $0xffff, v41  }
0x27e: {  	v38 =	vld.idx.msk [tilespmem:v38+s18+$0x0], $0xffff  }
0x27f: {  	v39 =	vld.idx.msk [tilespmem:v39+s18+$0x0], $0xffff;
	_ =	sdelay $0x4  }
0x280: {  	v38 =	vsub.f32 v38, v39;
	_ =	sdelay $0x1  }
0x281: {  	v39 =	vmul.f32 v38, v37;
	_ =	sdelay $0x1  }
0x282: {  	v39 =	vadd.f32 $1.258291200e+07, v39;
	_ =	sdelay $0x1  }
0x283: {  	v39 =	vadd.f32 $-1.258291200e+07, v39;
	_ =	sdelay $0x1  }
0x284: {  	v39 =	vmul.f32 v39, v34;
	_ =	sdelay $0x1  }
0x285: {  	v47 =	vmul.f32 v40, v40;
	v48 =	vmul.f32 v41, v41;
	v38 =	vsub.f32 v38, v39;
	_ =	sdelay $0x1  }
0x286: {  	v39 =	vadd.f32 v48, v47;
	v49 =	vmul.f32 v38, v38;
	_ =	sdelay $0x1  }
0x287: {  	v39 =	vadd.f32 v49, v39  }
0x288: {  	[tilespmem:v22+s23+$0x0] =	vst.idx.msk $0xffff, v38  }
0x289: {  	s19 =	sor.u32 $0xE0, s1;
	[tilespmem:v23+s23+$0x0] =	vst.idx.msk $0xffff, v39  }
0x28a: {  	v38 =	vld [tilespmem:s19+$0x0]  }
0x28b: {  	v39 =	vld [tilespmem:s1+$0x14E0];
	_ =	sdelay $0x6  }
0x28c: {  	v50 =	vld.idx.msk [tilespmem:v38+s16+$0x0], $0xffff  }
0x28d: {  	v51 =	vld.idx.msk [tilespmem:v39+s16+$0x0], $0xffff;
	_ =	sdelay $0x4  }
0x28e: {  	v40 =	vsub.f32 v50, v51;
	_ =	sdelay $0x1  }
0x28f: {  	v41 =	vmul.f32 v40, v35;
	_ =	sdelay $0x1  }
0x290: {  	v41 =	vadd.f32 $1.258291200e+07, v41;
	_ =	sdelay $0x1  }
0x291: {  	v41 =	vadd.f32 $-1.258291200e+07, v41;
	_ =	sdelay $0x1  }
0x292: {  	v41 =	vmul.f32 v41, v32;
	_ =	sdelay $0x1  }
0x293: {  	v40 =	vsub.f32 v40, v41;
	_ =	sdelay $0x1  }
0x294: {  	[tilespmem:v24+s23+$0x0] =	vst.idx.msk $0xffff, v40  }
0x295: {  	v52 =	vld.idx.msk [tilespmem:v38+s17+$0x0], $0xffff  }
0x296: {  	v53 =	vld.idx.msk [tilespmem:v39+s17+$0x0], $0xffff;
	_ =	sdelay $0x4  }
0x297: {  	v41 =	vsub.f32 v52, v53;
	_ =	sdelay $0x1  }
0x298: {  	v42 =	vmul.f32 v41, v36;
	_ =	sdelay $0x1  }
0x299: {  	v42 =	vadd.f32 $1.258291200e+07, v42;
	_ =	sdelay $0x1  }
0x29a: {  	v42 =	vadd.f32 $-1.258291200e+07, v42;
	_ =	sdelay $0x1  }
0x29b: {  	v42 =	vmul.f32 v42, v33;
	_ =	sdelay $0x1  }
0x29c: {  	v41 =	vsub.f32 v41, v42;
	_ =	sdelay $0x1  }
0x29d: {  	[tilespmem:v25+s23+$0x0] =	vst.idx.msk $0xffff, v41  }
0x29e: {  	v38 =	vld.idx.msk [tilespmem:v38+s18+$0x0], $0xffff  }
0x29f: {  	v39 =	vld.idx.msk [tilespmem:v39+s18+$0x0], $0xffff;
	_ =	sdelay $0x4  }
0x2a0: {  	v38 =	vsub.f32 v38, v39;
	_ =	sdelay $0x1  }
0x2a1: {  	v39 =	vmul.f32 v38, v37;
	_ =	sdelay $0x1  }
0x2a2: {  	v39 =	vadd.f32 $1.258291200e+07, v39;
	_ =	sdelay $0x1  }
0x2a3: {  	v39 =	vadd.f32 $-1.258291200e+07, v39;
	_ =	sdelay $0x1  }
0x2a4: {  	v39 =	vmul.f32 v39, v34;
	_ =	sdelay $0x1  }
0x2a5: {  	v54 =	vmul.f32 v40, v40;
	v55 =	vmul.f32 v41, v41;
	v38 =	vsub.f32 v38, v39;
	_ =	sdelay $0x1  }
0x2a6: {  	v39 =	vadd.f32 v55, v54;
	v56 =	vmul.f32 v38, v38;
	_ =	sdelay $0x1  }
0x2a7: {  	v39 =	vadd.f32 v56, v39  }
0x2a8: {  	[tilespmem:v26+s23+$0x0] =	vst.idx.msk $0xffff, v38  }
0x2a9: {  	s5 =	sor.u32 $0xF0, s1;
	[tilespmem:v27+s23+$0x0] =	vst.idx.msk $0xffff, v39  }
0x2aa: {  	v38 =	vld [tilespmem:s5+$0x0]  }
0x2ab: {  	v39 =	vld [tilespmem:s1+$0x14F0];
	_ =	sdelay $0x6  }
0x2ac: {  	v57 =	vld.idx.msk [tilespmem:v38+s16+$0x0], $0xffff  }
0x2ad: {  	v58 =	vld.idx.msk [tilespmem:v39+s16+$0x0], $0xffff;
	_ =	sdelay $0x4  }
0x2ae: {  	v40 =	vsub.f32 v57, v58;
	_ =	sdelay $0x1  }
0x2af: {  	v41 =	vmul.f32 v40, v35;
	_ =	sdelay $0x1  }
0x2b0: {  	v41 =	vadd.f32 $1.258291200e+07, v41;
	_ =	sdelay $0x1  }
0x2b1: {  	v41 =	vadd.f32 $-1.258291200e+07, v41;
	_ =	sdelay $0x1  }
0x2b2: {  	v41 =	vmul.f32 v41, v32;
	_ =	sdelay $0x1  }
0x2b3: {  	v40 =	vsub.f32 v40, v41;
	_ =	sdelay $0x1  }
0x2b4: {  	[tilespmem:v28+s23+$0x0] =	vst.idx.msk $0xffff, v40  }
0x2b5: {  	v59 =	vld.idx.msk [tilespmem:v38+s17+$0x0], $0xffff  }
0x2b6: {  	v60 =	vld.idx.msk [tilespmem:v39+s17+$0x0], $0xffff;
	_ =	sdelay $0x4  }
0x2b7: {  	v41 =	vsub.f32 v59, v60;
	_ =	sdelay $0x1  }
0x2b8: {  	v42 =	vmul.f32 v41, v36;
	_ =	sdelay $0x1  }
0x2b9: {  	v42 =	vadd.f32 $1.258291200e+07, v42;
	_ =	sdelay $0x1  }
0x2ba: {  	v42 =	vadd.f32 $-1.258291200e+07, v42;
	_ =	sdelay $0x1  }
0x2bb: {  	v42 =	vmul.f32 v42, v33;
	_ =	sdelay $0x1  }
0x2bc: {  	v41 =	vsub.f32 v41, v42;
	_ =	sdelay $0x1  }
0x2bd: {  	[tilespmem:v29+s23+$0x0] =	vst.idx.msk $0xffff, v41  }
0x2be: {  	v38 =	vld.idx.msk [tilespmem:v38+s18+$0x0], $0xffff  }
0x2bf: {  	v39 =	vld.idx.msk [tilespmem:v39+s18+$0x0], $0xffff;
	_ =	sdelay $0x4  }
0x2c0: {  	v38 =	vsub.f32 v38, v39;
	_ =	sdelay $0x1  }
0x2c1: {  	v39 =	vmul.f32 v38, v37;
	_ =	sdelay $0x1  }
0x2c2: {  	v39 =	vadd.f32 $1.258291200e+07, v39;
	_ =	sdelay $0x1  }
0x2c3: {  	v39 =	vadd.f32 $-1.258291200e+07, v39;
	_ =	sdelay $0x1  }
0x2c4: {  	v39 =	vmul.f32 v39, v34;
	_ =	sdelay $0x1  }
0x2c5: {  	v61 =	vmul.f32 v40, v40;
	v62 =	vmul.f32 v41, v41;
	v38 =	vsub.f32 v38, v39;
	_ =	sdelay $0x1  }
0x2c6: {  	v39 =	vadd.f32 v62, v61;
	v63 =	vmul.f32 v38, v38;
	_ =	sdelay $0x1  }
0x2c7: {  	s31 =	sadd.s32 $0x1, s31;
	s19 =	sadd.s32 s11, s0;
	v39 =	vadd.f32 v63, v39  }
0x2c8: {  	p0 =	sne.s32 s31, $0x14;
	s0 =	sshll.u32 s19, $0x4;
	[tilespmem:v30+s23+$0x0] =	vst.idx.msk $0xffff, v38  }
.Ltmp2:
0x2c9: {  	s0 =	sadd.s32 s8, s0;
	[tilespmem:v31+s23+$0x0] =	vst.idx.msk $0xffff, v39;
	(pc) =	sbr.rel @p0 .LBB2_2-.Ltmp2, $4  }
0x2ca: {  	[hbm4b:s0+s3] =	stream.linear.scatter [tilespmem:s23], [sflag:$0x5], $0x4000, $0x38;
	[tilespmem:$0x1A080] =	vst v63  }
0x2cb: {  	_ =	swait.ge [sflag:s14], $0x4000  }
0x2cc: {  	[sflag:s14] =	ssyncset.done $0x0  }
0x2cd: {  	[sflag:s14] =	ssyncadd.s32 $0xFFFFC000  }
0x2ce: {  	s30 =	sadd.s32 $0x1, s30  }
0x2cf: {  	_ =	swait.ge [sflag:s25], $0x4000;
	p0 =	sne.s32 s30, s13  }
.Ltmp3:
0x2d0: {  	[sflag:s25] =	ssyncset.done $0x0;
	(pc) =	sbr.rel @p0 .LBB2_1-.Ltmp3, $4  }
0x2d1: {  	[sflag:s25] =	ssyncadd.s32 $0xFFFFC000  }
0x2d2: {  	_ =	swait.ge [sflag:s26], $0x4000  }
0x2d3: {  	[sflag:s26] =	ssyncset.done $0x0  }
0x2d4: {  	[sflag:s26] =	ssyncadd.s32 $0xFFFFC000  }
0x2d5: {  	_ =	sfence.sel $0x180000  }
0x2d6: {  	[bflag:$0x0] =	sbarrier.arrive $0xFFFF  }
0x2d7: {  	_ =	strace $0x90000047  }
0x2d8: {  	s0 =	stileid.u32;
	[bflag:$0x2] =	sbarrier.arrive $0xFFFF  }
0x2d9: {  	p0 =	sne.s32 s0, $0x0;
	s0 =	rddreg [dreg:$0x3]  }
0x2da: {  	s0 =	sadd.s32 @!p0 $0x100000, s0  }
0x2db: {  	[sflag:s0] =	ssyncadd.tile.s32 @!p0 $0x1;
	_ =	shalt  }
.Lfunc_end2:
_tile_overlayer_lowered:
.L_overlay_start_2:
0x2dc: {  	(tag) =	ssettag $0x2  }
0x2dd: {  	s0 =	rddreg [dreg:$0x0];
	s2 =	stileid.u32  }
0x2de: {  	s1 =	rddreg [dreg:$0x1];
	p0 =	sne.s32 s2, $0x0  }
0x2df: {  	s3 =	rddreg [dreg:$0x2];
	[bflag:$0x3] =	sbarrier.arrive $0xFFFF;
	s2 =	simm.s32 @!p0 $0x1C05  }
0x2e0: {  	[timem:s3], [sflag:s2] =	dma.local @!p0 [hbm:s0], s1  }
0x2e1: {  	s0 =	simm.s32 @!p0 $0x5  }
0x2e2: {  	_ =	swait.ge @!p0 [sflag:s0], s1  }
0x2e3: {  	s1 =	ssub.s32 @!p0 $0x0, s1;
	[sflag:s0] =	ssyncset.done @!p0 $0x0  }
0x2e4: {  	[sflag:s0] =	ssyncadd.s32 @!p0 s1  }
0x2e5: {  	[bflag:$0x3] =	sbarrier.arrive $0xFFFF  }
0x2e6: {  	_ =	shalt  }

// kernel: kernel.19.cloned.1.call-start
scs
__scs_entry_jumppad:
0x0: {  	(pc) =	sbr.rel $0x88, $3  }
0x1: {  	(tag) =	ssettag $0x0;
	lr =	simm.s32 $0x1  }
0x2: {  	[smem:$0x3F92] =	sst lr;
	_ =	strace $0xD0000000  }
0x3: {  	_ = 	snop  }
0x4: {  	_ = 	snop  }
0x5: {  	_ = 	snop  }
0x6: {  	_ = 	snop  }
0x7: {  	_ = 	snop  }
__scs_overlays_trampoline_lowered:
0x8: {  	[smem:$0x3FA1] =	sst s0  }
0x9: {  	[smem:$0x3FA2] =	sst s1  }
0xa: {  	[smem:$0x3FA3] =	sst s2  }
0xb: {  	[smem:$0x3FA4] =	sst s3  }
0xc: {  	[smem:$0x3FA5] =	sst s4  }
0xd: {  	[smem:$0x3FA6] =	sst s5  }
0xe: {  	[smem:$0x3FA7] =	sst s6  }
0xf: {  	[smem:$0x3FA8] =	sst s7  }
0x10: {  	[smem:$0x3FA9] =	sst s8  }
0x11: {  	[smem:$0x3FAA] =	sst s9;
	s0 =	simm.s32 @!p0 $0x0  }
0x12: {  	s1 =	sld [smem:$0x3F90];
	s0 =	simm.s32 @p0 $0x1  }
0x13: {  	[smem:$0x3FAB] =	sst s0;
	s0 =	simm.s32 @!p1 $0x0  }
0x14: {  	s2 =	sld [smem:$0x3F8F];
	s0 =	simm.s32 @p1 $0x1  }
0x15: {  	[smem:$0x3FAC] =	sst s0;
	s0 =	simm.s32 @!p2 $0x0  }
0x16: {  	s3 =	sld [smem:$0x3FDB];
	s0 =	simm.s32 @p2 $0x1  }
0x17: {  	s4 =	simm.s32 $0x1BF5;
	[smem:$0x3FAE] =	sst s0  }
0x18: {  	s0 =	sld [smem:$0x3F91];
	_ =	swait.ge [sflag:s4], $0x0  }
0x19: {  	s7 =	sld [smem:$0x3F92]  }
0x1a: {  	s8 =	sadd.s32 $0xFFFFE003, lr  }
0x1b: {  	s9 =	sadd.s32 $0xFFFFFEF7, lr;
	s5 =	simm.s32 $0xFFFFFFFF;
	p2 =	slt.u32 s8, $0xFFFFF086  }
0x1c: {  	p1 =	slt.u32 s9, $0xF7A;
	s5 =	simm.s32 @!p2 $0x0  }
0x1d: {  	s5 =	simm.s32 @p1 $0x1;
	p0 =	seq.s32 s7, s2  }
0x1e: {  	s7 =	smul.u32 @!p0 $0xF7A, s2;
	p2 =	seq.s32 @!p0 s5, $0x0  }
0x1f: {  	s9 =	smul.u32 $0xF7A, s1;
	s8 =	simm.s32 @!p0 $0x1BF5;
	p2 =	por !p2, p0  }
0x20: {  	[sflag:s8] =	ssyncset.s32 @!p0 $0xFFFFF086;
	s6 =	sadd.s32 @!p0 s3, s7;
	s7 =	simm.s32 @!p0 $0x108  }
0x21: {  	s3 =	sadd.s32 s3, s9;
	s6 =	sadd.s32 @!p0 $0x88, s6;
	s7 =	simm.s32 @p2 $0x1082  }
0x22: {  	[simem:s7], [sflag:s8] =	dma.local @!p0 [hbm:s6], $0xF7A  }
0x23: {  	s9 =	sor.u32 $0xD0000000, s2;
	s6 =	simm.s32 $0x108;
	_ =	swait.ge @!p0 [sflag:s8], $0x0  }
0x24: {  	s3 =	sadd.s32 $0x88, s3;
	s6 =	simm.s32 @!p1 $0x1082;
	[sflag:s4] =	ssyncset.s32 $0xFFFFF086  }
0x25: {  	[simem:s6], [sflag:s4] =	dma.local [hbm:s3], $0xF7A  }
0x26: {  	[smem:$0x3F92] =	sst s1;
	(tag) =	ssettag s2;
	_ =	strace s9  }
0x27: {  	s1 =	sld [smem:$0x3FA2]  }
0x28: {  	s2 =	sld [smem:$0x3FA3]  }
0x29: {  	s4 =	sld [smem:$0x3FA5]  }
0x2a: {  	p0 =	seq.s32 s5, $0x0;
	s5 =	sld [smem:$0x3FA6]  }
0x2b: {  	s6 =	sld [smem:$0x3FA7]  }
0x2c: {  	s7 =	sld [smem:$0x3FA8]  }
0x2d: {  	s3 =	simm.s32 $0x108;
	s8 =	sld [smem:$0x3FA9]  }
0x2e: {  	s3 =	simm.s32 @!p0 $0x1082;
	s9 =	sld [smem:$0x3FAA]  }
0x2f: {  	lr =	sadd.s32 s0, s3;
	s0 =	sld [smem:$0x3FA1]  }
0x30: {  	s3 =	sld [smem:$0x3FA4]  }
0x31: {  	[smem:$0x3FAD] =	sst s10  }
0x32: {  	s10 =	sld [smem:$0x3FAB];
	_ =	sdelay $0x3  }
0x33: {  	p0 =	seq.s32 s10, $0x1;
	s10 =	sld [smem:$0x3FAD];
	_ =	sdelay $0x3  }
0x34: {  	[smem:$0x3FAD] =	sst s10  }
0x35: {  	s10 =	sld [smem:$0x3FAC];
	_ =	sdelay $0x3  }
0x36: {  	p1 =	seq.s32 s10, $0x1;
	s10 =	sld [smem:$0x3FAD];
	_ =	sdelay $0x3  }
0x37: {  	[smem:$0x3FAD] =	sst s10  }
0x38: {  	s10 =	sld [smem:$0x3FAE]  }
0x39: {  	_ = 	snop;
	(pc) =	sbr.ind lr, $3  }
0x3a: {  	_ = 	snop  }
0x3b: {  	_ = 	snop  }
0x3c: {  	p2 =	seq.s32 s10, $0x1;
	s10 =	sld [smem:$0x3FAD]  }
0x3d: {  	_ =	shalt  }
0x3e: {  	_ =	shalt  }
0x3f: {  	_ =	shalt  }
0x40: {  	_ =	shalt  }
0x41: {  	_ =	shalt  }
0x42: {  	_ =	shalt  }
0x43: {  	_ =	shalt  }
0x44: {  	_ =	shalt  }
0x45: {  	_ =	shalt  }
0x46: {  	_ =	shalt  }
0x47: {  	_ =	shalt  }
0x48: {  	_ =	shalt  }
0x49: {  	_ =	shalt  }
0x4a: {  	_ =	shalt  }
0x4b: {  	_ =	shalt  }
0x4c: {  	_ =	shalt  }
0x4d: {  	_ =	shalt  }
0x4e: {  	_ =	shalt  }
0x4f: {  	_ =	shalt  }
0x50: {  	_ =	shalt  }
0x51: {  	_ =	shalt  }
0x52: {  	_ =	shalt  }
0x53: {  	_ =	shalt  }
0x54: {  	_ =	shalt  }
0x55: {  	_ =	shalt  }
0x56: {  	_ =	shalt  }
0x57: {  	_ =	shalt  }
0x58: {  	_ =	shalt  }
0x59: {  	_ =	shalt  }
0x5a: {  	_ =	shalt  }
0x5b: {  	_ =	shalt  }
0x5c: {  	_ =	shalt  }
0x5d: {  	_ =	shalt  }
0x5e: {  	_ =	shalt  }
0x5f: {  	_ =	shalt  }
0x60: {  	_ =	shalt  }
0x61: {  	_ =	shalt  }
0x62: {  	_ =	shalt  }
0x63: {  	_ =	shalt  }
0x64: {  	_ =	shalt  }
0x65: {  	_ =	shalt  }
0x66: {  	_ =	shalt  }
0x67: {  	_ =	shalt  }
0x68: {  	_ =	shalt  }
0x69: {  	_ =	shalt  }
0x6a: {  	_ =	shalt  }
0x6b: {  	_ =	shalt  }
0x6c: {  	_ =	shalt  }
0x6d: {  	_ =	shalt  }
0x6e: {  	_ =	shalt  }
0x6f: {  	_ =	shalt  }
0x70: {  	_ =	shalt  }
0x71: {  	_ =	shalt  }
0x72: {  	_ =	shalt  }
0x73: {  	_ =	shalt  }
0x74: {  	_ =	shalt  }
0x75: {  	_ =	shalt  }
0x76: {  	_ =	shalt  }
0x77: {  	_ =	shalt  }
0x78: {  	_ =	shalt  }
0x79: {  	_ =	shalt  }
0x7a: {  	_ =	shalt  }
0x7b: {  	_ =	shalt  }
0x7c: {  	_ =	shalt  }
0x7d: {  	_ =	shalt  }
0x7e: {  	_ =	shalt  }
0x7f: {  	_ =	shalt  }
0x80: {  	_ =	shalt  }
0x81: {  	_ =	shalt  }
0x82: {  	_ =	shalt  }
0x83: {  	_ =	shalt  }
0x84: {  	_ =	shalt  }
0x85: {  	_ =	shalt  }
0x86: {  	_ =	shalt  }
0x87: {  	_ =	shalt  }
.Lfunc_end0:
.L_simem_size_0:
called_computation.3_lowered:
.L_overlay_start_0:
0x88: {  	s2 =	sld [smem:$0x3FD9]  }
0x89: {  	s3 =	sld [smem:$0x3FFE];
	_ =	sdelay $0x1  }
0x8a: {  	s1 =	srdreg.scid  }
0x8b: {  	s0 =	sand.u32 $0x1, s1  }
0x8c: {  	s15 =	sshll.u32 s0, $0xA;
	s2 =	sadd.s32 s3, s2  }
0x8d: {  	s2 =	sadd.s32 s2, s15  }
0x8e: {  	[smem:$0x3FB9] =	sst s2  }
0x8f: {  	_ = 	snop  }
0x90: {  	s2 =	sld [smem:$0x3FD0];
	_ =	sdelay $0x2  }
0x91: {  	s16 =	simm.s32 $0xB;
	s4 =	simm.s32 $0x10  }
0x92: {  	[smem:s4], [sflag:s16] =	dma.local [hbm:s2], $0x1  }
0x93: {  	_ =	swait.eq [sflag:s16], $0x1  }
0x94: {  	[sflag:s16] =	ssyncset.done $0x0  }
0x95: {  	[sflag:s16] =	ssyncadd.s32 $0xFFFFFFFF  }
0x96: {  	s17 =	sld [smem:$0x10];
	(tm) =	ssettm $0x1  }
0x97: {  	s18 =	sld [smem:$0x3FFB];
	_ =	sdelay $0x3  }
0x98: {  	_ =	strace s18  }
0x99: {  	s2 =	sld [smem:$0x3FFC];
	_ =	sdelay $0x3  }
0x9a: {  	_ =	strace s2  }
0x9b: {  	s2 =	sld [smem:$0x3FFD];
	_ =	sdelay $0x3  }
0x9c: {  	_ =	strace s2  }
0x9d: {  	_ =	strace $0x8FFFFFFF  }
0x9e: {  	s19 =	sld [smem:$0x3FDB];
	_ =	sdelay $0x1  }
0x9f: {  	s20 =	simm.s32 $_scs_section_size  }
0xa0: {  	s5 =	simm.s32 $_size__tile_overlayer_lowered;
	s6 =	simm.s32 $_tile_overlayer_lowered  }
0xa1: {  	s7 =	simm.s32 $0x1BFF;
	s21 =	sshll.u32 s6, $0x1;
	s4 =	sadd.s32 s20, s19  }
0xa2: {  	s22 =	simm.s32 $0x0;
	s5 =	sshll.u32 s5, $0x1;
	s6 =	sadd.s32 s21, s4  }
0xa3: {  	[timem:s22], [sflag:s7] =	dma.local [hbm:s6], s5  }
0xa4: {  	_ =	swait.ge [sflag:s7], s5  }
0xa5: {  	s5 =	ssub.s32 $0x0, s5;
	[sflag:s7] =	ssyncset.done $0x0  }
0xa6: {  	[sflag:s7] =	ssyncadd.s32 s5;
	_ =	sdelay $0x1  }
0xa7: {  	s23 =	simm.s32 $0x1B8B  }
0xa8: {  	_ =	swait.ge [sflag:s23], $0x1  }
0xa9: {  	[sflag:s23] =	ssyncset.done $0x0  }
0xaa: {  	[sflag:s23] =	ssyncadd.s32 $0xFFFFFFFF  }
0xab: {  	s5 =	sld [smem:$0x0]  }
0xac: {  	s6 =	sand.u32 $0xFFFFFFFE, s1  }
0xad: {  	p0 =	sne.s32 s1, s6  }
0xae: {  	s6 =	sshll.u32 @p0 s6, $0xE  }
0xaf: {  	s6 =	sadd.s32 @p0 $0x11B8D, s6;
	s7 =	sshll.u32 @p0 s5, $0x11  }
0xb0: {  	s6 =	sor.u32 @p0 s7, s6  }
0xb1: {  	[sflag:s6] =	ssyncadd.remote.s32 @p0 $0x1;
	_ =	sdelay $0x1  }
0xb2: {  	s6 =	simm.s32 @p0 $0x1B8D  }
0xb3: {  	_ =	swait.eq @p0 [sflag:s6], $0x1  }
0xb4: {  	[sflag:s6] =	ssyncadd.s32 @p0 $0xFFFFFFFF  }
0xb5: {  	s7 =	sshll.u32 @!p0 s1, $0xE  }
0xb6: {  	s7 =	sor.u32 @!p0 $0x4000, s7;
	s6 =	simm.s32 @!p0 $0x1B8D  }
0xb7: {  	s5 =	sshll.u32 @!p0 s5, $0x11;
	s7 =	sadd.s32 @!p0 $0x11B8D, s7;
	_ =	swait.eq @!p0 [sflag:s6], $0x1  }
0xb8: {  	s5 =	sor.u32 @!p0 s5, s7;
	[sflag:s6] =	ssyncadd.s32 @!p0 $0xFFFFFFFF  }
0xb9: {  	s25 =	simm.s32 $0x1B8E;
	s24 =	sld [smem:$0x3FFE];
	[sflag:s5] =	ssyncadd.remote.s32 @!p0 $0x1  }
0xba: {  	s26 =	simm.s32 $execute0_lowered;
	[smem:$0x3FD2] =	sst s25  }
0xbb: {  	s6 =	sshll.u32 s26, $0x1;
	_ =	strace $0x8000004C;
	[dreg:$0x1] =	wrdreg $0xFFFFFFFF  }
0xbc: {  	s28 =	simm.s32 $_size_execute0_lowered;
	s4 =	sadd.s32 s4, s6;
	[dreg:$0x0] =	wrdreg $0x0  }
0xbd: {  	s6 =	sshll.u32 s28, $0x1;
	[dreg:$0x2] =	wrdreg s4  }
0xbe: {  	[dreg:$0x3] =	wrdreg s6  }
0xbf: {  	[dreg:$0x4] =	wrdreg $0xC0  }
0xc0: {  	_ =	task [dreg:s22], $0x5FFFF  }
0xc1: {  	[dreg:$0x1] =	wrdreg $0xFFFFFFFF  }
0xc2: {  	[dreg:$0x0] =	wrdreg $0x60  }
0xc3: {  	[dreg:$0x2] =	wrdreg s24  }
0xc4: {  	[dreg:$0x3] =	wrdreg s17  }
0xc5: {  	[dreg:$0x4] =	wrdreg $0x94000  }
0xc6: {  	[dreg:$0x5] =	wrdreg $0xA  }
0xc7: {  	_ =	task.clear_ibuf [dreg:s22], $0x6FFFF;
	_ =	strace $0x9000004C  }
0xc8: {  	s29 =	simm.s32 $0xA;
	_ =	strace $0x8000004E  }
0xc9: {  	_ =	swait.ge [sflag:s29], $0x1  }
0xca: {  	[sflag:s29] =	ssyncadd.s32 $0xFFFFFFFF  }
0xcb: {  	_ =	strace $0x9000004E  }
0xcc: {  	_ =	sfence  }
0xcd: {  	s30 =	sld [smem:$0x0];
	_ =	sdelay $0x2  }
0xce: {  	s31 =	sshll.u32 s1, $0xD;
	s1 =	sshrl.u32 s1, $0x2  }
0xcf: {  	s4 =	sand.u32 $0x4000, s31;
	s1 =	sadd.s32 s1, s30  }
0xd0: {  	s0 =	sor.u32 s4, s0;
	s1 =	sshll.u32 s1, $0x11  }
0xd1: {  	s0 =	sor.u32 s1, s0  }
0xd2: {  	s0 =	sadd.s32 $0x8F2B, s0  }
0xd3: {  	[sflag:s0] =	ssyncadd.remote.s32 $0x1  }
0xd4: {  	_ =	sfence.sel $0xFFFF  }
0xd5: {  	[dreg:$0x0] =	wrdreg $0xFFFFFFFF;
	(pc) =	sbr.abs _section_cstart, $3  }
0xd6: {  	[dreg:$0x1] =	wrdreg $0xFFFFFFFF  }
0xd7: {  	_ =	task.clear_ibuf [dreg:s22], $0x2FFFF;
	_ =	strace $0x9FFFFFFF  }
0xd8: {  	(tm) =	ssettm $0x7FFFFFFF  }
0xd9: {  	_ =	shalt  }
tec
execute0_lowered:
.L_overlay_start_1:
0x0: {  	(tag) =	ssettag $0x1  }
0x1: {  	s5 =	rddreg [dreg:$0x0]  }
0x2: {  	s6 =	rddreg [dreg:$0x1]  }
0x3: {  	s1 =	rddreg [dreg:$0x2]  }
0x4: {  	s0 =	rddreg [dreg:$0x3];
	s2 =	simm.s32 $0x0  }
0x5: {  	s3 =	srdreg.scid;
	s17 =	simm.s32 $0x1;
	s18 =	simm.s32 $0x80  }
0x6: {  	s19 =	simm.s32 $0x2;
	s20 =	simm.s32 $0x1300;
	s7 =	sand.u32 $0x1, s3  }
0x7: {  	s21 =	simm.s32 $0x1380;
	s3 =	stileid.u32;
	s8 =	smul.u32 $0x140000, s7  }
0x8: {  	s22 =	simm.s32 $0x0;
	[smem:$0x7FF] =	sst s2;
	s9 =	smul.u32 $0x14000, s3  }
0x9: {  	s12 =	sadd.s32 $0x53BE00, s5;
	s4 =	sadd.s32 $0x4000, s5;
	s11 =	smul.u32 $0x50000, s3  }
0xa: {  	_ =	strace $0x8000004D;
	s10 =	sshll.u32 s3, $0x1;
	s28 =	smul.u32 $0x140000, s3  }
0xb: {  	s24 =	ssub.s32 $0x2, s7;
	s29 =	smul.u32 $0xA0000, s7;
	s10 =	sor.u32 s7, s10  }
0xc: {  	s26 =	sshll.u32 s3, $0x6;
	s14 =	sshrl.u32 s24, $0x1;
	s13 =	smul.u32 $0x280, s10  }
0xd: {  	s8 =	sadd.s32 s9, s8;
	s15 =	smul.u32 $0x14000, s10;
	s9 =	ssub.s32 s24, s14  }
0xe: {  	s10 =	smul.u32 $0xA0000, s10;
	s25 =	sshrl.u32 s11, $0x2;
	s11 =	sadd.s32 s29, s28  }
0xf: {  	s14 =	simm.s32 $0x3;
	s8 =	sshrl.u32 s8, $0x3;
	s16 =	sadd.s32 s25, s1  }
0x10: {  	s9 =	smax.u32 s9, $0x1;
	s30 =	sor.u32 $0x8000, s11;
	s11 =	sor.u32 $0x4000, s11  }
0x11: {  	s8 =	sadd.s32 s8, s5;
	s5 =	sor.u32 $0x1C03, s26;
	s6 =	sadd.s32 s6, s13  }
0x12: {  	s7 =	sadd.s32 s12, s15;
	s10 =	sshrl.u32 s10, $0x3;
	s13 =	sshrl.u32 s30, $0x3  }
0x13: {  	s31 =	sshrl.u32 s11, $0x3;
	s15 =	simm.s32 $0x1400;
	s8 =	sadd.s32 $0x31E00, s8  }
0x14: {  	s10 =	sadd.s32 s12, s10;
	s11 =	sadd.s32 s13, s12;
	s12 =	sadd.s32 s31, s12  }
0x15: {  	s13 =	sshrl.u32 s16, $0x3;
	s16 =	simm.s32 $0x5400;
	s10 =	sadd.s32 $0x13800, s10  }
.LBB2_1:
0x16: {  	[spmem:s13], [sflag:s5] =	dma.local [hbm:s4], $0x2800  }
0x17: {  	_ =	swait.ge [sflag:s14], $0x2800  }
0x18: {  	[sflag:s14] =	ssyncset.done $0x0  }
0x19: {  	[sflag:s14] =	ssyncadd.s32 $0xFFFFD800  }
0x1a: {  	[tilespmem:s2], [sflag:$0x3] =	stream.linear.gather [hbm4b:s6+s2], $0x1400, $0x38;
	[tilespmem:$0x1D400] =	vst v63  }
0x1b: {  	_ =	swait.ge [sflag:s14], $0x1400  }
0x1c: {  	[sflag:s14] =	ssyncset.done $0x0  }
0x1d: {  	[sflag:s14] =	ssyncadd.s32 $0xFFFFEC00  }
0x1e: {  	[bflag:$0x0] =	sbarrier.arrive $0xFFFF  }
0x1f: {  	[tilespmem:s15], [sflag:$0x1] =	stream.linear.gather [hbm4b:s7+s2], $0x4000, $0x38;
	[tilespmem:$0x1D400] =	vst v63  }
0x20: {  	s23 =	sadd.s32 $0x0, s12  }
0x21: {  	[tilespmem:s16], [sflag:$0x2] =	stream.linear.gather [hbm4b:s23+s2], $0x4000, $0x38;
	[tilespmem:$0x1D400] =	vst v63  }
0x22: {  	_ =	swait.ge [sflag:s17], $0x4000  }
0x23: {  	[sflag:s17] =	ssyncset.done $0x0  }
0x24: {  	[sflag:s17] =	ssyncadd.s32 $0xFFFFC000  }
0x25: {  	[spmem:s1] =	stream.indirect.scatter.add.f32 [tilespmem:s15], [sflag:$0x3], $0x80, s2, s18, $0xb8;
	[tilespmem:$0x1D400] =	vst v63  }
0x26: {  	_ =	swait.ge [sflag:s14], $0x4000  }
0x27: {  	[sflag:s14] =	ssyncset.done $0x0  }
0x28: {  	s30 =	sadd.s32 $0x0, s11;
	[sflag:s14] =	ssyncadd.s32 $0xFFFFC000  }
0x29: {  	[tilespmem:s15], [sflag:$0x1] =	stream.linear.gather [hbm4b:s30+s2], $0x4000, $0x38;
	[tilespmem:$0x1D400] =	vst v63  }
0x2a: {  	_ =	swait.ge [sflag:s19], $0x4000  }
0x2b: {  	[sflag:s19] =	ssyncset.done $0x0  }
0x2c: {  	s31 =	simm.s32 $0x80;
	[sflag:s19] =	ssyncadd.s32 $0xFFFFC000  }
0x2d: {  	[spmem:s1] =	stream.indirect.scatter.add.f32 [tilespmem:s16], [sflag:$0x3], $0x80, s31, s18, $0xb8;
	[tilespmem:$0x1D400] =	vst v63  }
0x2e: {  	s24 =	simm.s32 $0x1000;
	_ =	swait.ge [sflag:s14], $0x4000  }
0x2f: {  	s25 =	simm.s32 $0x2000;
	s23 =	simm.s32 $0x100;
	[sflag:s14] =	ssyncset.done $0x0  }
.LBB2_2:
0x30: {  	s26 =	sadd.s32 s24, s12  }
0x31: {  	[sflag:s14] =	ssyncadd.s32 $0xFFFFC000;
	s28 =	smov.u32 s25;
	s29 =	sadd.s32 $0x1000, s25  }
0x32: {  	[tilespmem:s16], [sflag:$0x2] =	stream.linear.gather [hbm4b:s26+s2], $0x4000, $0x38;
	[tilespmem:$0x1D400] =	vst v63  }
0x33: {  	p0 =	sne.s32 s25, $0x12000;
	_ =	swait.ge [sflag:s17], $0x4000  }
0x34: {  	[sflag:s17] =	ssyncset.done $0x0  }
0x35: {  	[sflag:s17] =	ssyncadd.s32 $0xFFFFC000  }
0x36: {  	[spmem:s1] =	stream.indirect.scatter.add.f32 [tilespmem:s15], [sflag:$0x3], $0x80, s23, s18, $0xb8;
	[tilespmem:$0x1D400] =	vst v63  }
0x37: {  	_ =	swait.ge [sflag:s14], $0x4000  }
0x38: {  	[sflag:s14] =	ssyncset.done $0x0  }
0x39: {  	s25 =	sadd.s32 s24, s11;
	s24 =	smov.u32 s28;
	[sflag:s14] =	ssyncadd.s32 $0xFFFFC000  }
0x3a: {  	[tilespmem:s15], [sflag:$0x1] =	stream.linear.gather [hbm4b:s25+s2], $0x4000, $0x38;
	[tilespmem:$0x1D400] =	vst v63  }
0x3b: {  	_ =	swait.ge [sflag:s19], $0x4000  }
.Ltmp0:
0x3c: {  	[sflag:s19] =	ssyncset.done $0x0;
	(pc) =	sbr.rel @p0 .LBB2_2-.Ltmp0, $4  }
0x3d: {  	s25 =	sadd.s32 $0x80, s23;
	[sflag:s19] =	ssyncadd.s32 $0xFFFFC000  }
0x3e: {  	[spmem:s1] =	stream.indirect.scatter.add.f32 [tilespmem:s16], [sflag:$0x3], $0x80, s25, s18, $0xb8;
	[tilespmem:$0x1D400] =	vst v63  }
0x3f: {  	_ =	swait.ge [sflag:s14], $0x4000  }
0x40: {  	s23 =	sadd.s32 $0x100, s23;
	s25 =	smov.u32 s29;
	[sflag:s14] =	ssyncset.done $0x0  }
0x41: {  	s25 =	sadd.s32 s24, s12;
	[sflag:s14] =	ssyncadd.s32 $0xFFFFC000  }
0x42: {  	[tilespmem:s16], [sflag:$0x2] =	stream.linear.gather [hbm4b:s25+s2], $0x4000, $0x38;
	[tilespmem:$0x1D400] =	vst v63  }
0x43: {  	_ =	swait.ge [sflag:s17], $0x4000  }
0x44: {  	[sflag:s17] =	ssyncset.done $0x0  }
0x45: {  	[sflag:s17] =	ssyncadd.s32 $0xFFFFC000  }
0x46: {  	[spmem:s1] =	stream.indirect.scatter.add.f32 [tilespmem:s15], [sflag:$0x3], $0x80, s23, s18, $0xb8;
	[tilespmem:$0x1D400] =	vst v63  }
0x47: {  	_ =	swait.ge [sflag:s14], $0x4000  }
0x48: {  	[sflag:s14] =	ssyncset.done $0x0  }
0x49: {  	s30 =	sadd.s32 s24, s11;
	[sflag:s14] =	ssyncadd.s32 $0xFFFFC000  }
0x4a: {  	[tilespmem:s15], [sflag:$0x1] =	stream.linear.gather [hbm4b:s30+s2], $0x4000, $0x38;
	[tilespmem:$0x1D400] =	vst v63  }
0x4b: {  	_ =	swait.ge [sflag:s19], $0x4000  }
0x4c: {  	[sflag:s19] =	ssyncset.done $0x0  }
0x4d: {  	s31 =	sadd.s32 $0x80, s23;
	[sflag:s19] =	ssyncadd.s32 $0xFFFFC000  }
0x4e: {  	[spmem:s1] =	stream.indirect.scatter.add.f32 [tilespmem:s16], [sflag:$0x3], $0x80, s31, s18, $0xb8;
	[tilespmem:$0x1D400] =	vst v63  }
0x4f: {  	_ =	swait.ge [sflag:s14], $0x4000  }
0x50: {  	[sflag:s14] =	ssyncset.done $0x0  }
0x51: {  	[sflag:s14] =	ssyncadd.s32 $0xFFFFC000  }
0x52: {  	[tilespmem:s16], [sflag:$0x2] =	stream.linear.gather [hbm4b:s10+s2], $0x4000, $0x38;
	[tilespmem:$0x1D400] =	vst v63  }
0x53: {  	_ =	swait.ge [sflag:s17], $0x4000  }
0x54: {  	[sflag:s17] =	ssyncset.done $0x0  }
0x55: {  	[sflag:s17] =	ssyncadd.s32 $0xFFFFC000  }
0x56: {  	[spmem:s1] =	stream.indirect.scatter.add.f32 [tilespmem:s15], [sflag:$0x3], $0x80, s20, s18, $0xb8;
	[tilespmem:$0x1D400] =	vst v63  }
0x57: {  	_ =	swait.ge [sflag:s14], $0x4000  }
0x58: {  	[sflag:s14] =	ssyncset.done $0x0  }
0x59: {  	[sflag:s14] =	ssyncadd.s32 $0xFFFFC000  }
0x5a: {  	[tilespmem:s15], [sflag:$0x1] =	stream.linear.gather [hbm4b:s10+s2], $0x4000, $0x38;
	[tilespmem:$0x1D400] =	vst v63  }
0x5b: {  	_ =	swait.ge [sflag:s19], $0x4000  }
0x5c: {  	[sflag:s19] =	ssyncset.done $0x0  }
0x5d: {  	[sflag:s19] =	ssyncadd.s32 $0xFFFFC000  }
0x5e: {  	[spmem:s1] =	stream.indirect.scatter.add.f32 [tilespmem:s16], [sflag:$0x3], $0x80, s21, s18, $0xb8;
	[tilespmem:$0x1D400] =	vst v63  }
0x5f: {  	_ =	swait.ge [sflag:s14], $0x4000  }
0x60: {  	[sflag:s14] =	ssyncset.done $0x0  }
0x61: {  	[sflag:s14] =	ssyncadd.s32 $0xFFFFC000  }
0x62: {  	_ =	swait.ge [sflag:s17], $0x4000  }
0x63: {  	s22 =	sadd.s32 $0x1, s22;
	[sflag:s17] =	ssyncset.done $0x0  }
0x64: {  	p0 =	sne.s32 s22, s9;
	[sflag:s17] =	ssyncadd.s32 $0xFFFFC000  }
.Ltmp1:
0x65: {  	[bflag:$0x0] =	sbarrier.arrive $0xFFFF;
	(pc) =	sbr.rel @p0 .LBB2_1-.Ltmp1, $4  }
0x66: {  	[hbm:s8], [sflag:s5] =	dma.local [spmem:s13], $0x2800  }
0x67: {  	_ =	swait.ge [sflag:s14], $0x2800  }
0x68: {  	[sflag:s14] =	ssyncset.done $0x0  }
0x69: {  	[sflag:s14] =	ssyncadd.s32 $0xFFFFD800  }
0x6a: {  	_ =	sfence.sel $0x180000  }
0x6b: {  	[bflag:$0x0] =	sbarrier.arrive $0xFFFF  }
0x6c: {  	p0 =	sne.s32 s3, $0x0;
	_ =	strace $0x9000004D  }
0x6d: {  	s0 =	sadd.s32 @!p0 $0x100000, s0;
	[bflag:$0x2] =	sbarrier.arrive $0xFFFF  }
0x6e: {  	[sflag:s0] =	ssyncadd.tile.s32 @!p0 $0x1;
	_ =	shalt  }
.Lfunc_end2:
_tile_overlayer_lowered:
.L_overlay_start_2:
0x6f: {  	(tag) =	ssettag $0x2  }
0x70: {  	s0 =	rddreg [dreg:$0x0];
	s2 =	stileid.u32  }
0x71: {  	s1 =	rddreg [dreg:$0x1];
	p0 =	sne.s32 s2, $0x0  }
0x72: {  	s3 =	rddreg [dreg:$0x2];
	[bflag:$0x3] =	sbarrier.arrive $0xFFFF;
	s2 =	simm.s32 @!p0 $0x1C03  }
0x73: {  	[timem:s3], [sflag:s2] =	dma.local @!p0 [hbm:s0], s1  }
0x74: {  	s0 =	simm.s32 @!p0 $0x3  }
0x75: {  	_ =	swait.ge @!p0 [sflag:s0], s1  }
0x76: {  	s1 =	ssub.s32 @!p0 $0x0, s1;
	[sflag:s0] =	ssyncset.done @!p0 $0x0  }
0x77: {  	[sflag:s0] =	ssyncadd.s32 @!p0 s1  }
0x78: {  	[bflag:$0x3] =	sbarrier.arrive $0xFFFF  }
0x79: {  	_ =	shalt  }

</sc_bundles>
